<compile_context>
chip_gen: v7x
topology: tpu7x:2x2x1
jax: 0.10.2.dev20260603
libtpu: 0.0.44.dev20260713+nightly
codegen_flags: <defaults>
</compile_context>

<pallas_src>
import functools

import jax
import jax.numpy as jnp
from jax import lax
from jax.experimental import pallas as pl
from jax.experimental.pallas import tpu as pltpu
from jax.experimental.pallas import tpu_sc as plsc

PAD = 1
NC = 2
NS = 16
LANES = 16
NW = NC * NS
G = 32
NBUF = 3
D = 2


@functools.partial(jax.jit, static_argnames=("bsz", "seq_len", "dim"))
def _posemb(ids, weights, *, bsz, seq_len, dim):
    n_tokens = bsz * seq_len
    T = n_tokens // NW
    NB = T // G

    mesh = plsc.VectorSubcoreMesh(
        core_axis_name="c", subcore_axis_name="s",
        num_cores=NC, num_subcores=NS)

    @functools.partial(
        pl.kernel,
        out_type=jax.ShapeDtypeStruct((bsz, seq_len, dim), jnp.float32),
        mesh=mesh,
        compiler_params=pltpu.CompilerParams(needs_layout_passes=False),
        scratch_types=(
            [pltpu.VMEM((seq_len,), jnp.int32)]
            + [pltpu.VMEM((G,), jnp.int32)] * NBUF
            + [pltpu.VMEM((G, dim), jnp.float32)] * NBUF
            + [pltpu.SemaphoreType.DMA] * (2 * NBUF)
        ),
    )
    def body(ids_hbm, w_hbm, out_hbm, ids_v, *bufs_and_sems):
        idxs = bufs_and_sems[:NBUF]
        bufs = bufs_and_sems[NBUF:2 * NBUF]
        gsems = bufs_and_sems[2 * NBUF:3 * NBUF]
        wsems = bufs_and_sems[3 * NBUF:4 * NBUF]
        wid = lax.axis_index("s") * NC + lax.axis_index("c")
        start = wid * T
        b = start // seq_len
        c_off = start - b * seq_len

        pltpu.sync_copy(ids_hbm.at[b], ids_v)

        def pbody(j, acc):
            v = ids_v[pl.ds(j * LANES, LANES)]
            return acc + jnp.where(v == PAD, 0, 1)

        accv = lax.fori_loop(0, c_off // LANES, pbody,
                             jnp.zeros((LANES,), jnp.int32))
        prefix = jnp.sum(accv)

        gathers = [None] * NB
        writes = [None] * NBUF
        run = prefix
        for g in range(NB + D):
            if g < NB:
                k = g % NBUF
                if writes[k] is not None:
                    writes[k].wait()
                    writes[k] = None
                for c in range(G // LANES):
                    v = ids_v[pl.ds(c_off + g * G + c * LANES, LANES)]
                    m = jnp.where(v == PAD, 0, 1)
                    cum = plsc.cumsum(m)
                    idxs[k][pl.ds(c * LANES, LANES)] = (run + cum) * m + PAD
                    run = run + jnp.sum(m)
                cp = pltpu.make_async_copy(w_hbm.at[idxs[k]], bufs[k],
                                           gsems[k])
                cp.start()
                gathers[g] = cp
            if g >= D:
                j = g - D
                kj = j % NBUF
                gathers[j].wait()
                wr = pltpu.make_async_copy(
                    bufs[kj], out_hbm.at[b, pl.ds(c_off + j * G, G)],
                    wsems[kj])
                wr.start()
                writes[kj] = wr
        for k in range(NBUF):
            if writes[k] is not None:
                writes[k].wait()
        plsc.subcore_barrier()

    return body(ids, weights)


def kernel(input, weights):
    bsz, seq_len = input.shape
    dim = weights.shape[1]
    return _posemb(input, weights, bsz=bsz, seq_len=seq_len, dim=dim)

# --- scband reference (transcript-rebuilt; emitter-appended) ---
"""Pipeline reference for scband-positional-embedding-28690381537879 (READ-ONLY COPY).

The authoritative reference and input builder live on the scoring server;
editing this copy changes nothing except your own understanding.
"""

import math
import jax, jax.numpy as jnp
import numpy as np

EMBED_DIM = 1024
PADDING_IDX = 1
INIT_SIZE = 16384
BSZ = 4
SEQ_LEN = 8192
VOCAB = 50000


def get_embedding(num_embeddings, embedding_dim, padding_idx):
    half_dim = embedding_dim // 2
    emb = math.log(10000.0) / (half_dim - 1)
    emb = jnp.exp(jnp.arange(half_dim, dtype=jnp.float32) * -emb)
    emb = jnp.arange(num_embeddings, dtype=jnp.float32)[:, None] * emb[None, :]
    emb = jnp.concatenate([jnp.sin(emb), jnp.cos(emb)], axis=1).reshape(num_embeddings, -1)
    if embedding_dim % 2 == 1:
        emb = jnp.concatenate([emb, jnp.zeros((num_embeddings, 1), dtype=jnp.float32)], axis=1)
    if padding_idx is not None:
        emb = emb.at[padding_idx, :].set(0.0)
    return emb


def setup_inputs(seed: int = 0) -> dict:
    key = jax.random.key(seed)
    k1, _ = jax.random.split(key)
    input_ids = jax.random.randint(k1, (BSZ, SEQ_LEN), 0, VOCAB, dtype=jnp.int32)
    weights = get_embedding(INIT_SIZE, EMBED_DIM, PADDING_IDX)
    return {"input": input_ids, "weights": weights}


def make_positions(tensor, padding_idx):
    mask = (tensor != padding_idx).astype(jnp.int32)
    return (jnp.cumsum(mask, axis=1) * mask) + padding_idx


def reference(input, weights):
    bsz, seq_len = input.shape
    positions = make_positions(input, PADDING_IDX)
    out = jnp.take(weights, positions.reshape(-1), axis=0)
    return out.reshape(bsz, seq_len, -1)

if __name__ == "__main__":
    import jax
    _d = setup_inputs()
    print(jax.jit(kernel)(*tuple(_d.values())))

</pallas_src>

<mosaic_0001>
#map = affine_map<(d0, d1) -> (0, 0)>
#map1 = affine_map<(d0, d1) -> (0, 0, 0)>
module attributes {stable_mosaic.version = 14 : i64} {
  func.func @body(%arg0: i32, %arg1: i32, %arg2: memref<4x8192xi32, #tpu.memory_space<hbm>>, %arg3: memref<16384x1024xf32, #tpu.memory_space<hbm>>, %arg4: memref<4x8192x1024xf32, #tpu.memory_space<hbm>>, %arg5: memref<8192xi32, #tpu.memory_space<vmem>>, %arg6: memref<32xi32, #tpu.memory_space<vmem>>, %arg7: memref<32xi32, #tpu.memory_space<vmem>>, %arg8: memref<32xi32, #tpu.memory_space<vmem>>, %arg9: memref<32x1024xf32, #tpu.memory_space<vmem>>, %arg10: memref<32x1024xf32, #tpu.memory_space<vmem>>, %arg11: memref<32x1024xf32, #tpu.memory_space<vmem>>, %arg12: memref<!tpu.dma_semaphore, #tpu.memory_space<semaphore_mem>>, %arg13: memref<!tpu.dma_semaphore, #tpu.memory_space<semaphore_mem>>, %arg14: memref<!tpu.dma_semaphore, #tpu.memory_space<semaphore_mem>>, %arg15: memref<!tpu.dma_semaphore, #tpu.memory_space<semaphore_mem>>, %arg16: memref<!tpu.dma_semaphore, #tpu.memory_space<semaphore_mem>>, %arg17: memref<!tpu.dma_semaphore, #tpu.memory_space<semaphore_mem>>) attributes {dimension_semantics = [#tpu.dimension_semantics<core_parallel>, #tpu.dimension_semantics<subcore_parallel>], iteration_bounds = array<i64: 2, 16>, scalar_prefetch = 0 : i64, scratch_operands = 13 : i64, tpu.core_type = #tpu.core_type<sc_vector_subcore>, window_params = [{transform_indices = #map}, {transform_indices = #map}, {transform_indices = #map1}]} {
    %mul3A = arith.constant 2 : i32
    %mul3A_0 = arith.muli %arg1, %mul3A : i32
    %add3A = arith.addi %mul3A_0, %arg0 : i32
    %mul3A_1 = arith.constant 1024 : i32
    %mul3A_2 = arith.muli %add3A, %mul3A_1 : i32
    %jit3A = arith.constant 8192 : i32
    %div3A = arith.divsi %mul3A_2, %jit3A : i32
    %sign3A = arith.constant 0 : i32
    %sign3A_3 = arith.cmpi sgt, %mul3A_2, %sign3A : i32
    %sign3A_4 = arith.extui %sign3A_3 : i1 to i32
    %sign3A_5 = arith.constant 0 : i32
    %sign3A_6 = arith.cmpi slt, %mul3A_2, %sign3A_5 : i32
    %sign3A_7 = arith.extui %sign3A_6 : i1 to i32
    %sign3A_8 = arith.subi %sign3A_4, %sign3A_7 : i32
    %sign3A_9 = arith.constant 0 : i32
    %sign3A_10 = arith.cmpi sgt, %jit3A, %sign3A_9 : i32
    %sign3A_11 = arith.extui %sign3A_10 : i1 to i32
    %sign3A_12 = arith.constant 0 : i32
    %sign3A_13 = arith.cmpi slt, %jit3A, %sign3A_12 : i32
    %sign3A_14 = arith.extui %sign3A_13 : i1 to i32
    %sign3A_15 = arith.subi %sign3A_11, %sign3A_14 : i32
    %ne3A = arith.cmpi ne, %sign3A_8, %sign3A_15 : i32
    %rem3A = arith.remsi %mul3A_2, %jit3A : i32
    %ne3A_16 = arith.constant 0 : i32
    %ne3A_17 = arith.cmpi ne, %rem3A, %ne3A_16 : i32
    %and3A = arith.andi %ne3A, %ne3A_17 : i1
    %sub3A = arith.constant 1 : i32
    %sub3A_18 = arith.subi %div3A, %sub3A : i32
    %select_n3A = arith.select %and3A, %sub3A_18, %div3A : i32
    %mul3A_19 = arith.constant 8192 : i32
    %mul3A_20 = arith.muli %select_n3A, %mul3A_19 : i32
    %sub3A_21 = arith.subi %mul3A_2, %mul3A_20 : i32
    "tpu.region"() ({
      %run_scoped3A = tpu.sem_alloc : memref<!tpu.dma_semaphore, #tpu.memory_space<semaphore_mem>>
      %dma_start3A_2614 = arith.constant 0 : i32
      %dma_start3A_2615 = tpu.memref_slice %arg2[%select_n3A, %dma_start3A_2614] : memref<4x8192xi32, #tpu.memory_space<hbm>> -> memref<1x8192xi32, #tpu.memory_space<hbm>>
      %dma_start3A_2616 = tpu.memref_squeeze %dma_start3A_2615 : memref<1x8192xi32, #tpu.memory_space<hbm>> -> memref<8192xi32, #tpu.memory_space<hbm>>
      %dma_start3A_2617 = arith.constant 0 : i32
      %dma_start3A_2618 = tpu.memref_slice %arg2[%select_n3A, %dma_start3A_2617] : memref<4x8192xi32, #tpu.memory_space<hbm>> -> memref<1x8192xi32, #tpu.memory_space<hbm>>
      %dma_start3A_2619 = tpu.memref_squeeze %dma_start3A_2618 : memref<1x8192xi32, #tpu.memory_space<hbm>> -> memref<8192xi32, #tpu.memory_space<hbm>>
      tpu.enqueue_dma source(%dma_start3A_2619 : memref<8192xi32, #tpu.memory_space<hbm>>) target(%arg5 : memref<8192xi32, #tpu.memory_space<vmem>>) target_semaphore(%run_scoped3A : memref<!tpu.dma_semaphore, #tpu.memory_space<semaphore_mem>>)
      %dma_wait3A_2620 = arith.constant 0 : i32
      %dma_wait3A_2621 = tpu.memref_slice %arg2[%select_n3A, %dma_wait3A_2620] : memref<4x8192xi32, #tpu.memory_space<hbm>> -> memref<1x8192xi32, #tpu.memory_space<hbm>>
      %dma_wait3A_2622 = tpu.memref_squeeze %dma_wait3A_2621 : memref<1x8192xi32, #tpu.memory_space<hbm>> -> memref<8192xi32, #tpu.memory_space<hbm>>
      %dma_wait3A_2623 = arith.constant 0 : i32
      %dma_wait3A_2624 = tpu.memref_slice %arg2[%select_n3A, %dma_wait3A_2623] : memref<4x8192xi32, #tpu.memory_space<hbm>> -> memref<1x8192xi32, #tpu.memory_space<hbm>>
      %dma_wait3A_2625 = tpu.memref_squeeze %dma_wait3A_2624 : memref<1x8192xi32, #tpu.memory_space<hbm>> -> memref<8192xi32, #tpu.memory_space<hbm>>
      tpu.wait_dma2 semaphore(%run_scoped3A : memref<!tpu.dma_semaphore, #tpu.memory_space<semaphore_mem>>) src(%dma_wait3A_2625 : memref<8192xi32, #tpu.memory_space<hbm>>) dst(%arg5 : memref<8192xi32, #tpu.memory_space<vmem>>)
      tpu.yield
    }) : () -> ()
    %jit3A_22 = arith.constant 16 : i32
    %div3A_23 = arith.divsi %sub3A_21, %jit3A_22 : i32
    %sign3A_24 = arith.constant 0 : i32
    %sign3A_25 = arith.cmpi sgt, %sub3A_21, %sign3A_24 : i32
    %sign3A_26 = arith.extui %sign3A_25 : i1 to i32
    %sign3A_27 = arith.constant 0 : i32
    %sign3A_28 = arith.cmpi slt, %sub3A_21, %sign3A_27 : i32
    %sign3A_29 = arith.extui %sign3A_28 : i1 to i32
    %sign3A_30 = arith.subi %sign3A_26, %sign3A_29 : i32
    %sign3A_31 = arith.constant 0 : i32
    %sign3A_32 = arith.cmpi sgt, %jit3A_22, %sign3A_31 : i32
    %sign3A_33 = arith.extui %sign3A_32 : i1 to i32
    %sign3A_34 = arith.constant 0 : i32
    %sign3A_35 = arith.cmpi slt, %jit3A_22, %sign3A_34 : i32
    %sign3A_36 = arith.extui %sign3A_35 : i1 to i32
    %sign3A_37 = arith.subi %sign3A_33, %sign3A_36 : i32
    %ne3A_38 = arith.cmpi ne, %sign3A_30, %sign3A_37 : i32
    %rem3A_39 = arith.remsi %sub3A_21, %jit3A_22 : i32
    %ne3A_40 = arith.constant 0 : i32
    %ne3A_41 = arith.cmpi ne, %rem3A_39, %ne3A_40 : i32
    %and3A_42 = arith.andi %ne3A_38, %ne3A_41 : i1
    %sub3A_43 = arith.constant 1 : i32
    %sub3A_44 = arith.subi %div3A_23, %sub3A_43 : i32
    %select_n3A_45 = arith.select %and3A_42, %sub3A_44, %div3A_23 : i32
    %broadcast_in_dim3A = arith.constant 0 : i32
    %broadcast_in_dim3A_46 = vector.broadcast %broadcast_in_dim3A : i32 to vector<16xi32>
    %while3A = arith.constant 0 : i32
    %while3A_47 = arith.subi %select_n3A_45, %while3A : i32
    %while3A_48 = arith.addi %while3A, %while3A_47 : i32
    %while3A_49 = arith.constant 1 : i32
    %while3A_50 = arith.divsi %while3A_47, %while3A_49 : i32
    %while3A_51 = arith.muli %while3A_50, %while3A_49 : i32
    %while3A_52 = arith.addi %while3A, %while3A_51 : i32
    %while3A_53 = arith.constant 1 : i32
    %while3A_54 = scf.for %while3A_2614 = %while3A to %while3A_52 step %while3A_53 iter_args(%while3A_2615 = %broadcast_in_dim3A_46) -> (vector<16xi32>)  : i32 {
      %mul3A_2616 = arith.constant 16 : i32
      %mul3A_2617 = arith.muli %while3A_2614, %mul3A_2616 : i32
      %get3A_2618 = arith.index_cast %mul3A_2617 : i32 to index
      %get3A_2619 = tpu.vector_load %arg5[%get3A_2618] {strides = array<i32>} : memref<8192xi32, #tpu.memory_space<vmem>>, vector<16xi32>,
      %eq3A_2620 = arith.constant 1 : i32
      %eq3A_2621 = vector.broadcast %eq3A_2620 : i32 to vector<16xi32>
      %eq3A_2622 = arith.cmpi eq, %get3A_2619, %eq3A_2621 : vector<16xi32>
      %jit3A_2623 = arith.constant 0 : i32
      %jit3A_2624 = arith.constant 1 : i32
      %broadcast_in_dim3A_2625 = vector.broadcast %jit3A_2623 : i32 to vector<16xi32>
      %broadcast_in_dim3A_2626 = vector.broadcast %jit3A_2624 : i32 to vector<16xi32>
      %select_n3A_2627 = arith.select %eq3A_2622, %broadcast_in_dim3A_2625, %broadcast_in_dim3A_2626 : vector<16xi1>, vector<16xi32>
      %add3A_2628 = arith.addi %while3A_2615, %select_n3A_2627 : vector<16xi32>
      scf.yield %add3A_2628 : vector<16xi32>
    }
    %while3A_55 = arith.constant 1 : i32
    %while3A_56 = scf.for %while3A_2614 = %while3A_52 to %while3A_48 step %while3A_55 iter_args(%while3A_2615 = %while3A_54) -> (vector<16xi32>)  : i32 {
      %mul3A_2616 = arith.constant 16 : i32
      %mul3A_2617 = arith.muli %while3A_2614, %mul3A_2616 : i32
      %get3A_2618 = arith.index_cast %mul3A_2617 : i32 to index
      %get3A_2619 = tpu.vector_load %arg5[%get3A_2618] {strides = array<i32>} : memref<8192xi32, #tpu.memory_space<vmem>>, vector<16xi32>,
      %eq3A_2620 = arith.constant 1 : i32
      %eq3A_2621 = vector.broadcast %eq3A_2620 : i32 to vector<16xi32>
      %eq3A_2622 = arith.cmpi eq, %get3A_2619, %eq3A_2621 : vector<16xi32>
      %jit3A_2623 = arith.constant 0 : i32
      %jit3A_2624 = arith.constant 1 : i32
      %broadcast_in_dim3A_2625 = vector.broadcast %jit3A_2623 : i32 to vector<16xi32>
      %broadcast_in_dim3A_2626 = vector.broadcast %jit3A_2624 : i32 to vector<16xi32>
      %select_n3A_2627 = arith.select %eq3A_2622, %broadcast_in_dim3A_2625, %broadcast_in_dim3A_2626 : vector<16xi1>, vector<16xi32>
      %add3A_2628 = arith.addi %while3A_2615, %select_n3A_2627 : vector<16xi32>
      scf.yield %add3A_2628 : vector<16xi32>
    }
    %reduce_sum3A = arith.constant true
    %reduce_sum3A_57 = vector.broadcast %reduce_sum3A : i1 to vector<16xi1>
    %reduce_sum3A_58 = tpu.scan <sum>, %while3A_56 masked %reduce_sum3A_57 : vector<16xi32>, vector<16xi1> -> vector<16xi32>
    %reduce_sum3A_59 = vector.extract %reduce_sum3A_58[15] : i32 from vector<16xi32>
    %add3A_60 = arith.constant 0 : i32
    %add3A_61 = arith.addi %sub3A_21, %add3A_60 : i32
    %add3A_62 = arith.constant 0 : i32
    %add3A_63 = arith.addi %add3A_61, %add3A_62 : i32
    %get3A = arith.index_cast %add3A_63 : i32 to index
    %get3A_64 = tpu.vector_load %arg5[%get3A] {strides = array<i32>} : memref<8192xi32, #tpu.memory_space<vmem>>, vector<16xi32>,
    %eq3A = arith.constant 1 : i32
    %eq3A_65 = vector.broadcast %eq3A : i32 to vector<16xi32>
    %eq3A_66 = arith.cmpi eq, %get3A_64, %eq3A_65 : vector<16xi32>
    %jit3A_67 = arith.constant 0 : i32
    %jit3A_68 = arith.constant 1 : i32
    %broadcast_in_dim3A_69 = vector.broadcast %jit3A_67 : i32 to vector<16xi32>
    %broadcast_in_dim3A_70 = vector.broadcast %jit3A_68 : i32 to vector<16xi32>
    %select_n3A_71 = arith.select %eq3A_66, %broadcast_in_dim3A_69, %broadcast_in_dim3A_70 : vector<16xi1>, vector<16xi32>
    %broadcast_in_dim3A_72 = arith.constant true
    %broadcast_in_dim3A_73 = vector.broadcast %broadcast_in_dim3A_72 : i1 to vector<16xi1>
    %masked_cumsum3A = tpu.scan <sum>, %select_n3A_71 masked %broadcast_in_dim3A_73 : vector<16xi32>, vector<16xi1> -> vector<16xi32>
    %add3A_74 = vector.broadcast %reduce_sum3A_59 : i32 to vector<16xi32>
    %add3A_75 = arith.addi %add3A_74, %masked_cumsum3A : vector<16xi32>
    %mul3A_76 = arith.muli %add3A_75, %select_n3A_71 : vector<16xi32>
    %add3A_77 = arith.constant 1 : i32
    %add3A_78 = vector.broadcast %add3A_77 : i32 to vector<16xi32>
    %add3A_79 = arith.addi %mul3A_76, %add3A_78 : vector<16xi32>
    %swap3A = arith.constant 0 : index
    %swap3A_80 = tpu.vector_load %arg6[%swap3A] {strides = array<i32>} : memref<32xi32, #tpu.memory_space<vmem>>, vector<16xi32>,
    tpu.vector_store %arg6[%swap3A], %add3A_79 {strides = array<i32>} : memref<32xi32, #tpu.memory_space<vmem>>, vector<16xi32>,
    %reduce_sum3A_81 = arith.constant true
    %reduce_sum3A_82 = vector.broadcast %reduce_sum3A_81 : i1 to vector<16xi1>
    %reduce_sum3A_83 = tpu.scan <sum>, %select_n3A_71 masked %reduce_sum3A_82 : vector<16xi32>, vector<16xi1> -> vector<16xi32>
    %reduce_sum3A_84 = vector.extract %reduce_sum3A_83[15] : i32 from vector<16xi32>
    %add3A_85 = arith.addi %reduce_sum3A_59, %reduce_sum3A_84 : i32
    %add3A_86 = arith.constant 0 : i32
    %add3A_87 = arith.addi %sub3A_21, %add3A_86 : i32
    %add3A_88 = arith.constant 16 : i32
    %add3A_89 = arith.addi %add3A_87, %add3A_88 : i32
    %get3A_90 = arith.index_cast %add3A_89 : i32 to index
    %get3A_91 = tpu.vector_load %arg5[%get3A_90] {strides = array<i32>} : memref<8192xi32, #tpu.memory_space<vmem>>, vector<16xi32>,
    %eq3A_92 = arith.constant 1 : i32
    %eq3A_93 = vector.broadcast %eq3A_92 : i32 to vector<16xi32>
    %eq3A_94 = arith.cmpi eq, %get3A_91, %eq3A_93 : vector<16xi32>
    %jit3A_95 = arith.constant 0 : i32
    %jit3A_96 = arith.constant 1 : i32
    %broadcast_in_dim3A_97 = vector.broadcast %jit3A_95 : i32 to vector<16xi32>
    %broadcast_in_dim3A_98 = vector.broadcast %jit3A_96 : i32 to vector<16xi32>
    %select_n3A_99 = arith.select %eq3A_94, %broadcast_in_dim3A_97, %broadcast_in_dim3A_98 : vector<16xi1>, vector<16xi32>
    %broadcast_in_dim3A_100 = arith.constant true
    %broadcast_in_dim3A_101 = vector.broadcast %broadcast_in_dim3A_100 : i1 to vector<16xi1>
    %masked_cumsum3A_102 = tpu.scan <sum>, %select_n3A_99 masked %broadcast_in_dim3A_101 : vector<16xi32>, vector<16xi1> -> vector<16xi32>
    %add3A_103 = vector.broadcast %add3A_85 : i32 to vector<16xi32>
    %add3A_104 = arith.addi %add3A_103, %masked_cumsum3A_102 : vector<16xi32>
    %mul3A_105 = arith.muli %add3A_104, %select_n3A_99 : vector<16xi32>
    %add3A_106 = arith.constant 1 : i32
    %add3A_107 = vector.broadcast %add3A_106 : i32 to vector<16xi32>
    %add3A_108 = arith.addi %mul3A_105, %add3A_107 : vector<16xi32>
    %swap3A_109 = arith.constant 16 : index
    %swap3A_110 = tpu.vector_load %arg6[%swap3A_109] {strides = array<i32>} : memref<32xi32, #tpu.memory_space<vmem>>, vector<16xi32>,
    tpu.vector_store %arg6[%swap3A_109], %add3A_108 {strides = array<i32>} : memref<32xi32, #tpu.memory_space<vmem>>, vector<16xi32>,
    %reduce_sum3A_111 = arith.constant true
    %reduce_sum3A_112 = vector.broadcast %reduce_sum3A_111 : i1 to vector<16xi1>
    %reduce_sum3A_113 = tpu.scan <sum>, %select_n3A_99 masked %reduce_sum3A_112 : vector<16xi32>, vector<16xi1> -> vector<16xi32>
    %reduce_sum3A_114 = vector.extract %reduce_sum3A_113[15] : i32 from vector<16xi32>
    %add3A_115 = arith.addi %add3A_85, %reduce_sum3A_114 : i32
    %dma_start3A = arith.constant 0 : i32
    %dma_start3A_116 = arith.constant 0 : i32
    %dma_start3A_117 = tpu.memref_slice %arg3[%dma_start3A, %dma_start3A_116] : memref<16384x1024xf32, #tpu.memory_space<hbm>> -> memref<16384x1024xf32, #tpu.memory_space<hbm>>
    tpu.enqueue_indirect_dma source(%dma_start3A_117 : memref<16384x1024xf32, #tpu.memory_space<hbm>>) target(%arg9 : memref<32x1024xf32, #tpu.memory_space<vmem>>) offsets(%arg6 : memref<32xi32, #tpu.memory_space<vmem>>) semaphore(%arg12 : memref<!tpu.dma_semaphore, #tpu.memory_space<semaphore_mem>>)
    %add3A_118 = arith.constant 32 : i32
    %add3A_119 = arith.addi %sub3A_21, %add3A_118 : i32
    %add3A_120 = arith.constant 0 : i32
    %add3A_121 = arith.addi %add3A_119, %add3A_120 : i32
    %get3A_122 = arith.index_cast %add3A_121 : i32 to index
    %get3A_123 = tpu.vector_load %arg5[%get3A_122] {strides = array<i32>} : memref<8192xi32, #tpu.memory_space<vmem>>, vector<16xi32>,
    %eq3A_124 = arith.constant 1 : i32
    %eq3A_125 = vector.broadcast %eq3A_124 : i32 to vector<16xi32>
    %eq3A_126 = arith.cmpi eq, %get3A_123, %eq3A_125 : vector<16xi32>
    %jit3A_127 = arith.constant 0 : i32
    %jit3A_128 = arith.constant 1 : i32
    %broadcast_in_dim3A_129 = vector.broadcast %jit3A_127 : i32 to vector<16xi32>
    %broadcast_in_dim3A_130 = vector.broadcast %jit3A_128 : i32 to vector<16xi32>
    %select_n3A_131 = arith.select %eq3A_126, %broadcast_in_dim3A_129, %broadcast_in_dim3A_130 : vector<16xi1>, vector<16xi32>
    %broadcast_in_dim3A_132 = arith.constant true
    %broadcast_in_dim3A_133 = vector.broadcast %broadcast_in_dim3A_132 : i1 to vector<16xi1>
    %masked_cumsum3A_134 = tpu.scan <sum>, %select_n3A_131 masked %broadcast_in_dim3A_133 : vector<16xi32>, vector<16xi1> -> vector<16xi32>
    %add3A_135 = vector.broadcast %add3A_115 : i32 to vector<16xi32>
    %add3A_136 = arith.addi %add3A_135, %masked_cumsum3A_134 : vector<16xi32>
    %mul3A_137 = arith.muli %add3A_136, %select_n3A_131 : vector<16xi32>
    %add3A_138 = arith.constant 1 : i32
    %add3A_139 = vector.broadcast %add3A_138 : i32 to vector<16xi32>
    %add3A_140 = arith.addi %mul3A_137, %add3A_139 : vector<16xi32>
    %swap3A_141 = arith.constant 0 : index
    %swap3A_142 = tpu.vector_load %arg7[%swap3A_141] {strides = array<i32>} : memref<32xi32, #tpu.memory_space<vmem>>, vector<16xi32>,
    tpu.vector_store %arg7[%swap3A_141], %add3A_140 {strides = array<i32>} : memref<32xi32, #tpu.memory_space<vmem>>, vector<16xi32>,
    %reduce_sum3A_143 = arith.constant true
    %reduce_sum3A_144 = vector.broadcast %reduce_sum3A_143 : i1 to vector<16xi1>
    %reduce_sum3A_145 = tpu.scan <sum>, %select_n3A_131 masked %reduce_sum3A_144 : vector<16xi32>, vector<16xi1> -> vector<16xi32>
    %reduce_sum3A_146 = vector.extract %reduce_sum3A_145[15] : i32 from vector<16xi32>
    %add3A_147 = arith.addi %add3A_115, %reduce_sum3A_146 : i32
    %add3A_148 = arith.constant 32 : i32
    %add3A_149 = arith.addi %sub3A_21, %add3A_148 : i32
    %add3A_150 = arith.constant 16 : i32
    %add3A_151 = arith.addi %add3A_149, %add3A_150 : i32
    %get3A_152 = arith.index_cast %add3A_151 : i32 to index
    %get3A_153 = tpu.vector_load %arg5[%get3A_152] {strides = array<i32>} : memref<8192xi32, #tpu.memory_space<vmem>>, vector<16xi32>,
    %eq3A_154 = arith.constant 1 : i32
    %eq3A_155 = vector.broadcast %eq3A_154 : i32 to vector<16xi32>
    %eq3A_156 = arith.cmpi eq, %get3A_153, %eq3A_155 : vector<16xi32>
    %jit3A_157 = arith.constant 0 : i32
    %jit3A_158 = arith.constant 1 : i32
    %broadcast_in_dim3A_159 = vector.broadcast %jit3A_157 : i32 to vector<16xi32>
    %broadcast_in_dim3A_160 = vector.broadcast %jit3A_158 : i32 to vector<16xi32>
    %select_n3A_161 = arith.select %eq3A_156, %broadcast_in_dim3A_159, %broadcast_in_dim3A_160 : vector<16xi1>, vector<16xi32>
    %broadcast_in_dim3A_162 = arith.constant true
    %broadcast_in_dim3A_163 = vector.broadcast %broadcast_in_dim3A_162 : i1 to vector<16xi1>
    %masked_cumsum3A_164 = tpu.scan <sum>, %select_n3A_161 masked %broadcast_in_dim3A_163 : vector<16xi32>, vector<16xi1> -> vector<16xi32>
    %add3A_165 = vector.broadcast %add3A_147 : i32 to vector<16xi32>
    %add3A_166 = arith.addi %add3A_165, %masked_cumsum3A_164 : vector<16xi32>
    %mul3A_167 = arith.muli %add3A_166, %select_n3A_161 : vector<16xi32>
    %add3A_168 = arith.constant 1 : i32
    %add3A_169 = vector.broadcast %add3A_168 : i32 to vector<16xi32>
    %add3A_170 = arith.addi %mul3A_167, %add3A_169 : vector<16xi32>
    %swap3A_171 = arith.constant 16 : index
    %swap3A_172 = tpu.vector_load %arg7[%swap3A_171] {strides = array<i32>} : memref<32xi32, #tpu.memory_space<vmem>>, vector<16xi32>,
    tpu.vector_store %arg7[%swap3A_171], %add3A_170 {strides = array<i32>} : memref<32xi32, #tpu.memory_space<vmem>>, vector<16xi32>,
    %reduce_sum3A_173 = arith.constant true
    %reduce_sum3A_174 = vector.broadcast %reduce_sum3A_173 : i1 to vector<16xi1>
    %reduce_sum3A_175 = tpu.scan <sum>, %select_n3A_161 masked %reduce_sum3A_174 : vector<16xi32>, vector<16xi1> -> vector<16xi32>
    %reduce_sum3A_176 = vector.extract %reduce_sum3A_175[15] : i32 from vector<16xi32>
    %add3A_177 = arith.addi %add3A_147, %reduce_sum3A_176 : i32
    %dma_start3A_178 = arith.constant 0 : i32
    %dma_start3A_179 = arith.constant 0 : i32
    %dma_start3A_180 = tpu.memref_slice %arg3[%dma_start3A_178, %dma_start3A_179] : memref<16384x1024xf32, #tpu.memory_space<hbm>> -> memref<16384x1024xf32, #tpu.memory_space<hbm>>
    tpu.enqueue_indirect_dma source(%dma_start3A_180 : memref<16384x1024xf32, #tpu.memory_space<hbm>>) target(%arg10 : memref<32x1024xf32, #tpu.memory_space<vmem>>) offsets(%arg7 : memref<32xi32, #tpu.memory_space<vmem>>) semaphore(%arg13 : memref<!tpu.dma_semaphore, #tpu.memory_space<semaphore_mem>>)
    %add3A_181 = arith.constant 64 : i32
    %add3A_182 = arith.addi %sub3A_21, %add3A_181 : i32
    %add3A_183 = arith.constant 0 : i32
    %add3A_184 = arith.addi %add3A_182, %add3A_183 : i32
    %get3A_185 = arith.index_cast %add3A_184 : i32 to index
    %get3A_186 = tpu.vector_load %arg5[%get3A_185] {strides = array<i32>} : memref<8192xi32, #tpu.memory_space<vmem>>, vector<16xi32>,
    %eq3A_187 = arith.constant 1 : i32
    %eq3A_188 = vector.broadcast %eq3A_187 : i32 to vector<16xi32>
    %eq3A_189 = arith.cmpi eq, %get3A_186, %eq3A_188 : vector<16xi32>
    %jit3A_190 = arith.constant 0 : i32
    %jit3A_191 = arith.constant 1 : i32
    %broadcast_in_dim3A_192 = vector.broadcast %jit3A_190 : i32 to vector<16xi32>
    %broadcast_in_dim3A_193 = vector.broadcast %jit3A_191 : i32 to vector<16xi32>
    %select_n3A_194 = arith.select %eq3A_189, %broadcast_in_dim3A_192, %broadcast_in_dim3A_193 : vector<16xi1>, vector<16xi32>
    %broadcast_in_dim3A_195 = arith.constant true
    %broadcast_in_dim3A_196 = vector.broadcast %broadcast_in_dim3A_195 : i1 to vector<16xi1>
    %masked_cumsum3A_197 = tpu.scan <sum>, %select_n3A_194 masked %broadcast_in_dim3A_196 : vector<16xi32>, vector<16xi1> -> vector<16xi32>
    %add3A_198 = vector.broadcast %add3A_177 : i32 to vector<16xi32>
    %add3A_199 = arith.addi %add3A_198, %masked_cumsum3A_197 : vector<16xi32>
    %mul3A_200 = arith.muli %add3A_199, %select_n3A_194 : vector<16xi32>
    %add3A_201 = arith.constant 1 : i32
    %add3A_202 = vector.broadcast %add3A_201 : i32 to vector<16xi32>
    %add3A_203 = arith.addi %mul3A_200, %add3A_202 : vector<16xi32>
    %swap3A_204 = arith.constant 0 : index
    %swap3A_205 = tpu.vector_load %arg8[%swap3A_204] {strides = array<i32>} : memref<32xi32, #tpu.memory_space<vmem>>, vector<16xi32>,
    tpu.vector_store %arg8[%swap3A_204], %add3A_203 {strides = array<i32>} : memref<32xi32, #tpu.memory_space<vmem>>, vector<16xi32>,
    %reduce_sum3A_206 = arith.constant true
    %reduce_sum3A_207 = vector.broadcast %reduce_sum3A_206 : i1 to vector<16xi1>
    %reduce_sum3A_208 = tpu.scan <sum>, %select_n3A_194 masked %reduce_sum3A_207 : vector<16xi32>, vector<16xi1> -> vector<16xi32>
    %reduce_sum3A_209 = vector.extract %reduce_sum3A_208[15] : i32 from vector<16xi32>
    %add3A_210 = arith.addi %add3A_177, %reduce_sum3A_209 : i32
    %add3A_211 = arith.constant 64 : i32
    %add3A_212 = arith.addi %sub3A_21, %add3A_211 : i32
    %add3A_213 = arith.constant 16 : i32
    %add3A_214 = arith.addi %add3A_212, %add3A_213 : i32
    %get3A_215 = arith.index_cast %add3A_214 : i32 to index
    %get3A_216 = tpu.vector_load %arg5[%get3A_215] {strides = array<i32>} : memref<8192xi32, #tpu.memory_space<vmem>>, vector<16xi32>,
    %eq3A_217 = arith.constant 1 : i32
    %eq3A_218 = vector.broadcast %eq3A_217 : i32 to vector<16xi32>
    %eq3A_219 = arith.cmpi eq, %get3A_216, %eq3A_218 : vector<16xi32>
    %jit3A_220 = arith.constant 0 : i32
    %jit3A_221 = arith.constant 1 : i32
    %broadcast_in_dim3A_222 = vector.broadcast %jit3A_220 : i32 to vector<16xi32>
    %broadcast_in_dim3A_223 = vector.broadcast %jit3A_221 : i32 to vector<16xi32>
    %select_n3A_224 = arith.select %eq3A_219, %broadcast_in_dim3A_222, %broadcast_in_dim3A_223 : vector<16xi1>, vector<16xi32>
    %broadcast_in_dim3A_225 = arith.constant true
    %broadcast_in_dim3A_226 = vector.broadcast %broadcast_in_dim3A_225 : i1 to vector<16xi1>
    %masked_cumsum3A_227 = tpu.scan <sum>, %select_n3A_224 masked %broadcast_in_dim3A_226 : vector<16xi32>, vector<16xi1> -> vector<16xi32>
    %add3A_228 = vector.broadcast %add3A_210 : i32 to vector<16xi32>
    %add3A_229 = arith.addi %add3A_228, %masked_cumsum3A_227 : vector<16xi32>
    %mul3A_230 = arith.muli %add3A_229, %select_n3A_224 : vector<16xi32>
    %add3A_231 = arith.constant 1 : i32
    %add3A_232 = vector.broadcast %add3A_231 : i32 to vector<16xi32>
    %add3A_233 = arith.addi %mul3A_230, %add3A_232 : vector<16xi32>
    %swap3A_234 = arith.constant 16 : index
    %swap3A_235 = tpu.vector_load %arg8[%swap3A_234] {strides = array<i32>} : memref<32xi32, #tpu.memory_space<vmem>>, vector<16xi32>,
    tpu.vector_store %arg8[%swap3A_234], %add3A_233 {strides = array<i32>} : memref<32xi32, #tpu.memory_space<vmem>>, vector<16xi32>,
    %reduce_sum3A_236 = arith.constant true
    %reduce_sum3A_237 = vector.broadcast %reduce_sum3A_236 : i1 to vector<16xi1>
    %reduce_sum3A_238 = tpu.scan <sum>, %select_n3A_224 masked %reduce_sum3A_237 : vector<16xi32>, vector<16xi1> -> vector<16xi32>
    %reduce_sum3A_239 = vector.extract %reduce_sum3A_238[15] : i32 from vector<16xi32>
    %add3A_240 = arith.addi %add3A_210, %reduce_sum3A_239 : i32
    %dma_start3A_241 = arith.constant 0 : i32
    %dma_start3A_242 = arith.constant 0 : i32
    %dma_start3A_243 = tpu.memref_slice %arg3[%dma_start3A_241, %dma_start3A_242] : memref<16384x1024xf32, #tpu.memory_space<hbm>> -> memref<16384x1024xf32, #tpu.memory_space<hbm>>
    tpu.enqueue_indirect_dma source(%dma_start3A_243 : memref<16384x1024xf32, #tpu.memory_space<hbm>>) target(%arg11 : memref<32x1024xf32, #tpu.memory_space<vmem>>) offsets(%arg8 : memref<32xi32, #tpu.memory_space<vmem>>) semaphore(%arg14 : memref<!tpu.dma_semaphore, #tpu.memory_space<semaphore_mem>>)
    %dma_wait3A = arith.constant 0 : i32
    %dma_wait3A_244 = arith.constant 0 : i32
    %dma_wait3A_245 = tpu.memref_slice %arg3[%dma_wait3A, %dma_wait3A_244] : memref<16384x1024xf32, #tpu.memory_space<hbm>> -> memref<16384x1024xf32, #tpu.memory_space<hbm>>
    tpu.wait_indirect_dma semaphore(%arg12 : memref<!tpu.dma_semaphore, #tpu.memory_space<semaphore_mem>>) src(%dma_wait3A_245 : memref<16384x1024xf32, #tpu.memory_space<hbm>>) dst(%arg9 : memref<32x1024xf32, #tpu.memory_space<vmem>>)
    %add3A_246 = arith.constant 0 : i32
    %add3A_247 = arith.addi %sub3A_21, %add3A_246 : i32
    %dma_start3A_248 = arith.constant 0 : i32
    %dma_start3A_249 = tpu.memref_slice %arg4[%select_n3A, %add3A_247, %dma_start3A_248] : memref<4x8192x1024xf32, #tpu.memory_space<hbm>> -> memref<1x32x1024xf32, #tpu.memory_space<hbm>>
    %dma_start3A_250 = tpu.memref_squeeze %dma_start3A_249 : memref<1x32x1024xf32, #tpu.memory_space<hbm>> -> memref<32x1024xf32, #tpu.memory_space<hbm>>
    %dma_start3A_251 = arith.constant 0 : i32
    %dma_start3A_252 = tpu.memref_slice %arg4[%select_n3A, %add3A_247, %dma_start3A_251] : memref<4x8192x1024xf32, #tpu.memory_space<hbm>> -> memref<1x32x1024xf32, #tpu.memory_space<hbm>>
    %dma_start3A_253 = tpu.memref_squeeze %dma_start3A_252 : memref<1x32x1024xf32, #tpu.memory_space<hbm>> -> memref<32x1024xf32, #tpu.memory_space<hbm>>
    tpu.enqueue_dma source(%arg9 : memref<32x1024xf32, #tpu.memory_space<vmem>>) target(%dma_start3A_253 : memref<32x1024xf32, #tpu.memory_space<hbm>>) target_semaphore(%arg15 : memref<!tpu.dma_semaphore, #tpu.memory_space<semaphore_mem>>)
    %dma_wait3A_254 = arith.constant 0 : i32
    %dma_wait3A_255 = tpu.memref_slice %arg4[%select_n3A, %add3A_247, %dma_wait3A_254] : memref<4x8192x1024xf32, #tpu.memory_space<hbm>> -> memref<1x32x1024xf32, #tpu.memory_space<hbm>>
    %dma_wait3A_256 = tpu.memref_squeeze %dma_wait3A_255 : memref<1x32x1024xf32, #tpu.memory_space<hbm>> -> memref<32x1024xf32, #tpu.memory_space<hbm>>
    %dma_wait3A_257 = arith.constant 0 : i32
    %dma_wait3A_258 = tpu.memref_slice %arg4[%select_n3A, %add3A_247, %dma_wait3A_257] : memref<4x8192x1024xf32, #tpu.memory_space<hbm>> -> memref<1x32x1024xf32, #tpu.memory_space<hbm>>
    %dma_wait3A_259 = tpu.memref_squeeze %dma_wait3A_258 : memref<1x32x1024xf32, #tpu.memory_space<hbm>> -> memref<32x1024xf32, #tpu.memory_space<hbm>>
    tpu.wait_dma2 semaphore(%arg15 : memref<!tpu.dma_semaphore, #tpu.memory_space<semaphore_mem>>) src(%arg9 : memref<32x1024xf32, #tpu.memory_space<vmem>>) dst(%dma_wait3A_259 : memref<32x1024xf32, #tpu.memory_space<hbm>>)
    %add3A_260 = arith.constant 96 : i32
    %add3A_261 = arith.addi %sub3A_21, %add3A_260 : i32
    %add3A_262 = arith.constant 0 : i32
    %add3A_263 = arith.addi %add3A_261, %add3A_262 : i32
    %get3A_264 = arith.index_cast %add3A_263 : i32 to index
    %get3A_265 = tpu.vector_load %arg5[%get3A_264] {strides = array<i32>} : memref<8192xi32, #tpu.memory_space<vmem>>, vector<16xi32>,
    %eq3A_266 = arith.constant 1 : i32
    %eq3A_267 = vector.broadcast %eq3A_266 : i32 to vector<16xi32>
    %eq3A_268 = arith.cmpi eq, %get3A_265, %eq3A_267 : vector<16xi32>
    %jit3A_269 = arith.constant 0 : i32
    %jit3A_270 = arith.constant 1 : i32
    %broadcast_in_dim3A_271 = vector.broadcast %jit3A_269 : i32 to vector<16xi32>
    %broadcast_in_dim3A_272 = vector.broadcast %jit3A_270 : i32 to vector<16xi32>
    %select_n3A_273 = arith.select %eq3A_268, %broadcast_in_dim3A_271, %broadcast_in_dim3A_272 : vector<16xi1>, vector<16xi32>
    %broadcast_in_dim3A_274 = arith.constant true
    %broadcast_in_dim3A_275 = vector.broadcast %broadcast_in_dim3A_274 : i1 to vector<16xi1>
    %masked_cumsum3A_276 = tpu.scan <sum>, %select_n3A_273 masked %broadcast_in_dim3A_275 : vector<16xi32>, vector<16xi1> -> vector<16xi32>
    %add3A_277 = vector.broadcast %add3A_240 : i32 to vector<16xi32>
    %add3A_278 = arith.addi %add3A_277, %masked_cumsum3A_276 : vector<16xi32>
    %mul3A_279 = arith.muli %add3A_278, %select_n3A_273 : vector<16xi32>
    %add3A_280 = arith.constant 1 : i32
    %add3A_281 = vector.broadcast %add3A_280 : i32 to vector<16xi32>
    %add3A_282 = arith.addi %mul3A_279, %add3A_281 : vector<16xi32>
    %swap3A_283 = arith.constant 0 : index
    %swap3A_284 = tpu.vector_load %arg6[%swap3A_283] {strides = array<i32>} : memref<32xi32, #tpu.memory_space<vmem>>, vector<16xi32>,
    tpu.vector_store %arg6[%swap3A_283], %add3A_282 {strides = array<i32>} : memref<32xi32, #tpu.memory_space<vmem>>, vector<16xi32>,
    %reduce_sum3A_285 = arith.constant true
    %reduce_sum3A_286 = vector.broadcast %reduce_sum3A_285 : i1 to vector<16xi1>
    %reduce_sum3A_287 = tpu.scan <sum>, %select_n3A_273 masked %reduce_sum3A_286 : vector<16xi32>, vector<16xi1> -> vector<16xi32>
    %reduce_sum3A_288 = vector.extract %reduce_sum3A_287[15] : i32 from vector<16xi32>
    %add3A_289 = arith.addi %add3A_240, %reduce_sum3A_288 : i32
    %add3A_290 = arith.constant 96 : i32
    %add3A_291 = arith.addi %sub3A_21, %add3A_290 : i32
    %add3A_292 = arith.constant 16 : i32
    %add3A_293 = arith.addi %add3A_291, %add3A_292 : i32
    %get3A_294 = arith.index_cast %add3A_293 : i32 to index
    %get3A_295 = tpu.vector_load %arg5[%get3A_294] {strides = array<i32>} : memref<8192xi32, #tpu.memory_space<vmem>>, vector<16xi32>,
    %eq3A_296 = arith.constant 1 : i32
    %eq3A_297 = vector.broadcast %eq3A_296 : i32 to vector<16xi32>
    %eq3A_298 = arith.cmpi eq, %get3A_295, %eq3A_297 : vector<16xi32>
    %jit3A_299 = arith.constant 0 : i32
    %jit3A_300 = arith.constant 1 : i32
    %broadcast_in_dim3A_301 = vector.broadcast %jit3A_299 : i32 to vector<16xi32>
    %broadcast_in_dim3A_302 = vector.broadcast %jit3A_300 : i32 to vector<16xi32>
    %select_n3A_303 = arith.select %eq3A_298, %broadcast_in_dim3A_301, %broadcast_in_dim3A_302 : vector<16xi1>, vector<16xi32>
    %broadcast_in_dim3A_304 = arith.constant true
    %broadcast_in_dim3A_305 = vector.broadcast %broadcast_in_dim3A_304 : i1 to vector<16xi1>
    %masked_cumsum3A_306 = tpu.scan <sum>, %select_n3A_303 masked %broadcast_in_dim3A_305 : vector<16xi32>, vector<16xi1> -> vector<16xi32>
    %add3A_307 = vector.broadcast %add3A_289 : i32 to vector<16xi32>
    %add3A_308 = arith.addi %add3A_307, %masked_cumsum3A_306 : vector<16xi32>
    %mul3A_309 = arith.muli %add3A_308, %select_n3A_303 : vector<16xi32>
    %add3A_310 = arith.constant 1 : i32
    %add3A_311 = vector.broadcast %add3A_310 : i32 to vector<16xi32>
    %add3A_312 = arith.addi %mul3A_309, %add3A_311 : vector<16xi32>
    %swap3A_313 = arith.constant 16 : index
    %swap3A_314 = tpu.vector_load %arg6[%swap3A_313] {strides = array<i32>} : memref<32xi32, #tpu.memory_space<vmem>>, vector<16xi32>,
    tpu.vector_store %arg6[%swap3A_313], %add3A_312 {strides = array<i32>} : memref<32xi32, #tpu.memory_space<vmem>>, vector<16xi32>,
    %reduce_sum3A_315 = arith.constant true
    %reduce_sum3A_316 = vector.broadcast %reduce_sum3A_315 : i1 to vector<16xi1>
    %reduce_sum3A_317 = tpu.scan <sum>, %select_n3A_303 masked %reduce_sum3A_316 : vector<16xi32>, vector<16xi1> -> vector<16xi32>
    %reduce_sum3A_318 = vector.extract %reduce_sum3A_317[15] : i32 from vector<16xi32>
    %add3A_319 = arith.addi %add3A_289, %reduce_sum3A_318 : i32
    %dma_start3A_320 = arith.constant 0 : i32
    %dma_start3A_321 = arith.constant 0 : i32
    %dma_start3A_322 = tpu.memref_slice %arg3[%dma_start3A_320, %dma_start3A_321] : memref<16384x1024xf32, #tpu.memory_space<hbm>> -> memref<16384x1024xf32, #tpu.memory_space<hbm>>
    tpu.enqueue_indirect_dma source(%dma_start3A_322 : memref<16384x1024xf32, #tpu.memory_space<hbm>>) target(%arg9 : memref<32x1024xf32, #tpu.memory_space<vmem>>) offsets(%arg6 : memref<32xi32, #tpu.memory_space<vmem>>) semaphore(%arg12 : memref<!tpu.dma_semaphore, #tpu.memory_space<semaphore_mem>>)
    %dma_wait3A_323 = arith.constant 0 : i32
    %dma_wait3A_324 = arith.constant 0 : i32
    %dma_wait3A_325 = tpu.memref_slice %arg3[%dma_wait3A_323, %dma_wait3A_324] : memref<16384x1024xf32, #tpu.memory_space<hbm>> -> memref<16384x1024xf32, #tpu.memory_space<hbm>>
    tpu.wait_indirect_dma semaphore(%arg13 : memref<!tpu.dma_semaphore, #tpu.memory_space<semaphore_mem>>) src(%dma_wait3A_325 : memref<16384x1024xf32, #tpu.memory_space<hbm>>) dst(%arg10 : memref<32x1024xf32, #tpu.memory_space<vmem>>)
    %add3A_326 = arith.constant 32 : i32
    %add3A_327 = arith.addi %sub3A_21, %add3A_326 : i32
    %dma_start3A_328 = arith.constant 0 : i32
    %dma_start3A_329 = tpu.memref_slice %arg4[%select_n3A, %add3A_327, %dma_start3A_328] : memref<4x8192x1024xf32, #tpu.memory_space<hbm>> -> memref<1x32x1024xf32, #tpu.memory_space<hbm>>
    %dma_start3A_330 = tpu.memref_squeeze %dma_start3A_329 : memref<1x32x1024xf32, #tpu.memory_space<hbm>> -> memref<32x1024xf32, #tpu.memory_space<hbm>>
    %dma_start3A_331 = arith.constant 0 : i32
    %dma_start3A_332 = tpu.memref_slice %arg4[%select_n3A, %add3A_327, %dma_start3A_331] : memref<4x8192x1024xf32, #tpu.memory_space<hbm>> -> memref<1x32x1024xf32, #tpu.memory_space<hbm>>
    %dma_start3A_333 = tpu.memref_squeeze %dma_start3A_332 : memref<1x32x1024xf32, #tpu.memory_space<hbm>> -> memref<32x1024xf32, #tpu.memory_space<hbm>>
    tpu.enqueue_dma source(%arg10 : memref<32x1024xf32, #tpu.memory_space<vmem>>) target(%dma_start3A_333 : memref<32x1024xf32, #tpu.memory_space<hbm>>) target_semaphore(%arg16 : memref<!tpu.dma_semaphore, #tpu.memory_space<semaphore_mem>>)
    %dma_wait3A_334 = arith.constant 0 : i32
    %dma_wait3A_335 = tpu.memref_slice %arg4[%select_n3A, %add3A_327, %dma_wait3A_334] : memref<4x8192x1024xf32, #tpu.memory_space<hbm>> -> memref<1x32x1024xf32, #tpu.memory_space<hbm>>
    %dma_wait3A_336 = tpu.memref_squeeze %dma_wait3A_335 : memref<1x32x1024xf32, #tpu.memory_space<hbm>> -> memref<32x1024xf32, #tpu.memory_space<hbm>>
    %dma_wait3A_337 = arith.constant 0 : i32
    %dma_wait3A_338 = tpu.memref_slice %arg4[%select_n3A, %add3A_327, %dma_wait3A_337] : memref<4x8192x1024xf32, #tpu.memory_space<hbm>> -> memref<1x32x1024xf32, #tpu.memory_space<hbm>>
    %dma_wait3A_339 = tpu.memref_squeeze %dma_wait3A_338 : memref<1x32x1024xf32, #tpu.memory_space<hbm>> -> memref<32x1024xf32, #tpu.memory_space<hbm>>
    tpu.wait_dma2 semaphore(%arg16 : memref<!tpu.dma_semaphore, #tpu.memory_space<semaphore_mem>>) src(%arg10 : memref<32x1024xf32, #tpu.memory_space<vmem>>) dst(%dma_wait3A_339 : memref<32x1024xf32, #tpu.memory_space<hbm>>)
    %add3A_340 = arith.constant 128 : i32
    %add3A_341 = arith.addi %sub3A_21, %add3A_340 : i32
    %add3A_342 = arith.constant 0 : i32
    %add3A_343 = arith.addi %add3A_341, %add3A_342 : i32
    %get3A_344 = arith.index_cast %add3A_343 : i32 to index
    %get3A_345 = tpu.vector_load %arg5[%get3A_344] {strides = array<i32>} : memref<8192xi32, #tpu.memory_space<vmem>>, vector<16xi32>,
    %eq3A_346 = arith.constant 1 : i32
    %eq3A_347 = vector.broadcast %eq3A_346 : i32 to vector<16xi32>
    %eq3A_348 = arith.cmpi eq, %get3A_345, %eq3A_347 : vector<16xi32>
    %jit3A_349 = arith.constant 0 : i32
    %jit3A_350 = arith.constant 1 : i32
    %broadcast_in_dim3A_351 = vector.broadcast %jit3A_349 : i32 to vector<16xi32>
    %broadcast_in_dim3A_352 = vector.broadcast %jit3A_350 : i32 to vector<16xi32>
    %select_n3A_353 = arith.select %eq3A_348, %broadcast_in_dim3A_351, %broadcast_in_dim3A_352 : vector<16xi1>, vector<16xi32>
    %broadcast_in_dim3A_354 = arith.constant true
    %broadcast_in_dim3A_355 = vector.broadcast %broadcast_in_dim3A_354 : i1 to vector<16xi1>
    %masked_cumsum3A_356 = tpu.scan <sum>, %select_n3A_353 masked %broadcast_in_dim3A_355 : vector<16xi32>, vector<16xi1> -> vector<16xi32>
    %add3A_357 = vector.broadcast %add3A_319 : i32 to vector<16xi32>
    %add3A_358 = arith.addi %add3A_357, %masked_cumsum3A_356 : vector<16xi32>
    %mul3A_359 = arith.muli %add3A_358, %select_n3A_353 : vector<16xi32>
    %add3A_360 = arith.constant 1 : i32
    %add3A_361 = vector.broadcast %add3A_360 : i32 to vector<16xi32>
    %add3A_362 = arith.addi %mul3A_359, %add3A_361 : vector<16xi32>
    %swap3A_363 = arith.constant 0 : index
    %swap3A_364 = tpu.vector_load %arg7[%swap3A_363] {strides = array<i32>} : memref<32xi32, #tpu.memory_space<vmem>>, vector<16xi32>,
    tpu.vector_store %arg7[%swap3A_363], %add3A_362 {strides = array<i32>} : memref<32xi32, #tpu.memory_space<vmem>>, vector<16xi32>,
    %reduce_sum3A_365 = arith.constant true
    %reduce_sum3A_366 = vector.broadcast %reduce_sum3A_365 : i1 to vector<16xi1>
    %reduce_sum3A_367 = tpu.scan <sum>, %select_n3A_353 masked %reduce_sum3A_366 : vector<16xi32>, vector<16xi1> -> vector<16xi32>
    %reduce_sum3A_368 = vector.extract %reduce_sum3A_367[15] : i32 from vector<16xi32>
    %add3A_369 = arith.addi %add3A_319, %reduce_sum3A_368 : i32
    %add3A_370 = arith.constant 128 : i32
    %add3A_371 = arith.addi %sub3A_21, %add3A_370 : i32
    %add3A_372 = arith.constant 16 : i32
    %add3A_373 = arith.addi %add3A_371, %add3A_372 : i32
    %get3A_374 = arith.index_cast %add3A_373 : i32 to index
    %get3A_375 = tpu.vector_load %arg5[%get3A_374] {strides = array<i32>} : memref<8192xi32, #tpu.memory_space<vmem>>, vector<16xi32>,
    %eq3A_376 = arith.constant 1 : i32
    %eq3A_377 = vector.broadcast %eq3A_376 : i32 to vector<16xi32>
    %eq3A_378 = arith.cmpi eq, %get3A_375, %eq3A_377 : vector<16xi32>
    %jit3A_379 = arith.constant 0 : i32
    %jit3A_380 = arith.constant 1 : i32
    %broadcast_in_dim3A_381 = vector.broadcast %jit3A_379 : i32 to vector<16xi32>
    %broadcast_in_dim3A_382 = vector.broadcast %jit3A_380 : i32 to vector<16xi32>
    %select_n3A_383 = arith.select %eq3A_378, %broadcast_in_dim3A_381, %broadcast_in_dim3A_382 : vector<16xi1>, vector<16xi32>
    %broadcast_in_dim3A_384 = arith.constant true
    %broadcast_in_dim3A_385 = vector.broadcast %broadcast_in_dim3A_384 : i1 to vector<16xi1>
    %masked_cumsum3A_386 = tpu.scan <sum>, %select_n3A_383 masked %broadcast_in_dim3A_385 : vector<16xi32>, vector<16xi1> -> vector<16xi32>
    %add3A_387 = vector.broadcast %add3A_369 : i32 to vector<16xi32>
    %add3A_388 = arith.addi %add3A_387, %masked_cumsum3A_386 : vector<16xi32>
    %mul3A_389 = arith.muli %add3A_388, %select_n3A_383 : vector<16xi32>
    %add3A_390 = arith.constant 1 : i32
    %add3A_391 = vector.broadcast %add3A_390 : i32 to vector<16xi32>
    %add3A_392 = arith.addi %mul3A_389, %add3A_391 : vector<16xi32>
    %swap3A_393 = arith.constant 16 : index
    %swap3A_394 = tpu.vector_load %arg7[%swap3A_393] {strides = array<i32>} : memref<32xi32, #tpu.memory_space<vmem>>, vector<16xi32>,
    tpu.vector_store %arg7[%swap3A_393], %add3A_392 {strides = array<i32>} : memref<32xi32, #tpu.memory_space<vmem>>, vector<16xi32>,
    %reduce_sum3A_395 = arith.constant true
    %reduce_sum3A_396 = vector.broadcast %reduce_sum3A_395 : i1 to vector<16xi1>
    %reduce_sum3A_397 = tpu.scan <sum>, %select_n3A_383 masked %reduce_sum3A_396 : vector<16xi32>, vector<16xi1> -> vector<16xi32>
    %reduce_sum3A_398 = vector.extract %reduce_sum3A_397[15] : i32 from vector<16xi32>
    %add3A_399 = arith.addi %add3A_369, %reduce_sum3A_398 : i32
    %dma_start3A_400 = arith.constant 0 : i32
    %dma_start3A_401 = arith.constant 0 : i32
    %dma_start3A_402 = tpu.memref_slice %arg3[%dma_start3A_400, %dma_start3A_401] : memref<16384x1024xf32, #tpu.memory_space<hbm>> -> memref<16384x1024xf32, #tpu.memory_space<hbm>>
    tpu.enqueue_indirect_dma source(%dma_start3A_402 : memref<16384x1024xf32, #tpu.memory_space<hbm>>) target(%arg10 : memref<32x1024xf32, #tpu.memory_space<vmem>>) offsets(%arg7 : memref<32xi32, #tpu.memory_space<vmem>>) semaphore(%arg13 : memref<!tpu.dma_semaphore, #tpu.memory_space<semaphore_mem>>)
    %dma_wait3A_403 = arith.constant 0 : i32
    %dma_wait3A_404 = arith.constant 0 : i32
    %dma_wait3A_405 = tpu.memref_slice %arg3[%dma_wait3A_403, %dma_wait3A_404] : memref<16384x1024xf32, #tpu.memory_space<hbm>> -> memref<16384x1024xf32, #tpu.memory_space<hbm>>
    tpu.wait_indirect_dma semaphore(%arg14 : memref<!tpu.dma_semaphore, #tpu.memory_space<semaphore_mem>>) src(%dma_wait3A_405 : memref<16384x1024xf32, #tpu.memory_space<hbm>>) dst(%arg11 : memref<32x1024xf32, #tpu.memory_space<vmem>>)
    %add3A_406 = arith.constant 64 : i32
    %add3A_407 = arith.addi %sub3A_21, %add3A_406 : i32
    %dma_start3A_408 = arith.constant 0 : i32
    %dma_start3A_409 = tpu.memref_slice %arg4[%select_n3A, %add3A_407, %dma_start3A_408] : memref<4x8192x1024xf32, #tpu.memory_space<hbm>> -> memref<1x32x1024xf32, #tpu.memory_space<hbm>>
    %dma_start3A_410 = tpu.memref_squeeze %dma_start3A_409 : memref<1x32x1024xf32, #tpu.memory_space<hbm>> -> memref<32x1024xf32, #tpu.memory_space<hbm>>
    %dma_start3A_411 = arith.constant 0 : i32
    %dma_start3A_412 = tpu.memref_slice %arg4[%select_n3A, %add3A_407, %dma_start3A_411] : memref<4x8192x1024xf32, #tpu.memory_space<hbm>> -> memref<1x32x1024xf32, #tpu.memory_space<hbm>>
    %dma_start3A_413 = tpu.memref_squeeze %dma_start3A_412 : memref<1x32x1024xf32, #tpu.memory_space<hbm>> -> memref<32x1024xf32, #tpu.memory_space<hbm>>
    tpu.enqueue_dma source(%arg11 : memref<32x1024xf32, #tpu.memory_space<vmem>>) target(%dma_start3A_413 : memref<32x1024xf32, #tpu.memory_space<hbm>>) target_semaphore(%arg17 : memref<!tpu.dma_semaphore, #tpu.memory_space<semaphore_mem>>)
    %dma_wait3A_414 = arith.constant 0 : i32
    %dma_wait3A_415 = tpu.memref_slice %arg4[%select_n3A, %add3A_407, %dma_wait3A_414] : memref<4x8192x1024xf32, #tpu.memory_space<hbm>> -> memref<1x32x1024xf32, #tpu.memory_space<hbm>>
    %dma_wait3A_416 = tpu.memref_squeeze %dma_wait3A_415 : memref<1x32x1024xf32, #tpu.memory_space<hbm>> -> memref<32x1024xf32, #tpu.memory_space<hbm>>
    %dma_wait3A_417 = arith.constant 0 : i32
    %dma_wait3A_418 = tpu.memref_slice %arg4[%select_n3A, %add3A_407, %dma_wait3A_417] : memref<4x8192x1024xf32, #tpu.memory_space<hbm>> -> memref<1x32x1024xf32, #tpu.memory_space<hbm>>
    %dma_wait3A_419 = tpu.memref_squeeze %dma_wait3A_418 : memref<1x32x1024xf32, #tpu.memory_space<hbm>> -> memref<32x1024xf32, #tpu.memory_space<hbm>>
    tpu.wait_dma2 semaphore(%arg17 : memref<!tpu.dma_semaphore, #tpu.memory_space<semaphore_mem>>) src(%arg11 : memref<32x1024xf32, #tpu.memory_space<vmem>>) dst(%dma_wait3A_419 : memref<32x1024xf32, #tpu.memory_space<hbm>>)
    %add3A_420 = arith.constant 160 : i32
    %add3A_421 = arith.addi %sub3A_21, %add3A_420 : i32
    %add3A_422 = arith.constant 0 : i32
    %add3A_423 = arith.addi %add3A_421, %add3A_422 : i32
    %get3A_424 = arith.index_cast %add3A_423 : i32 to index
    %get3A_425 = tpu.vector_load %arg5[%get3A_424] {strides = array<i32>} : memref<8192xi32, #tpu.memory_space<vmem>>, vector<16xi32>,
    %eq3A_426 = arith.constant 1 : i32
    %eq3A_427 = vector.broadcast %eq3A_426 : i32 to vector<16xi32>
    %eq3A_428 = arith.cmpi eq, %get3A_425, %eq3A_427 : vector<16xi32>
    %jit3A_429 = arith.constant 0 : i32
    %jit3A_430 = arith.constant 1 : i32
    %broadcast_in_dim3A_431 = vector.broadcast %jit3A_429 : i32 to vector<16xi32>
    %broadcast_in_dim3A_432 = vector.broadcast %jit3A_430 : i32 to vector<16xi32>
    %select_n3A_433 = arith.select %eq3A_428, %broadcast_in_dim3A_431, %broadcast_in_dim3A_432 : vector<16xi1>, vector<16xi32>
    %broadcast_in_dim3A_434 = arith.constant true
    %broadcast_in_dim3A_435 = vector.broadcast %broadcast_in_dim3A_434 : i1 to vector<16xi1>
    %masked_cumsum3A_436 = tpu.scan <sum>, %select_n3A_433 masked %broadcast_in_dim3A_435 : vector<16xi32>, vector<16xi1> -> vector<16xi32>
    %add3A_437 = vector.broadcast %add3A_399 : i32 to vector<16xi32>
    %add3A_438 = arith.addi %add3A_437, %masked_cumsum3A_436 : vector<16xi32>
    %mul3A_439 = arith.muli %add3A_438, %select_n3A_433 : vector<16xi32>
    %add3A_440 = arith.constant 1 : i32
    %add3A_441 = vector.broadcast %add3A_440 : i32 to vector<16xi32>
    %add3A_442 = arith.addi %mul3A_439, %add3A_441 : vector<16xi32>
    %swap3A_443 = arith.constant 0 : index
    %swap3A_444 = tpu.vector_load %arg8[%swap3A_443] {strides = array<i32>} : memref<32xi32, #tpu.memory_space<vmem>>, vector<16xi32>,
    tpu.vector_store %arg8[%swap3A_443], %add3A_442 {strides = array<i32>} : memref<32xi32, #tpu.memory_space<vmem>>, vector<16xi32>,
    %reduce_sum3A_445 = arith.constant true
    %reduce_sum3A_446 = vector.broadcast %reduce_sum3A_445 : i1 to vector<16xi1>
    %reduce_sum3A_447 = tpu.scan <sum>, %select_n3A_433 masked %reduce_sum3A_446 : vector<16xi32>, vector<16xi1> -> vector<16xi32>
    %reduce_sum3A_448 = vector.extract %reduce_sum3A_447[15] : i32 from vector<16xi32>
    %add3A_449 = arith.addi %add3A_399, %reduce_sum3A_448 : i32
    %add3A_450 = arith.constant 160 : i32
    %add3A_451 = arith.addi %sub3A_21, %add3A_450 : i32
    %add3A_452 = arith.constant 16 : i32
    %add3A_453 = arith.addi %add3A_451, %add3A_452 : i32
    %get3A_454 = arith.index_cast %add3A_453 : i32 to index
    %get3A_455 = tpu.vector_load %arg5[%get3A_454] {strides = array<i32>} : memref<8192xi32, #tpu.memory_space<vmem>>, vector<16xi32>,
    %eq3A_456 = arith.constant 1 : i32
    %eq3A_457 = vector.broadcast %eq3A_456 : i32 to vector<16xi32>
    %eq3A_458 = arith.cmpi eq, %get3A_455, %eq3A_457 : vector<16xi32>
    %jit3A_459 = arith.constant 0 : i32
    %jit3A_460 = arith.constant 1 : i32
    %broadcast_in_dim3A_461 = vector.broadcast %jit3A_459 : i32 to vector<16xi32>
    %broadcast_in_dim3A_462 = vector.broadcast %jit3A_460 : i32 to vector<16xi32>
    %select_n3A_463 = arith.select %eq3A_458, %broadcast_in_dim3A_461, %broadcast_in_dim3A_462 : vector<16xi1>, vector<16xi32>
    %broadcast_in_dim3A_464 = arith.constant true
    %broadcast_in_dim3A_465 = vector.broadcast %broadcast_in_dim3A_464 : i1 to vector<16xi1>
    %masked_cumsum3A_466 = tpu.scan <sum>, %select_n3A_463 masked %broadcast_in_dim3A_465 : vector<16xi32>, vector<16xi1> -> vector<16xi32>
    %add3A_467 = vector.broadcast %add3A_449 : i32 to vector<16xi32>
    %add3A_468 = arith.addi %add3A_467, %masked_cumsum3A_466 : vector<16xi32>
    %mul3A_469 = arith.muli %add3A_468, %select_n3A_463 : vector<16xi32>
    %add3A_470 = arith.constant 1 : i32
    %add3A_471 = vector.broadcast %add3A_470 : i32 to vector<16xi32>
    %add3A_472 = arith.addi %mul3A_469, %add3A_471 : vector<16xi32>
    %swap3A_473 = arith.constant 16 : index
    %swap3A_474 = tpu.vector_load %arg8[%swap3A_473] {strides = array<i32>} : memref<32xi32, #tpu.memory_space<vmem>>, vector<16xi32>,
    tpu.vector_store %arg8[%swap3A_473], %add3A_472 {strides = array<i32>} : memref<32xi32, #tpu.memory_space<vmem>>, vector<16xi32>,
    %reduce_sum3A_475 = arith.constant true
    %reduce_sum3A_476 = vector.broadcast %reduce_sum3A_475 : i1 to vector<16xi1>
    %reduce_sum3A_477 = tpu.scan <sum>, %select_n3A_463 masked %reduce_sum3A_476 : vector<16xi32>, vector<16xi1> -> vector<16xi32>
    %reduce_sum3A_478 = vector.extract %reduce_sum3A_477[15] : i32 from vector<16xi32>
    %add3A_479 = arith.addi %add3A_449, %reduce_sum3A_478 : i32
    %dma_start3A_480 = arith.constant 0 : i32
    %dma_start3A_481 = arith.constant 0 : i32
    %dma_start3A_482 = tpu.memref_slice %arg3[%dma_start3A_480, %dma_start3A_481] : memref<16384x1024xf32, #tpu.memory_space<hbm>> -> memref<16384x1024xf32, #tpu.memory_space<hbm>>
    tpu.enqueue_indirect_dma source(%dma_start3A_482 : memref<16384x1024xf32, #tpu.memory_space<hbm>>) target(%arg11 : memref<32x1024xf32, #tpu.memory_space<vmem>>) offsets(%arg8 : memref<32xi32, #tpu.memory_space<vmem>>) semaphore(%arg14 : memref<!tpu.dma_semaphore, #tpu.memory_space<semaphore_mem>>)
    %dma_wait3A_483 = arith.constant 0 : i32
    %dma_wait3A_484 = arith.constant 0 : i32
    %dma_wait3A_485 = tpu.memref_slice %arg3[%dma_wait3A_483, %dma_wait3A_484] : memref<16384x1024xf32, #tpu.memory_space<hbm>> -> memref<16384x1024xf32, #tpu.memory_space<hbm>>
    tpu.wait_indirect_dma semaphore(%arg12 : memref<!tpu.dma_semaphore, #tpu.memory_space<semaphore_mem>>) src(%dma_wait3A_485 : memref<16384x1024xf32, #tpu.memory_space<hbm>>) dst(%arg9 : memref<32x1024xf32, #tpu.memory_space<vmem>>)
    %add3A_486 = arith.constant 96 : i32
    %add3A_487 = arith.addi %sub3A_21, %add3A_486 : i32
    %dma_start3A_488 = arith.constant 0 : i32
    %dma_start3A_489 = tpu.memref_slice %arg4[%select_n3A, %add3A_487, %dma_start3A_488] : memref<4x8192x1024xf32, #tpu.memory_space<hbm>> -> memref<1x32x1024xf32, #tpu.memory_space<hbm>>
    %dma_start3A_490 = tpu.memref_squeeze %dma_start3A_489 : memref<1x32x1024xf32, #tpu.memory_space<hbm>> -> memref<32x1024xf32, #tpu.memory_space<hbm>>
    %dma_start3A_491 = arith.constant 0 : i32
    %dma_start3A_492 = tpu.memref_slice %arg4[%select_n3A, %add3A_487, %dma_start3A_491] : memref<4x8192x1024xf32, #tpu.memory_space<hbm>> -> memref<1x32x1024xf32, #tpu.memory_space<hbm>>
    %dma_start3A_493 = tpu.memref_squeeze %dma_start3A_492 : memref<1x32x1024xf32, #tpu.memory_space<hbm>> -> memref<32x1024xf32, #tpu.memory_space<hbm>>
    tpu.enqueue_dma source(%arg9 : memref<32x1024xf32, #tpu.memory_space<vmem>>) target(%dma_start3A_493 : memref<32x1024xf32, #tpu.memory_space<hbm>>) target_semaphore(%arg15 : memref<!tpu.dma_semaphore, #tpu.memory_space<semaphore_mem>>)
    %dma_wait3A_494 = arith.constant 0 : i32
    %dma_wait3A_495 = tpu.memref_slice %arg4[%select_n3A, %add3A_487, %dma_wait3A_494] : memref<4x8192x1024xf32, #tpu.memory_space<hbm>> -> memref<1x32x1024xf32, #tpu.memory_space<hbm>>
    %dma_wait3A_496 = tpu.memref_squeeze %dma_wait3A_495 : memref<1x32x1024xf32, #tpu.memory_space<hbm>> -> memref<32x1024xf32, #tpu.memory_space<hbm>>
    %dma_wait3A_497 = arith.constant 0 : i32
    %dma_wait3A_498 = tpu.memref_slice %arg4[%select_n3A, %add3A_487, %dma_wait3A_497] : memref<4x8192x1024xf32, #tpu.memory_space<hbm>> -> memref<1x32x1024xf32, #tpu.memory_space<hbm>>
    %dma_wait3A_499 = tpu.memref_squeeze %dma_wait3A_498 : memref<1x32x1024xf32, #tpu.memory_space<hbm>> -> memref<32x1024xf32, #tpu.memory_space<hbm>>
    tpu.wait_dma2 semaphore(%arg15 : memref<!tpu.dma_semaphore, #tpu.memory_space<semaphore_mem>>) src(%arg9 : memref<32x1024xf32, #tpu.memory_space<vmem>>) dst(%dma_wait3A_499 : memref<32x1024xf32, #tpu.memory_space<hbm>>)
    %add3A_500 = arith.constant 192 : i32
    %add3A_501 = arith.addi %sub3A_21, %add3A_500 : i32
    %add3A_502 = arith.constant 0 : i32
    %add3A_503 = arith.addi %add3A_501, %add3A_502 : i32
    %get3A_504 = arith.index_cast %add3A_503 : i32 to index
    %get3A_505 = tpu.vector_load %arg5[%get3A_504] {strides = array<i32>} : memref<8192xi32, #tpu.memory_space<vmem>>, vector<16xi32>,
    %eq3A_506 = arith.constant 1 : i32
    %eq3A_507 = vector.broadcast %eq3A_506 : i32 to vector<16xi32>
    %eq3A_508 = arith.cmpi eq, %get3A_505, %eq3A_507 : vector<16xi32>
    %jit3A_509 = arith.constant 0 : i32
    %jit3A_510 = arith.constant 1 : i32
    %broadcast_in_dim3A_511 = vector.broadcast %jit3A_509 : i32 to vector<16xi32>
    %broadcast_in_dim3A_512 = vector.broadcast %jit3A_510 : i32 to vector<16xi32>
    %select_n3A_513 = arith.select %eq3A_508, %broadcast_in_dim3A_511, %broadcast_in_dim3A_512 : vector<16xi1>, vector<16xi32>
    %broadcast_in_dim3A_514 = arith.constant true
    %broadcast_in_dim3A_515 = vector.broadcast %broadcast_in_dim3A_514 : i1 to vector<16xi1>
    %masked_cumsum3A_516 = tpu.scan <sum>, %select_n3A_513 masked %broadcast_in_dim3A_515 : vector<16xi32>, vector<16xi1> -> vector<16xi32>
    %add3A_517 = vector.broadcast %add3A_479 : i32 to vector<16xi32>
    %add3A_518 = arith.addi %add3A_517, %masked_cumsum3A_516 : vector<16xi32>
    %mul3A_519 = arith.muli %add3A_518, %select_n3A_513 : vector<16xi32>
    %add3A_520 = arith.constant 1 : i32
    %add3A_521 = vector.broadcast %add3A_520 : i32 to vector<16xi32>
    %add3A_522 = arith.addi %mul3A_519, %add3A_521 : vector<16xi32>
    %swap3A_523 = arith.constant 0 : index
    %swap3A_524 = tpu.vector_load %arg6[%swap3A_523] {strides = array<i32>} : memref<32xi32, #tpu.memory_space<vmem>>, vector<16xi32>,
    tpu.vector_store %arg6[%swap3A_523], %add3A_522 {strides = array<i32>} : memref<32xi32, #tpu.memory_space<vmem>>, vector<16xi32>,
    %reduce_sum3A_525 = arith.constant true
    %reduce_sum3A_526 = vector.broadcast %reduce_sum3A_525 : i1 to vector<16xi1>
    %reduce_sum3A_527 = tpu.scan <sum>, %select_n3A_513 masked %reduce_sum3A_526 : vector<16xi32>, vector<16xi1> -> vector<16xi32>
    %reduce_sum3A_528 = vector.extract %reduce_sum3A_527[15] : i32 from vector<16xi32>
    %add3A_529 = arith.addi %add3A_479, %reduce_sum3A_528 : i32
    %add3A_530 = arith.constant 192 : i32
    %add3A_531 = arith.addi %sub3A_21, %add3A_530 : i32
    %add3A_532 = arith.constant 16 : i32
    %add3A_533 = arith.addi %add3A_531, %add3A_532 : i32
    %get3A_534 = arith.index_cast %add3A_533 : i32 to index
    %get3A_535 = tpu.vector_load %arg5[%get3A_534] {strides = array<i32>} : memref<8192xi32, #tpu.memory_space<vmem>>, vector<16xi32>,
    %eq3A_536 = arith.constant 1 : i32
    %eq3A_537 = vector.broadcast %eq3A_536 : i32 to vector<16xi32>
    %eq3A_538 = arith.cmpi eq, %get3A_535, %eq3A_537 : vector<16xi32>
    %jit3A_539 = arith.constant 0 : i32
    %jit3A_540 = arith.constant 1 : i32
    %broadcast_in_dim3A_541 = vector.broadcast %jit3A_539 : i32 to vector<16xi32>
    %broadcast_in_dim3A_542 = vector.broadcast %jit3A_540 : i32 to vector<16xi32>
    %select_n3A_543 = arith.select %eq3A_538, %broadcast_in_dim3A_541, %broadcast_in_dim3A_542 : vector<16xi1>, vector<16xi32>
    %broadcast_in_dim3A_544 = arith.constant true
    %broadcast_in_dim3A_545 = vector.broadcast %broadcast_in_dim3A_544 : i1 to vector<16xi1>
    %masked_cumsum3A_546 = tpu.scan <sum>, %select_n3A_543 masked %broadcast_in_dim3A_545 : vector<16xi32>, vector<16xi1> -> vector<16xi32>
    %add3A_547 = vector.broadcast %add3A_529 : i32 to vector<16xi32>
    %add3A_548 = arith.addi %add3A_547, %masked_cumsum3A_546 : vector<16xi32>
    %mul3A_549 = arith.muli %add3A_548, %select_n3A_543 : vector<16xi32>
    %add3A_550 = arith.constant 1 : i32
    %add3A_551 = vector.broadcast %add3A_550 : i32 to vector<16xi32>
    %add3A_552 = arith.addi %mul3A_549, %add3A_551 : vector<16xi32>
    %swap3A_553 = arith.constant 16 : index
    %swap3A_554 = tpu.vector_load %arg6[%swap3A_553] {strides = array<i32>} : memref<32xi32, #tpu.memory_space<vmem>>, vector<16xi32>,
    tpu.vector_store %arg6[%swap3A_553], %add3A_552 {strides = array<i32>} : memref<32xi32, #tpu.memory_space<vmem>>, vector<16xi32>,
    %reduce_sum3A_555 = arith.constant true
    %reduce_sum3A_556 = vector.broadcast %reduce_sum3A_555 : i1 to vector<16xi1>
    %reduce_sum3A_557 = tpu.scan <sum>, %select_n3A_543 masked %reduce_sum3A_556 : vector<16xi32>, vector<16xi1> -> vector<16xi32>
    %reduce_sum3A_558 = vector.extract %reduce_sum3A_557[15] : i32 from vector<16xi32>
    %add3A_559 = arith.addi %add3A_529, %reduce_sum3A_558 : i32
    %dma_start3A_560 = arith.constant 0 : i32
    %dma_start3A_561 = arith.constant 0 : i32
    %dma_start3A_562 = tpu.memref_slice %arg3[%dma_start3A_560, %dma_start3A_561] : memref<16384x1024xf32, #tpu.memory_space<hbm>> -> memref<16384x1024xf32, #tpu.memory_space<hbm>>
    tpu.enqueue_indirect_dma source(%dma_start3A_562 : memref<16384x1024xf32, #tpu.memory_space<hbm>>) target(%arg9 : memref<32x1024xf32, #tpu.memory_space<vmem>>) offsets(%arg6 : memref<32xi32, #tpu.memory_space<vmem>>) semaphore(%arg12 : memref<!tpu.dma_semaphore, #tpu.memory_space<semaphore_mem>>)
    %dma_wait3A_563 = arith.constant 0 : i32
    %dma_wait3A_564 = arith.constant 0 : i32
    %dma_wait3A_565 = tpu.memref_slice %arg3[%dma_wait3A_563, %dma_wait3A_564] : memref<16384x1024xf32, #tpu.memory_space<hbm>> -> memref<16384x1024xf32, #tpu.memory_space<hbm>>
    tpu.wait_indirect_dma semaphore(%arg13 : memref<!tpu.dma_semaphore, #tpu.memory_space<semaphore_mem>>) src(%dma_wait3A_565 : memref<16384x1024xf32, #tpu.memory_space<hbm>>) dst(%arg10 : memref<32x1024xf32, #tpu.memory_space<vmem>>)
    %add3A_566 = arith.constant 128 : i32
    %add3A_567 = arith.addi %sub3A_21, %add3A_566 : i32
    %dma_start3A_568 = arith.constant 0 : i32
    %dma_start3A_569 = tpu.memref_slice %arg4[%select_n3A, %add3A_567, %dma_start3A_568] : memref<4x8192x1024xf32, #tpu.memory_space<hbm>> -> memref<1x32x1024xf32, #tpu.memory_space<hbm>>
    %dma_start3A_570 = tpu.memref_squeeze %dma_start3A_569 : memref<1x32x1024xf32, #tpu.memory_space<hbm>> -> memref<32x1024xf32, #tpu.memory_space<hbm>>
    %dma_start3A_571 = arith.constant 0 : i32
    %dma_start3A_572 = tpu.memref_slice %arg4[%select_n3A, %add3A_567, %dma_start3A_571] : memref<4x8192x1024xf32, #tpu.memory_space<hbm>> -> memref<1x32x1024xf32, #tpu.memory_space<hbm>>
    %dma_start3A_573 = tpu.memref_squeeze %dma_start3A_572 : memref<1x32x1024xf32, #tpu.memory_space<hbm>> -> memref<32x1024xf32, #tpu.memory_space<hbm>>
    tpu.enqueue_dma source(%arg10 : memref<32x1024xf32, #tpu.memory_space<vmem>>) target(%dma_start3A_573 : memref<32x1024xf32, #tpu.memory_space<hbm>>) target_semaphore(%arg16 : memref<!tpu.dma_semaphore, #tpu.memory_space<semaphore_mem>>)
    %dma_wait3A_574 = arith.constant 0 : i32
    %dma_wait3A_575 = tpu.memref_slice %arg4[%select_n3A, %add3A_567, %dma_wait3A_574] : memref<4x8192x1024xf32, #tpu.memory_space<hbm>> -> memref<1x32x1024xf32, #tpu.memory_space<hbm>>
    %dma_wait3A_576 = tpu.memref_squeeze %dma_wait3A_575 : memref<1x32x1024xf32, #tpu.memory_space<hbm>> -> memref<32x1024xf32, #tpu.memory_space<hbm>>
    %dma_wait3A_577 = arith.constant 0 : i32
    %dma_wait3A_578 = tpu.memref_slice %arg4[%select_n3A, %add3A_567, %dma_wait3A_577] : memref<4x8192x1024xf32, #tpu.memory_space<hbm>> -> memref<1x32x1024xf32, #tpu.memory_space<hbm>>
    %dma_wait3A_579 = tpu.memref_squeeze %dma_wait3A_578 : memref<1x32x1024xf32, #tpu.memory_space<hbm>> -> memref<32x1024xf32, #tpu.memory_space<hbm>>
    tpu.wait_dma2 semaphore(%arg16 : memref<!tpu.dma_semaphore, #tpu.memory_space<semaphore_mem>>) src(%arg10 : memref<32x1024xf32, #tpu.memory_space<vmem>>) dst(%dma_wait3A_579 : memref<32x1024xf32, #tpu.memory_space<hbm>>)
    %add3A_580 = arith.constant 224 : i32
    %add3A_581 = arith.addi %sub3A_21, %add3A_580 : i32
    %add3A_582 = arith.constant 0 : i32
    %add3A_583 = arith.addi %add3A_581, %add3A_582 : i32
    %get3A_584 = arith.index_cast %add3A_583 : i32 to index
    %get3A_585 = tpu.vector_load %arg5[%get3A_584] {strides = array<i32>} : memref<8192xi32, #tpu.memory_space<vmem>>, vector<16xi32>,
    %eq3A_586 = arith.constant 1 : i32
    %eq3A_587 = vector.broadcast %eq3A_586 : i32 to vector<16xi32>
    %eq3A_588 = arith.cmpi eq, %get3A_585, %eq3A_587 : vector<16xi32>
    %jit3A_589 = arith.constant 0 : i32
    %jit3A_590 = arith.constant 1 : i32
    %broadcast_in_dim3A_591 = vector.broadcast %jit3A_589 : i32 to vector<16xi32>
    %broadcast_in_dim3A_592 = vector.broadcast %jit3A_590 : i32 to vector<16xi32>
    %select_n3A_593 = arith.select %eq3A_588, %broadcast_in_dim3A_591, %broadcast_in_dim3A_592 : vector<16xi1>, vector<16xi32>
    %broadcast_in_dim3A_594 = arith.constant true
    %broadcast_in_dim3A_595 = vector.broadcast %broadcast_in_dim3A_594 : i1 to vector<16xi1>
    %masked_cumsum3A_596 = tpu.scan <sum>, %select_n3A_593 masked %broadcast_in_dim3A_595 : vector<16xi32>, vector<16xi1> -> vector<16xi32>
    %add3A_597 = vector.broadcast %add3A_559 : i32 to vector<16xi32>
    %add3A_598 = arith.addi %add3A_597, %masked_cumsum3A_596 : vector<16xi32>
    %mul3A_599 = arith.muli %add3A_598, %select_n3A_593 : vector<16xi32>
    %add3A_600 = arith.constant 1 : i32
    %add3A_601 = vector.broadcast %add3A_600 : i32 to vector<16xi32>
    %add3A_602 = arith.addi %mul3A_599, %add3A_601 : vector<16xi32>
    %swap3A_603 = arith.constant 0 : index
    %swap3A_604 = tpu.vector_load %arg7[%swap3A_603] {strides = array<i32>} : memref<32xi32, #tpu.memory_space<vmem>>, vector<16xi32>,
    tpu.vector_store %arg7[%swap3A_603], %add3A_602 {strides = array<i32>} : memref<32xi32, #tpu.memory_space<vmem>>, vector<16xi32>,
    %reduce_sum3A_605 = arith.constant true
    %reduce_sum3A_606 = vector.broadcast %reduce_sum3A_605 : i1 to vector<16xi1>
    %reduce_sum3A_607 = tpu.scan <sum>, %select_n3A_593 masked %reduce_sum3A_606 : vector<16xi32>, vector<16xi1> -> vector<16xi32>
    %reduce_sum3A_608 = vector.extract %reduce_sum3A_607[15] : i32 from vector<16xi32>
    %add3A_609 = arith.addi %add3A_559, %reduce_sum3A_608 : i32
    %add3A_610 = arith.constant 224 : i32
    %add3A_611 = arith.addi %sub3A_21, %add3A_610 : i32
    %add3A_612 = arith.constant 16 : i32
    %add3A_613 = arith.addi %add3A_611, %add3A_612 : i32
    %get3A_614 = arith.index_cast %add3A_613 : i32 to index
    %get3A_615 = tpu.vector_load %arg5[%get3A_614] {strides = array<i32>} : memref<8192xi32, #tpu.memory_space<vmem>>, vector<16xi32>,
    %eq3A_616 = arith.constant 1 : i32
    %eq3A_617 = vector.broadcast %eq3A_616 : i32 to vector<16xi32>
    %eq3A_618 = arith.cmpi eq, %get3A_615, %eq3A_617 : vector<16xi32>
    %jit3A_619 = arith.constant 0 : i32
    %jit3A_620 = arith.constant 1 : i32
    %broadcast_in_dim3A_621 = vector.broadcast %jit3A_619 : i32 to vector<16xi32>
    %broadcast_in_dim3A_622 = vector.broadcast %jit3A_620 : i32 to vector<16xi32>
    %select_n3A_623 = arith.select %eq3A_618, %broadcast_in_dim3A_621, %broadcast_in_dim3A_622 : vector<16xi1>, vector<16xi32>
    %broadcast_in_dim3A_624 = arith.constant true
    %broadcast_in_dim3A_625 = vector.broadcast %broadcast_in_dim3A_624 : i1 to vector<16xi1>
    %masked_cumsum3A_626 = tpu.scan <sum>, %select_n3A_623 masked %broadcast_in_dim3A_625 : vector<16xi32>, vector<16xi1> -> vector<16xi32>
    %add3A_627 = vector.broadcast %add3A_609 : i32 to vector<16xi32>
    %add3A_628 = arith.addi %add3A_627, %masked_cumsum3A_626 : vector<16xi32>
    %mul3A_629 = arith.muli %add3A_628, %select_n3A_623 : vector<16xi32>
    %add3A_630 = arith.constant 1 : i32
    %add3A_631 = vector.broadcast %add3A_630 : i32 to vector<16xi32>
    %add3A_632 = arith.addi %mul3A_629, %add3A_631 : vector<16xi32>
    %swap3A_633 = arith.constant 16 : index
    %swap3A_634 = tpu.vector_load %arg7[%swap3A_633] {strides = array<i32>} : memref<32xi32, #tpu.memory_space<vmem>>, vector<16xi32>,
    tpu.vector_store %arg7[%swap3A_633], %add3A_632 {strides = array<i32>} : memref<32xi32, #tpu.memory_space<vmem>>, vector<16xi32>,
    %reduce_sum3A_635 = arith.constant true
    %reduce_sum3A_636 = vector.broadcast %reduce_sum3A_635 : i1 to vector<16xi1>
    %reduce_sum3A_637 = tpu.scan <sum>, %select_n3A_623 masked %reduce_sum3A_636 : vector<16xi32>, vector<16xi1> -> vector<16xi32>
    %reduce_sum3A_638 = vector.extract %reduce_sum3A_637[15] : i32 from vector<16xi32>
    %add3A_639 = arith.addi %add3A_609, %reduce_sum3A_638 : i32
    %dma_start3A_640 = arith.constant 0 : i32
    %dma_start3A_641 = arith.constant 0 : i32
    %dma_start3A_642 = tpu.memref_slice %arg3[%dma_start3A_640, %dma_start3A_641] : memref<16384x1024xf32, #tpu.memory_space<hbm>> -> memref<16384x1024xf32, #tpu.memory_space<hbm>>
    tpu.enqueue_indirect_dma source(%dma_start3A_642 : memref<16384x1024xf32, #tpu.memory_space<hbm>>) target(%arg10 : memref<32x1024xf32, #tpu.memory_space<vmem>>) offsets(%arg7 : memref<32xi32, #tpu.memory_space<vmem>>) semaphore(%arg13 : memref<!tpu.dma_semaphore, #tpu.memory_space<semaphore_mem>>)
    %dma_wait3A_643 = arith.constant 0 : i32
    %dma_wait3A_644 = arith.constant 0 : i32
    %dma_wait3A_645 = tpu.memref_slice %arg3[%dma_wait3A_643, %dma_wait3A_644] : memref<16384x1024xf32, #tpu.memory_space<hbm>> -> memref<16384x1024xf32, #tpu.memory_space<hbm>>
    tpu.wait_indirect_dma semaphore(%arg14 : memref<!tpu.dma_semaphore, #tpu.memory_space<semaphore_mem>>) src(%dma_wait3A_645 : memref<16384x1024xf32, #tpu.memory_space<hbm>>) dst(%arg11 : memref<32x1024xf32, #tpu.memory_space<vmem>>)
    %add3A_646 = arith.constant 160 : i32
    %add3A_647 = arith.addi %sub3A_21, %add3A_646 : i32
    %dma_start3A_648 = arith.constant 0 : i32
    %dma_start3A_649 = tpu.memref_slice %arg4[%select_n3A, %add3A_647, %dma_start3A_648] : memref<4x8192x1024xf32, #tpu.memory_space<hbm>> -> memref<1x32x1024xf32, #tpu.memory_space<hbm>>
    %dma_start3A_650 = tpu.memref_squeeze %dma_start3A_649 : memref<1x32x1024xf32, #tpu.memory_space<hbm>> -> memref<32x1024xf32, #tpu.memory_space<hbm>>
    %dma_start3A_651 = arith.constant 0 : i32
    %dma_start3A_652 = tpu.memref_slice %arg4[%select_n3A, %add3A_647, %dma_start3A_651] : memref<4x8192x1024xf32, #tpu.memory_space<hbm>> -> memref<1x32x1024xf32, #tpu.memory_space<hbm>>
    %dma_start3A_653 = tpu.memref_squeeze %dma_start3A_652 : memref<1x32x1024xf32, #tpu.memory_space<hbm>> -> memref<32x1024xf32, #tpu.memory_space<hbm>>
    tpu.enqueue_dma source(%arg11 : memref<32x1024xf32, #tpu.memory_space<vmem>>) target(%dma_start3A_653 : memref<32x1024xf32, #tpu.memory_space<hbm>>) target_semaphore(%arg17 : memref<!tpu.dma_semaphore, #tpu.memory_space<semaphore_mem>>)
    %dma_wait3A_654 = arith.constant 0 : i32
    %dma_wait3A_655 = tpu.memref_slice %arg4[%select_n3A, %add3A_647, %dma_wait3A_654] : memref<4x8192x1024xf32, #tpu.memory_space<hbm>> -> memref<1x32x1024xf32, #tpu.memory_space<hbm>>
    %dma_wait3A_656 = tpu.memref_squeeze %dma_wait3A_655 : memref<1x32x1024xf32, #tpu.memory_space<hbm>> -> memref<32x1024xf32, #tpu.memory_space<hbm>>
    %dma_wait3A_657 = arith.constant 0 : i32
    %dma_wait3A_658 = tpu.memref_slice %arg4[%select_n3A, %add3A_647, %dma_wait3A_657] : memref<4x8192x1024xf32, #tpu.memory_space<hbm>> -> memref<1x32x1024xf32, #tpu.memory_space<hbm>>
    %dma_wait3A_659 = tpu.memref_squeeze %dma_wait3A_658 : memref<1x32x1024xf32, #tpu.memory_space<hbm>> -> memref<32x1024xf32, #tpu.memory_space<hbm>>
    tpu.wait_dma2 semaphore(%arg17 : memref<!tpu.dma_semaphore, #tpu.memory_space<semaphore_mem>>) src(%arg11 : memref<32x1024xf32, #tpu.memory_space<vmem>>) dst(%dma_wait3A_659 : memref<32x1024xf32, #tpu.memory_space<hbm>>)
    %add3A_660 = arith.constant 256 : i32
    %add3A_661 = arith.addi %sub3A_21, %add3A_660 : i32
    %add3A_662 = arith.constant 0 : i32
    %add3A_663 = arith.addi %add3A_661, %add3A_662 : i32
    %get3A_664 = arith.index_cast %add3A_663 : i32 to index
    %get3A_665 = tpu.vector_load %arg5[%get3A_664] {strides = array<i32>} : memref<8192xi32, #tpu.memory_space<vmem>>, vector<16xi32>,
    %eq3A_666 = arith.constant 1 : i32
    %eq3A_667 = vector.broadcast %eq3A_666 : i32 to vector<16xi32>
    %eq3A_668 = arith.cmpi eq, %get3A_665, %eq3A_667 : vector<16xi32>
    %jit3A_669 = arith.constant 0 : i32
    %jit3A_670 = arith.constant 1 : i32
    %broadcast_in_dim3A_671 = vector.broadcast %jit3A_669 : i32 to vector<16xi32>
    %broadcast_in_dim3A_672 = vector.broadcast %jit3A_670 : i32 to vector<16xi32>
    %select_n3A_673 = arith.select %eq3A_668, %broadcast_in_dim3A_671, %broadcast_in_dim3A_672 : vector<16xi1>, vector<16xi32>
    %broadcast_in_dim3A_674 = arith.constant true
    %broadcast_in_dim3A_675 = vector.broadcast %broadcast_in_dim3A_674 : i1 to vector<16xi1>
    %masked_cumsum3A_676 = tpu.scan <sum>, %select_n3A_673 masked %broadcast_in_dim3A_675 : vector<16xi32>, vector<16xi1> -> vector<16xi32>
    %add3A_677 = vector.broadcast %add3A_639 : i32 to vector<16xi32>
    %add3A_678 = arith.addi %add3A_677, %masked_cumsum3A_676 : vector<16xi32>
    %mul3A_679 = arith.muli %add3A_678, %select_n3A_673 : vector<16xi32>
    %add3A_680 = arith.constant 1 : i32
    %add3A_681 = vector.broadcast %add3A_680 : i32 to vector<16xi32>
    %add3A_682 = arith.addi %mul3A_679, %add3A_681 : vector<16xi32>
    %swap3A_683 = arith.constant 0 : index
    %swap3A_684 = tpu.vector_load %arg8[%swap3A_683] {strides = array<i32>} : memref<32xi32, #tpu.memory_space<vmem>>, vector<16xi32>,
    tpu.vector_store %arg8[%swap3A_683], %add3A_682 {strides = array<i32>} : memref<32xi32, #tpu.memory_space<vmem>>, vector<16xi32>,
    %reduce_sum3A_685 = arith.constant true
    %reduce_sum3A_686 = vector.broadcast %reduce_sum3A_685 : i1 to vector<16xi1>
    %reduce_sum3A_687 = tpu.scan <sum>, %select_n3A_673 masked %reduce_sum3A_686 : vector<16xi32>, vector<16xi1> -> vector<16xi32>
    %reduce_sum3A_688 = vector.extract %reduce_sum3A_687[15] : i32 from vector<16xi32>
    %add3A_689 = arith.addi %add3A_639, %reduce_sum3A_688 : i32
    %add3A_690 = arith.constant 256 : i32
    %add3A_691 = arith.addi %sub3A_21, %add3A_690 : i32
    %add3A_692 = arith.constant 16 : i32
    %add3A_693 = arith.addi %add3A_691, %add3A_692 : i32
    %get3A_694 = arith.index_cast %add3A_693 : i32 to index
    %get3A_695 = tpu.vector_load %arg5[%get3A_694] {strides = array<i32>} : memref<8192xi32, #tpu.memory_space<vmem>>, vector<16xi32>,
    %eq3A_696 = arith.constant 1 : i32
    %eq3A_697 = vector.broadcast %eq3A_696 : i32 to vector<16xi32>
    %eq3A_698 = arith.cmpi eq, %get3A_695, %eq3A_697 : vector<16xi32>
    %jit3A_699 = arith.constant 0 : i32
    %jit3A_700 = arith.constant 1 : i32
    %broadcast_in_dim3A_701 = vector.broadcast %jit3A_699 : i32 to vector<16xi32>
    %broadcast_in_dim3A_702 = vector.broadcast %jit3A_700 : i32 to vector<16xi32>
    %select_n3A_703 = arith.select %eq3A_698, %broadcast_in_dim3A_701, %broadcast_in_dim3A_702 : vector<16xi1>, vector<16xi32>
    %broadcast_in_dim3A_704 = arith.constant true
    %broadcast_in_dim3A_705 = vector.broadcast %broadcast_in_dim3A_704 : i1 to vector<16xi1>
    %masked_cumsum3A_706 = tpu.scan <sum>, %select_n3A_703 masked %broadcast_in_dim3A_705 : vector<16xi32>, vector<16xi1> -> vector<16xi32>
    %add3A_707 = vector.broadcast %add3A_689 : i32 to vector<16xi32>
    %add3A_708 = arith.addi %add3A_707, %masked_cumsum3A_706 : vector<16xi32>
    %mul3A_709 = arith.muli %add3A_708, %select_n3A_703 : vector<16xi32>
    %add3A_710 = arith.constant 1 : i32
    %add3A_711 = vector.broadcast %add3A_710 : i32 to vector<16xi32>
    %add3A_712 = arith.addi %mul3A_709, %add3A_711 : vector<16xi32>
    %swap3A_713 = arith.constant 16 : index
    %swap3A_714 = tpu.vector_load %arg8[%swap3A_713] {strides = array<i32>} : memref<32xi32, #tpu.memory_space<vmem>>, vector<16xi32>,
    tpu.vector_store %arg8[%swap3A_713], %add3A_712 {strides = array<i32>} : memref<32xi32, #tpu.memory_space<vmem>>, vector<16xi32>,
    %reduce_sum3A_715 = arith.constant true
    %reduce_sum3A_716 = vector.broadcast %reduce_sum3A_715 : i1 to vector<16xi1>
    %reduce_sum3A_717 = tpu.scan <sum>, %select_n3A_703 masked %reduce_sum3A_716 : vector<16xi32>, vector<16xi1> -> vector<16xi32>
    %reduce_sum3A_718 = vector.extract %reduce_sum3A_717[15] : i32 from vector<16xi32>
    %add3A_719 = arith.addi %add3A_689, %reduce_sum3A_718 : i32
    %dma_start3A_720 = arith.constant 0 : i32
    %dma_start3A_721 = arith.constant 0 : i32
    %dma_start3A_722 = tpu.memref_slice %arg3[%dma_start3A_720, %dma_start3A_721] : memref<16384x1024xf32, #tpu.memory_space<hbm>> -> memref<16384x1024xf32, #tpu.memory_space<hbm>>
    tpu.enqueue_indirect_dma source(%dma_start3A_722 : memref<16384x1024xf32, #tpu.memory_space<hbm>>) target(%arg11 : memref<32x1024xf32, #tpu.memory_space<vmem>>) offsets(%arg8 : memref<32xi32, #tpu.memory_space<vmem>>) semaphore(%arg14 : memref<!tpu.dma_semaphore, #tpu.memory_space<semaphore_mem>>)
    %dma_wait3A_723 = arith.constant 0 : i32
    %dma_wait3A_724 = arith.constant 0 : i32
    %dma_wait3A_725 = tpu.memref_slice %arg3[%dma_wait3A_723, %dma_wait3A_724] : memref<16384x1024xf32, #tpu.memory_space<hbm>> -> memref<16384x1024xf32, #tpu.memory_space<hbm>>
    tpu.wait_indirect_dma semaphore(%arg12 : memref<!tpu.dma_semaphore, #tpu.memory_space<semaphore_mem>>) src(%dma_wait3A_725 : memref<16384x1024xf32, #tpu.memory_space<hbm>>) dst(%arg9 : memref<32x1024xf32, #tpu.memory_space<vmem>>)
    %add3A_726 = arith.constant 192 : i32
    %add3A_727 = arith.addi %sub3A_21, %add3A_726 : i32
    %dma_start3A_728 = arith.constant 0 : i32
    %dma_start3A_729 = tpu.memref_slice %arg4[%select_n3A, %add3A_727, %dma_start3A_728] : memref<4x8192x1024xf32, #tpu.memory_space<hbm>> -> memref<1x32x1024xf32, #tpu.memory_space<hbm>>
    %dma_start3A_730 = tpu.memref_squeeze %dma_start3A_729 : memref<1x32x1024xf32, #tpu.memory_space<hbm>> -> memref<32x1024xf32, #tpu.memory_space<hbm>>
    %dma_start3A_731 = arith.constant 0 : i32
    %dma_start3A_732 = tpu.memref_slice %arg4[%select_n3A, %add3A_727, %dma_start3A_731] : memref<4x8192x1024xf32, #tpu.memory_space<hbm>> -> memref<1x32x1024xf32, #tpu.memory_space<hbm>>
    %dma_start3A_733 = tpu.memref_squeeze %dma_start3A_732 : memref<1x32x1024xf32, #tpu.memory_space<hbm>> -> memref<32x1024xf32, #tpu.memory_space<hbm>>
    tpu.enqueue_dma source(%arg9 : memref<32x1024xf32, #tpu.memory_space<vmem>>) target(%dma_start3A_733 : memref<32x1024xf32, #tpu.memory_space<hbm>>) target_semaphore(%arg15 : memref<!tpu.dma_semaphore, #tpu.memory_space<semaphore_mem>>)
    %dma_wait3A_734 = arith.constant 0 : i32
    %dma_wait3A_735 = tpu.memref_slice %arg4[%select_n3A, %add3A_727, %dma_wait3A_734] : memref<4x8192x1024xf32, #tpu.memory_space<hbm>> -> memref<1x32x1024xf32, #tpu.memory_space<hbm>>
    %dma_wait3A_736 = tpu.memref_squeeze %dma_wait3A_735 : memref<1x32x1024xf32, #tpu.memory_space<hbm>> -> memref<32x1024xf32, #tpu.memory_space<hbm>>
    %dma_wait3A_737 = arith.constant 0 : i32
    %dma_wait3A_738 = tpu.memref_slice %arg4[%select_n3A, %add3A_727, %dma_wait3A_737] : memref<4x8192x1024xf32, #tpu.memory_space<hbm>> -> memref<1x32x1024xf32, #tpu.memory_space<hbm>>
    %dma_wait3A_739 = tpu.memref_squeeze %dma_wait3A_738 : memref<1x32x1024xf32, #tpu.memory_space<hbm>> -> memref<32x1024xf32, #tpu.memory_space<hbm>>
    tpu.wait_dma2 semaphore(%arg15 : memref<!tpu.dma_semaphore, #tpu.memory_space<semaphore_mem>>) src(%arg9 : memref<32x1024xf32, #tpu.memory_space<vmem>>) dst(%dma_wait3A_739 : memref<32x1024xf32, #tpu.memory_space<hbm>>)
    %add3A_740 = arith.constant 288 : i32
    %add3A_741 = arith.addi %sub3A_21, %add3A_740 : i32
    %add3A_742 = arith.constant 0 : i32
    %add3A_743 = arith.addi %add3A_741, %add3A_742 : i32
    %get3A_744 = arith.index_cast %add3A_743 : i32 to index
    %get3A_745 = tpu.vector_load %arg5[%get3A_744] {strides = array<i32>} : memref<8192xi32, #tpu.memory_space<vmem>>, vector<16xi32>,
    %eq3A_746 = arith.constant 1 : i32
    %eq3A_747 = vector.broadcast %eq3A_746 : i32 to vector<16xi32>
    %eq3A_748 = arith.cmpi eq, %get3A_745, %eq3A_747 : vector<16xi32>
    %jit3A_749 = arith.constant 0 : i32
    %jit3A_750 = arith.constant 1 : i32
    %broadcast_in_dim3A_751 = vector.broadcast %jit3A_749 : i32 to vector<16xi32>
    %broadcast_in_dim3A_752 = vector.broadcast %jit3A_750 : i32 to vector<16xi32>
    %select_n3A_753 = arith.select %eq3A_748, %broadcast_in_dim3A_751, %broadcast_in_dim3A_752 : vector<16xi1>, vector<16xi32>
    %broadcast_in_dim3A_754 = arith.constant true
    %broadcast_in_dim3A_755 = vector.broadcast %broadcast_in_dim3A_754 : i1 to vector<16xi1>
    %masked_cumsum3A_756 = tpu.scan <sum>, %select_n3A_753 masked %broadcast_in_dim3A_755 : vector<16xi32>, vector<16xi1> -> vector<16xi32>
    %add3A_757 = vector.broadcast %add3A_719 : i32 to vector<16xi32>
    %add3A_758 = arith.addi %add3A_757, %masked_cumsum3A_756 : vector<16xi32>
    %mul3A_759 = arith.muli %add3A_758, %select_n3A_753 : vector<16xi32>
    %add3A_760 = arith.constant 1 : i32
    %add3A_761 = vector.broadcast %add3A_760 : i32 to vector<16xi32>
    %add3A_762 = arith.addi %mul3A_759, %add3A_761 : vector<16xi32>
    %swap3A_763 = arith.constant 0 : index
    %swap3A_764 = tpu.vector_load %arg6[%swap3A_763] {strides = array<i32>} : memref<32xi32, #tpu.memory_space<vmem>>, vector<16xi32>,
    tpu.vector_store %arg6[%swap3A_763], %add3A_762 {strides = array<i32>} : memref<32xi32, #tpu.memory_space<vmem>>, vector<16xi32>,
    %reduce_sum3A_765 = arith.constant true
    %reduce_sum3A_766 = vector.broadcast %reduce_sum3A_765 : i1 to vector<16xi1>
    %reduce_sum3A_767 = tpu.scan <sum>, %select_n3A_753 masked %reduce_sum3A_766 : vector<16xi32>, vector<16xi1> -> vector<16xi32>
    %reduce_sum3A_768 = vector.extract %reduce_sum3A_767[15] : i32 from vector<16xi32>
    %add3A_769 = arith.addi %add3A_719, %reduce_sum3A_768 : i32
    %add3A_770 = arith.constant 288 : i32
    %add3A_771 = arith.addi %sub3A_21, %add3A_770 : i32
    %add3A_772 = arith.constant 16 : i32
    %add3A_773 = arith.addi %add3A_771, %add3A_772 : i32
    %get3A_774 = arith.index_cast %add3A_773 : i32 to index
    %get3A_775 = tpu.vector_load %arg5[%get3A_774] {strides = array<i32>} : memref<8192xi32, #tpu.memory_space<vmem>>, vector<16xi32>,
    %eq3A_776 = arith.constant 1 : i32
    %eq3A_777 = vector.broadcast %eq3A_776 : i32 to vector<16xi32>
    %eq3A_778 = arith.cmpi eq, %get3A_775, %eq3A_777 : vector<16xi32>
    %jit3A_779 = arith.constant 0 : i32
    %jit3A_780 = arith.constant 1 : i32
    %broadcast_in_dim3A_781 = vector.broadcast %jit3A_779 : i32 to vector<16xi32>
    %broadcast_in_dim3A_782 = vector.broadcast %jit3A_780 : i32 to vector<16xi32>
    %select_n3A_783 = arith.select %eq3A_778, %broadcast_in_dim3A_781, %broadcast_in_dim3A_782 : vector<16xi1>, vector<16xi32>
    %broadcast_in_dim3A_784 = arith.constant true
    %broadcast_in_dim3A_785 = vector.broadcast %broadcast_in_dim3A_784 : i1 to vector<16xi1>
    %masked_cumsum3A_786 = tpu.scan <sum>, %select_n3A_783 masked %broadcast_in_dim3A_785 : vector<16xi32>, vector<16xi1> -> vector<16xi32>
    %add3A_787 = vector.broadcast %add3A_769 : i32 to vector<16xi32>
    %add3A_788 = arith.addi %add3A_787, %masked_cumsum3A_786 : vector<16xi32>
    %mul3A_789 = arith.muli %add3A_788, %select_n3A_783 : vector<16xi32>
    %add3A_790 = arith.constant 1 : i32
    %add3A_791 = vector.broadcast %add3A_790 : i32 to vector<16xi32>
    %add3A_792 = arith.addi %mul3A_789, %add3A_791 : vector<16xi32>
    %swap3A_793 = arith.constant 16 : index
    %swap3A_794 = tpu.vector_load %arg6[%swap3A_793] {strides = array<i32>} : memref<32xi32, #tpu.memory_space<vmem>>, vector<16xi32>,
    tpu.vector_store %arg6[%swap3A_793], %add3A_792 {strides = array<i32>} : memref<32xi32, #tpu.memory_space<vmem>>, vector<16xi32>,
    %reduce_sum3A_795 = arith.constant true
    %reduce_sum3A_796 = vector.broadcast %reduce_sum3A_795 : i1 to vector<16xi1>
    %reduce_sum3A_797 = tpu.scan <sum>, %select_n3A_783 masked %reduce_sum3A_796 : vector<16xi32>, vector<16xi1> -> vector<16xi32>
    %reduce_sum3A_798 = vector.extract %reduce_sum3A_797[15] : i32 from vector<16xi32>
    %add3A_799 = arith.addi %add3A_769, %reduce_sum3A_798 : i32
    %dma_start3A_800 = arith.constant 0 : i32
    %dma_start3A_801 = arith.constant 0 : i32
    %dma_start3A_802 = tpu.memref_slice %arg3[%dma_start3A_800, %dma_start3A_801] : memref<16384x1024xf32, #tpu.memory_space<hbm>> -> memref<16384x1024xf32, #tpu.memory_space<hbm>>
    tpu.enqueue_indirect_dma source(%dma_start3A_802 : memref<16384x1024xf32, #tpu.memory_space<hbm>>) target(%arg9 : memref<32x1024xf32, #tpu.memory_space<vmem>>) offsets(%arg6 : memref<32xi32, #tpu.memory_space<vmem>>) semaphore(%arg12 : memref<!tpu.dma_semaphore, #tpu.memory_space<semaphore_mem>>)
    %dma_wait3A_803 = arith.constant 0 : i32
    %dma_wait3A_804 = arith.constant 0 : i32
    %dma_wait3A_805 = tpu.memref_slice %arg3[%dma_wait3A_803, %dma_wait3A_804] : memref<16384x1024xf32, #tpu.memory_space<hbm>> -> memref<16384x1024xf32, #tpu.memory_space<hbm>>
    tpu.wait_indirect_dma semaphore(%arg13 : memref<!tpu.dma_semaphore, #tpu.memory_space<semaphore_mem>>) src(%dma_wait3A_805 : memref<16384x1024xf32, #tpu.memory_space<hbm>>) dst(%arg10 : memref<32x1024xf32, #tpu.memory_space<vmem>>)
    %add3A_806 = arith.constant 224 : i32
    %add3A_807 = arith.addi %sub3A_21, %add3A_806 : i32
    %dma_start3A_808 = arith.constant 0 : i32
    %dma_start3A_809 = tpu.memref_slice %arg4[%select_n3A, %add3A_807, %dma_start3A_808] : memref<4x8192x1024xf32, #tpu.memory_space<hbm>> -> memref<1x32x1024xf32, #tpu.memory_space<hbm>>
    %dma_start3A_810 = tpu.memref_squeeze %dma_start3A_809 : memref<1x32x1024xf32, #tpu.memory_space<hbm>> -> memref<32x1024xf32, #tpu.memory_space<hbm>>
    %dma_start3A_811 = arith.constant 0 : i32
    %dma_start3A_812 = tpu.memref_slice %arg4[%select_n3A, %add3A_807, %dma_start3A_811] : memref<4x8192x1024xf32, #tpu.memory_space<hbm>> -> memref<1x32x1024xf32, #tpu.memory_space<hbm>>
    %dma_start3A_813 = tpu.memref_squeeze %dma_start3A_812 : memref<1x32x1024xf32, #tpu.memory_space<hbm>> -> memref<32x1024xf32, #tpu.memory_space<hbm>>
    tpu.enqueue_dma source(%arg10 : memref<32x1024xf32, #tpu.memory_space<vmem>>) target(%dma_start3A_813 : memref<32x1024xf32, #tpu.memory_space<hbm>>) target_semaphore(%arg16 : memref<!tpu.dma_semaphore, #tpu.memory_space<semaphore_mem>>)
    %dma_wait3A_814 = arith.constant 0 : i32
    %dma_wait3A_815 = tpu.memref_slice %arg4[%select_n3A, %add3A_807, %dma_wait3A_814] : memref<4x8192x1024xf32, #tpu.memory_space<hbm>> -> memref<1x32x1024xf32, #tpu.memory_space<hbm>>
    %dma_wait3A_816 = tpu.memref_squeeze %dma_wait3A_815 : memref<1x32x1024xf32, #tpu.memory_space<hbm>> -> memref<32x1024xf32, #tpu.memory_space<hbm>>
    %dma_wait3A_817 = arith.constant 0 : i32
    %dma_wait3A_818 = tpu.memref_slice %arg4[%select_n3A, %add3A_807, %dma_wait3A_817] : memref<4x8192x1024xf32, #tpu.memory_space<hbm>> -> memref<1x32x1024xf32, #tpu.memory_space<hbm>>
    %dma_wait3A_819 = tpu.memref_squeeze %dma_wait3A_818 : memref<1x32x1024xf32, #tpu.memory_space<hbm>> -> memref<32x1024xf32, #tpu.memory_space<hbm>>
    tpu.wait_dma2 semaphore(%arg16 : memref<!tpu.dma_semaphore, #tpu.memory_space<semaphore_mem>>) src(%arg10 : memref<32x1024xf32, #tpu.memory_space<vmem>>) dst(%dma_wait3A_819 : memref<32x1024xf32, #tpu.memory_space<hbm>>)
    %add3A_820 = arith.constant 320 : i32
    %add3A_821 = arith.addi %sub3A_21, %add3A_820 : i32
    %add3A_822 = arith.constant 0 : i32
    %add3A_823 = arith.addi %add3A_821, %add3A_822 : i32
    %get3A_824 = arith.index_cast %add3A_823 : i32 to index
    %get3A_825 = tpu.vector_load %arg5[%get3A_824] {strides = array<i32>} : memref<8192xi32, #tpu.memory_space<vmem>>, vector<16xi32>,
    %eq3A_826 = arith.constant 1 : i32
    %eq3A_827 = vector.broadcast %eq3A_826 : i32 to vector<16xi32>
    %eq3A_828 = arith.cmpi eq, %get3A_825, %eq3A_827 : vector<16xi32>
    %jit3A_829 = arith.constant 0 : i32
    %jit3A_830 = arith.constant 1 : i32
    %broadcast_in_dim3A_831 = vector.broadcast %jit3A_829 : i32 to vector<16xi32>
    %broadcast_in_dim3A_832 = vector.broadcast %jit3A_830 : i32 to vector<16xi32>
    %select_n3A_833 = arith.select %eq3A_828, %broadcast_in_dim3A_831, %broadcast_in_dim3A_832 : vector<16xi1>, vector<16xi32>
    %broadcast_in_dim3A_834 = arith.constant true
    %broadcast_in_dim3A_835 = vector.broadcast %broadcast_in_dim3A_834 : i1 to vector<16xi1>
    %masked_cumsum3A_836 = tpu.scan <sum>, %select_n3A_833 masked %broadcast_in_dim3A_835 : vector<16xi32>, vector<16xi1> -> vector<16xi32>
    %add3A_837 = vector.broadcast %add3A_799 : i32 to vector<16xi32>
    %add3A_838 = arith.addi %add3A_837, %masked_cumsum3A_836 : vector<16xi32>
    %mul3A_839 = arith.muli %add3A_838, %select_n3A_833 : vector<16xi32>
    %add3A_840 = arith.constant 1 : i32
    %add3A_841 = vector.broadcast %add3A_840 : i32 to vector<16xi32>
    %add3A_842 = arith.addi %mul3A_839, %add3A_841 : vector<16xi32>
    %swap3A_843 = arith.constant 0 : index
    %swap3A_844 = tpu.vector_load %arg7[%swap3A_843] {strides = array<i32>} : memref<32xi32, #tpu.memory_space<vmem>>, vector<16xi32>,
    tpu.vector_store %arg7[%swap3A_843], %add3A_842 {strides = array<i32>} : memref<32xi32, #tpu.memory_space<vmem>>, vector<16xi32>,
    %reduce_sum3A_845 = arith.constant true
    %reduce_sum3A_846 = vector.broadcast %reduce_sum3A_845 : i1 to vector<16xi1>
    %reduce_sum3A_847 = tpu.scan <sum>, %select_n3A_833 masked %reduce_sum3A_846 : vector<16xi32>, vector<16xi1> -> vector<16xi32>
    %reduce_sum3A_848 = vector.extract %reduce_sum3A_847[15] : i32 from vector<16xi32>
    %add3A_849 = arith.addi %add3A_799, %reduce_sum3A_848 : i32
    %add3A_850 = arith.constant 320 : i32
    %add3A_851 = arith.addi %sub3A_21, %add3A_850 : i32
    %add3A_852 = arith.constant 16 : i32
    %add3A_853 = arith.addi %add3A_851, %add3A_852 : i32
    %get3A_854 = arith.index_cast %add3A_853 : i32 to index
    %get3A_855 = tpu.vector_load %arg5[%get3A_854] {strides = array<i32>} : memref<8192xi32, #tpu.memory_space<vmem>>, vector<16xi32>,
    %eq3A_856 = arith.constant 1 : i32
    %eq3A_857 = vector.broadcast %eq3A_856 : i32 to vector<16xi32>
    %eq3A_858 = arith.cmpi eq, %get3A_855, %eq3A_857 : vector<16xi32>
    %jit3A_859 = arith.constant 0 : i32
    %jit3A_860 = arith.constant 1 : i32
    %broadcast_in_dim3A_861 = vector.broadcast %jit3A_859 : i32 to vector<16xi32>
    %broadcast_in_dim3A_862 = vector.broadcast %jit3A_860 : i32 to vector<16xi32>
    %select_n3A_863 = arith.select %eq3A_858, %broadcast_in_dim3A_861, %broadcast_in_dim3A_862 : vector<16xi1>, vector<16xi32>
    %broadcast_in_dim3A_864 = arith.constant true
    %broadcast_in_dim3A_865 = vector.broadcast %broadcast_in_dim3A_864 : i1 to vector<16xi1>
    %masked_cumsum3A_866 = tpu.scan <sum>, %select_n3A_863 masked %broadcast_in_dim3A_865 : vector<16xi32>, vector<16xi1> -> vector<16xi32>
    %add3A_867 = vector.broadcast %add3A_849 : i32 to vector<16xi32>
    %add3A_868 = arith.addi %add3A_867, %masked_cumsum3A_866 : vector<16xi32>
    %mul3A_869 = arith.muli %add3A_868, %select_n3A_863 : vector<16xi32>
    %add3A_870 = arith.constant 1 : i32
    %add3A_871 = vector.broadcast %add3A_870 : i32 to vector<16xi32>
    %add3A_872 = arith.addi %mul3A_869, %add3A_871 : vector<16xi32>
    %swap3A_873 = arith.constant 16 : index
    %swap3A_874 = tpu.vector_load %arg7[%swap3A_873] {strides = array<i32>} : memref<32xi32, #tpu.memory_space<vmem>>, vector<16xi32>,
    tpu.vector_store %arg7[%swap3A_873], %add3A_872 {strides = array<i32>} : memref<32xi32, #tpu.memory_space<vmem>>, vector<16xi32>,
    %reduce_sum3A_875 = arith.constant true
    %reduce_sum3A_876 = vector.broadcast %reduce_sum3A_875 : i1 to vector<16xi1>
    %reduce_sum3A_877 = tpu.scan <sum>, %select_n3A_863 masked %reduce_sum3A_876 : vector<16xi32>, vector<16xi1> -> vector<16xi32>
    %reduce_sum3A_878 = vector.extract %reduce_sum3A_877[15] : i32 from vector<16xi32>
    %add3A_879 = arith.addi %add3A_849, %reduce_sum3A_878 : i32
    %dma_start3A_880 = arith.constant 0 : i32
    %dma_start3A_881 = arith.constant 0 : i32
    %dma_start3A_882 = tpu.memref_slice %arg3[%dma_start3A_880, %dma_start3A_881] : memref<16384x1024xf32, #tpu.memory_space<hbm>> -> memref<16384x1024xf32, #tpu.memory_space<hbm>>
    tpu.enqueue_indirect_dma source(%dma_start3A_882 : memref<16384x1024xf32, #tpu.memory_space<hbm>>) target(%arg10 : memref<32x1024xf32, #tpu.memory_space<vmem>>) offsets(%arg7 : memref<32xi32, #tpu.memory_space<vmem>>) semaphore(%arg13 : memref<!tpu.dma_semaphore, #tpu.memory_space<semaphore_mem>>)
    %dma_wait3A_883 = arith.constant 0 : i32
    %dma_wait3A_884 = arith.constant 0 : i32
    %dma_wait3A_885 = tpu.memref_slice %arg3[%dma_wait3A_883, %dma_wait3A_884] : memref<16384x1024xf32, #tpu.memory_space<hbm>> -> memref<16384x1024xf32, #tpu.memory_space<hbm>>
    tpu.wait_indirect_dma semaphore(%arg14 : memref<!tpu.dma_semaphore, #tpu.memory_space<semaphore_mem>>) src(%dma_wait3A_885 : memref<16384x1024xf32, #tpu.memory_space<hbm>>) dst(%arg11 : memref<32x1024xf32, #tpu.memory_space<vmem>>)
    %add3A_886 = arith.constant 256 : i32
    %add3A_887 = arith.addi %sub3A_21, %add3A_886 : i32
    %dma_start3A_888 = arith.constant 0 : i32
    %dma_start3A_889 = tpu.memref_slice %arg4[%select_n3A, %add3A_887, %dma_start3A_888] : memref<4x8192x1024xf32, #tpu.memory_space<hbm>> -> memref<1x32x1024xf32, #tpu.memory_space<hbm>>
    %dma_start3A_890 = tpu.memref_squeeze %dma_start3A_889 : memref<1x32x1024xf32, #tpu.memory_space<hbm>> -> memref<32x1024xf32, #tpu.memory_space<hbm>>
    %dma_start3A_891 = arith.constant 0 : i32
    %dma_start3A_892 = tpu.memref_slice %arg4[%select_n3A, %add3A_887, %dma_start3A_891] : memref<4x8192x1024xf32, #tpu.memory_space<hbm>> -> memref<1x32x1024xf32, #tpu.memory_space<hbm>>
    %dma_start3A_893 = tpu.memref_squeeze %dma_start3A_892 : memref<1x32x1024xf32, #tpu.memory_space<hbm>> -> memref<32x1024xf32, #tpu.memory_space<hbm>>
    tpu.enqueue_dma source(%arg11 : memref<32x1024xf32, #tpu.memory_space<vmem>>) target(%dma_start3A_893 : memref<32x1024xf32, #tpu.memory_space<hbm>>) target_semaphore(%arg17 : memref<!tpu.dma_semaphore, #tpu.memory_space<semaphore_mem>>)
    %dma_wait3A_894 = arith.constant 0 : i32
    %dma_wait3A_895 = tpu.memref_slice %arg4[%select_n3A, %add3A_887, %dma_wait3A_894] : memref<4x8192x1024xf32, #tpu.memory_space<hbm>> -> memref<1x32x1024xf32, #tpu.memory_space<hbm>>
    %dma_wait3A_896 = tpu.memref_squeeze %dma_wait3A_895 : memref<1x32x1024xf32, #tpu.memory_space<hbm>> -> memref<32x1024xf32, #tpu.memory_space<hbm>>
    %dma_wait3A_897 = arith.constant 0 : i32
    %dma_wait3A_898 = tpu.memref_slice %arg4[%select_n3A, %add3A_887, %dma_wait3A_897] : memref<4x8192x1024xf32, #tpu.memory_space<hbm>> -> memref<1x32x1024xf32, #tpu.memory_space<hbm>>
    %dma_wait3A_899 = tpu.memref_squeeze %dma_wait3A_898 : memref<1x32x1024xf32, #tpu.memory_space<hbm>> -> memref<32x1024xf32, #tpu.memory_space<hbm>>
    tpu.wait_dma2 semaphore(%arg17 : memref<!tpu.dma_semaphore, #tpu.memory_space<semaphore_mem>>) src(%arg11 : memref<32x1024xf32, #tpu.memory_space<vmem>>) dst(%dma_wait3A_899 : memref<32x1024xf32, #tpu.memory_space<hbm>>)
    %add3A_900 = arith.constant 352 : i32
    %add3A_901 = arith.addi %sub3A_21, %add3A_900 : i32
    %add3A_902 = arith.constant 0 : i32
    %add3A_903 = arith.addi %add3A_901, %add3A_902 : i32
    %get3A_904 = arith.index_cast %add3A_903 : i32 to index
    %get3A_905 = tpu.vector_load %arg5[%get3A_904] {strides = array<i32>} : memref<8192xi32, #tpu.memory_space<vmem>>, vector<16xi32>,
    %eq3A_906 = arith.constant 1 : i32
    %eq3A_907 = vector.broadcast %eq3A_906 : i32 to vector<16xi32>
    %eq3A_908 = arith.cmpi eq, %get3A_905, %eq3A_907 : vector<16xi32>
    %jit3A_909 = arith.constant 0 : i32
    %jit3A_910 = arith.constant 1 : i32
    %broadcast_in_dim3A_911 = vector.broadcast %jit3A_909 : i32 to vector<16xi32>
    %broadcast_in_dim3A_912 = vector.broadcast %jit3A_910 : i32 to vector<16xi32>
    %select_n3A_913 = arith.select %eq3A_908, %broadcast_in_dim3A_911, %broadcast_in_dim3A_912 : vector<16xi1>, vector<16xi32>
    %broadcast_in_dim3A_914 = arith.constant true
    %broadcast_in_dim3A_915 = vector.broadcast %broadcast_in_dim3A_914 : i1 to vector<16xi1>
    %masked_cumsum3A_916 = tpu.scan <sum>, %select_n3A_913 masked %broadcast_in_dim3A_915 : vector<16xi32>, vector<16xi1> -> vector<16xi32>
    %add3A_917 = vector.broadcast %add3A_879 : i32 to vector<16xi32>
    %add3A_918 = arith.addi %add3A_917, %masked_cumsum3A_916 : vector<16xi32>
    %mul3A_919 = arith.muli %add3A_918, %select_n3A_913 : vector<16xi32>
    %add3A_920 = arith.constant 1 : i32
    %add3A_921 = vector.broadcast %add3A_920 : i32 to vector<16xi32>
    %add3A_922 = arith.addi %mul3A_919, %add3A_921 : vector<16xi32>
    %swap3A_923 = arith.constant 0 : index
    %swap3A_924 = tpu.vector_load %arg8[%swap3A_923] {strides = array<i32>} : memref<32xi32, #tpu.memory_space<vmem>>, vector<16xi32>,
    tpu.vector_store %arg8[%swap3A_923], %add3A_922 {strides = array<i32>} : memref<32xi32, #tpu.memory_space<vmem>>, vector<16xi32>,
    %reduce_sum3A_925 = arith.constant true
    %reduce_sum3A_926 = vector.broadcast %reduce_sum3A_925 : i1 to vector<16xi1>
    %reduce_sum3A_927 = tpu.scan <sum>, %select_n3A_913 masked %reduce_sum3A_926 : vector<16xi32>, vector<16xi1> -> vector<16xi32>
    %reduce_sum3A_928 = vector.extract %reduce_sum3A_927[15] : i32 from vector<16xi32>
    %add3A_929 = arith.addi %add3A_879, %reduce_sum3A_928 : i32
    %add3A_930 = arith.constant 352 : i32
    %add3A_931 = arith.addi %sub3A_21, %add3A_930 : i32
    %add3A_932 = arith.constant 16 : i32
    %add3A_933 = arith.addi %add3A_931, %add3A_932 : i32
    %get3A_934 = arith.index_cast %add3A_933 : i32 to index
    %get3A_935 = tpu.vector_load %arg5[%get3A_934] {strides = array<i32>} : memref<8192xi32, #tpu.memory_space<vmem>>, vector<16xi32>,
    %eq3A_936 = arith.constant 1 : i32
    %eq3A_937 = vector.broadcast %eq3A_936 : i32 to vector<16xi32>
    %eq3A_938 = arith.cmpi eq, %get3A_935, %eq3A_937 : vector<16xi32>
    %jit3A_939 = arith.constant 0 : i32
    %jit3A_940 = arith.constant 1 : i32
    %broadcast_in_dim3A_941 = vector.broadcast %jit3A_939 : i32 to vector<16xi32>
    %broadcast_in_dim3A_942 = vector.broadcast %jit3A_940 : i32 to vector<16xi32>
    %select_n3A_943 = arith.select %eq3A_938, %broadcast_in_dim3A_941, %broadcast_in_dim3A_942 : vector<16xi1>, vector<16xi32>
    %broadcast_in_dim3A_944 = arith.constant true
    %broadcast_in_dim3A_945 = vector.broadcast %broadcast_in_dim3A_944 : i1 to vector<16xi1>
    %masked_cumsum3A_946 = tpu.scan <sum>, %select_n3A_943 masked %broadcast_in_dim3A_945 : vector<16xi32>, vector<16xi1> -> vector<16xi32>
    %add3A_947 = vector.broadcast %add3A_929 : i32 to vector<16xi32>
    %add3A_948 = arith.addi %add3A_947, %masked_cumsum3A_946 : vector<16xi32>
    %mul3A_949 = arith.muli %add3A_948, %select_n3A_943 : vector<16xi32>
    %add3A_950 = arith.constant 1 : i32
    %add3A_951 = vector.broadcast %add3A_950 : i32 to vector<16xi32>
    %add3A_952 = arith.addi %mul3A_949, %add3A_951 : vector<16xi32>
    %swap3A_953 = arith.constant 16 : index
    %swap3A_954 = tpu.vector_load %arg8[%swap3A_953] {strides = array<i32>} : memref<32xi32, #tpu.memory_space<vmem>>, vector<16xi32>,
    tpu.vector_store %arg8[%swap3A_953], %add3A_952 {strides = array<i32>} : memref<32xi32, #tpu.memory_space<vmem>>, vector<16xi32>,
    %reduce_sum3A_955 = arith.constant true
    %reduce_sum3A_956 = vector.broadcast %reduce_sum3A_955 : i1 to vector<16xi1>
    %reduce_sum3A_957 = tpu.scan <sum>, %select_n3A_943 masked %reduce_sum3A_956 : vector<16xi32>, vector<16xi1> -> vector<16xi32>
    %reduce_sum3A_958 = vector.extract %reduce_sum3A_957[15] : i32 from vector<16xi32>
    %add3A_959 = arith.addi %add3A_929, %reduce_sum3A_958 : i32
    %dma_start3A_960 = arith.constant 0 : i32
    %dma_start3A_961 = arith.constant 0 : i32
    %dma_start3A_962 = tpu.memref_slice %arg3[%dma_start3A_960, %dma_start3A_961] : memref<16384x1024xf32, #tpu.memory_space<hbm>> -> memref<16384x1024xf32, #tpu.memory_space<hbm>>
    tpu.enqueue_indirect_dma source(%dma_start3A_962 : memref<16384x1024xf32, #tpu.memory_space<hbm>>) target(%arg11 : memref<32x1024xf32, #tpu.memory_space<vmem>>) offsets(%arg8 : memref<32xi32, #tpu.memory_space<vmem>>) semaphore(%arg14 : memref<!tpu.dma_semaphore, #tpu.memory_space<semaphore_mem>>)
    %dma_wait3A_963 = arith.constant 0 : i32
    %dma_wait3A_964 = arith.constant 0 : i32
    %dma_wait3A_965 = tpu.memref_slice %arg3[%dma_wait3A_963, %dma_wait3A_964] : memref<16384x1024xf32, #tpu.memory_space<hbm>> -> memref<16384x1024xf32, #tpu.memory_space<hbm>>
    tpu.wait_indirect_dma semaphore(%arg12 : memref<!tpu.dma_semaphore, #tpu.memory_space<semaphore_mem>>) src(%dma_wait3A_965 : memref<16384x1024xf32, #tpu.memory_space<hbm>>) dst(%arg9 : memref<32x1024xf32, #tpu.memory_space<vmem>>)
    %add3A_966 = arith.constant 288 : i32
    %add3A_967 = arith.addi %sub3A_21, %add3A_966 : i32
    %dma_start3A_968 = arith.constant 0 : i32
    %dma_start3A_969 = tpu.memref_slice %arg4[%select_n3A, %add3A_967, %dma_start3A_968] : memref<4x8192x1024xf32, #tpu.memory_space<hbm>> -> memref<1x32x1024xf32, #tpu.memory_space<hbm>>
    %dma_start3A_970 = tpu.memref_squeeze %dma_start3A_969 : memref<1x32x1024xf32, #tpu.memory_space<hbm>> -> memref<32x1024xf32, #tpu.memory_space<hbm>>
    %dma_start3A_971 = arith.constant 0 : i32
    %dma_start3A_972 = tpu.memref_slice %arg4[%select_n3A, %add3A_967, %dma_start3A_971] : memref<4x8192x1024xf32, #tpu.memory_space<hbm>> -> memref<1x32x1024xf32, #tpu.memory_space<hbm>>
    %dma_start3A_973 = tpu.memref_squeeze %dma_start3A_972 : memref<1x32x1024xf32, #tpu.memory_space<hbm>> -> memref<32x1024xf32, #tpu.memory_space<hbm>>
    tpu.enqueue_dma source(%arg9 : memref<32x1024xf32, #tpu.memory_space<vmem>>) target(%dma_start3A_973 : memref<32x1024xf32, #tpu.memory_space<hbm>>) target_semaphore(%arg15 : memref<!tpu.dma_semaphore, #tpu.memory_space<semaphore_mem>>)
    %dma_wait3A_974 = arith.constant 0 : i32
    %dma_wait3A_975 = tpu.memref_slice %arg4[%select_n3A, %add3A_967, %dma_wait3A_974] : memref<4x8192x1024xf32, #tpu.memory_space<hbm>> -> memref<1x32x1024xf32, #tpu.memory_space<hbm>>
    %dma_wait3A_976 = tpu.memref_squeeze %dma_wait3A_975 : memref<1x32x1024xf32, #tpu.memory_space<hbm>> -> memref<32x1024xf32, #tpu.memory_space<hbm>>
    %dma_wait3A_977 = arith.constant 0 : i32
    %dma_wait3A_978 = tpu.memref_slice %arg4[%select_n3A, %add3A_967, %dma_wait3A_977] : memref<4x8192x1024xf32, #tpu.memory_space<hbm>> -> memref<1x32x1024xf32, #tpu.memory_space<hbm>>
    %dma_wait3A_979 = tpu.memref_squeeze %dma_wait3A_978 : memref<1x32x1024xf32, #tpu.memory_space<hbm>> -> memref<32x1024xf32, #tpu.memory_space<hbm>>
    tpu.wait_dma2 semaphore(%arg15 : memref<!tpu.dma_semaphore, #tpu.memory_space<semaphore_mem>>) src(%arg9 : memref<32x1024xf32, #tpu.memory_space<vmem>>) dst(%dma_wait3A_979 : memref<32x1024xf32, #tpu.memory_space<hbm>>)
    %add3A_980 = arith.constant 384 : i32
    %add3A_981 = arith.addi %sub3A_21, %add3A_980 : i32
    %add3A_982 = arith.constant 0 : i32
    %add3A_983 = arith.addi %add3A_981, %add3A_982 : i32
    %get3A_984 = arith.index_cast %add3A_983 : i32 to index
    %get3A_985 = tpu.vector_load %arg5[%get3A_984] {strides = array<i32>} : memref<8192xi32, #tpu.memory_space<vmem>>, vector<16xi32>,
    %eq3A_986 = arith.constant 1 : i32
    %eq3A_987 = vector.broadcast %eq3A_986 : i32 to vector<16xi32>
    %eq3A_988 = arith.cmpi eq, %get3A_985, %eq3A_987 : vector<16xi32>
    %jit3A_989 = arith.constant 0 : i32
    %jit3A_990 = arith.constant 1 : i32
    %broadcast_in_dim3A_991 = vector.broadcast %jit3A_989 : i32 to vector<16xi32>
    %broadcast_in_dim3A_992 = vector.broadcast %jit3A_990 : i32 to vector<16xi32>
    %select_n3A_993 = arith.select %eq3A_988, %broadcast_in_dim3A_991, %broadcast_in_dim3A_992 : vector<16xi1>, vector<16xi32>
    %broadcast_in_dim3A_994 = arith.constant true
    %broadcast_in_dim3A_995 = vector.broadcast %broadcast_in_dim3A_994 : i1 to vector<16xi1>
    %masked_cumsum3A_996 = tpu.scan <sum>, %select_n3A_993 masked %broadcast_in_dim3A_995 : vector<16xi32>, vector<16xi1> -> vector<16xi32>
    %add3A_997 = vector.broadcast %add3A_959 : i32 to vector<16xi32>
    %add3A_998 = arith.addi %add3A_997, %masked_cumsum3A_996 : vector<16xi32>
    %mul3A_999 = arith.muli %add3A_998, %select_n3A_993 : vector<16xi32>
    %add3A_1000 = arith.constant 1 : i32
    %add3A_1001 = vector.broadcast %add3A_1000 : i32 to vector<16xi32>
    %add3A_1002 = arith.addi %mul3A_999, %add3A_1001 : vector<16xi32>
    %swap3A_1003 = arith.constant 0 : index
    %swap3A_1004 = tpu.vector_load %arg6[%swap3A_1003] {strides = array<i32>} : memref<32xi32, #tpu.memory_space<vmem>>, vector<16xi32>,
    tpu.vector_store %arg6[%swap3A_1003], %add3A_1002 {strides = array<i32>} : memref<32xi32, #tpu.memory_space<vmem>>, vector<16xi32>,
    %reduce_sum3A_1005 = arith.constant true
    %reduce_sum3A_1006 = vector.broadcast %reduce_sum3A_1005 : i1 to vector<16xi1>
    %reduce_sum3A_1007 = tpu.scan <sum>, %select_n3A_993 masked %reduce_sum3A_1006 : vector<16xi32>, vector<16xi1> -> vector<16xi32>
    %reduce_sum3A_1008 = vector.extract %reduce_sum3A_1007[15] : i32 from vector<16xi32>
    %add3A_1009 = arith.addi %add3A_959, %reduce_sum3A_1008 : i32
    %add3A_1010 = arith.constant 384 : i32
    %add3A_1011 = arith.addi %sub3A_21, %add3A_1010 : i32
    %add3A_1012 = arith.constant 16 : i32
    %add3A_1013 = arith.addi %add3A_1011, %add3A_1012 : i32
    %get3A_1014 = arith.index_cast %add3A_1013 : i32 to index
    %get3A_1015 = tpu.vector_load %arg5[%get3A_1014] {strides = array<i32>} : memref<8192xi32, #tpu.memory_space<vmem>>, vector<16xi32>,
    %eq3A_1016 = arith.constant 1 : i32
    %eq3A_1017 = vector.broadcast %eq3A_1016 : i32 to vector<16xi32>
    %eq3A_1018 = arith.cmpi eq, %get3A_1015, %eq3A_1017 : vector<16xi32>
    %jit3A_1019 = arith.constant 0 : i32
    %jit3A_1020 = arith.constant 1 : i32
    %broadcast_in_dim3A_1021 = vector.broadcast %jit3A_1019 : i32 to vector<16xi32>
    %broadcast_in_dim3A_1022 = vector.broadcast %jit3A_1020 : i32 to vector<16xi32>
    %select_n3A_1023 = arith.select %eq3A_1018, %broadcast_in_dim3A_1021, %broadcast_in_dim3A_1022 : vector<16xi1>, vector<16xi32>
    %broadcast_in_dim3A_1024 = arith.constant true
    %broadcast_in_dim3A_1025 = vector.broadcast %broadcast_in_dim3A_1024 : i1 to vector<16xi1>
    %masked_cumsum3A_1026 = tpu.scan <sum>, %select_n3A_1023 masked %broadcast_in_dim3A_1025 : vector<16xi32>, vector<16xi1> -> vector<16xi32>
    %add3A_1027 = vector.broadcast %add3A_1009 : i32 to vector<16xi32>
    %add3A_1028 = arith.addi %add3A_1027, %masked_cumsum3A_1026 : vector<16xi32>
    %mul3A_1029 = arith.muli %add3A_1028, %select_n3A_1023 : vector<16xi32>
    %add3A_1030 = arith.constant 1 : i32
    %add3A_1031 = vector.broadcast %add3A_1030 : i32 to vector<16xi32>
    %add3A_1032 = arith.addi %mul3A_1029, %add3A_1031 : vector<16xi32>
    %swap3A_1033 = arith.constant 16 : index
    %swap3A_1034 = tpu.vector_load %arg6[%swap3A_1033] {strides = array<i32>} : memref<32xi32, #tpu.memory_space<vmem>>, vector<16xi32>,
    tpu.vector_store %arg6[%swap3A_1033], %add3A_1032 {strides = array<i32>} : memref<32xi32, #tpu.memory_space<vmem>>, vector<16xi32>,
    %reduce_sum3A_1035 = arith.constant true
    %reduce_sum3A_1036 = vector.broadcast %reduce_sum3A_1035 : i1 to vector<16xi1>
    %reduce_sum3A_1037 = tpu.scan <sum>, %select_n3A_1023 masked %reduce_sum3A_1036 : vector<16xi32>, vector<16xi1> -> vector<16xi32>
    %reduce_sum3A_1038 = vector.extract %reduce_sum3A_1037[15] : i32 from vector<16xi32>
    %add3A_1039 = arith.addi %add3A_1009, %reduce_sum3A_1038 : i32
    %dma_start3A_1040 = arith.constant 0 : i32
    %dma_start3A_1041 = arith.constant 0 : i32
    %dma_start3A_1042 = tpu.memref_slice %arg3[%dma_start3A_1040, %dma_start3A_1041] : memref<16384x1024xf32, #tpu.memory_space<hbm>> -> memref<16384x1024xf32, #tpu.memory_space<hbm>>
    tpu.enqueue_indirect_dma source(%dma_start3A_1042 : memref<16384x1024xf32, #tpu.memory_space<hbm>>) target(%arg9 : memref<32x1024xf32, #tpu.memory_space<vmem>>) offsets(%arg6 : memref<32xi32, #tpu.memory_space<vmem>>) semaphore(%arg12 : memref<!tpu.dma_semaphore, #tpu.memory_space<semaphore_mem>>)
    %dma_wait3A_1043 = arith.constant 0 : i32
    %dma_wait3A_1044 = arith.constant 0 : i32
    %dma_wait3A_1045 = tpu.memref_slice %arg3[%dma_wait3A_1043, %dma_wait3A_1044] : memref<16384x1024xf32, #tpu.memory_space<hbm>> -> memref<16384x1024xf32, #tpu.memory_space<hbm>>
    tpu.wait_indirect_dma semaphore(%arg13 : memref<!tpu.dma_semaphore, #tpu.memory_space<semaphore_mem>>) src(%dma_wait3A_1045 : memref<16384x1024xf32, #tpu.memory_space<hbm>>) dst(%arg10 : memref<32x1024xf32, #tpu.memory_space<vmem>>)
    %add3A_1046 = arith.constant 320 : i32
    %add3A_1047 = arith.addi %sub3A_21, %add3A_1046 : i32
    %dma_start3A_1048 = arith.constant 0 : i32
    %dma_start3A_1049 = tpu.memref_slice %arg4[%select_n3A, %add3A_1047, %dma_start3A_1048] : memref<4x8192x1024xf32, #tpu.memory_space<hbm>> -> memref<1x32x1024xf32, #tpu.memory_space<hbm>>
    %dma_start3A_1050 = tpu.memref_squeeze %dma_start3A_1049 : memref<1x32x1024xf32, #tpu.memory_space<hbm>> -> memref<32x1024xf32, #tpu.memory_space<hbm>>
    %dma_start3A_1051 = arith.constant 0 : i32
    %dma_start3A_1052 = tpu.memref_slice %arg4[%select_n3A, %add3A_1047, %dma_start3A_1051] : memref<4x8192x1024xf32, #tpu.memory_space<hbm>> -> memref<1x32x1024xf32, #tpu.memory_space<hbm>>
    %dma_start3A_1053 = tpu.memref_squeeze %dma_start3A_1052 : memref<1x32x1024xf32, #tpu.memory_space<hbm>> -> memref<32x1024xf32, #tpu.memory_space<hbm>>
    tpu.enqueue_dma source(%arg10 : memref<32x1024xf32, #tpu.memory_space<vmem>>) target(%dma_start3A_1053 : memref<32x1024xf32, #tpu.memory_space<hbm>>) target_semaphore(%arg16 : memref<!tpu.dma_semaphore, #tpu.memory_space<semaphore_mem>>)
    %dma_wait3A_1054 = arith.constant 0 : i32
    %dma_wait3A_1055 = tpu.memref_slice %arg4[%select_n3A, %add3A_1047, %dma_wait3A_1054] : memref<4x8192x1024xf32, #tpu.memory_space<hbm>> -> memref<1x32x1024xf32, #tpu.memory_space<hbm>>
    %dma_wait3A_1056 = tpu.memref_squeeze %dma_wait3A_1055 : memref<1x32x1024xf32, #tpu.memory_space<hbm>> -> memref<32x1024xf32, #tpu.memory_space<hbm>>
    %dma_wait3A_1057 = arith.constant 0 : i32
    %dma_wait3A_1058 = tpu.memref_slice %arg4[%select_n3A, %add3A_1047, %dma_wait3A_1057] : memref<4x8192x1024xf32, #tpu.memory_space<hbm>> -> memref<1x32x1024xf32, #tpu.memory_space<hbm>>
    %dma_wait3A_1059 = tpu.memref_squeeze %dma_wait3A_1058 : memref<1x32x1024xf32, #tpu.memory_space<hbm>> -> memref<32x1024xf32, #tpu.memory_space<hbm>>
    tpu.wait_dma2 semaphore(%arg16 : memref<!tpu.dma_semaphore, #tpu.memory_space<semaphore_mem>>) src(%arg10 : memref<32x1024xf32, #tpu.memory_space<vmem>>) dst(%dma_wait3A_1059 : memref<32x1024xf32, #tpu.memory_space<hbm>>)
    %add3A_1060 = arith.constant 416 : i32
    %add3A_1061 = arith.addi %sub3A_21, %add3A_1060 : i32
    %add3A_1062 = arith.constant 0 : i32
    %add3A_1063 = arith.addi %add3A_1061, %add3A_1062 : i32
    %get3A_1064 = arith.index_cast %add3A_1063 : i32 to index
    %get3A_1065 = tpu.vector_load %arg5[%get3A_1064] {strides = array<i32>} : memref<8192xi32, #tpu.memory_space<vmem>>, vector<16xi32>,
    %eq3A_1066 = arith.constant 1 : i32
    %eq3A_1067 = vector.broadcast %eq3A_1066 : i32 to vector<16xi32>
    %eq3A_1068 = arith.cmpi eq, %get3A_1065, %eq3A_1067 : vector<16xi32>
    %jit3A_1069 = arith.constant 0 : i32
    %jit3A_1070 = arith.constant 1 : i32
    %broadcast_in_dim3A_1071 = vector.broadcast %jit3A_1069 : i32 to vector<16xi32>
    %broadcast_in_dim3A_1072 = vector.broadcast %jit3A_1070 : i32 to vector<16xi32>
    %select_n3A_1073 = arith.select %eq3A_1068, %broadcast_in_dim3A_1071, %broadcast_in_dim3A_1072 : vector<16xi1>, vector<16xi32>
    %broadcast_in_dim3A_1074 = arith.constant true
    %broadcast_in_dim3A_1075 = vector.broadcast %broadcast_in_dim3A_1074 : i1 to vector<16xi1>
    %masked_cumsum3A_1076 = tpu.scan <sum>, %select_n3A_1073 masked %broadcast_in_dim3A_1075 : vector<16xi32>, vector<16xi1> -> vector<16xi32>
    %add3A_1077 = vector.broadcast %add3A_1039 : i32 to vector<16xi32>
    %add3A_1078 = arith.addi %add3A_1077, %masked_cumsum3A_1076 : vector<16xi32>
    %mul3A_1079 = arith.muli %add3A_1078, %select_n3A_1073 : vector<16xi32>
    %add3A_1080 = arith.constant 1 : i32
    %add3A_1081 = vector.broadcast %add3A_1080 : i32 to vector<16xi32>
    %add3A_1082 = arith.addi %mul3A_1079, %add3A_1081 : vector<16xi32>
    %swap3A_1083 = arith.constant 0 : index
    %swap3A_1084 = tpu.vector_load %arg7[%swap3A_1083] {strides = array<i32>} : memref<32xi32, #tpu.memory_space<vmem>>, vector<16xi32>,
    tpu.vector_store %arg7[%swap3A_1083], %add3A_1082 {strides = array<i32>} : memref<32xi32, #tpu.memory_space<vmem>>, vector<16xi32>,
    %reduce_sum3A_1085 = arith.constant true
    %reduce_sum3A_1086 = vector.broadcast %reduce_sum3A_1085 : i1 to vector<16xi1>
    %reduce_sum3A_1087 = tpu.scan <sum>, %select_n3A_1073 masked %reduce_sum3A_1086 : vector<16xi32>, vector<16xi1> -> vector<16xi32>
    %reduce_sum3A_1088 = vector.extract %reduce_sum3A_1087[15] : i32 from vector<16xi32>
    %add3A_1089 = arith.addi %add3A_1039, %reduce_sum3A_1088 : i32
    %add3A_1090 = arith.constant 416 : i32
    %add3A_1091 = arith.addi %sub3A_21, %add3A_1090 : i32
    %add3A_1092 = arith.constant 16 : i32
    %add3A_1093 = arith.addi %add3A_1091, %add3A_1092 : i32
    %get3A_1094 = arith.index_cast %add3A_1093 : i32 to index
    %get3A_1095 = tpu.vector_load %arg5[%get3A_1094] {strides = array<i32>} : memref<8192xi32, #tpu.memory_space<vmem>>, vector<16xi32>,
    %eq3A_1096 = arith.constant 1 : i32
    %eq3A_1097 = vector.broadcast %eq3A_1096 : i32 to vector<16xi32>
    %eq3A_1098 = arith.cmpi eq, %get3A_1095, %eq3A_1097 : vector<16xi32>
    %jit3A_1099 = arith.constant 0 : i32
    %jit3A_1100 = arith.constant 1 : i32
    %broadcast_in_dim3A_1101 = vector.broadcast %jit3A_1099 : i32 to vector<16xi32>
    %broadcast_in_dim3A_1102 = vector.broadcast %jit3A_1100 : i32 to vector<16xi32>
    %select_n3A_1103 = arith.select %eq3A_1098, %broadcast_in_dim3A_1101, %broadcast_in_dim3A_1102 : vector<16xi1>, vector<16xi32>
    %broadcast_in_dim3A_1104 = arith.constant true
    %broadcast_in_dim3A_1105 = vector.broadcast %broadcast_in_dim3A_1104 : i1 to vector<16xi1>
    %masked_cumsum3A_1106 = tpu.scan <sum>, %select_n3A_1103 masked %broadcast_in_dim3A_1105 : vector<16xi32>, vector<16xi1> -> vector<16xi32>
    %add3A_1107 = vector.broadcast %add3A_1089 : i32 to vector<16xi32>
    %add3A_1108 = arith.addi %add3A_1107, %masked_cumsum3A_1106 : vector<16xi32>
    %mul3A_1109 = arith.muli %add3A_1108, %select_n3A_1103 : vector<16xi32>
    %add3A_1110 = arith.constant 1 : i32
    %add3A_1111 = vector.broadcast %add3A_1110 : i32 to vector<16xi32>
    %add3A_1112 = arith.addi %mul3A_1109, %add3A_1111 : vector<16xi32>
    %swap3A_1113 = arith.constant 16 : index
    %swap3A_1114 = tpu.vector_load %arg7[%swap3A_1113] {strides = array<i32>} : memref<32xi32, #tpu.memory_space<vmem>>, vector<16xi32>,
    tpu.vector_store %arg7[%swap3A_1113], %add3A_1112 {strides = array<i32>} : memref<32xi32, #tpu.memory_space<vmem>>, vector<16xi32>,
    %reduce_sum3A_1115 = arith.constant true
    %reduce_sum3A_1116 = vector.broadcast %reduce_sum3A_1115 : i1 to vector<16xi1>
    %reduce_sum3A_1117 = tpu.scan <sum>, %select_n3A_1103 masked %reduce_sum3A_1116 : vector<16xi32>, vector<16xi1> -> vector<16xi32>
    %reduce_sum3A_1118 = vector.extract %reduce_sum3A_1117[15] : i32 from vector<16xi32>
    %add3A_1119 = arith.addi %add3A_1089, %reduce_sum3A_1118 : i32
    %dma_start3A_1120 = arith.constant 0 : i32
    %dma_start3A_1121 = arith.constant 0 : i32
    %dma_start3A_1122 = tpu.memref_slice %arg3[%dma_start3A_1120, %dma_start3A_1121] : memref<16384x1024xf32, #tpu.memory_space<hbm>> -> memref<16384x1024xf32, #tpu.memory_space<hbm>>
    tpu.enqueue_indirect_dma source(%dma_start3A_1122 : memref<16384x1024xf32, #tpu.memory_space<hbm>>) target(%arg10 : memref<32x1024xf32, #tpu.memory_space<vmem>>) offsets(%arg7 : memref<32xi32, #tpu.memory_space<vmem>>) semaphore(%arg13 : memref<!tpu.dma_semaphore, #tpu.memory_space<semaphore_mem>>)
    %dma_wait3A_1123 = arith.constant 0 : i32
    %dma_wait3A_1124 = arith.constant 0 : i32
    %dma_wait3A_1125 = tpu.memref_slice %arg3[%dma_wait3A_1123, %dma_wait3A_1124] : memref<16384x1024xf32, #tpu.memory_space<hbm>> -> memref<16384x1024xf32, #tpu.memory_space<hbm>>
    tpu.wait_indirect_dma semaphore(%arg14 : memref<!tpu.dma_semaphore, #tpu.memory_space<semaphore_mem>>) src(%dma_wait3A_1125 : memref<16384x1024xf32, #tpu.memory_space<hbm>>) dst(%arg11 : memref<32x1024xf32, #tpu.memory_space<vmem>>)
    %add3A_1126 = arith.constant 352 : i32
    %add3A_1127 = arith.addi %sub3A_21, %add3A_1126 : i32
    %dma_start3A_1128 = arith.constant 0 : i32
    %dma_start3A_1129 = tpu.memref_slice %arg4[%select_n3A, %add3A_1127, %dma_start3A_1128] : memref<4x8192x1024xf32, #tpu.memory_space<hbm>> -> memref<1x32x1024xf32, #tpu.memory_space<hbm>>
    %dma_start3A_1130 = tpu.memref_squeeze %dma_start3A_1129 : memref<1x32x1024xf32, #tpu.memory_space<hbm>> -> memref<32x1024xf32, #tpu.memory_space<hbm>>
    %dma_start3A_1131 = arith.constant 0 : i32
    %dma_start3A_1132 = tpu.memref_slice %arg4[%select_n3A, %add3A_1127, %dma_start3A_1131] : memref<4x8192x1024xf32, #tpu.memory_space<hbm>> -> memref<1x32x1024xf32, #tpu.memory_space<hbm>>
    %dma_start3A_1133 = tpu.memref_squeeze %dma_start3A_1132 : memref<1x32x1024xf32, #tpu.memory_space<hbm>> -> memref<32x1024xf32, #tpu.memory_space<hbm>>
    tpu.enqueue_dma source(%arg11 : memref<32x1024xf32, #tpu.memory_space<vmem>>) target(%dma_start3A_1133 : memref<32x1024xf32, #tpu.memory_space<hbm>>) target_semaphore(%arg17 : memref<!tpu.dma_semaphore, #tpu.memory_space<semaphore_mem>>)
    %dma_wait3A_1134 = arith.constant 0 : i32
    %dma_wait3A_1135 = tpu.memref_slice %arg4[%select_n3A, %add3A_1127, %dma_wait3A_1134] : memref<4x8192x1024xf32, #tpu.memory_space<hbm>> -> memref<1x32x1024xf32, #tpu.memory_space<hbm>>
    %dma_wait3A_1136 = tpu.memref_squeeze %dma_wait3A_1135 : memref<1x32x1024xf32, #tpu.memory_space<hbm>> -> memref<32x1024xf32, #tpu.memory_space<hbm>>
    %dma_wait3A_1137 = arith.constant 0 : i32
    %dma_wait3A_1138 = tpu.memref_slice %arg4[%select_n3A, %add3A_1127, %dma_wait3A_1137] : memref<4x8192x1024xf32, #tpu.memory_space<hbm>> -> memref<1x32x1024xf32, #tpu.memory_space<hbm>>
    %dma_wait3A_1139 = tpu.memref_squeeze %dma_wait3A_1138 : memref<1x32x1024xf32, #tpu.memory_space<hbm>> -> memref<32x1024xf32, #tpu.memory_space<hbm>>
    tpu.wait_dma2 semaphore(%arg17 : memref<!tpu.dma_semaphore, #tpu.memory_space<semaphore_mem>>) src(%arg11 : memref<32x1024xf32, #tpu.memory_space<vmem>>) dst(%dma_wait3A_1139 : memref<32x1024xf32, #tpu.memory_space<hbm>>)
    %add3A_1140 = arith.constant 448 : i32
    %add3A_1141 = arith.addi %sub3A_21, %add3A_1140 : i32
    %add3A_1142 = arith.constant 0 : i32
    %add3A_1143 = arith.addi %add3A_1141, %add3A_1142 : i32
    %get3A_1144 = arith.index_cast %add3A_1143 : i32 to index
    %get3A_1145 = tpu.vector_load %arg5[%get3A_1144] {strides = array<i32>} : memref<8192xi32, #tpu.memory_space<vmem>>, vector<16xi32>,
    %eq3A_1146 = arith.constant 1 : i32
    %eq3A_1147 = vector.broadcast %eq3A_1146 : i32 to vector<16xi32>
    %eq3A_1148 = arith.cmpi eq, %get3A_1145, %eq3A_1147 : vector<16xi32>
    %jit3A_1149 = arith.constant 0 : i32
    %jit3A_1150 = arith.constant 1 : i32
    %broadcast_in_dim3A_1151 = vector.broadcast %jit3A_1149 : i32 to vector<16xi32>
    %broadcast_in_dim3A_1152 = vector.broadcast %jit3A_1150 : i32 to vector<16xi32>
    %select_n3A_1153 = arith.select %eq3A_1148, %broadcast_in_dim3A_1151, %broadcast_in_dim3A_1152 : vector<16xi1>, vector<16xi32>
    %broadcast_in_dim3A_1154 = arith.constant true
    %broadcast_in_dim3A_1155 = vector.broadcast %broadcast_in_dim3A_1154 : i1 to vector<16xi1>
    %masked_cumsum3A_1156 = tpu.scan <sum>, %select_n3A_1153 masked %broadcast_in_dim3A_1155 : vector<16xi32>, vector<16xi1> -> vector<16xi32>
    %add3A_1157 = vector.broadcast %add3A_1119 : i32 to vector<16xi32>
    %add3A_1158 = arith.addi %add3A_1157, %masked_cumsum3A_1156 : vector<16xi32>
    %mul3A_1159 = arith.muli %add3A_1158, %select_n3A_1153 : vector<16xi32>
    %add3A_1160 = arith.constant 1 : i32
    %add3A_1161 = vector.broadcast %add3A_1160 : i32 to vector<16xi32>
    %add3A_1162 = arith.addi %mul3A_1159, %add3A_1161 : vector<16xi32>
    %swap3A_1163 = arith.constant 0 : index
    %swap3A_1164 = tpu.vector_load %arg8[%swap3A_1163] {strides = array<i32>} : memref<32xi32, #tpu.memory_space<vmem>>, vector<16xi32>,
    tpu.vector_store %arg8[%swap3A_1163], %add3A_1162 {strides = array<i32>} : memref<32xi32, #tpu.memory_space<vmem>>, vector<16xi32>,
    %reduce_sum3A_1165 = arith.constant true
    %reduce_sum3A_1166 = vector.broadcast %reduce_sum3A_1165 : i1 to vector<16xi1>
    %reduce_sum3A_1167 = tpu.scan <sum>, %select_n3A_1153 masked %reduce_sum3A_1166 : vector<16xi32>, vector<16xi1> -> vector<16xi32>
    %reduce_sum3A_1168 = vector.extract %reduce_sum3A_1167[15] : i32 from vector<16xi32>
    %add3A_1169 = arith.addi %add3A_1119, %reduce_sum3A_1168 : i32
    %add3A_1170 = arith.constant 448 : i32
    %add3A_1171 = arith.addi %sub3A_21, %add3A_1170 : i32
    %add3A_1172 = arith.constant 16 : i32
    %add3A_1173 = arith.addi %add3A_1171, %add3A_1172 : i32
    %get3A_1174 = arith.index_cast %add3A_1173 : i32 to index
    %get3A_1175 = tpu.vector_load %arg5[%get3A_1174] {strides = array<i32>} : memref<8192xi32, #tpu.memory_space<vmem>>, vector<16xi32>,
    %eq3A_1176 = arith.constant 1 : i32
    %eq3A_1177 = vector.broadcast %eq3A_1176 : i32 to vector<16xi32>
    %eq3A_1178 = arith.cmpi eq, %get3A_1175, %eq3A_1177 : vector<16xi32>
    %jit3A_1179 = arith.constant 0 : i32
    %jit3A_1180 = arith.constant 1 : i32
    %broadcast_in_dim3A_1181 = vector.broadcast %jit3A_1179 : i32 to vector<16xi32>
    %broadcast_in_dim3A_1182 = vector.broadcast %jit3A_1180 : i32 to vector<16xi32>
    %select_n3A_1183 = arith.select %eq3A_1178, %broadcast_in_dim3A_1181, %broadcast_in_dim3A_1182 : vector<16xi1>, vector<16xi32>
    %broadcast_in_dim3A_1184 = arith.constant true
    %broadcast_in_dim3A_1185 = vector.broadcast %broadcast_in_dim3A_1184 : i1 to vector<16xi1>
    %masked_cumsum3A_1186 = tpu.scan <sum>, %select_n3A_1183 masked %broadcast_in_dim3A_1185 : vector<16xi32>, vector<16xi1> -> vector<16xi32>
    %add3A_1187 = vector.broadcast %add3A_1169 : i32 to vector<16xi32>
    %add3A_1188 = arith.addi %add3A_1187, %masked_cumsum3A_1186 : vector<16xi32>
    %mul3A_1189 = arith.muli %add3A_1188, %select_n3A_1183 : vector<16xi32>
    %add3A_1190 = arith.constant 1 : i32
    %add3A_1191 = vector.broadcast %add3A_1190 : i32 to vector<16xi32>
    %add3A_1192 = arith.addi %mul3A_1189, %add3A_1191 : vector<16xi32>
    %swap3A_1193 = arith.constant 16 : index
    %swap3A_1194 = tpu.vector_load %arg8[%swap3A_1193] {strides = array<i32>} : memref<32xi32, #tpu.memory_space<vmem>>, vector<16xi32>,
    tpu.vector_store %arg8[%swap3A_1193], %add3A_1192 {strides = array<i32>} : memref<32xi32, #tpu.memory_space<vmem>>, vector<16xi32>,
    %reduce_sum3A_1195 = arith.constant true
    %reduce_sum3A_1196 = vector.broadcast %reduce_sum3A_1195 : i1 to vector<16xi1>
    %reduce_sum3A_1197 = tpu.scan <sum>, %select_n3A_1183 masked %reduce_sum3A_1196 : vector<16xi32>, vector<16xi1> -> vector<16xi32>
    %reduce_sum3A_1198 = vector.extract %reduce_sum3A_1197[15] : i32 from vector<16xi32>
    %add3A_1199 = arith.addi %add3A_1169, %reduce_sum3A_1198 : i32
    %dma_start3A_1200 = arith.constant 0 : i32
    %dma_start3A_1201 = arith.constant 0 : i32
    %dma_start3A_1202 = tpu.memref_slice %arg3[%dma_start3A_1200, %dma_start3A_1201] : memref<16384x1024xf32, #tpu.memory_space<hbm>> -> memref<16384x1024xf32, #tpu.memory_space<hbm>>
    tpu.enqueue_indirect_dma source(%dma_start3A_1202 : memref<16384x1024xf32, #tpu.memory_space<hbm>>) target(%arg11 : memref<32x1024xf32, #tpu.memory_space<vmem>>) offsets(%arg8 : memref<32xi32, #tpu.memory_space<vmem>>) semaphore(%arg14 : memref<!tpu.dma_semaphore, #tpu.memory_space<semaphore_mem>>)
    %dma_wait3A_1203 = arith.constant 0 : i32
    %dma_wait3A_1204 = arith.constant 0 : i32
    %dma_wait3A_1205 = tpu.memref_slice %arg3[%dma_wait3A_1203, %dma_wait3A_1204] : memref<16384x1024xf32, #tpu.memory_space<hbm>> -> memref<16384x1024xf32, #tpu.memory_space<hbm>>
    tpu.wait_indirect_dma semaphore(%arg12 : memref<!tpu.dma_semaphore, #tpu.memory_space<semaphore_mem>>) src(%dma_wait3A_1205 : memref<16384x1024xf32, #tpu.memory_space<hbm>>) dst(%arg9 : memref<32x1024xf32, #tpu.memory_space<vmem>>)
    %add3A_1206 = arith.constant 384 : i32
    %add3A_1207 = arith.addi %sub3A_21, %add3A_1206 : i32
    %dma_start3A_1208 = arith.constant 0 : i32
    %dma_start3A_1209 = tpu.memref_slice %arg4[%select_n3A, %add3A_1207, %dma_start3A_1208] : memref<4x8192x1024xf32, #tpu.memory_space<hbm>> -> memref<1x32x1024xf32, #tpu.memory_space<hbm>>
    %dma_start3A_1210 = tpu.memref_squeeze %dma_start3A_1209 : memref<1x32x1024xf32, #tpu.memory_space<hbm>> -> memref<32x1024xf32, #tpu.memory_space<hbm>>
    %dma_start3A_1211 = arith.constant 0 : i32
    %dma_start3A_1212 = tpu.memref_slice %arg4[%select_n3A, %add3A_1207, %dma_start3A_1211] : memref<4x8192x1024xf32, #tpu.memory_space<hbm>> -> memref<1x32x1024xf32, #tpu.memory_space<hbm>>
    %dma_start3A_1213 = tpu.memref_squeeze %dma_start3A_1212 : memref<1x32x1024xf32, #tpu.memory_space<hbm>> -> memref<32x1024xf32, #tpu.memory_space<hbm>>
    tpu.enqueue_dma source(%arg9 : memref<32x1024xf32, #tpu.memory_space<vmem>>) target(%dma_start3A_1213 : memref<32x1024xf32, #tpu.memory_space<hbm>>) target_semaphore(%arg15 : memref<!tpu.dma_semaphore, #tpu.memory_space<semaphore_mem>>)
    %dma_wait3A_1214 = arith.constant 0 : i32
    %dma_wait3A_1215 = tpu.memref_slice %arg4[%select_n3A, %add3A_1207, %dma_wait3A_1214] : memref<4x8192x1024xf32, #tpu.memory_space<hbm>> -> memref<1x32x1024xf32, #tpu.memory_space<hbm>>
    %dma_wait3A_1216 = tpu.memref_squeeze %dma_wait3A_1215 : memref<1x32x1024xf32, #tpu.memory_space<hbm>> -> memref<32x1024xf32, #tpu.memory_space<hbm>>
    %dma_wait3A_1217 = arith.constant 0 : i32
    %dma_wait3A_1218 = tpu.memref_slice %arg4[%select_n3A, %add3A_1207, %dma_wait3A_1217] : memref<4x8192x1024xf32, #tpu.memory_space<hbm>> -> memref<1x32x1024xf32, #tpu.memory_space<hbm>>
    %dma_wait3A_1219 = tpu.memref_squeeze %dma_wait3A_1218 : memref<1x32x1024xf32, #tpu.memory_space<hbm>> -> memref<32x1024xf32, #tpu.memory_space<hbm>>
    tpu.wait_dma2 semaphore(%arg15 : memref<!tpu.dma_semaphore, #tpu.memory_space<semaphore_mem>>) src(%arg9 : memref<32x1024xf32, #tpu.memory_space<vmem>>) dst(%dma_wait3A_1219 : memref<32x1024xf32, #tpu.memory_space<hbm>>)
    %add3A_1220 = arith.constant 480 : i32
    %add3A_1221 = arith.addi %sub3A_21, %add3A_1220 : i32
    %add3A_1222 = arith.constant 0 : i32
    %add3A_1223 = arith.addi %add3A_1221, %add3A_1222 : i32
    %get3A_1224 = arith.index_cast %add3A_1223 : i32 to index
    %get3A_1225 = tpu.vector_load %arg5[%get3A_1224] {strides = array<i32>} : memref<8192xi32, #tpu.memory_space<vmem>>, vector<16xi32>,
    %eq3A_1226 = arith.constant 1 : i32
    %eq3A_1227 = vector.broadcast %eq3A_1226 : i32 to vector<16xi32>
    %eq3A_1228 = arith.cmpi eq, %get3A_1225, %eq3A_1227 : vector<16xi32>
    %jit3A_1229 = arith.constant 0 : i32
    %jit3A_1230 = arith.constant 1 : i32
    %broadcast_in_dim3A_1231 = vector.broadcast %jit3A_1229 : i32 to vector<16xi32>
    %broadcast_in_dim3A_1232 = vector.broadcast %jit3A_1230 : i32 to vector<16xi32>
    %select_n3A_1233 = arith.select %eq3A_1228, %broadcast_in_dim3A_1231, %broadcast_in_dim3A_1232 : vector<16xi1>, vector<16xi32>
    %broadcast_in_dim3A_1234 = arith.constant true
    %broadcast_in_dim3A_1235 = vector.broadcast %broadcast_in_dim3A_1234 : i1 to vector<16xi1>
    %masked_cumsum3A_1236 = tpu.scan <sum>, %select_n3A_1233 masked %broadcast_in_dim3A_1235 : vector<16xi32>, vector<16xi1> -> vector<16xi32>
    %add3A_1237 = vector.broadcast %add3A_1199 : i32 to vector<16xi32>
    %add3A_1238 = arith.addi %add3A_1237, %masked_cumsum3A_1236 : vector<16xi32>
    %mul3A_1239 = arith.muli %add3A_1238, %select_n3A_1233 : vector<16xi32>
    %add3A_1240 = arith.constant 1 : i32
    %add3A_1241 = vector.broadcast %add3A_1240 : i32 to vector<16xi32>
    %add3A_1242 = arith.addi %mul3A_1239, %add3A_1241 : vector<16xi32>
    %swap3A_1243 = arith.constant 0 : index
    %swap3A_1244 = tpu.vector_load %arg6[%swap3A_1243] {strides = array<i32>} : memref<32xi32, #tpu.memory_space<vmem>>, vector<16xi32>,
    tpu.vector_store %arg6[%swap3A_1243], %add3A_1242 {strides = array<i32>} : memref<32xi32, #tpu.memory_space<vmem>>, vector<16xi32>,
    %reduce_sum3A_1245 = arith.constant true
    %reduce_sum3A_1246 = vector.broadcast %reduce_sum3A_1245 : i1 to vector<16xi1>
    %reduce_sum3A_1247 = tpu.scan <sum>, %select_n3A_1233 masked %reduce_sum3A_1246 : vector<16xi32>, vector<16xi1> -> vector<16xi32>
    %reduce_sum3A_1248 = vector.extract %reduce_sum3A_1247[15] : i32 from vector<16xi32>
    %add3A_1249 = arith.addi %add3A_1199, %reduce_sum3A_1248 : i32
    %add3A_1250 = arith.constant 480 : i32
    %add3A_1251 = arith.addi %sub3A_21, %add3A_1250 : i32
    %add3A_1252 = arith.constant 16 : i32
    %add3A_1253 = arith.addi %add3A_1251, %add3A_1252 : i32
    %get3A_1254 = arith.index_cast %add3A_1253 : i32 to index
    %get3A_1255 = tpu.vector_load %arg5[%get3A_1254] {strides = array<i32>} : memref<8192xi32, #tpu.memory_space<vmem>>, vector<16xi32>,
    %eq3A_1256 = arith.constant 1 : i32
    %eq3A_1257 = vector.broadcast %eq3A_1256 : i32 to vector<16xi32>
    %eq3A_1258 = arith.cmpi eq, %get3A_1255, %eq3A_1257 : vector<16xi32>
    %jit3A_1259 = arith.constant 0 : i32
    %jit3A_1260 = arith.constant 1 : i32
    %broadcast_in_dim3A_1261 = vector.broadcast %jit3A_1259 : i32 to vector<16xi32>
    %broadcast_in_dim3A_1262 = vector.broadcast %jit3A_1260 : i32 to vector<16xi32>
    %select_n3A_1263 = arith.select %eq3A_1258, %broadcast_in_dim3A_1261, %broadcast_in_dim3A_1262 : vector<16xi1>, vector<16xi32>
    %broadcast_in_dim3A_1264 = arith.constant true
    %broadcast_in_dim3A_1265 = vector.broadcast %broadcast_in_dim3A_1264 : i1 to vector<16xi1>
    %masked_cumsum3A_1266 = tpu.scan <sum>, %select_n3A_1263 masked %broadcast_in_dim3A_1265 : vector<16xi32>, vector<16xi1> -> vector<16xi32>
    %add3A_1267 = vector.broadcast %add3A_1249 : i32 to vector<16xi32>
    %add3A_1268 = arith.addi %add3A_1267, %masked_cumsum3A_1266 : vector<16xi32>
    %mul3A_1269 = arith.muli %add3A_1268, %select_n3A_1263 : vector<16xi32>
    %add3A_1270 = arith.constant 1 : i32
    %add3A_1271 = vector.broadcast %add3A_1270 : i32 to vector<16xi32>
    %add3A_1272 = arith.addi %mul3A_1269, %add3A_1271 : vector<16xi32>
    %swap3A_1273 = arith.constant 16 : index
    %swap3A_1274 = tpu.vector_load %arg6[%swap3A_1273] {strides = array<i32>} : memref<32xi32, #tpu.memory_space<vmem>>, vector<16xi32>,
    tpu.vector_store %arg6[%swap3A_1273], %add3A_1272 {strides = array<i32>} : memref<32xi32, #tpu.memory_space<vmem>>, vector<16xi32>,
    %reduce_sum3A_1275 = arith.constant true
    %reduce_sum3A_1276 = vector.broadcast %reduce_sum3A_1275 : i1 to vector<16xi1>
    %reduce_sum3A_1277 = tpu.scan <sum>, %select_n3A_1263 masked %reduce_sum3A_1276 : vector<16xi32>, vector<16xi1> -> vector<16xi32>
    %reduce_sum3A_1278 = vector.extract %reduce_sum3A_1277[15] : i32 from vector<16xi32>
    %add3A_1279 = arith.addi %add3A_1249, %reduce_sum3A_1278 : i32
    %dma_start3A_1280 = arith.constant 0 : i32
    %dma_start3A_1281 = arith.constant 0 : i32
    %dma_start3A_1282 = tpu.memref_slice %arg3[%dma_start3A_1280, %dma_start3A_1281] : memref<16384x1024xf32, #tpu.memory_space<hbm>> -> memref<16384x1024xf32, #tpu.memory_space<hbm>>
    tpu.enqueue_indirect_dma source(%dma_start3A_1282 : memref<16384x1024xf32, #tpu.memory_space<hbm>>) target(%arg9 : memref<32x1024xf32, #tpu.memory_space<vmem>>) offsets(%arg6 : memref<32xi32, #tpu.memory_space<vmem>>) semaphore(%arg12 : memref<!tpu.dma_semaphore, #tpu.memory_space<semaphore_mem>>)
    %dma_wait3A_1283 = arith.constant 0 : i32
    %dma_wait3A_1284 = arith.constant 0 : i32
    %dma_wait3A_1285 = tpu.memref_slice %arg3[%dma_wait3A_1283, %dma_wait3A_1284] : memref<16384x1024xf32, #tpu.memory_space<hbm>> -> memref<16384x1024xf32, #tpu.memory_space<hbm>>
    tpu.wait_indirect_dma semaphore(%arg13 : memref<!tpu.dma_semaphore, #tpu.memory_space<semaphore_mem>>) src(%dma_wait3A_1285 : memref<16384x1024xf32, #tpu.memory_space<hbm>>) dst(%arg10 : memref<32x1024xf32, #tpu.memory_space<vmem>>)
    %add3A_1286 = arith.constant 416 : i32
    %add3A_1287 = arith.addi %sub3A_21, %add3A_1286 : i32
    %dma_start3A_1288 = arith.constant 0 : i32
    %dma_start3A_1289 = tpu.memref_slice %arg4[%select_n3A, %add3A_1287, %dma_start3A_1288] : memref<4x8192x1024xf32, #tpu.memory_space<hbm>> -> memref<1x32x1024xf32, #tpu.memory_space<hbm>>
    %dma_start3A_1290 = tpu.memref_squeeze %dma_start3A_1289 : memref<1x32x1024xf32, #tpu.memory_space<hbm>> -> memref<32x1024xf32, #tpu.memory_space<hbm>>
    %dma_start3A_1291 = arith.constant 0 : i32
    %dma_start3A_1292 = tpu.memref_slice %arg4[%select_n3A, %add3A_1287, %dma_start3A_1291] : memref<4x8192x1024xf32, #tpu.memory_space<hbm>> -> memref<1x32x1024xf32, #tpu.memory_space<hbm>>
    %dma_start3A_1293 = tpu.memref_squeeze %dma_start3A_1292 : memref<1x32x1024xf32, #tpu.memory_space<hbm>> -> memref<32x1024xf32, #tpu.memory_space<hbm>>
    tpu.enqueue_dma source(%arg10 : memref<32x1024xf32, #tpu.memory_space<vmem>>) target(%dma_start3A_1293 : memref<32x1024xf32, #tpu.memory_space<hbm>>) target_semaphore(%arg16 : memref<!tpu.dma_semaphore, #tpu.memory_space<semaphore_mem>>)
    %dma_wait3A_1294 = arith.constant 0 : i32
    %dma_wait3A_1295 = tpu.memref_slice %arg4[%select_n3A, %add3A_1287, %dma_wait3A_1294] : memref<4x8192x1024xf32, #tpu.memory_space<hbm>> -> memref<1x32x1024xf32, #tpu.memory_space<hbm>>
    %dma_wait3A_1296 = tpu.memref_squeeze %dma_wait3A_1295 : memref<1x32x1024xf32, #tpu.memory_space<hbm>> -> memref<32x1024xf32, #tpu.memory_space<hbm>>
    %dma_wait3A_1297 = arith.constant 0 : i32
    %dma_wait3A_1298 = tpu.memref_slice %arg4[%select_n3A, %add3A_1287, %dma_wait3A_1297] : memref<4x8192x1024xf32, #tpu.memory_space<hbm>> -> memref<1x32x1024xf32, #tpu.memory_space<hbm>>
    %dma_wait3A_1299 = tpu.memref_squeeze %dma_wait3A_1298 : memref<1x32x1024xf32, #tpu.memory_space<hbm>> -> memref<32x1024xf32, #tpu.memory_space<hbm>>
    tpu.wait_dma2 semaphore(%arg16 : memref<!tpu.dma_semaphore, #tpu.memory_space<semaphore_mem>>) src(%arg10 : memref<32x1024xf32, #tpu.memory_space<vmem>>) dst(%dma_wait3A_1299 : memref<32x1024xf32, #tpu.memory_space<hbm>>)
    %add3A_1300 = arith.constant 512 : i32
    %add3A_1301 = arith.addi %sub3A_21, %add3A_1300 : i32
    %add3A_1302 = arith.constant 0 : i32
    %add3A_1303 = arith.addi %add3A_1301, %add3A_1302 : i32
    %get3A_1304 = arith.index_cast %add3A_1303 : i32 to index
    %get3A_1305 = tpu.vector_load %arg5[%get3A_1304] {strides = array<i32>} : memref<8192xi32, #tpu.memory_space<vmem>>, vector<16xi32>,
    %eq3A_1306 = arith.constant 1 : i32
    %eq3A_1307 = vector.broadcast %eq3A_1306 : i32 to vector<16xi32>
    %eq3A_1308 = arith.cmpi eq, %get3A_1305, %eq3A_1307 : vector<16xi32>
    %jit3A_1309 = arith.constant 0 : i32
    %jit3A_1310 = arith.constant 1 : i32
    %broadcast_in_dim3A_1311 = vector.broadcast %jit3A_1309 : i32 to vector<16xi32>
    %broadcast_in_dim3A_1312 = vector.broadcast %jit3A_1310 : i32 to vector<16xi32>
    %select_n3A_1313 = arith.select %eq3A_1308, %broadcast_in_dim3A_1311, %broadcast_in_dim3A_1312 : vector<16xi1>, vector<16xi32>
    %broadcast_in_dim3A_1314 = arith.constant true
    %broadcast_in_dim3A_1315 = vector.broadcast %broadcast_in_dim3A_1314 : i1 to vector<16xi1>
    %masked_cumsum3A_1316 = tpu.scan <sum>, %select_n3A_1313 masked %broadcast_in_dim3A_1315 : vector<16xi32>, vector<16xi1> -> vector<16xi32>
    %add3A_1317 = vector.broadcast %add3A_1279 : i32 to vector<16xi32>
    %add3A_1318 = arith.addi %add3A_1317, %masked_cumsum3A_1316 : vector<16xi32>
    %mul3A_1319 = arith.muli %add3A_1318, %select_n3A_1313 : vector<16xi32>
    %add3A_1320 = arith.constant 1 : i32
    %add3A_1321 = vector.broadcast %add3A_1320 : i32 to vector<16xi32>
    %add3A_1322 = arith.addi %mul3A_1319, %add3A_1321 : vector<16xi32>
    %swap3A_1323 = arith.constant 0 : index
    %swap3A_1324 = tpu.vector_load %arg7[%swap3A_1323] {strides = array<i32>} : memref<32xi32, #tpu.memory_space<vmem>>, vector<16xi32>,
    tpu.vector_store %arg7[%swap3A_1323], %add3A_1322 {strides = array<i32>} : memref<32xi32, #tpu.memory_space<vmem>>, vector<16xi32>,
    %reduce_sum3A_1325 = arith.constant true
    %reduce_sum3A_1326 = vector.broadcast %reduce_sum3A_1325 : i1 to vector<16xi1>
    %reduce_sum3A_1327 = tpu.scan <sum>, %select_n3A_1313 masked %reduce_sum3A_1326 : vector<16xi32>, vector<16xi1> -> vector<16xi32>
    %reduce_sum3A_1328 = vector.extract %reduce_sum3A_1327[15] : i32 from vector<16xi32>
    %add3A_1329 = arith.addi %add3A_1279, %reduce_sum3A_1328 : i32
    %add3A_1330 = arith.constant 512 : i32
    %add3A_1331 = arith.addi %sub3A_21, %add3A_1330 : i32
    %add3A_1332 = arith.constant 16 : i32
    %add3A_1333 = arith.addi %add3A_1331, %add3A_1332 : i32
    %get3A_1334 = arith.index_cast %add3A_1333 : i32 to index
    %get3A_1335 = tpu.vector_load %arg5[%get3A_1334] {strides = array<i32>} : memref<8192xi32, #tpu.memory_space<vmem>>, vector<16xi32>,
    %eq3A_1336 = arith.constant 1 : i32
    %eq3A_1337 = vector.broadcast %eq3A_1336 : i32 to vector<16xi32>
    %eq3A_1338 = arith.cmpi eq, %get3A_1335, %eq3A_1337 : vector<16xi32>
    %jit3A_1339 = arith.constant 0 : i32
    %jit3A_1340 = arith.constant 1 : i32
    %broadcast_in_dim3A_1341 = vector.broadcast %jit3A_1339 : i32 to vector<16xi32>
    %broadcast_in_dim3A_1342 = vector.broadcast %jit3A_1340 : i32 to vector<16xi32>
    %select_n3A_1343 = arith.select %eq3A_1338, %broadcast_in_dim3A_1341, %broadcast_in_dim3A_1342 : vector<16xi1>, vector<16xi32>
    %broadcast_in_dim3A_1344 = arith.constant true
    %broadcast_in_dim3A_1345 = vector.broadcast %broadcast_in_dim3A_1344 : i1 to vector<16xi1>
    %masked_cumsum3A_1346 = tpu.scan <sum>, %select_n3A_1343 masked %broadcast_in_dim3A_1345 : vector<16xi32>, vector<16xi1> -> vector<16xi32>
    %add3A_1347 = vector.broadcast %add3A_1329 : i32 to vector<16xi32>
    %add3A_1348 = arith.addi %add3A_1347, %masked_cumsum3A_1346 : vector<16xi32>
    %mul3A_1349 = arith.muli %add3A_1348, %select_n3A_1343 : vector<16xi32>
    %add3A_1350 = arith.constant 1 : i32
    %add3A_1351 = vector.broadcast %add3A_1350 : i32 to vector<16xi32>
    %add3A_1352 = arith.addi %mul3A_1349, %add3A_1351 : vector<16xi32>
    %swap3A_1353 = arith.constant 16 : index
    %swap3A_1354 = tpu.vector_load %arg7[%swap3A_1353] {strides = array<i32>} : memref<32xi32, #tpu.memory_space<vmem>>, vector<16xi32>,
    tpu.vector_store %arg7[%swap3A_1353], %add3A_1352 {strides = array<i32>} : memref<32xi32, #tpu.memory_space<vmem>>, vector<16xi32>,
    %reduce_sum3A_1355 = arith.constant true
    %reduce_sum3A_1356 = vector.broadcast %reduce_sum3A_1355 : i1 to vector<16xi1>
    %reduce_sum3A_1357 = tpu.scan <sum>, %select_n3A_1343 masked %reduce_sum3A_1356 : vector<16xi32>, vector<16xi1> -> vector<16xi32>
    %reduce_sum3A_1358 = vector.extract %reduce_sum3A_1357[15] : i32 from vector<16xi32>
    %add3A_1359 = arith.addi %add3A_1329, %reduce_sum3A_1358 : i32
    %dma_start3A_1360 = arith.constant 0 : i32
    %dma_start3A_1361 = arith.constant 0 : i32
    %dma_start3A_1362 = tpu.memref_slice %arg3[%dma_start3A_1360, %dma_start3A_1361] : memref<16384x1024xf32, #tpu.memory_space<hbm>> -> memref<16384x1024xf32, #tpu.memory_space<hbm>>
    tpu.enqueue_indirect_dma source(%dma_start3A_1362 : memref<16384x1024xf32, #tpu.memory_space<hbm>>) target(%arg10 : memref<32x1024xf32, #tpu.memory_space<vmem>>) offsets(%arg7 : memref<32xi32, #tpu.memory_space<vmem>>) semaphore(%arg13 : memref<!tpu.dma_semaphore, #tpu.memory_space<semaphore_mem>>)
    %dma_wait3A_1363 = arith.constant 0 : i32
    %dma_wait3A_1364 = arith.constant 0 : i32
    %dma_wait3A_1365 = tpu.memref_slice %arg3[%dma_wait3A_1363, %dma_wait3A_1364] : memref<16384x1024xf32, #tpu.memory_space<hbm>> -> memref<16384x1024xf32, #tpu.memory_space<hbm>>
    tpu.wait_indirect_dma semaphore(%arg14 : memref<!tpu.dma_semaphore, #tpu.memory_space<semaphore_mem>>) src(%dma_wait3A_1365 : memref<16384x1024xf32, #tpu.memory_space<hbm>>) dst(%arg11 : memref<32x1024xf32, #tpu.memory_space<vmem>>)
    %add3A_1366 = arith.constant 448 : i32
    %add3A_1367 = arith.addi %sub3A_21, %add3A_1366 : i32
    %dma_start3A_1368 = arith.constant 0 : i32
    %dma_start3A_1369 = tpu.memref_slice %arg4[%select_n3A, %add3A_1367, %dma_start3A_1368] : memref<4x8192x1024xf32, #tpu.memory_space<hbm>> -> memref<1x32x1024xf32, #tpu.memory_space<hbm>>
    %dma_start3A_1370 = tpu.memref_squeeze %dma_start3A_1369 : memref<1x32x1024xf32, #tpu.memory_space<hbm>> -> memref<32x1024xf32, #tpu.memory_space<hbm>>
    %dma_start3A_1371 = arith.constant 0 : i32
    %dma_start3A_1372 = tpu.memref_slice %arg4[%select_n3A, %add3A_1367, %dma_start3A_1371] : memref<4x8192x1024xf32, #tpu.memory_space<hbm>> -> memref<1x32x1024xf32, #tpu.memory_space<hbm>>
    %dma_start3A_1373 = tpu.memref_squeeze %dma_start3A_1372 : memref<1x32x1024xf32, #tpu.memory_space<hbm>> -> memref<32x1024xf32, #tpu.memory_space<hbm>>
    tpu.enqueue_dma source(%arg11 : memref<32x1024xf32, #tpu.memory_space<vmem>>) target(%dma_start3A_1373 : memref<32x1024xf32, #tpu.memory_space<hbm>>) target_semaphore(%arg17 : memref<!tpu.dma_semaphore, #tpu.memory_space<semaphore_mem>>)
    %dma_wait3A_1374 = arith.constant 0 : i32
    %dma_wait3A_1375 = tpu.memref_slice %arg4[%select_n3A, %add3A_1367, %dma_wait3A_1374] : memref<4x8192x1024xf32, #tpu.memory_space<hbm>> -> memref<1x32x1024xf32, #tpu.memory_space<hbm>>
    %dma_wait3A_1376 = tpu.memref_squeeze %dma_wait3A_1375 : memref<1x32x1024xf32, #tpu.memory_space<hbm>> -> memref<32x1024xf32, #tpu.memory_space<hbm>>
    %dma_wait3A_1377 = arith.constant 0 : i32
    %dma_wait3A_1378 = tpu.memref_slice %arg4[%select_n3A, %add3A_1367, %dma_wait3A_1377] : memref<4x8192x1024xf32, #tpu.memory_space<hbm>> -> memref<1x32x1024xf32, #tpu.memory_space<hbm>>
    %dma_wait3A_1379 = tpu.memref_squeeze %dma_wait3A_1378 : memref<1x32x1024xf32, #tpu.memory_space<hbm>> -> memref<32x1024xf32, #tpu.memory_space<hbm>>
    tpu.wait_dma2 semaphore(%arg17 : memref<!tpu.dma_semaphore, #tpu.memory_space<semaphore_mem>>) src(%arg11 : memref<32x1024xf32, #tpu.memory_space<vmem>>) dst(%dma_wait3A_1379 : memref<32x1024xf32, #tpu.memory_space<hbm>>)
    %add3A_1380 = arith.constant 544 : i32
    %add3A_1381 = arith.addi %sub3A_21, %add3A_1380 : i32
    %add3A_1382 = arith.constant 0 : i32
    %add3A_1383 = arith.addi %add3A_1381, %add3A_1382 : i32
    %get3A_1384 = arith.index_cast %add3A_1383 : i32 to index
    %get3A_1385 = tpu.vector_load %arg5[%get3A_1384] {strides = array<i32>} : memref<8192xi32, #tpu.memory_space<vmem>>, vector<16xi32>,
    %eq3A_1386 = arith.constant 1 : i32
    %eq3A_1387 = vector.broadcast %eq3A_1386 : i32 to vector<16xi32>
    %eq3A_1388 = arith.cmpi eq, %get3A_1385, %eq3A_1387 : vector<16xi32>
    %jit3A_1389 = arith.constant 0 : i32
    %jit3A_1390 = arith.constant 1 : i32
    %broadcast_in_dim3A_1391 = vector.broadcast %jit3A_1389 : i32 to vector<16xi32>
    %broadcast_in_dim3A_1392 = vector.broadcast %jit3A_1390 : i32 to vector<16xi32>
    %select_n3A_1393 = arith.select %eq3A_1388, %broadcast_in_dim3A_1391, %broadcast_in_dim3A_1392 : vector<16xi1>, vector<16xi32>
    %broadcast_in_dim3A_1394 = arith.constant true
    %broadcast_in_dim3A_1395 = vector.broadcast %broadcast_in_dim3A_1394 : i1 to vector<16xi1>
    %masked_cumsum3A_1396 = tpu.scan <sum>, %select_n3A_1393 masked %broadcast_in_dim3A_1395 : vector<16xi32>, vector<16xi1> -> vector<16xi32>
    %add3A_1397 = vector.broadcast %add3A_1359 : i32 to vector<16xi32>
    %add3A_1398 = arith.addi %add3A_1397, %masked_cumsum3A_1396 : vector<16xi32>
    %mul3A_1399 = arith.muli %add3A_1398, %select_n3A_1393 : vector<16xi32>
    %add3A_1400 = arith.constant 1 : i32
    %add3A_1401 = vector.broadcast %add3A_1400 : i32 to vector<16xi32>
    %add3A_1402 = arith.addi %mul3A_1399, %add3A_1401 : vector<16xi32>
    %swap3A_1403 = arith.constant 0 : index
    %swap3A_1404 = tpu.vector_load %arg8[%swap3A_1403] {strides = array<i32>} : memref<32xi32, #tpu.memory_space<vmem>>, vector<16xi32>,
    tpu.vector_store %arg8[%swap3A_1403], %add3A_1402 {strides = array<i32>} : memref<32xi32, #tpu.memory_space<vmem>>, vector<16xi32>,
    %reduce_sum3A_1405 = arith.constant true
    %reduce_sum3A_1406 = vector.broadcast %reduce_sum3A_1405 : i1 to vector<16xi1>
    %reduce_sum3A_1407 = tpu.scan <sum>, %select_n3A_1393 masked %reduce_sum3A_1406 : vector<16xi32>, vector<16xi1> -> vector<16xi32>
    %reduce_sum3A_1408 = vector.extract %reduce_sum3A_1407[15] : i32 from vector<16xi32>
    %add3A_1409 = arith.addi %add3A_1359, %reduce_sum3A_1408 : i32
    %add3A_1410 = arith.constant 544 : i32
    %add3A_1411 = arith.addi %sub3A_21, %add3A_1410 : i32
    %add3A_1412 = arith.constant 16 : i32
    %add3A_1413 = arith.addi %add3A_1411, %add3A_1412 : i32
    %get3A_1414 = arith.index_cast %add3A_1413 : i32 to index
    %get3A_1415 = tpu.vector_load %arg5[%get3A_1414] {strides = array<i32>} : memref<8192xi32, #tpu.memory_space<vmem>>, vector<16xi32>,
    %eq3A_1416 = arith.constant 1 : i32
    %eq3A_1417 = vector.broadcast %eq3A_1416 : i32 to vector<16xi32>
    %eq3A_1418 = arith.cmpi eq, %get3A_1415, %eq3A_1417 : vector<16xi32>
    %jit3A_1419 = arith.constant 0 : i32
    %jit3A_1420 = arith.constant 1 : i32
    %broadcast_in_dim3A_1421 = vector.broadcast %jit3A_1419 : i32 to vector<16xi32>
    %broadcast_in_dim3A_1422 = vector.broadcast %jit3A_1420 : i32 to vector<16xi32>
    %select_n3A_1423 = arith.select %eq3A_1418, %broadcast_in_dim3A_1421, %broadcast_in_dim3A_1422 : vector<16xi1>, vector<16xi32>
    %broadcast_in_dim3A_1424 = arith.constant true
    %broadcast_in_dim3A_1425 = vector.broadcast %broadcast_in_dim3A_1424 : i1 to vector<16xi1>
    %masked_cumsum3A_1426 = tpu.scan <sum>, %select_n3A_1423 masked %broadcast_in_dim3A_1425 : vector<16xi32>, vector<16xi1> -> vector<16xi32>
    %add3A_1427 = vector.broadcast %add3A_1409 : i32 to vector<16xi32>
    %add3A_1428 = arith.addi %add3A_1427, %masked_cumsum3A_1426 : vector<16xi32>
    %mul3A_1429 = arith.muli %add3A_1428, %select_n3A_1423 : vector<16xi32>
    %add3A_1430 = arith.constant 1 : i32
    %add3A_1431 = vector.broadcast %add3A_1430 : i32 to vector<16xi32>
    %add3A_1432 = arith.addi %mul3A_1429, %add3A_1431 : vector<16xi32>
    %swap3A_1433 = arith.constant 16 : index
    %swap3A_1434 = tpu.vector_load %arg8[%swap3A_1433] {strides = array<i32>} : memref<32xi32, #tpu.memory_space<vmem>>, vector<16xi32>,
    tpu.vector_store %arg8[%swap3A_1433], %add3A_1432 {strides = array<i32>} : memref<32xi32, #tpu.memory_space<vmem>>, vector<16xi32>,
    %reduce_sum3A_1435 = arith.constant true
    %reduce_sum3A_1436 = vector.broadcast %reduce_sum3A_1435 : i1 to vector<16xi1>
    %reduce_sum3A_1437 = tpu.scan <sum>, %select_n3A_1423 masked %reduce_sum3A_1436 : vector<16xi32>, vector<16xi1> -> vector<16xi32>
    %reduce_sum3A_1438 = vector.extract %reduce_sum3A_1437[15] : i32 from vector<16xi32>
    %add3A_1439 = arith.addi %add3A_1409, %reduce_sum3A_1438 : i32
    %dma_start3A_1440 = arith.constant 0 : i32
    %dma_start3A_1441 = arith.constant 0 : i32
    %dma_start3A_1442 = tpu.memref_slice %arg3[%dma_start3A_1440, %dma_start3A_1441] : memref<16384x1024xf32, #tpu.memory_space<hbm>> -> memref<16384x1024xf32, #tpu.memory_space<hbm>>
    tpu.enqueue_indirect_dma source(%dma_start3A_1442 : memref<16384x1024xf32, #tpu.memory_space<hbm>>) target(%arg11 : memref<32x1024xf32, #tpu.memory_space<vmem>>) offsets(%arg8 : memref<32xi32, #tpu.memory_space<vmem>>) semaphore(%arg14 : memref<!tpu.dma_semaphore, #tpu.memory_space<semaphore_mem>>)
    %dma_wait3A_1443 = arith.constant 0 : i32
    %dma_wait3A_1444 = arith.constant 0 : i32
    %dma_wait3A_1445 = tpu.memref_slice %arg3[%dma_wait3A_1443, %dma_wait3A_1444] : memref<16384x1024xf32, #tpu.memory_space<hbm>> -> memref<16384x1024xf32, #tpu.memory_space<hbm>>
    tpu.wait_indirect_dma semaphore(%arg12 : memref<!tpu.dma_semaphore, #tpu.memory_space<semaphore_mem>>) src(%dma_wait3A_1445 : memref<16384x1024xf32, #tpu.memory_space<hbm>>) dst(%arg9 : memref<32x1024xf32, #tpu.memory_space<vmem>>)
    %add3A_1446 = arith.constant 480 : i32
    %add3A_1447 = arith.addi %sub3A_21, %add3A_1446 : i32
    %dma_start3A_1448 = arith.constant 0 : i32
    %dma_start3A_1449 = tpu.memref_slice %arg4[%select_n3A, %add3A_1447, %dma_start3A_1448] : memref<4x8192x1024xf32, #tpu.memory_space<hbm>> -> memref<1x32x1024xf32, #tpu.memory_space<hbm>>
    %dma_start3A_1450 = tpu.memref_squeeze %dma_start3A_1449 : memref<1x32x1024xf32, #tpu.memory_space<hbm>> -> memref<32x1024xf32, #tpu.memory_space<hbm>>
    %dma_start3A_1451 = arith.constant 0 : i32
    %dma_start3A_1452 = tpu.memref_slice %arg4[%select_n3A, %add3A_1447, %dma_start3A_1451] : memref<4x8192x1024xf32, #tpu.memory_space<hbm>> -> memref<1x32x1024xf32, #tpu.memory_space<hbm>>
    %dma_start3A_1453 = tpu.memref_squeeze %dma_start3A_1452 : memref<1x32x1024xf32, #tpu.memory_space<hbm>> -> memref<32x1024xf32, #tpu.memory_space<hbm>>
    tpu.enqueue_dma source(%arg9 : memref<32x1024xf32, #tpu.memory_space<vmem>>) target(%dma_start3A_1453 : memref<32x1024xf32, #tpu.memory_space<hbm>>) target_semaphore(%arg15 : memref<!tpu.dma_semaphore, #tpu.memory_space<semaphore_mem>>)
    %dma_wait3A_1454 = arith.constant 0 : i32
    %dma_wait3A_1455 = tpu.memref_slice %arg4[%select_n3A, %add3A_1447, %dma_wait3A_1454] : memref<4x8192x1024xf32, #tpu.memory_space<hbm>> -> memref<1x32x1024xf32, #tpu.memory_space<hbm>>
    %dma_wait3A_1456 = tpu.memref_squeeze %dma_wait3A_1455 : memref<1x32x1024xf32, #tpu.memory_space<hbm>> -> memref<32x1024xf32, #tpu.memory_space<hbm>>
    %dma_wait3A_1457 = arith.constant 0 : i32
    %dma_wait3A_1458 = tpu.memref_slice %arg4[%select_n3A, %add3A_1447, %dma_wait3A_1457] : memref<4x8192x1024xf32, #tpu.memory_space<hbm>> -> memref<1x32x1024xf32, #tpu.memory_space<hbm>>
    %dma_wait3A_1459 = tpu.memref_squeeze %dma_wait3A_1458 : memref<1x32x1024xf32, #tpu.memory_space<hbm>> -> memref<32x1024xf32, #tpu.memory_space<hbm>>
    tpu.wait_dma2 semaphore(%arg15 : memref<!tpu.dma_semaphore, #tpu.memory_space<semaphore_mem>>) src(%arg9 : memref<32x1024xf32, #tpu.memory_space<vmem>>) dst(%dma_wait3A_1459 : memref<32x1024xf32, #tpu.memory_space<hbm>>)
    %add3A_1460 = arith.constant 576 : i32
    %add3A_1461 = arith.addi %sub3A_21, %add3A_1460 : i32
    %add3A_1462 = arith.constant 0 : i32
    %add3A_1463 = arith.addi %add3A_1461, %add3A_1462 : i32
    %get3A_1464 = arith.index_cast %add3A_1463 : i32 to index
    %get3A_1465 = tpu.vector_load %arg5[%get3A_1464] {strides = array<i32>} : memref<8192xi32, #tpu.memory_space<vmem>>, vector<16xi32>,
    %eq3A_1466 = arith.constant 1 : i32
    %eq3A_1467 = vector.broadcast %eq3A_1466 : i32 to vector<16xi32>
    %eq3A_1468 = arith.cmpi eq, %get3A_1465, %eq3A_1467 : vector<16xi32>
    %jit3A_1469 = arith.constant 0 : i32
    %jit3A_1470 = arith.constant 1 : i32
    %broadcast_in_dim3A_1471 = vector.broadcast %jit3A_1469 : i32 to vector<16xi32>
    %broadcast_in_dim3A_1472 = vector.broadcast %jit3A_1470 : i32 to vector<16xi32>
    %select_n3A_1473 = arith.select %eq3A_1468, %broadcast_in_dim3A_1471, %broadcast_in_dim3A_1472 : vector<16xi1>, vector<16xi32>
    %broadcast_in_dim3A_1474 = arith.constant true
    %broadcast_in_dim3A_1475 = vector.broadcast %broadcast_in_dim3A_1474 : i1 to vector<16xi1>
    %masked_cumsum3A_1476 = tpu.scan <sum>, %select_n3A_1473 masked %broadcast_in_dim3A_1475 : vector<16xi32>, vector<16xi1> -> vector<16xi32>
    %add3A_1477 = vector.broadcast %add3A_1439 : i32 to vector<16xi32>
    %add3A_1478 = arith.addi %add3A_1477, %masked_cumsum3A_1476 : vector<16xi32>
    %mul3A_1479 = arith.muli %add3A_1478, %select_n3A_1473 : vector<16xi32>
    %add3A_1480 = arith.constant 1 : i32
    %add3A_1481 = vector.broadcast %add3A_1480 : i32 to vector<16xi32>
    %add3A_1482 = arith.addi %mul3A_1479, %add3A_1481 : vector<16xi32>
    %swap3A_1483 = arith.constant 0 : index
    %swap3A_1484 = tpu.vector_load %arg6[%swap3A_1483] {strides = array<i32>} : memref<32xi32, #tpu.memory_space<vmem>>, vector<16xi32>,
    tpu.vector_store %arg6[%swap3A_1483], %add3A_1482 {strides = array<i32>} : memref<32xi32, #tpu.memory_space<vmem>>, vector<16xi32>,
    %reduce_sum3A_1485 = arith.constant true
    %reduce_sum3A_1486 = vector.broadcast %reduce_sum3A_1485 : i1 to vector<16xi1>
    %reduce_sum3A_1487 = tpu.scan <sum>, %select_n3A_1473 masked %reduce_sum3A_1486 : vector<16xi32>, vector<16xi1> -> vector<16xi32>
    %reduce_sum3A_1488 = vector.extract %reduce_sum3A_1487[15] : i32 from vector<16xi32>
    %add3A_1489 = arith.addi %add3A_1439, %reduce_sum3A_1488 : i32
    %add3A_1490 = arith.constant 576 : i32
    %add3A_1491 = arith.addi %sub3A_21, %add3A_1490 : i32
    %add3A_1492 = arith.constant 16 : i32
    %add3A_1493 = arith.addi %add3A_1491, %add3A_1492 : i32
    %get3A_1494 = arith.index_cast %add3A_1493 : i32 to index
    %get3A_1495 = tpu.vector_load %arg5[%get3A_1494] {strides = array<i32>} : memref<8192xi32, #tpu.memory_space<vmem>>, vector<16xi32>,
    %eq3A_1496 = arith.constant 1 : i32
    %eq3A_1497 = vector.broadcast %eq3A_1496 : i32 to vector<16xi32>
    %eq3A_1498 = arith.cmpi eq, %get3A_1495, %eq3A_1497 : vector<16xi32>
    %jit3A_1499 = arith.constant 0 : i32
    %jit3A_1500 = arith.constant 1 : i32
    %broadcast_in_dim3A_1501 = vector.broadcast %jit3A_1499 : i32 to vector<16xi32>
    %broadcast_in_dim3A_1502 = vector.broadcast %jit3A_1500 : i32 to vector<16xi32>
    %select_n3A_1503 = arith.select %eq3A_1498, %broadcast_in_dim3A_1501, %broadcast_in_dim3A_1502 : vector<16xi1>, vector<16xi32>
    %broadcast_in_dim3A_1504 = arith.constant true
    %broadcast_in_dim3A_1505 = vector.broadcast %broadcast_in_dim3A_1504 : i1 to vector<16xi1>
    %masked_cumsum3A_1506 = tpu.scan <sum>, %select_n3A_1503 masked %broadcast_in_dim3A_1505 : vector<16xi32>, vector<16xi1> -> vector<16xi32>
    %add3A_1507 = vector.broadcast %add3A_1489 : i32 to vector<16xi32>
    %add3A_1508 = arith.addi %add3A_1507, %masked_cumsum3A_1506 : vector<16xi32>
    %mul3A_1509 = arith.muli %add3A_1508, %select_n3A_1503 : vector<16xi32>
    %add3A_1510 = arith.constant 1 : i32
    %add3A_1511 = vector.broadcast %add3A_1510 : i32 to vector<16xi32>
    %add3A_1512 = arith.addi %mul3A_1509, %add3A_1511 : vector<16xi32>
    %swap3A_1513 = arith.constant 16 : index
    %swap3A_1514 = tpu.vector_load %arg6[%swap3A_1513] {strides = array<i32>} : memref<32xi32, #tpu.memory_space<vmem>>, vector<16xi32>,
    tpu.vector_store %arg6[%swap3A_1513], %add3A_1512 {strides = array<i32>} : memref<32xi32, #tpu.memory_space<vmem>>, vector<16xi32>,
    %reduce_sum3A_1515 = arith.constant true
    %reduce_sum3A_1516 = vector.broadcast %reduce_sum3A_1515 : i1 to vector<16xi1>
    %reduce_sum3A_1517 = tpu.scan <sum>, %select_n3A_1503 masked %reduce_sum3A_1516 : vector<16xi32>, vector<16xi1> -> vector<16xi32>
    %reduce_sum3A_1518 = vector.extract %reduce_sum3A_1517[15] : i32 from vector<16xi32>
    %add3A_1519 = arith.addi %add3A_1489, %reduce_sum3A_1518 : i32
    %dma_start3A_1520 = arith.constant 0 : i32
    %dma_start3A_1521 = arith.constant 0 : i32
    %dma_start3A_1522 = tpu.memref_slice %arg3[%dma_start3A_1520, %dma_start3A_1521] : memref<16384x1024xf32, #tpu.memory_space<hbm>> -> memref<16384x1024xf32, #tpu.memory_space<hbm>>
    tpu.enqueue_indirect_dma source(%dma_start3A_1522 : memref<16384x1024xf32, #tpu.memory_space<hbm>>) target(%arg9 : memref<32x1024xf32, #tpu.memory_space<vmem>>) offsets(%arg6 : memref<32xi32, #tpu.memory_space<vmem>>) semaphore(%arg12 : memref<!tpu.dma_semaphore, #tpu.memory_space<semaphore_mem>>)
    %dma_wait3A_1523 = arith.constant 0 : i32
    %dma_wait3A_1524 = arith.constant 0 : i32
    %dma_wait3A_1525 = tpu.memref_slice %arg3[%dma_wait3A_1523, %dma_wait3A_1524] : memref<16384x1024xf32, #tpu.memory_space<hbm>> -> memref<16384x1024xf32, #tpu.memory_space<hbm>>
    tpu.wait_indirect_dma semaphore(%arg13 : memref<!tpu.dma_semaphore, #tpu.memory_space<semaphore_mem>>) src(%dma_wait3A_1525 : memref<16384x1024xf32, #tpu.memory_space<hbm>>) dst(%arg10 : memref<32x1024xf32, #tpu.memory_space<vmem>>)
    %add3A_1526 = arith.constant 512 : i32
    %add3A_1527 = arith.addi %sub3A_21, %add3A_1526 : i32
    %dma_start3A_1528 = arith.constant 0 : i32
    %dma_start3A_1529 = tpu.memref_slice %arg4[%select_n3A, %add3A_1527, %dma_start3A_1528] : memref<4x8192x1024xf32, #tpu.memory_space<hbm>> -> memref<1x32x1024xf32, #tpu.memory_space<hbm>>
    %dma_start3A_1530 = tpu.memref_squeeze %dma_start3A_1529 : memref<1x32x1024xf32, #tpu.memory_space<hbm>> -> memref<32x1024xf32, #tpu.memory_space<hbm>>
    %dma_start3A_1531 = arith.constant 0 : i32
    %dma_start3A_1532 = tpu.memref_slice %arg4[%select_n3A, %add3A_1527, %dma_start3A_1531] : memref<4x8192x1024xf32, #tpu.memory_space<hbm>> -> memref<1x32x1024xf32, #tpu.memory_space<hbm>>
    %dma_start3A_1533 = tpu.memref_squeeze %dma_start3A_1532 : memref<1x32x1024xf32, #tpu.memory_space<hbm>> -> memref<32x1024xf32, #tpu.memory_space<hbm>>
    tpu.enqueue_dma source(%arg10 : memref<32x1024xf32, #tpu.memory_space<vmem>>) target(%dma_start3A_1533 : memref<32x1024xf32, #tpu.memory_space<hbm>>) target_semaphore(%arg16 : memref<!tpu.dma_semaphore, #tpu.memory_space<semaphore_mem>>)
    %dma_wait3A_1534 = arith.constant 0 : i32
    %dma_wait3A_1535 = tpu.memref_slice %arg4[%select_n3A, %add3A_1527, %dma_wait3A_1534] : memref<4x8192x1024xf32, #tpu.memory_space<hbm>> -> memref<1x32x1024xf32, #tpu.memory_space<hbm>>
    %dma_wait3A_1536 = tpu.memref_squeeze %dma_wait3A_1535 : memref<1x32x1024xf32, #tpu.memory_space<hbm>> -> memref<32x1024xf32, #tpu.memory_space<hbm>>
    %dma_wait3A_1537 = arith.constant 0 : i32
    %dma_wait3A_1538 = tpu.memref_slice %arg4[%select_n3A, %add3A_1527, %dma_wait3A_1537] : memref<4x8192x1024xf32, #tpu.memory_space<hbm>> -> memref<1x32x1024xf32, #tpu.memory_space<hbm>>
    %dma_wait3A_1539 = tpu.memref_squeeze %dma_wait3A_1538 : memref<1x32x1024xf32, #tpu.memory_space<hbm>> -> memref<32x1024xf32, #tpu.memory_space<hbm>>
    tpu.wait_dma2 semaphore(%arg16 : memref<!tpu.dma_semaphore, #tpu.memory_space<semaphore_mem>>) src(%arg10 : memref<32x1024xf32, #tpu.memory_space<vmem>>) dst(%dma_wait3A_1539 : memref<32x1024xf32, #tpu.memory_space<hbm>>)
    %add3A_1540 = arith.constant 608 : i32
    %add3A_1541 = arith.addi %sub3A_21, %add3A_1540 : i32
    %add3A_1542 = arith.constant 0 : i32
    %add3A_1543 = arith.addi %add3A_1541, %add3A_1542 : i32
    %get3A_1544 = arith.index_cast %add3A_1543 : i32 to index
    %get3A_1545 = tpu.vector_load %arg5[%get3A_1544] {strides = array<i32>} : memref<8192xi32, #tpu.memory_space<vmem>>, vector<16xi32>,
    %eq3A_1546 = arith.constant 1 : i32
    %eq3A_1547 = vector.broadcast %eq3A_1546 : i32 to vector<16xi32>
    %eq3A_1548 = arith.cmpi eq, %get3A_1545, %eq3A_1547 : vector<16xi32>
    %jit3A_1549 = arith.constant 0 : i32
    %jit3A_1550 = arith.constant 1 : i32
    %broadcast_in_dim3A_1551 = vector.broadcast %jit3A_1549 : i32 to vector<16xi32>
    %broadcast_in_dim3A_1552 = vector.broadcast %jit3A_1550 : i32 to vector<16xi32>
    %select_n3A_1553 = arith.select %eq3A_1548, %broadcast_in_dim3A_1551, %broadcast_in_dim3A_1552 : vector<16xi1>, vector<16xi32>
    %broadcast_in_dim3A_1554 = arith.constant true
    %broadcast_in_dim3A_1555 = vector.broadcast %broadcast_in_dim3A_1554 : i1 to vector<16xi1>
    %masked_cumsum3A_1556 = tpu.scan <sum>, %select_n3A_1553 masked %broadcast_in_dim3A_1555 : vector<16xi32>, vector<16xi1> -> vector<16xi32>
    %add3A_1557 = vector.broadcast %add3A_1519 : i32 to vector<16xi32>
    %add3A_1558 = arith.addi %add3A_1557, %masked_cumsum3A_1556 : vector<16xi32>
    %mul3A_1559 = arith.muli %add3A_1558, %select_n3A_1553 : vector<16xi32>
    %add3A_1560 = arith.constant 1 : i32
    %add3A_1561 = vector.broadcast %add3A_1560 : i32 to vector<16xi32>
    %add3A_1562 = arith.addi %mul3A_1559, %add3A_1561 : vector<16xi32>
    %swap3A_1563 = arith.constant 0 : index
    %swap3A_1564 = tpu.vector_load %arg7[%swap3A_1563] {strides = array<i32>} : memref<32xi32, #tpu.memory_space<vmem>>, vector<16xi32>,
    tpu.vector_store %arg7[%swap3A_1563], %add3A_1562 {strides = array<i32>} : memref<32xi32, #tpu.memory_space<vmem>>, vector<16xi32>,
    %reduce_sum3A_1565 = arith.constant true
    %reduce_sum3A_1566 = vector.broadcast %reduce_sum3A_1565 : i1 to vector<16xi1>
    %reduce_sum3A_1567 = tpu.scan <sum>, %select_n3A_1553 masked %reduce_sum3A_1566 : vector<16xi32>, vector<16xi1> -> vector<16xi32>
    %reduce_sum3A_1568 = vector.extract %reduce_sum3A_1567[15] : i32 from vector<16xi32>
    %add3A_1569 = arith.addi %add3A_1519, %reduce_sum3A_1568 : i32
    %add3A_1570 = arith.constant 608 : i32
    %add3A_1571 = arith.addi %sub3A_21, %add3A_1570 : i32
    %add3A_1572 = arith.constant 16 : i32
    %add3A_1573 = arith.addi %add3A_1571, %add3A_1572 : i32
    %get3A_1574 = arith.index_cast %add3A_1573 : i32 to index
    %get3A_1575 = tpu.vector_load %arg5[%get3A_1574] {strides = array<i32>} : memref<8192xi32, #tpu.memory_space<vmem>>, vector<16xi32>,
    %eq3A_1576 = arith.constant 1 : i32
    %eq3A_1577 = vector.broadcast %eq3A_1576 : i32 to vector<16xi32>
    %eq3A_1578 = arith.cmpi eq, %get3A_1575, %eq3A_1577 : vector<16xi32>
    %jit3A_1579 = arith.constant 0 : i32
    %jit3A_1580 = arith.constant 1 : i32
    %broadcast_in_dim3A_1581 = vector.broadcast %jit3A_1579 : i32 to vector<16xi32>
    %broadcast_in_dim3A_1582 = vector.broadcast %jit3A_1580 : i32 to vector<16xi32>
    %select_n3A_1583 = arith.select %eq3A_1578, %broadcast_in_dim3A_1581, %broadcast_in_dim3A_1582 : vector<16xi1>, vector<16xi32>
    %broadcast_in_dim3A_1584 = arith.constant true
    %broadcast_in_dim3A_1585 = vector.broadcast %broadcast_in_dim3A_1584 : i1 to vector<16xi1>
    %masked_cumsum3A_1586 = tpu.scan <sum>, %select_n3A_1583 masked %broadcast_in_dim3A_1585 : vector<16xi32>, vector<16xi1> -> vector<16xi32>
    %add3A_1587 = vector.broadcast %add3A_1569 : i32 to vector<16xi32>
    %add3A_1588 = arith.addi %add3A_1587, %masked_cumsum3A_1586 : vector<16xi32>
    %mul3A_1589 = arith.muli %add3A_1588, %select_n3A_1583 : vector<16xi32>
    %add3A_1590 = arith.constant 1 : i32
    %add3A_1591 = vector.broadcast %add3A_1590 : i32 to vector<16xi32>
    %add3A_1592 = arith.addi %mul3A_1589, %add3A_1591 : vector<16xi32>
    %swap3A_1593 = arith.constant 16 : index
    %swap3A_1594 = tpu.vector_load %arg7[%swap3A_1593] {strides = array<i32>} : memref<32xi32, #tpu.memory_space<vmem>>, vector<16xi32>,
    tpu.vector_store %arg7[%swap3A_1593], %add3A_1592 {strides = array<i32>} : memref<32xi32, #tpu.memory_space<vmem>>, vector<16xi32>,
    %reduce_sum3A_1595 = arith.constant true
    %reduce_sum3A_1596 = vector.broadcast %reduce_sum3A_1595 : i1 to vector<16xi1>
    %reduce_sum3A_1597 = tpu.scan <sum>, %select_n3A_1583 masked %reduce_sum3A_1596 : vector<16xi32>, vector<16xi1> -> vector<16xi32>
    %reduce_sum3A_1598 = vector.extract %reduce_sum3A_1597[15] : i32 from vector<16xi32>
    %add3A_1599 = arith.addi %add3A_1569, %reduce_sum3A_1598 : i32
    %dma_start3A_1600 = arith.constant 0 : i32
    %dma_start3A_1601 = arith.constant 0 : i32
    %dma_start3A_1602 = tpu.memref_slice %arg3[%dma_start3A_1600, %dma_start3A_1601] : memref<16384x1024xf32, #tpu.memory_space<hbm>> -> memref<16384x1024xf32, #tpu.memory_space<hbm>>
    tpu.enqueue_indirect_dma source(%dma_start3A_1602 : memref<16384x1024xf32, #tpu.memory_space<hbm>>) target(%arg10 : memref<32x1024xf32, #tpu.memory_space<vmem>>) offsets(%arg7 : memref<32xi32, #tpu.memory_space<vmem>>) semaphore(%arg13 : memref<!tpu.dma_semaphore, #tpu.memory_space<semaphore_mem>>)
    %dma_wait3A_1603 = arith.constant 0 : i32
    %dma_wait3A_1604 = arith.constant 0 : i32
    %dma_wait3A_1605 = tpu.memref_slice %arg3[%dma_wait3A_1603, %dma_wait3A_1604] : memref<16384x1024xf32, #tpu.memory_space<hbm>> -> memref<16384x1024xf32, #tpu.memory_space<hbm>>
    tpu.wait_indirect_dma semaphore(%arg14 : memref<!tpu.dma_semaphore, #tpu.memory_space<semaphore_mem>>) src(%dma_wait3A_1605 : memref<16384x1024xf32, #tpu.memory_space<hbm>>) dst(%arg11 : memref<32x1024xf32, #tpu.memory_space<vmem>>)
    %add3A_1606 = arith.constant 544 : i32
    %add3A_1607 = arith.addi %sub3A_21, %add3A_1606 : i32
    %dma_start3A_1608 = arith.constant 0 : i32
    %dma_start3A_1609 = tpu.memref_slice %arg4[%select_n3A, %add3A_1607, %dma_start3A_1608] : memref<4x8192x1024xf32, #tpu.memory_space<hbm>> -> memref<1x32x1024xf32, #tpu.memory_space<hbm>>
    %dma_start3A_1610 = tpu.memref_squeeze %dma_start3A_1609 : memref<1x32x1024xf32, #tpu.memory_space<hbm>> -> memref<32x1024xf32, #tpu.memory_space<hbm>>
    %dma_start3A_1611 = arith.constant 0 : i32
    %dma_start3A_1612 = tpu.memref_slice %arg4[%select_n3A, %add3A_1607, %dma_start3A_1611] : memref<4x8192x1024xf32, #tpu.memory_space<hbm>> -> memref<1x32x1024xf32, #tpu.memory_space<hbm>>
    %dma_start3A_1613 = tpu.memref_squeeze %dma_start3A_1612 : memref<1x32x1024xf32, #tpu.memory_space<hbm>> -> memref<32x1024xf32, #tpu.memory_space<hbm>>
    tpu.enqueue_dma source(%arg11 : memref<32x1024xf32, #tpu.memory_space<vmem>>) target(%dma_start3A_1613 : memref<32x1024xf32, #tpu.memory_space<hbm>>) target_semaphore(%arg17 : memref<!tpu.dma_semaphore, #tpu.memory_space<semaphore_mem>>)
    %dma_wait3A_1614 = arith.constant 0 : i32
    %dma_wait3A_1615 = tpu.memref_slice %arg4[%select_n3A, %add3A_1607, %dma_wait3A_1614] : memref<4x8192x1024xf32, #tpu.memory_space<hbm>> -> memref<1x32x1024xf32, #tpu.memory_space<hbm>>
    %dma_wait3A_1616 = tpu.memref_squeeze %dma_wait3A_1615 : memref<1x32x1024xf32, #tpu.memory_space<hbm>> -> memref<32x1024xf32, #tpu.memory_space<hbm>>
    %dma_wait3A_1617 = arith.constant 0 : i32
    %dma_wait3A_1618 = tpu.memref_slice %arg4[%select_n3A, %add3A_1607, %dma_wait3A_1617] : memref<4x8192x1024xf32, #tpu.memory_space<hbm>> -> memref<1x32x1024xf32, #tpu.memory_space<hbm>>
    %dma_wait3A_1619 = tpu.memref_squeeze %dma_wait3A_1618 : memref<1x32x1024xf32, #tpu.memory_space<hbm>> -> memref<32x1024xf32, #tpu.memory_space<hbm>>
    tpu.wait_dma2 semaphore(%arg17 : memref<!tpu.dma_semaphore, #tpu.memory_space<semaphore_mem>>) src(%arg11 : memref<32x1024xf32, #tpu.memory_space<vmem>>) dst(%dma_wait3A_1619 : memref<32x1024xf32, #tpu.memory_space<hbm>>)
    %add3A_1620 = arith.constant 640 : i32
    %add3A_1621 = arith.addi %sub3A_21, %add3A_1620 : i32
    %add3A_1622 = arith.constant 0 : i32
    %add3A_1623 = arith.addi %add3A_1621, %add3A_1622 : i32
    %get3A_1624 = arith.index_cast %add3A_1623 : i32 to index
    %get3A_1625 = tpu.vector_load %arg5[%get3A_1624] {strides = array<i32>} : memref<8192xi32, #tpu.memory_space<vmem>>, vector<16xi32>,
    %eq3A_1626 = arith.constant 1 : i32
    %eq3A_1627 = vector.broadcast %eq3A_1626 : i32 to vector<16xi32>
    %eq3A_1628 = arith.cmpi eq, %get3A_1625, %eq3A_1627 : vector<16xi32>
    %jit3A_1629 = arith.constant 0 : i32
    %jit3A_1630 = arith.constant 1 : i32
    %broadcast_in_dim3A_1631 = vector.broadcast %jit3A_1629 : i32 to vector<16xi32>
    %broadcast_in_dim3A_1632 = vector.broadcast %jit3A_1630 : i32 to vector<16xi32>
    %select_n3A_1633 = arith.select %eq3A_1628, %broadcast_in_dim3A_1631, %broadcast_in_dim3A_1632 : vector<16xi1>, vector<16xi32>
    %broadcast_in_dim3A_1634 = arith.constant true
    %broadcast_in_dim3A_1635 = vector.broadcast %broadcast_in_dim3A_1634 : i1 to vector<16xi1>
    %masked_cumsum3A_1636 = tpu.scan <sum>, %select_n3A_1633 masked %broadcast_in_dim3A_1635 : vector<16xi32>, vector<16xi1> -> vector<16xi32>
    %add3A_1637 = vector.broadcast %add3A_1599 : i32 to vector<16xi32>
    %add3A_1638 = arith.addi %add3A_1637, %masked_cumsum3A_1636 : vector<16xi32>
    %mul3A_1639 = arith.muli %add3A_1638, %select_n3A_1633 : vector<16xi32>
    %add3A_1640 = arith.constant 1 : i32
    %add3A_1641 = vector.broadcast %add3A_1640 : i32 to vector<16xi32>
    %add3A_1642 = arith.addi %mul3A_1639, %add3A_1641 : vector<16xi32>
    %swap3A_1643 = arith.constant 0 : index
    %swap3A_1644 = tpu.vector_load %arg8[%swap3A_1643] {strides = array<i32>} : memref<32xi32, #tpu.memory_space<vmem>>, vector<16xi32>,
    tpu.vector_store %arg8[%swap3A_1643], %add3A_1642 {strides = array<i32>} : memref<32xi32, #tpu.memory_space<vmem>>, vector<16xi32>,
    %reduce_sum3A_1645 = arith.constant true
    %reduce_sum3A_1646 = vector.broadcast %reduce_sum3A_1645 : i1 to vector<16xi1>
    %reduce_sum3A_1647 = tpu.scan <sum>, %select_n3A_1633 masked %reduce_sum3A_1646 : vector<16xi32>, vector<16xi1> -> vector<16xi32>
    %reduce_sum3A_1648 = vector.extract %reduce_sum3A_1647[15] : i32 from vector<16xi32>
    %add3A_1649 = arith.addi %add3A_1599, %reduce_sum3A_1648 : i32
    %add3A_1650 = arith.constant 640 : i32
    %add3A_1651 = arith.addi %sub3A_21, %add3A_1650 : i32
    %add3A_1652 = arith.constant 16 : i32
    %add3A_1653 = arith.addi %add3A_1651, %add3A_1652 : i32
    %get3A_1654 = arith.index_cast %add3A_1653 : i32 to index
    %get3A_1655 = tpu.vector_load %arg5[%get3A_1654] {strides = array<i32>} : memref<8192xi32, #tpu.memory_space<vmem>>, vector<16xi32>,
    %eq3A_1656 = arith.constant 1 : i32
    %eq3A_1657 = vector.broadcast %eq3A_1656 : i32 to vector<16xi32>
    %eq3A_1658 = arith.cmpi eq, %get3A_1655, %eq3A_1657 : vector<16xi32>
    %jit3A_1659 = arith.constant 0 : i32
    %jit3A_1660 = arith.constant 1 : i32
    %broadcast_in_dim3A_1661 = vector.broadcast %jit3A_1659 : i32 to vector<16xi32>
    %broadcast_in_dim3A_1662 = vector.broadcast %jit3A_1660 : i32 to vector<16xi32>
    %select_n3A_1663 = arith.select %eq3A_1658, %broadcast_in_dim3A_1661, %broadcast_in_dim3A_1662 : vector<16xi1>, vector<16xi32>
    %broadcast_in_dim3A_1664 = arith.constant true
    %broadcast_in_dim3A_1665 = vector.broadcast %broadcast_in_dim3A_1664 : i1 to vector<16xi1>
    %masked_cumsum3A_1666 = tpu.scan <sum>, %select_n3A_1663 masked %broadcast_in_dim3A_1665 : vector<16xi32>, vector<16xi1> -> vector<16xi32>
    %add3A_1667 = vector.broadcast %add3A_1649 : i32 to vector<16xi32>
    %add3A_1668 = arith.addi %add3A_1667, %masked_cumsum3A_1666 : vector<16xi32>
    %mul3A_1669 = arith.muli %add3A_1668, %select_n3A_1663 : vector<16xi32>
    %add3A_1670 = arith.constant 1 : i32
    %add3A_1671 = vector.broadcast %add3A_1670 : i32 to vector<16xi32>
    %add3A_1672 = arith.addi %mul3A_1669, %add3A_1671 : vector<16xi32>
    %swap3A_1673 = arith.constant 16 : index
    %swap3A_1674 = tpu.vector_load %arg8[%swap3A_1673] {strides = array<i32>} : memref<32xi32, #tpu.memory_space<vmem>>, vector<16xi32>,
    tpu.vector_store %arg8[%swap3A_1673], %add3A_1672 {strides = array<i32>} : memref<32xi32, #tpu.memory_space<vmem>>, vector<16xi32>,
    %reduce_sum3A_1675 = arith.constant true
    %reduce_sum3A_1676 = vector.broadcast %reduce_sum3A_1675 : i1 to vector<16xi1>
    %reduce_sum3A_1677 = tpu.scan <sum>, %select_n3A_1663 masked %reduce_sum3A_1676 : vector<16xi32>, vector<16xi1> -> vector<16xi32>
    %reduce_sum3A_1678 = vector.extract %reduce_sum3A_1677[15] : i32 from vector<16xi32>
    %add3A_1679 = arith.addi %add3A_1649, %reduce_sum3A_1678 : i32
    %dma_start3A_1680 = arith.constant 0 : i32
    %dma_start3A_1681 = arith.constant 0 : i32
    %dma_start3A_1682 = tpu.memref_slice %arg3[%dma_start3A_1680, %dma_start3A_1681] : memref<16384x1024xf32, #tpu.memory_space<hbm>> -> memref<16384x1024xf32, #tpu.memory_space<hbm>>
    tpu.enqueue_indirect_dma source(%dma_start3A_1682 : memref<16384x1024xf32, #tpu.memory_space<hbm>>) target(%arg11 : memref<32x1024xf32, #tpu.memory_space<vmem>>) offsets(%arg8 : memref<32xi32, #tpu.memory_space<vmem>>) semaphore(%arg14 : memref<!tpu.dma_semaphore, #tpu.memory_space<semaphore_mem>>)
    %dma_wait3A_1683 = arith.constant 0 : i32
    %dma_wait3A_1684 = arith.constant 0 : i32
    %dma_wait3A_1685 = tpu.memref_slice %arg3[%dma_wait3A_1683, %dma_wait3A_1684] : memref<16384x1024xf32, #tpu.memory_space<hbm>> -> memref<16384x1024xf32, #tpu.memory_space<hbm>>
    tpu.wait_indirect_dma semaphore(%arg12 : memref<!tpu.dma_semaphore, #tpu.memory_space<semaphore_mem>>) src(%dma_wait3A_1685 : memref<16384x1024xf32, #tpu.memory_space<hbm>>) dst(%arg9 : memref<32x1024xf32, #tpu.memory_space<vmem>>)
    %add3A_1686 = arith.constant 576 : i32
    %add3A_1687 = arith.addi %sub3A_21, %add3A_1686 : i32
    %dma_start3A_1688 = arith.constant 0 : i32
    %dma_start3A_1689 = tpu.memref_slice %arg4[%select_n3A, %add3A_1687, %dma_start3A_1688] : memref<4x8192x1024xf32, #tpu.memory_space<hbm>> -> memref<1x32x1024xf32, #tpu.memory_space<hbm>>
    %dma_start3A_1690 = tpu.memref_squeeze %dma_start3A_1689 : memref<1x32x1024xf32, #tpu.memory_space<hbm>> -> memref<32x1024xf32, #tpu.memory_space<hbm>>
    %dma_start3A_1691 = arith.constant 0 : i32
    %dma_start3A_1692 = tpu.memref_slice %arg4[%select_n3A, %add3A_1687, %dma_start3A_1691] : memref<4x8192x1024xf32, #tpu.memory_space<hbm>> -> memref<1x32x1024xf32, #tpu.memory_space<hbm>>
    %dma_start3A_1693 = tpu.memref_squeeze %dma_start3A_1692 : memref<1x32x1024xf32, #tpu.memory_space<hbm>> -> memref<32x1024xf32, #tpu.memory_space<hbm>>
    tpu.enqueue_dma source(%arg9 : memref<32x1024xf32, #tpu.memory_space<vmem>>) target(%dma_start3A_1693 : memref<32x1024xf32, #tpu.memory_space<hbm>>) target_semaphore(%arg15 : memref<!tpu.dma_semaphore, #tpu.memory_space<semaphore_mem>>)
    %dma_wait3A_1694 = arith.constant 0 : i32
    %dma_wait3A_1695 = tpu.memref_slice %arg4[%select_n3A, %add3A_1687, %dma_wait3A_1694] : memref<4x8192x1024xf32, #tpu.memory_space<hbm>> -> memref<1x32x1024xf32, #tpu.memory_space<hbm>>
    %dma_wait3A_1696 = tpu.memref_squeeze %dma_wait3A_1695 : memref<1x32x1024xf32, #tpu.memory_space<hbm>> -> memref<32x1024xf32, #tpu.memory_space<hbm>>
    %dma_wait3A_1697 = arith.constant 0 : i32
    %dma_wait3A_1698 = tpu.memref_slice %arg4[%select_n3A, %add3A_1687, %dma_wait3A_1697] : memref<4x8192x1024xf32, #tpu.memory_space<hbm>> -> memref<1x32x1024xf32, #tpu.memory_space<hbm>>
    %dma_wait3A_1699 = tpu.memref_squeeze %dma_wait3A_1698 : memref<1x32x1024xf32, #tpu.memory_space<hbm>> -> memref<32x1024xf32, #tpu.memory_space<hbm>>
    tpu.wait_dma2 semaphore(%arg15 : memref<!tpu.dma_semaphore, #tpu.memory_space<semaphore_mem>>) src(%arg9 : memref<32x1024xf32, #tpu.memory_space<vmem>>) dst(%dma_wait3A_1699 : memref<32x1024xf32, #tpu.memory_space<hbm>>)
    %add3A_1700 = arith.constant 672 : i32
    %add3A_1701 = arith.addi %sub3A_21, %add3A_1700 : i32
    %add3A_1702 = arith.constant 0 : i32
    %add3A_1703 = arith.addi %add3A_1701, %add3A_1702 : i32
    %get3A_1704 = arith.index_cast %add3A_1703 : i32 to index
    %get3A_1705 = tpu.vector_load %arg5[%get3A_1704] {strides = array<i32>} : memref<8192xi32, #tpu.memory_space<vmem>>, vector<16xi32>,
    %eq3A_1706 = arith.constant 1 : i32
    %eq3A_1707 = vector.broadcast %eq3A_1706 : i32 to vector<16xi32>
    %eq3A_1708 = arith.cmpi eq, %get3A_1705, %eq3A_1707 : vector<16xi32>
    %jit3A_1709 = arith.constant 0 : i32
    %jit3A_1710 = arith.constant 1 : i32
    %broadcast_in_dim3A_1711 = vector.broadcast %jit3A_1709 : i32 to vector<16xi32>
    %broadcast_in_dim3A_1712 = vector.broadcast %jit3A_1710 : i32 to vector<16xi32>
    %select_n3A_1713 = arith.select %eq3A_1708, %broadcast_in_dim3A_1711, %broadcast_in_dim3A_1712 : vector<16xi1>, vector<16xi32>
    %broadcast_in_dim3A_1714 = arith.constant true
    %broadcast_in_dim3A_1715 = vector.broadcast %broadcast_in_dim3A_1714 : i1 to vector<16xi1>
    %masked_cumsum3A_1716 = tpu.scan <sum>, %select_n3A_1713 masked %broadcast_in_dim3A_1715 : vector<16xi32>, vector<16xi1> -> vector<16xi32>
    %add3A_1717 = vector.broadcast %add3A_1679 : i32 to vector<16xi32>
    %add3A_1718 = arith.addi %add3A_1717, %masked_cumsum3A_1716 : vector<16xi32>
    %mul3A_1719 = arith.muli %add3A_1718, %select_n3A_1713 : vector<16xi32>
    %add3A_1720 = arith.constant 1 : i32
    %add3A_1721 = vector.broadcast %add3A_1720 : i32 to vector<16xi32>
    %add3A_1722 = arith.addi %mul3A_1719, %add3A_1721 : vector<16xi32>
    %swap3A_1723 = arith.constant 0 : index
    %swap3A_1724 = tpu.vector_load %arg6[%swap3A_1723] {strides = array<i32>} : memref<32xi32, #tpu.memory_space<vmem>>, vector<16xi32>,
    tpu.vector_store %arg6[%swap3A_1723], %add3A_1722 {strides = array<i32>} : memref<32xi32, #tpu.memory_space<vmem>>, vector<16xi32>,
    %reduce_sum3A_1725 = arith.constant true
    %reduce_sum3A_1726 = vector.broadcast %reduce_sum3A_1725 : i1 to vector<16xi1>
    %reduce_sum3A_1727 = tpu.scan <sum>, %select_n3A_1713 masked %reduce_sum3A_1726 : vector<16xi32>, vector<16xi1> -> vector<16xi32>
    %reduce_sum3A_1728 = vector.extract %reduce_sum3A_1727[15] : i32 from vector<16xi32>
    %add3A_1729 = arith.addi %add3A_1679, %reduce_sum3A_1728 : i32
    %add3A_1730 = arith.constant 672 : i32
    %add3A_1731 = arith.addi %sub3A_21, %add3A_1730 : i32
    %add3A_1732 = arith.constant 16 : i32
    %add3A_1733 = arith.addi %add3A_1731, %add3A_1732 : i32
    %get3A_1734 = arith.index_cast %add3A_1733 : i32 to index
    %get3A_1735 = tpu.vector_load %arg5[%get3A_1734] {strides = array<i32>} : memref<8192xi32, #tpu.memory_space<vmem>>, vector<16xi32>,
    %eq3A_1736 = arith.constant 1 : i32
    %eq3A_1737 = vector.broadcast %eq3A_1736 : i32 to vector<16xi32>
    %eq3A_1738 = arith.cmpi eq, %get3A_1735, %eq3A_1737 : vector<16xi32>
    %jit3A_1739 = arith.constant 0 : i32
    %jit3A_1740 = arith.constant 1 : i32
    %broadcast_in_dim3A_1741 = vector.broadcast %jit3A_1739 : i32 to vector<16xi32>
    %broadcast_in_dim3A_1742 = vector.broadcast %jit3A_1740 : i32 to vector<16xi32>
    %select_n3A_1743 = arith.select %eq3A_1738, %broadcast_in_dim3A_1741, %broadcast_in_dim3A_1742 : vector<16xi1>, vector<16xi32>
    %broadcast_in_dim3A_1744 = arith.constant true
    %broadcast_in_dim3A_1745 = vector.broadcast %broadcast_in_dim3A_1744 : i1 to vector<16xi1>
    %masked_cumsum3A_1746 = tpu.scan <sum>, %select_n3A_1743 masked %broadcast_in_dim3A_1745 : vector<16xi32>, vector<16xi1> -> vector<16xi32>
    %add3A_1747 = vector.broadcast %add3A_1729 : i32 to vector<16xi32>
    %add3A_1748 = arith.addi %add3A_1747, %masked_cumsum3A_1746 : vector<16xi32>
    %mul3A_1749 = arith.muli %add3A_1748, %select_n3A_1743 : vector<16xi32>
    %add3A_1750 = arith.constant 1 : i32
    %add3A_1751 = vector.broadcast %add3A_1750 : i32 to vector<16xi32>
    %add3A_1752 = arith.addi %mul3A_1749, %add3A_1751 : vector<16xi32>
    %swap3A_1753 = arith.constant 16 : index
    %swap3A_1754 = tpu.vector_load %arg6[%swap3A_1753] {strides = array<i32>} : memref<32xi32, #tpu.memory_space<vmem>>, vector<16xi32>,
    tpu.vector_store %arg6[%swap3A_1753], %add3A_1752 {strides = array<i32>} : memref<32xi32, #tpu.memory_space<vmem>>, vector<16xi32>,
    %reduce_sum3A_1755 = arith.constant true
    %reduce_sum3A_1756 = vector.broadcast %reduce_sum3A_1755 : i1 to vector<16xi1>
    %reduce_sum3A_1757 = tpu.scan <sum>, %select_n3A_1743 masked %reduce_sum3A_1756 : vector<16xi32>, vector<16xi1> -> vector<16xi32>
    %reduce_sum3A_1758 = vector.extract %reduce_sum3A_1757[15] : i32 from vector<16xi32>
    %add3A_1759 = arith.addi %add3A_1729, %reduce_sum3A_1758 : i32
    %dma_start3A_1760 = arith.constant 0 : i32
    %dma_start3A_1761 = arith.constant 0 : i32
    %dma_start3A_1762 = tpu.memref_slice %arg3[%dma_start3A_1760, %dma_start3A_1761] : memref<16384x1024xf32, #tpu.memory_space<hbm>> -> memref<16384x1024xf32, #tpu.memory_space<hbm>>
    tpu.enqueue_indirect_dma source(%dma_start3A_1762 : memref<16384x1024xf32, #tpu.memory_space<hbm>>) target(%arg9 : memref<32x1024xf32, #tpu.memory_space<vmem>>) offsets(%arg6 : memref<32xi32, #tpu.memory_space<vmem>>) semaphore(%arg12 : memref<!tpu.dma_semaphore, #tpu.memory_space<semaphore_mem>>)
    %dma_wait3A_1763 = arith.constant 0 : i32
    %dma_wait3A_1764 = arith.constant 0 : i32
    %dma_wait3A_1765 = tpu.memref_slice %arg3[%dma_wait3A_1763, %dma_wait3A_1764] : memref<16384x1024xf32, #tpu.memory_space<hbm>> -> memref<16384x1024xf32, #tpu.memory_space<hbm>>
    tpu.wait_indirect_dma semaphore(%arg13 : memref<!tpu.dma_semaphore, #tpu.memory_space<semaphore_mem>>) src(%dma_wait3A_1765 : memref<16384x1024xf32, #tpu.memory_space<hbm>>) dst(%arg10 : memref<32x1024xf32, #tpu.memory_space<vmem>>)
    %add3A_1766 = arith.constant 608 : i32
    %add3A_1767 = arith.addi %sub3A_21, %add3A_1766 : i32
    %dma_start3A_1768 = arith.constant 0 : i32
    %dma_start3A_1769 = tpu.memref_slice %arg4[%select_n3A, %add3A_1767, %dma_start3A_1768] : memref<4x8192x1024xf32, #tpu.memory_space<hbm>> -> memref<1x32x1024xf32, #tpu.memory_space<hbm>>
    %dma_start3A_1770 = tpu.memref_squeeze %dma_start3A_1769 : memref<1x32x1024xf32, #tpu.memory_space<hbm>> -> memref<32x1024xf32, #tpu.memory_space<hbm>>
    %dma_start3A_1771 = arith.constant 0 : i32
    %dma_start3A_1772 = tpu.memref_slice %arg4[%select_n3A, %add3A_1767, %dma_start3A_1771] : memref<4x8192x1024xf32, #tpu.memory_space<hbm>> -> memref<1x32x1024xf32, #tpu.memory_space<hbm>>
    %dma_start3A_1773 = tpu.memref_squeeze %dma_start3A_1772 : memref<1x32x1024xf32, #tpu.memory_space<hbm>> -> memref<32x1024xf32, #tpu.memory_space<hbm>>
    tpu.enqueue_dma source(%arg10 : memref<32x1024xf32, #tpu.memory_space<vmem>>) target(%dma_start3A_1773 : memref<32x1024xf32, #tpu.memory_space<hbm>>) target_semaphore(%arg16 : memref<!tpu.dma_semaphore, #tpu.memory_space<semaphore_mem>>)
    %dma_wait3A_1774 = arith.constant 0 : i32
    %dma_wait3A_1775 = tpu.memref_slice %arg4[%select_n3A, %add3A_1767, %dma_wait3A_1774] : memref<4x8192x1024xf32, #tpu.memory_space<hbm>> -> memref<1x32x1024xf32, #tpu.memory_space<hbm>>
    %dma_wait3A_1776 = tpu.memref_squeeze %dma_wait3A_1775 : memref<1x32x1024xf32, #tpu.memory_space<hbm>> -> memref<32x1024xf32, #tpu.memory_space<hbm>>
    %dma_wait3A_1777 = arith.constant 0 : i32
    %dma_wait3A_1778 = tpu.memref_slice %arg4[%select_n3A, %add3A_1767, %dma_wait3A_1777] : memref<4x8192x1024xf32, #tpu.memory_space<hbm>> -> memref<1x32x1024xf32, #tpu.memory_space<hbm>>
    %dma_wait3A_1779 = tpu.memref_squeeze %dma_wait3A_1778 : memref<1x32x1024xf32, #tpu.memory_space<hbm>> -> memref<32x1024xf32, #tpu.memory_space<hbm>>
    tpu.wait_dma2 semaphore(%arg16 : memref<!tpu.dma_semaphore, #tpu.memory_space<semaphore_mem>>) src(%arg10 : memref<32x1024xf32, #tpu.memory_space<vmem>>) dst(%dma_wait3A_1779 : memref<32x1024xf32, #tpu.memory_space<hbm>>)
    %add3A_1780 = arith.constant 704 : i32
    %add3A_1781 = arith.addi %sub3A_21, %add3A_1780 : i32
    %add3A_1782 = arith.constant 0 : i32
    %add3A_1783 = arith.addi %add3A_1781, %add3A_1782 : i32
    %get3A_1784 = arith.index_cast %add3A_1783 : i32 to index
    %get3A_1785 = tpu.vector_load %arg5[%get3A_1784] {strides = array<i32>} : memref<8192xi32, #tpu.memory_space<vmem>>, vector<16xi32>,
    %eq3A_1786 = arith.constant 1 : i32
    %eq3A_1787 = vector.broadcast %eq3A_1786 : i32 to vector<16xi32>
    %eq3A_1788 = arith.cmpi eq, %get3A_1785, %eq3A_1787 : vector<16xi32>
    %jit3A_1789 = arith.constant 0 : i32
    %jit3A_1790 = arith.constant 1 : i32
    %broadcast_in_dim3A_1791 = vector.broadcast %jit3A_1789 : i32 to vector<16xi32>
    %broadcast_in_dim3A_1792 = vector.broadcast %jit3A_1790 : i32 to vector<16xi32>
    %select_n3A_1793 = arith.select %eq3A_1788, %broadcast_in_dim3A_1791, %broadcast_in_dim3A_1792 : vector<16xi1>, vector<16xi32>
    %broadcast_in_dim3A_1794 = arith.constant true
    %broadcast_in_dim3A_1795 = vector.broadcast %broadcast_in_dim3A_1794 : i1 to vector<16xi1>
    %masked_cumsum3A_1796 = tpu.scan <sum>, %select_n3A_1793 masked %broadcast_in_dim3A_1795 : vector<16xi32>, vector<16xi1> -> vector<16xi32>
    %add3A_1797 = vector.broadcast %add3A_1759 : i32 to vector<16xi32>
    %add3A_1798 = arith.addi %add3A_1797, %masked_cumsum3A_1796 : vector<16xi32>
    %mul3A_1799 = arith.muli %add3A_1798, %select_n3A_1793 : vector<16xi32>
    %add3A_1800 = arith.constant 1 : i32
    %add3A_1801 = vector.broadcast %add3A_1800 : i32 to vector<16xi32>
    %add3A_1802 = arith.addi %mul3A_1799, %add3A_1801 : vector<16xi32>
    %swap3A_1803 = arith.constant 0 : index
    %swap3A_1804 = tpu.vector_load %arg7[%swap3A_1803] {strides = array<i32>} : memref<32xi32, #tpu.memory_space<vmem>>, vector<16xi32>,
    tpu.vector_store %arg7[%swap3A_1803], %add3A_1802 {strides = array<i32>} : memref<32xi32, #tpu.memory_space<vmem>>, vector<16xi32>,
    %reduce_sum3A_1805 = arith.constant true
    %reduce_sum3A_1806 = vector.broadcast %reduce_sum3A_1805 : i1 to vector<16xi1>
    %reduce_sum3A_1807 = tpu.scan <sum>, %select_n3A_1793 masked %reduce_sum3A_1806 : vector<16xi32>, vector<16xi1> -> vector<16xi32>
    %reduce_sum3A_1808 = vector.extract %reduce_sum3A_1807[15] : i32 from vector<16xi32>
    %add3A_1809 = arith.addi %add3A_1759, %reduce_sum3A_1808 : i32
    %add3A_1810 = arith.constant 704 : i32
    %add3A_1811 = arith.addi %sub3A_21, %add3A_1810 : i32
    %add3A_1812 = arith.constant 16 : i32
    %add3A_1813 = arith.addi %add3A_1811, %add3A_1812 : i32
    %get3A_1814 = arith.index_cast %add3A_1813 : i32 to index
    %get3A_1815 = tpu.vector_load %arg5[%get3A_1814] {strides = array<i32>} : memref<8192xi32, #tpu.memory_space<vmem>>, vector<16xi32>,
    %eq3A_1816 = arith.constant 1 : i32
    %eq3A_1817 = vector.broadcast %eq3A_1816 : i32 to vector<16xi32>
    %eq3A_1818 = arith.cmpi eq, %get3A_1815, %eq3A_1817 : vector<16xi32>
    %jit3A_1819 = arith.constant 0 : i32
    %jit3A_1820 = arith.constant 1 : i32
    %broadcast_in_dim3A_1821 = vector.broadcast %jit3A_1819 : i32 to vector<16xi32>
    %broadcast_in_dim3A_1822 = vector.broadcast %jit3A_1820 : i32 to vector<16xi32>
    %select_n3A_1823 = arith.select %eq3A_1818, %broadcast_in_dim3A_1821, %broadcast_in_dim3A_1822 : vector<16xi1>, vector<16xi32>
    %broadcast_in_dim3A_1824 = arith.constant true
    %broadcast_in_dim3A_1825 = vector.broadcast %broadcast_in_dim3A_1824 : i1 to vector<16xi1>
    %masked_cumsum3A_1826 = tpu.scan <sum>, %select_n3A_1823 masked %broadcast_in_dim3A_1825 : vector<16xi32>, vector<16xi1> -> vector<16xi32>
    %add3A_1827 = vector.broadcast %add3A_1809 : i32 to vector<16xi32>
    %add3A_1828 = arith.addi %add3A_1827, %masked_cumsum3A_1826 : vector<16xi32>
    %mul3A_1829 = arith.muli %add3A_1828, %select_n3A_1823 : vector<16xi32>
    %add3A_1830 = arith.constant 1 : i32
    %add3A_1831 = vector.broadcast %add3A_1830 : i32 to vector<16xi32>
    %add3A_1832 = arith.addi %mul3A_1829, %add3A_1831 : vector<16xi32>
    %swap3A_1833 = arith.constant 16 : index
    %swap3A_1834 = tpu.vector_load %arg7[%swap3A_1833] {strides = array<i32>} : memref<32xi32, #tpu.memory_space<vmem>>, vector<16xi32>,
    tpu.vector_store %arg7[%swap3A_1833], %add3A_1832 {strides = array<i32>} : memref<32xi32, #tpu.memory_space<vmem>>, vector<16xi32>,
    %reduce_sum3A_1835 = arith.constant true
    %reduce_sum3A_1836 = vector.broadcast %reduce_sum3A_1835 : i1 to vector<16xi1>
    %reduce_sum3A_1837 = tpu.scan <sum>, %select_n3A_1823 masked %reduce_sum3A_1836 : vector<16xi32>, vector<16xi1> -> vector<16xi32>
    %reduce_sum3A_1838 = vector.extract %reduce_sum3A_1837[15] : i32 from vector<16xi32>
    %add3A_1839 = arith.addi %add3A_1809, %reduce_sum3A_1838 : i32
    %dma_start3A_1840 = arith.constant 0 : i32
    %dma_start3A_1841 = arith.constant 0 : i32
    %dma_start3A_1842 = tpu.memref_slice %arg3[%dma_start3A_1840, %dma_start3A_1841] : memref<16384x1024xf32, #tpu.memory_space<hbm>> -> memref<16384x1024xf32, #tpu.memory_space<hbm>>
    tpu.enqueue_indirect_dma source(%dma_start3A_1842 : memref<16384x1024xf32, #tpu.memory_space<hbm>>) target(%arg10 : memref<32x1024xf32, #tpu.memory_space<vmem>>) offsets(%arg7 : memref<32xi32, #tpu.memory_space<vmem>>) semaphore(%arg13 : memref<!tpu.dma_semaphore, #tpu.memory_space<semaphore_mem>>)
    %dma_wait3A_1843 = arith.constant 0 : i32
    %dma_wait3A_1844 = arith.constant 0 : i32
    %dma_wait3A_1845 = tpu.memref_slice %arg3[%dma_wait3A_1843, %dma_wait3A_1844] : memref<16384x1024xf32, #tpu.memory_space<hbm>> -> memref<16384x1024xf32, #tpu.memory_space<hbm>>
    tpu.wait_indirect_dma semaphore(%arg14 : memref<!tpu.dma_semaphore, #tpu.memory_space<semaphore_mem>>) src(%dma_wait3A_1845 : memref<16384x1024xf32, #tpu.memory_space<hbm>>) dst(%arg11 : memref<32x1024xf32, #tpu.memory_space<vmem>>)
    %add3A_1846 = arith.constant 640 : i32
    %add3A_1847 = arith.addi %sub3A_21, %add3A_1846 : i32
    %dma_start3A_1848 = arith.constant 0 : i32
    %dma_start3A_1849 = tpu.memref_slice %arg4[%select_n3A, %add3A_1847, %dma_start3A_1848] : memref<4x8192x1024xf32, #tpu.memory_space<hbm>> -> memref<1x32x1024xf32, #tpu.memory_space<hbm>>
    %dma_start3A_1850 = tpu.memref_squeeze %dma_start3A_1849 : memref<1x32x1024xf32, #tpu.memory_space<hbm>> -> memref<32x1024xf32, #tpu.memory_space<hbm>>
    %dma_start3A_1851 = arith.constant 0 : i32
    %dma_start3A_1852 = tpu.memref_slice %arg4[%select_n3A, %add3A_1847, %dma_start3A_1851] : memref<4x8192x1024xf32, #tpu.memory_space<hbm>> -> memref<1x32x1024xf32, #tpu.memory_space<hbm>>
    %dma_start3A_1853 = tpu.memref_squeeze %dma_start3A_1852 : memref<1x32x1024xf32, #tpu.memory_space<hbm>> -> memref<32x1024xf32, #tpu.memory_space<hbm>>
    tpu.enqueue_dma source(%arg11 : memref<32x1024xf32, #tpu.memory_space<vmem>>) target(%dma_start3A_1853 : memref<32x1024xf32, #tpu.memory_space<hbm>>) target_semaphore(%arg17 : memref<!tpu.dma_semaphore, #tpu.memory_space<semaphore_mem>>)
    %dma_wait3A_1854 = arith.constant 0 : i32
    %dma_wait3A_1855 = tpu.memref_slice %arg4[%select_n3A, %add3A_1847, %dma_wait3A_1854] : memref<4x8192x1024xf32, #tpu.memory_space<hbm>> -> memref<1x32x1024xf32, #tpu.memory_space<hbm>>
    %dma_wait3A_1856 = tpu.memref_squeeze %dma_wait3A_1855 : memref<1x32x1024xf32, #tpu.memory_space<hbm>> -> memref<32x1024xf32, #tpu.memory_space<hbm>>
    %dma_wait3A_1857 = arith.constant 0 : i32
    %dma_wait3A_1858 = tpu.memref_slice %arg4[%select_n3A, %add3A_1847, %dma_wait3A_1857] : memref<4x8192x1024xf32, #tpu.memory_space<hbm>> -> memref<1x32x1024xf32, #tpu.memory_space<hbm>>
    %dma_wait3A_1859 = tpu.memref_squeeze %dma_wait3A_1858 : memref<1x32x1024xf32, #tpu.memory_space<hbm>> -> memref<32x1024xf32, #tpu.memory_space<hbm>>
    tpu.wait_dma2 semaphore(%arg17 : memref<!tpu.dma_semaphore, #tpu.memory_space<semaphore_mem>>) src(%arg11 : memref<32x1024xf32, #tpu.memory_space<vmem>>) dst(%dma_wait3A_1859 : memref<32x1024xf32, #tpu.memory_space<hbm>>)
    %add3A_1860 = arith.constant 736 : i32
    %add3A_1861 = arith.addi %sub3A_21, %add3A_1860 : i32
    %add3A_1862 = arith.constant 0 : i32
    %add3A_1863 = arith.addi %add3A_1861, %add3A_1862 : i32
    %get3A_1864 = arith.index_cast %add3A_1863 : i32 to index
    %get3A_1865 = tpu.vector_load %arg5[%get3A_1864] {strides = array<i32>} : memref<8192xi32, #tpu.memory_space<vmem>>, vector<16xi32>,
    %eq3A_1866 = arith.constant 1 : i32
    %eq3A_1867 = vector.broadcast %eq3A_1866 : i32 to vector<16xi32>
    %eq3A_1868 = arith.cmpi eq, %get3A_1865, %eq3A_1867 : vector<16xi32>
    %jit3A_1869 = arith.constant 0 : i32
    %jit3A_1870 = arith.constant 1 : i32
    %broadcast_in_dim3A_1871 = vector.broadcast %jit3A_1869 : i32 to vector<16xi32>
    %broadcast_in_dim3A_1872 = vector.broadcast %jit3A_1870 : i32 to vector<16xi32>
    %select_n3A_1873 = arith.select %eq3A_1868, %broadcast_in_dim3A_1871, %broadcast_in_dim3A_1872 : vector<16xi1>, vector<16xi32>
    %broadcast_in_dim3A_1874 = arith.constant true
    %broadcast_in_dim3A_1875 = vector.broadcast %broadcast_in_dim3A_1874 : i1 to vector<16xi1>
    %masked_cumsum3A_1876 = tpu.scan <sum>, %select_n3A_1873 masked %broadcast_in_dim3A_1875 : vector<16xi32>, vector<16xi1> -> vector<16xi32>
    %add3A_1877 = vector.broadcast %add3A_1839 : i32 to vector<16xi32>
    %add3A_1878 = arith.addi %add3A_1877, %masked_cumsum3A_1876 : vector<16xi32>
    %mul3A_1879 = arith.muli %add3A_1878, %select_n3A_1873 : vector<16xi32>
    %add3A_1880 = arith.constant 1 : i32
    %add3A_1881 = vector.broadcast %add3A_1880 : i32 to vector<16xi32>
    %add3A_1882 = arith.addi %mul3A_1879, %add3A_1881 : vector<16xi32>
    %swap3A_1883 = arith.constant 0 : index
    %swap3A_1884 = tpu.vector_load %arg8[%swap3A_1883] {strides = array<i32>} : memref<32xi32, #tpu.memory_space<vmem>>, vector<16xi32>,
    tpu.vector_store %arg8[%swap3A_1883], %add3A_1882 {strides = array<i32>} : memref<32xi32, #tpu.memory_space<vmem>>, vector<16xi32>,
    %reduce_sum3A_1885 = arith.constant true
    %reduce_sum3A_1886 = vector.broadcast %reduce_sum3A_1885 : i1 to vector<16xi1>
    %reduce_sum3A_1887 = tpu.scan <sum>, %select_n3A_1873 masked %reduce_sum3A_1886 : vector<16xi32>, vector<16xi1> -> vector<16xi32>
    %reduce_sum3A_1888 = vector.extract %reduce_sum3A_1887[15] : i32 from vector<16xi32>
    %add3A_1889 = arith.addi %add3A_1839, %reduce_sum3A_1888 : i32
    %add3A_1890 = arith.constant 736 : i32
    %add3A_1891 = arith.addi %sub3A_21, %add3A_1890 : i32
    %add3A_1892 = arith.constant 16 : i32
    %add3A_1893 = arith.addi %add3A_1891, %add3A_1892 : i32
    %get3A_1894 = arith.index_cast %add3A_1893 : i32 to index
    %get3A_1895 = tpu.vector_load %arg5[%get3A_1894] {strides = array<i32>} : memref<8192xi32, #tpu.memory_space<vmem>>, vector<16xi32>,
    %eq3A_1896 = arith.constant 1 : i32
    %eq3A_1897 = vector.broadcast %eq3A_1896 : i32 to vector<16xi32>
    %eq3A_1898 = arith.cmpi eq, %get3A_1895, %eq3A_1897 : vector<16xi32>
    %jit3A_1899 = arith.constant 0 : i32
    %jit3A_1900 = arith.constant 1 : i32
    %broadcast_in_dim3A_1901 = vector.broadcast %jit3A_1899 : i32 to vector<16xi32>
    %broadcast_in_dim3A_1902 = vector.broadcast %jit3A_1900 : i32 to vector<16xi32>
    %select_n3A_1903 = arith.select %eq3A_1898, %broadcast_in_dim3A_1901, %broadcast_in_dim3A_1902 : vector<16xi1>, vector<16xi32>
    %broadcast_in_dim3A_1904 = arith.constant true
    %broadcast_in_dim3A_1905 = vector.broadcast %broadcast_in_dim3A_1904 : i1 to vector<16xi1>
    %masked_cumsum3A_1906 = tpu.scan <sum>, %select_n3A_1903 masked %broadcast_in_dim3A_1905 : vector<16xi32>, vector<16xi1> -> vector<16xi32>
    %add3A_1907 = vector.broadcast %add3A_1889 : i32 to vector<16xi32>
    %add3A_1908 = arith.addi %add3A_1907, %masked_cumsum3A_1906 : vector<16xi32>
    %mul3A_1909 = arith.muli %add3A_1908, %select_n3A_1903 : vector<16xi32>
    %add3A_1910 = arith.constant 1 : i32
    %add3A_1911 = vector.broadcast %add3A_1910 : i32 to vector<16xi32>
    %add3A_1912 = arith.addi %mul3A_1909, %add3A_1911 : vector<16xi32>
    %swap3A_1913 = arith.constant 16 : index
    %swap3A_1914 = tpu.vector_load %arg8[%swap3A_1913] {strides = array<i32>} : memref<32xi32, #tpu.memory_space<vmem>>, vector<16xi32>,
    tpu.vector_store %arg8[%swap3A_1913], %add3A_1912 {strides = array<i32>} : memref<32xi32, #tpu.memory_space<vmem>>, vector<16xi32>,
    %reduce_sum3A_1915 = arith.constant true
    %reduce_sum3A_1916 = vector.broadcast %reduce_sum3A_1915 : i1 to vector<16xi1>
    %reduce_sum3A_1917 = tpu.scan <sum>, %select_n3A_1903 masked %reduce_sum3A_1916 : vector<16xi32>, vector<16xi1> -> vector<16xi32>
    %reduce_sum3A_1918 = vector.extract %reduce_sum3A_1917[15] : i32 from vector<16xi32>
    %add3A_1919 = arith.addi %add3A_1889, %reduce_sum3A_1918 : i32
    %dma_start3A_1920 = arith.constant 0 : i32
    %dma_start3A_1921 = arith.constant 0 : i32
    %dma_start3A_1922 = tpu.memref_slice %arg3[%dma_start3A_1920, %dma_start3A_1921] : memref<16384x1024xf32, #tpu.memory_space<hbm>> -> memref<16384x1024xf32, #tpu.memory_space<hbm>>
    tpu.enqueue_indirect_dma source(%dma_start3A_1922 : memref<16384x1024xf32, #tpu.memory_space<hbm>>) target(%arg11 : memref<32x1024xf32, #tpu.memory_space<vmem>>) offsets(%arg8 : memref<32xi32, #tpu.memory_space<vmem>>) semaphore(%arg14 : memref<!tpu.dma_semaphore, #tpu.memory_space<semaphore_mem>>)
    %dma_wait3A_1923 = arith.constant 0 : i32
    %dma_wait3A_1924 = arith.constant 0 : i32
    %dma_wait3A_1925 = tpu.memref_slice %arg3[%dma_wait3A_1923, %dma_wait3A_1924] : memref<16384x1024xf32, #tpu.memory_space<hbm>> -> memref<16384x1024xf32, #tpu.memory_space<hbm>>
    tpu.wait_indirect_dma semaphore(%arg12 : memref<!tpu.dma_semaphore, #tpu.memory_space<semaphore_mem>>) src(%dma_wait3A_1925 : memref<16384x1024xf32, #tpu.memory_space<hbm>>) dst(%arg9 : memref<32x1024xf32, #tpu.memory_space<vmem>>)
    %add3A_1926 = arith.constant 672 : i32
    %add3A_1927 = arith.addi %sub3A_21, %add3A_1926 : i32
    %dma_start3A_1928 = arith.constant 0 : i32
    %dma_start3A_1929 = tpu.memref_slice %arg4[%select_n3A, %add3A_1927, %dma_start3A_1928] : memref<4x8192x1024xf32, #tpu.memory_space<hbm>> -> memref<1x32x1024xf32, #tpu.memory_space<hbm>>
    %dma_start3A_1930 = tpu.memref_squeeze %dma_start3A_1929 : memref<1x32x1024xf32, #tpu.memory_space<hbm>> -> memref<32x1024xf32, #tpu.memory_space<hbm>>
    %dma_start3A_1931 = arith.constant 0 : i32
    %dma_start3A_1932 = tpu.memref_slice %arg4[%select_n3A, %add3A_1927, %dma_start3A_1931] : memref<4x8192x1024xf32, #tpu.memory_space<hbm>> -> memref<1x32x1024xf32, #tpu.memory_space<hbm>>
    %dma_start3A_1933 = tpu.memref_squeeze %dma_start3A_1932 : memref<1x32x1024xf32, #tpu.memory_space<hbm>> -> memref<32x1024xf32, #tpu.memory_space<hbm>>
    tpu.enqueue_dma source(%arg9 : memref<32x1024xf32, #tpu.memory_space<vmem>>) target(%dma_start3A_1933 : memref<32x1024xf32, #tpu.memory_space<hbm>>) target_semaphore(%arg15 : memref<!tpu.dma_semaphore, #tpu.memory_space<semaphore_mem>>)
    %dma_wait3A_1934 = arith.constant 0 : i32
    %dma_wait3A_1935 = tpu.memref_slice %arg4[%select_n3A, %add3A_1927, %dma_wait3A_1934] : memref<4x8192x1024xf32, #tpu.memory_space<hbm>> -> memref<1x32x1024xf32, #tpu.memory_space<hbm>>
    %dma_wait3A_1936 = tpu.memref_squeeze %dma_wait3A_1935 : memref<1x32x1024xf32, #tpu.memory_space<hbm>> -> memref<32x1024xf32, #tpu.memory_space<hbm>>
    %dma_wait3A_1937 = arith.constant 0 : i32
    %dma_wait3A_1938 = tpu.memref_slice %arg4[%select_n3A, %add3A_1927, %dma_wait3A_1937] : memref<4x8192x1024xf32, #tpu.memory_space<hbm>> -> memref<1x32x1024xf32, #tpu.memory_space<hbm>>
    %dma_wait3A_1939 = tpu.memref_squeeze %dma_wait3A_1938 : memref<1x32x1024xf32, #tpu.memory_space<hbm>> -> memref<32x1024xf32, #tpu.memory_space<hbm>>
    tpu.wait_dma2 semaphore(%arg15 : memref<!tpu.dma_semaphore, #tpu.memory_space<semaphore_mem>>) src(%arg9 : memref<32x1024xf32, #tpu.memory_space<vmem>>) dst(%dma_wait3A_1939 : memref<32x1024xf32, #tpu.memory_space<hbm>>)
    %add3A_1940 = arith.constant 768 : i32
    %add3A_1941 = arith.addi %sub3A_21, %add3A_1940 : i32
    %add3A_1942 = arith.constant 0 : i32
    %add3A_1943 = arith.addi %add3A_1941, %add3A_1942 : i32
    %get3A_1944 = arith.index_cast %add3A_1943 : i32 to index
    %get3A_1945 = tpu.vector_load %arg5[%get3A_1944] {strides = array<i32>} : memref<8192xi32, #tpu.memory_space<vmem>>, vector<16xi32>,
    %eq3A_1946 = arith.constant 1 : i32
    %eq3A_1947 = vector.broadcast %eq3A_1946 : i32 to vector<16xi32>
    %eq3A_1948 = arith.cmpi eq, %get3A_1945, %eq3A_1947 : vector<16xi32>
    %jit3A_1949 = arith.constant 0 : i32
    %jit3A_1950 = arith.constant 1 : i32
    %broadcast_in_dim3A_1951 = vector.broadcast %jit3A_1949 : i32 to vector<16xi32>
    %broadcast_in_dim3A_1952 = vector.broadcast %jit3A_1950 : i32 to vector<16xi32>
    %select_n3A_1953 = arith.select %eq3A_1948, %broadcast_in_dim3A_1951, %broadcast_in_dim3A_1952 : vector<16xi1>, vector<16xi32>
    %broadcast_in_dim3A_1954 = arith.constant true
    %broadcast_in_dim3A_1955 = vector.broadcast %broadcast_in_dim3A_1954 : i1 to vector<16xi1>
    %masked_cumsum3A_1956 = tpu.scan <sum>, %select_n3A_1953 masked %broadcast_in_dim3A_1955 : vector<16xi32>, vector<16xi1> -> vector<16xi32>
    %add3A_1957 = vector.broadcast %add3A_1919 : i32 to vector<16xi32>
    %add3A_1958 = arith.addi %add3A_1957, %masked_cumsum3A_1956 : vector<16xi32>
    %mul3A_1959 = arith.muli %add3A_1958, %select_n3A_1953 : vector<16xi32>
    %add3A_1960 = arith.constant 1 : i32
    %add3A_1961 = vector.broadcast %add3A_1960 : i32 to vector<16xi32>
    %add3A_1962 = arith.addi %mul3A_1959, %add3A_1961 : vector<16xi32>
    %swap3A_1963 = arith.constant 0 : index
    %swap3A_1964 = tpu.vector_load %arg6[%swap3A_1963] {strides = array<i32>} : memref<32xi32, #tpu.memory_space<vmem>>, vector<16xi32>,
    tpu.vector_store %arg6[%swap3A_1963], %add3A_1962 {strides = array<i32>} : memref<32xi32, #tpu.memory_space<vmem>>, vector<16xi32>,
    %reduce_sum3A_1965 = arith.constant true
    %reduce_sum3A_1966 = vector.broadcast %reduce_sum3A_1965 : i1 to vector<16xi1>
    %reduce_sum3A_1967 = tpu.scan <sum>, %select_n3A_1953 masked %reduce_sum3A_1966 : vector<16xi32>, vector<16xi1> -> vector<16xi32>
    %reduce_sum3A_1968 = vector.extract %reduce_sum3A_1967[15] : i32 from vector<16xi32>
    %add3A_1969 = arith.addi %add3A_1919, %reduce_sum3A_1968 : i32
    %add3A_1970 = arith.constant 768 : i32
    %add3A_1971 = arith.addi %sub3A_21, %add3A_1970 : i32
    %add3A_1972 = arith.constant 16 : i32
    %add3A_1973 = arith.addi %add3A_1971, %add3A_1972 : i32
    %get3A_1974 = arith.index_cast %add3A_1973 : i32 to index
    %get3A_1975 = tpu.vector_load %arg5[%get3A_1974] {strides = array<i32>} : memref<8192xi32, #tpu.memory_space<vmem>>, vector<16xi32>,
    %eq3A_1976 = arith.constant 1 : i32
    %eq3A_1977 = vector.broadcast %eq3A_1976 : i32 to vector<16xi32>
    %eq3A_1978 = arith.cmpi eq, %get3A_1975, %eq3A_1977 : vector<16xi32>
    %jit3A_1979 = arith.constant 0 : i32
    %jit3A_1980 = arith.constant 1 : i32
    %broadcast_in_dim3A_1981 = vector.broadcast %jit3A_1979 : i32 to vector<16xi32>
    %broadcast_in_dim3A_1982 = vector.broadcast %jit3A_1980 : i32 to vector<16xi32>
    %select_n3A_1983 = arith.select %eq3A_1978, %broadcast_in_dim3A_1981, %broadcast_in_dim3A_1982 : vector<16xi1>, vector<16xi32>
    %broadcast_in_dim3A_1984 = arith.constant true
    %broadcast_in_dim3A_1985 = vector.broadcast %broadcast_in_dim3A_1984 : i1 to vector<16xi1>
    %masked_cumsum3A_1986 = tpu.scan <sum>, %select_n3A_1983 masked %broadcast_in_dim3A_1985 : vector<16xi32>, vector<16xi1> -> vector<16xi32>
    %add3A_1987 = vector.broadcast %add3A_1969 : i32 to vector<16xi32>
    %add3A_1988 = arith.addi %add3A_1987, %masked_cumsum3A_1986 : vector<16xi32>
    %mul3A_1989 = arith.muli %add3A_1988, %select_n3A_1983 : vector<16xi32>
    %add3A_1990 = arith.constant 1 : i32
    %add3A_1991 = vector.broadcast %add3A_1990 : i32 to vector<16xi32>
    %add3A_1992 = arith.addi %mul3A_1989, %add3A_1991 : vector<16xi32>
    %swap3A_1993 = arith.constant 16 : index
    %swap3A_1994 = tpu.vector_load %arg6[%swap3A_1993] {strides = array<i32>} : memref<32xi32, #tpu.memory_space<vmem>>, vector<16xi32>,
    tpu.vector_store %arg6[%swap3A_1993], %add3A_1992 {strides = array<i32>} : memref<32xi32, #tpu.memory_space<vmem>>, vector<16xi32>,
    %reduce_sum3A_1995 = arith.constant true
    %reduce_sum3A_1996 = vector.broadcast %reduce_sum3A_1995 : i1 to vector<16xi1>
    %reduce_sum3A_1997 = tpu.scan <sum>, %select_n3A_1983 masked %reduce_sum3A_1996 : vector<16xi32>, vector<16xi1> -> vector<16xi32>
    %reduce_sum3A_1998 = vector.extract %reduce_sum3A_1997[15] : i32 from vector<16xi32>
    %add3A_1999 = arith.addi %add3A_1969, %reduce_sum3A_1998 : i32
    %dma_start3A_2000 = arith.constant 0 : i32
    %dma_start3A_2001 = arith.constant 0 : i32
    %dma_start3A_2002 = tpu.memref_slice %arg3[%dma_start3A_2000, %dma_start3A_2001] : memref<16384x1024xf32, #tpu.memory_space<hbm>> -> memref<16384x1024xf32, #tpu.memory_space<hbm>>
    tpu.enqueue_indirect_dma source(%dma_start3A_2002 : memref<16384x1024xf32, #tpu.memory_space<hbm>>) target(%arg9 : memref<32x1024xf32, #tpu.memory_space<vmem>>) offsets(%arg6 : memref<32xi32, #tpu.memory_space<vmem>>) semaphore(%arg12 : memref<!tpu.dma_semaphore, #tpu.memory_space<semaphore_mem>>)
    %dma_wait3A_2003 = arith.constant 0 : i32
    %dma_wait3A_2004 = arith.constant 0 : i32
    %dma_wait3A_2005 = tpu.memref_slice %arg3[%dma_wait3A_2003, %dma_wait3A_2004] : memref<16384x1024xf32, #tpu.memory_space<hbm>> -> memref<16384x1024xf32, #tpu.memory_space<hbm>>
    tpu.wait_indirect_dma semaphore(%arg13 : memref<!tpu.dma_semaphore, #tpu.memory_space<semaphore_mem>>) src(%dma_wait3A_2005 : memref<16384x1024xf32, #tpu.memory_space<hbm>>) dst(%arg10 : memref<32x1024xf32, #tpu.memory_space<vmem>>)
    %add3A_2006 = arith.constant 704 : i32
    %add3A_2007 = arith.addi %sub3A_21, %add3A_2006 : i32
    %dma_start3A_2008 = arith.constant 0 : i32
    %dma_start3A_2009 = tpu.memref_slice %arg4[%select_n3A, %add3A_2007, %dma_start3A_2008] : memref<4x8192x1024xf32, #tpu.memory_space<hbm>> -> memref<1x32x1024xf32, #tpu.memory_space<hbm>>
    %dma_start3A_2010 = tpu.memref_squeeze %dma_start3A_2009 : memref<1x32x1024xf32, #tpu.memory_space<hbm>> -> memref<32x1024xf32, #tpu.memory_space<hbm>>
    %dma_start3A_2011 = arith.constant 0 : i32
    %dma_start3A_2012 = tpu.memref_slice %arg4[%select_n3A, %add3A_2007, %dma_start3A_2011] : memref<4x8192x1024xf32, #tpu.memory_space<hbm>> -> memref<1x32x1024xf32, #tpu.memory_space<hbm>>
    %dma_start3A_2013 = tpu.memref_squeeze %dma_start3A_2012 : memref<1x32x1024xf32, #tpu.memory_space<hbm>> -> memref<32x1024xf32, #tpu.memory_space<hbm>>
    tpu.enqueue_dma source(%arg10 : memref<32x1024xf32, #tpu.memory_space<vmem>>) target(%dma_start3A_2013 : memref<32x1024xf32, #tpu.memory_space<hbm>>) target_semaphore(%arg16 : memref<!tpu.dma_semaphore, #tpu.memory_space<semaphore_mem>>)
    %dma_wait3A_2014 = arith.constant 0 : i32
    %dma_wait3A_2015 = tpu.memref_slice %arg4[%select_n3A, %add3A_2007, %dma_wait3A_2014] : memref<4x8192x1024xf32, #tpu.memory_space<hbm>> -> memref<1x32x1024xf32, #tpu.memory_space<hbm>>
    %dma_wait3A_2016 = tpu.memref_squeeze %dma_wait3A_2015 : memref<1x32x1024xf32, #tpu.memory_space<hbm>> -> memref<32x1024xf32, #tpu.memory_space<hbm>>
    %dma_wait3A_2017 = arith.constant 0 : i32
    %dma_wait3A_2018 = tpu.memref_slice %arg4[%select_n3A, %add3A_2007, %dma_wait3A_2017] : memref<4x8192x1024xf32, #tpu.memory_space<hbm>> -> memref<1x32x1024xf32, #tpu.memory_space<hbm>>
    %dma_wait3A_2019 = tpu.memref_squeeze %dma_wait3A_2018 : memref<1x32x1024xf32, #tpu.memory_space<hbm>> -> memref<32x1024xf32, #tpu.memory_space<hbm>>
    tpu.wait_dma2 semaphore(%arg16 : memref<!tpu.dma_semaphore, #tpu.memory_space<semaphore_mem>>) src(%arg10 : memref<32x1024xf32, #tpu.memory_space<vmem>>) dst(%dma_wait3A_2019 : memref<32x1024xf32, #tpu.memory_space<hbm>>)
    %add3A_2020 = arith.constant 800 : i32
    %add3A_2021 = arith.addi %sub3A_21, %add3A_2020 : i32
    %add3A_2022 = arith.constant 0 : i32
    %add3A_2023 = arith.addi %add3A_2021, %add3A_2022 : i32
    %get3A_2024 = arith.index_cast %add3A_2023 : i32 to index
    %get3A_2025 = tpu.vector_load %arg5[%get3A_2024] {strides = array<i32>} : memref<8192xi32, #tpu.memory_space<vmem>>, vector<16xi32>,
    %eq3A_2026 = arith.constant 1 : i32
    %eq3A_2027 = vector.broadcast %eq3A_2026 : i32 to vector<16xi32>
    %eq3A_2028 = arith.cmpi eq, %get3A_2025, %eq3A_2027 : vector<16xi32>
    %jit3A_2029 = arith.constant 0 : i32
    %jit3A_2030 = arith.constant 1 : i32
    %broadcast_in_dim3A_2031 = vector.broadcast %jit3A_2029 : i32 to vector<16xi32>
    %broadcast_in_dim3A_2032 = vector.broadcast %jit3A_2030 : i32 to vector<16xi32>
    %select_n3A_2033 = arith.select %eq3A_2028, %broadcast_in_dim3A_2031, %broadcast_in_dim3A_2032 : vector<16xi1>, vector<16xi32>
    %broadcast_in_dim3A_2034 = arith.constant true
    %broadcast_in_dim3A_2035 = vector.broadcast %broadcast_in_dim3A_2034 : i1 to vector<16xi1>
    %masked_cumsum3A_2036 = tpu.scan <sum>, %select_n3A_2033 masked %broadcast_in_dim3A_2035 : vector<16xi32>, vector<16xi1> -> vector<16xi32>
    %add3A_2037 = vector.broadcast %add3A_1999 : i32 to vector<16xi32>
    %add3A_2038 = arith.addi %add3A_2037, %masked_cumsum3A_2036 : vector<16xi32>
    %mul3A_2039 = arith.muli %add3A_2038, %select_n3A_2033 : vector<16xi32>
    %add3A_2040 = arith.constant 1 : i32
    %add3A_2041 = vector.broadcast %add3A_2040 : i32 to vector<16xi32>
    %add3A_2042 = arith.addi %mul3A_2039, %add3A_2041 : vector<16xi32>
    %swap3A_2043 = arith.constant 0 : index
    %swap3A_2044 = tpu.vector_load %arg7[%swap3A_2043] {strides = array<i32>} : memref<32xi32, #tpu.memory_space<vmem>>, vector<16xi32>,
    tpu.vector_store %arg7[%swap3A_2043], %add3A_2042 {strides = array<i32>} : memref<32xi32, #tpu.memory_space<vmem>>, vector<16xi32>,
    %reduce_sum3A_2045 = arith.constant true
    %reduce_sum3A_2046 = vector.broadcast %reduce_sum3A_2045 : i1 to vector<16xi1>
    %reduce_sum3A_2047 = tpu.scan <sum>, %select_n3A_2033 masked %reduce_sum3A_2046 : vector<16xi32>, vector<16xi1> -> vector<16xi32>
    %reduce_sum3A_2048 = vector.extract %reduce_sum3A_2047[15] : i32 from vector<16xi32>
    %add3A_2049 = arith.addi %add3A_1999, %reduce_sum3A_2048 : i32
    %add3A_2050 = arith.constant 800 : i32
    %add3A_2051 = arith.addi %sub3A_21, %add3A_2050 : i32
    %add3A_2052 = arith.constant 16 : i32
    %add3A_2053 = arith.addi %add3A_2051, %add3A_2052 : i32
    %get3A_2054 = arith.index_cast %add3A_2053 : i32 to index
    %get3A_2055 = tpu.vector_load %arg5[%get3A_2054] {strides = array<i32>} : memref<8192xi32, #tpu.memory_space<vmem>>, vector<16xi32>,
    %eq3A_2056 = arith.constant 1 : i32
    %eq3A_2057 = vector.broadcast %eq3A_2056 : i32 to vector<16xi32>
    %eq3A_2058 = arith.cmpi eq, %get3A_2055, %eq3A_2057 : vector<16xi32>
    %jit3A_2059 = arith.constant 0 : i32
    %jit3A_2060 = arith.constant 1 : i32
    %broadcast_in_dim3A_2061 = vector.broadcast %jit3A_2059 : i32 to vector<16xi32>
    %broadcast_in_dim3A_2062 = vector.broadcast %jit3A_2060 : i32 to vector<16xi32>
    %select_n3A_2063 = arith.select %eq3A_2058, %broadcast_in_dim3A_2061, %broadcast_in_dim3A_2062 : vector<16xi1>, vector<16xi32>
    %broadcast_in_dim3A_2064 = arith.constant true
    %broadcast_in_dim3A_2065 = vector.broadcast %broadcast_in_dim3A_2064 : i1 to vector<16xi1>
    %masked_cumsum3A_2066 = tpu.scan <sum>, %select_n3A_2063 masked %broadcast_in_dim3A_2065 : vector<16xi32>, vector<16xi1> -> vector<16xi32>
    %add3A_2067 = vector.broadcast %add3A_2049 : i32 to vector<16xi32>
    %add3A_2068 = arith.addi %add3A_2067, %masked_cumsum3A_2066 : vector<16xi32>
    %mul3A_2069 = arith.muli %add3A_2068, %select_n3A_2063 : vector<16xi32>
    %add3A_2070 = arith.constant 1 : i32
    %add3A_2071 = vector.broadcast %add3A_2070 : i32 to vector<16xi32>
    %add3A_2072 = arith.addi %mul3A_2069, %add3A_2071 : vector<16xi32>
    %swap3A_2073 = arith.constant 16 : index
    %swap3A_2074 = tpu.vector_load %arg7[%swap3A_2073] {strides = array<i32>} : memref<32xi32, #tpu.memory_space<vmem>>, vector<16xi32>,
    tpu.vector_store %arg7[%swap3A_2073], %add3A_2072 {strides = array<i32>} : memref<32xi32, #tpu.memory_space<vmem>>, vector<16xi32>,
    %reduce_sum3A_2075 = arith.constant true
    %reduce_sum3A_2076 = vector.broadcast %reduce_sum3A_2075 : i1 to vector<16xi1>
    %reduce_sum3A_2077 = tpu.scan <sum>, %select_n3A_2063 masked %reduce_sum3A_2076 : vector<16xi32>, vector<16xi1> -> vector<16xi32>
    %reduce_sum3A_2078 = vector.extract %reduce_sum3A_2077[15] : i32 from vector<16xi32>
    %add3A_2079 = arith.addi %add3A_2049, %reduce_sum3A_2078 : i32
    %dma_start3A_2080 = arith.constant 0 : i32
    %dma_start3A_2081 = arith.constant 0 : i32
    %dma_start3A_2082 = tpu.memref_slice %arg3[%dma_start3A_2080, %dma_start3A_2081] : memref<16384x1024xf32, #tpu.memory_space<hbm>> -> memref<16384x1024xf32, #tpu.memory_space<hbm>>
    tpu.enqueue_indirect_dma source(%dma_start3A_2082 : memref<16384x1024xf32, #tpu.memory_space<hbm>>) target(%arg10 : memref<32x1024xf32, #tpu.memory_space<vmem>>) offsets(%arg7 : memref<32xi32, #tpu.memory_space<vmem>>) semaphore(%arg13 : memref<!tpu.dma_semaphore, #tpu.memory_space<semaphore_mem>>)
    %dma_wait3A_2083 = arith.constant 0 : i32
    %dma_wait3A_2084 = arith.constant 0 : i32
    %dma_wait3A_2085 = tpu.memref_slice %arg3[%dma_wait3A_2083, %dma_wait3A_2084] : memref<16384x1024xf32, #tpu.memory_space<hbm>> -> memref<16384x1024xf32, #tpu.memory_space<hbm>>
    tpu.wait_indirect_dma semaphore(%arg14 : memref<!tpu.dma_semaphore, #tpu.memory_space<semaphore_mem>>) src(%dma_wait3A_2085 : memref<16384x1024xf32, #tpu.memory_space<hbm>>) dst(%arg11 : memref<32x1024xf32, #tpu.memory_space<vmem>>)
    %add3A_2086 = arith.constant 736 : i32
    %add3A_2087 = arith.addi %sub3A_21, %add3A_2086 : i32
    %dma_start3A_2088 = arith.constant 0 : i32
    %dma_start3A_2089 = tpu.memref_slice %arg4[%select_n3A, %add3A_2087, %dma_start3A_2088] : memref<4x8192x1024xf32, #tpu.memory_space<hbm>> -> memref<1x32x1024xf32, #tpu.memory_space<hbm>>
    %dma_start3A_2090 = tpu.memref_squeeze %dma_start3A_2089 : memref<1x32x1024xf32, #tpu.memory_space<hbm>> -> memref<32x1024xf32, #tpu.memory_space<hbm>>
    %dma_start3A_2091 = arith.constant 0 : i32
    %dma_start3A_2092 = tpu.memref_slice %arg4[%select_n3A, %add3A_2087, %dma_start3A_2091] : memref<4x8192x1024xf32, #tpu.memory_space<hbm>> -> memref<1x32x1024xf32, #tpu.memory_space<hbm>>
    %dma_start3A_2093 = tpu.memref_squeeze %dma_start3A_2092 : memref<1x32x1024xf32, #tpu.memory_space<hbm>> -> memref<32x1024xf32, #tpu.memory_space<hbm>>
    tpu.enqueue_dma source(%arg11 : memref<32x1024xf32, #tpu.memory_space<vmem>>) target(%dma_start3A_2093 : memref<32x1024xf32, #tpu.memory_space<hbm>>) target_semaphore(%arg17 : memref<!tpu.dma_semaphore, #tpu.memory_space<semaphore_mem>>)
    %dma_wait3A_2094 = arith.constant 0 : i32
    %dma_wait3A_2095 = tpu.memref_slice %arg4[%select_n3A, %add3A_2087, %dma_wait3A_2094] : memref<4x8192x1024xf32, #tpu.memory_space<hbm>> -> memref<1x32x1024xf32, #tpu.memory_space<hbm>>
    %dma_wait3A_2096 = tpu.memref_squeeze %dma_wait3A_2095 : memref<1x32x1024xf32, #tpu.memory_space<hbm>> -> memref<32x1024xf32, #tpu.memory_space<hbm>>
    %dma_wait3A_2097 = arith.constant 0 : i32
    %dma_wait3A_2098 = tpu.memref_slice %arg4[%select_n3A, %add3A_2087, %dma_wait3A_2097] : memref<4x8192x1024xf32, #tpu.memory_space<hbm>> -> memref<1x32x1024xf32, #tpu.memory_space<hbm>>
    %dma_wait3A_2099 = tpu.memref_squeeze %dma_wait3A_2098 : memref<1x32x1024xf32, #tpu.memory_space<hbm>> -> memref<32x1024xf32, #tpu.memory_space<hbm>>
    tpu.wait_dma2 semaphore(%arg17 : memref<!tpu.dma_semaphore, #tpu.memory_space<semaphore_mem>>) src(%arg11 : memref<32x1024xf32, #tpu.memory_space<vmem>>) dst(%dma_wait3A_2099 : memref<32x1024xf32, #tpu.memory_space<hbm>>)
    %add3A_2100 = arith.constant 832 : i32
    %add3A_2101 = arith.addi %sub3A_21, %add3A_2100 : i32
    %add3A_2102 = arith.constant 0 : i32
    %add3A_2103 = arith.addi %add3A_2101, %add3A_2102 : i32
    %get3A_2104 = arith.index_cast %add3A_2103 : i32 to index
    %get3A_2105 = tpu.vector_load %arg5[%get3A_2104] {strides = array<i32>} : memref<8192xi32, #tpu.memory_space<vmem>>, vector<16xi32>,
    %eq3A_2106 = arith.constant 1 : i32
    %eq3A_2107 = vector.broadcast %eq3A_2106 : i32 to vector<16xi32>
    %eq3A_2108 = arith.cmpi eq, %get3A_2105, %eq3A_2107 : vector<16xi32>
    %jit3A_2109 = arith.constant 0 : i32
    %jit3A_2110 = arith.constant 1 : i32
    %broadcast_in_dim3A_2111 = vector.broadcast %jit3A_2109 : i32 to vector<16xi32>
    %broadcast_in_dim3A_2112 = vector.broadcast %jit3A_2110 : i32 to vector<16xi32>
    %select_n3A_2113 = arith.select %eq3A_2108, %broadcast_in_dim3A_2111, %broadcast_in_dim3A_2112 : vector<16xi1>, vector<16xi32>
    %broadcast_in_dim3A_2114 = arith.constant true
    %broadcast_in_dim3A_2115 = vector.broadcast %broadcast_in_dim3A_2114 : i1 to vector<16xi1>
    %masked_cumsum3A_2116 = tpu.scan <sum>, %select_n3A_2113 masked %broadcast_in_dim3A_2115 : vector<16xi32>, vector<16xi1> -> vector<16xi32>
    %add3A_2117 = vector.broadcast %add3A_2079 : i32 to vector<16xi32>
    %add3A_2118 = arith.addi %add3A_2117, %masked_cumsum3A_2116 : vector<16xi32>
    %mul3A_2119 = arith.muli %add3A_2118, %select_n3A_2113 : vector<16xi32>
    %add3A_2120 = arith.constant 1 : i32
    %add3A_2121 = vector.broadcast %add3A_2120 : i32 to vector<16xi32>
    %add3A_2122 = arith.addi %mul3A_2119, %add3A_2121 : vector<16xi32>
    %swap3A_2123 = arith.constant 0 : index
    %swap3A_2124 = tpu.vector_load %arg8[%swap3A_2123] {strides = array<i32>} : memref<32xi32, #tpu.memory_space<vmem>>, vector<16xi32>,
    tpu.vector_store %arg8[%swap3A_2123], %add3A_2122 {strides = array<i32>} : memref<32xi32, #tpu.memory_space<vmem>>, vector<16xi32>,
    %reduce_sum3A_2125 = arith.constant true
    %reduce_sum3A_2126 = vector.broadcast %reduce_sum3A_2125 : i1 to vector<16xi1>
    %reduce_sum3A_2127 = tpu.scan <sum>, %select_n3A_2113 masked %reduce_sum3A_2126 : vector<16xi32>, vector<16xi1> -> vector<16xi32>
    %reduce_sum3A_2128 = vector.extract %reduce_sum3A_2127[15] : i32 from vector<16xi32>
    %add3A_2129 = arith.addi %add3A_2079, %reduce_sum3A_2128 : i32
    %add3A_2130 = arith.constant 832 : i32
    %add3A_2131 = arith.addi %sub3A_21, %add3A_2130 : i32
    %add3A_2132 = arith.constant 16 : i32
    %add3A_2133 = arith.addi %add3A_2131, %add3A_2132 : i32
    %get3A_2134 = arith.index_cast %add3A_2133 : i32 to index
    %get3A_2135 = tpu.vector_load %arg5[%get3A_2134] {strides = array<i32>} : memref<8192xi32, #tpu.memory_space<vmem>>, vector<16xi32>,
    %eq3A_2136 = arith.constant 1 : i32
    %eq3A_2137 = vector.broadcast %eq3A_2136 : i32 to vector<16xi32>
    %eq3A_2138 = arith.cmpi eq, %get3A_2135, %eq3A_2137 : vector<16xi32>
    %jit3A_2139 = arith.constant 0 : i32
    %jit3A_2140 = arith.constant 1 : i32
    %broadcast_in_dim3A_2141 = vector.broadcast %jit3A_2139 : i32 to vector<16xi32>
    %broadcast_in_dim3A_2142 = vector.broadcast %jit3A_2140 : i32 to vector<16xi32>
    %select_n3A_2143 = arith.select %eq3A_2138, %broadcast_in_dim3A_2141, %broadcast_in_dim3A_2142 : vector<16xi1>, vector<16xi32>
    %broadcast_in_dim3A_2144 = arith.constant true
    %broadcast_in_dim3A_2145 = vector.broadcast %broadcast_in_dim3A_2144 : i1 to vector<16xi1>
    %masked_cumsum3A_2146 = tpu.scan <sum>, %select_n3A_2143 masked %broadcast_in_dim3A_2145 : vector<16xi32>, vector<16xi1> -> vector<16xi32>
    %add3A_2147 = vector.broadcast %add3A_2129 : i32 to vector<16xi32>
    %add3A_2148 = arith.addi %add3A_2147, %masked_cumsum3A_2146 : vector<16xi32>
    %mul3A_2149 = arith.muli %add3A_2148, %select_n3A_2143 : vector<16xi32>
    %add3A_2150 = arith.constant 1 : i32
    %add3A_2151 = vector.broadcast %add3A_2150 : i32 to vector<16xi32>
    %add3A_2152 = arith.addi %mul3A_2149, %add3A_2151 : vector<16xi32>
    %swap3A_2153 = arith.constant 16 : index
    %swap3A_2154 = tpu.vector_load %arg8[%swap3A_2153] {strides = array<i32>} : memref<32xi32, #tpu.memory_space<vmem>>, vector<16xi32>,
    tpu.vector_store %arg8[%swap3A_2153], %add3A_2152 {strides = array<i32>} : memref<32xi32, #tpu.memory_space<vmem>>, vector<16xi32>,
    %reduce_sum3A_2155 = arith.constant true
    %reduce_sum3A_2156 = vector.broadcast %reduce_sum3A_2155 : i1 to vector<16xi1>
    %reduce_sum3A_2157 = tpu.scan <sum>, %select_n3A_2143 masked %reduce_sum3A_2156 : vector<16xi32>, vector<16xi1> -> vector<16xi32>
    %reduce_sum3A_2158 = vector.extract %reduce_sum3A_2157[15] : i32 from vector<16xi32>
    %add3A_2159 = arith.addi %add3A_2129, %reduce_sum3A_2158 : i32
    %dma_start3A_2160 = arith.constant 0 : i32
    %dma_start3A_2161 = arith.constant 0 : i32
    %dma_start3A_2162 = tpu.memref_slice %arg3[%dma_start3A_2160, %dma_start3A_2161] : memref<16384x1024xf32, #tpu.memory_space<hbm>> -> memref<16384x1024xf32, #tpu.memory_space<hbm>>
    tpu.enqueue_indirect_dma source(%dma_start3A_2162 : memref<16384x1024xf32, #tpu.memory_space<hbm>>) target(%arg11 : memref<32x1024xf32, #tpu.memory_space<vmem>>) offsets(%arg8 : memref<32xi32, #tpu.memory_space<vmem>>) semaphore(%arg14 : memref<!tpu.dma_semaphore, #tpu.memory_space<semaphore_mem>>)
    %dma_wait3A_2163 = arith.constant 0 : i32
    %dma_wait3A_2164 = arith.constant 0 : i32
    %dma_wait3A_2165 = tpu.memref_slice %arg3[%dma_wait3A_2163, %dma_wait3A_2164] : memref<16384x1024xf32, #tpu.memory_space<hbm>> -> memref<16384x1024xf32, #tpu.memory_space<hbm>>
    tpu.wait_indirect_dma semaphore(%arg12 : memref<!tpu.dma_semaphore, #tpu.memory_space<semaphore_mem>>) src(%dma_wait3A_2165 : memref<16384x1024xf32, #tpu.memory_space<hbm>>) dst(%arg9 : memref<32x1024xf32, #tpu.memory_space<vmem>>)
    %add3A_2166 = arith.constant 768 : i32
    %add3A_2167 = arith.addi %sub3A_21, %add3A_2166 : i32
    %dma_start3A_2168 = arith.constant 0 : i32
    %dma_start3A_2169 = tpu.memref_slice %arg4[%select_n3A, %add3A_2167, %dma_start3A_2168] : memref<4x8192x1024xf32, #tpu.memory_space<hbm>> -> memref<1x32x1024xf32, #tpu.memory_space<hbm>>
    %dma_start3A_2170 = tpu.memref_squeeze %dma_start3A_2169 : memref<1x32x1024xf32, #tpu.memory_space<hbm>> -> memref<32x1024xf32, #tpu.memory_space<hbm>>
    %dma_start3A_2171 = arith.constant 0 : i32
    %dma_start3A_2172 = tpu.memref_slice %arg4[%select_n3A, %add3A_2167, %dma_start3A_2171] : memref<4x8192x1024xf32, #tpu.memory_space<hbm>> -> memref<1x32x1024xf32, #tpu.memory_space<hbm>>
    %dma_start3A_2173 = tpu.memref_squeeze %dma_start3A_2172 : memref<1x32x1024xf32, #tpu.memory_space<hbm>> -> memref<32x1024xf32, #tpu.memory_space<hbm>>
    tpu.enqueue_dma source(%arg9 : memref<32x1024xf32, #tpu.memory_space<vmem>>) target(%dma_start3A_2173 : memref<32x1024xf32, #tpu.memory_space<hbm>>) target_semaphore(%arg15 : memref<!tpu.dma_semaphore, #tpu.memory_space<semaphore_mem>>)
    %dma_wait3A_2174 = arith.constant 0 : i32
    %dma_wait3A_2175 = tpu.memref_slice %arg4[%select_n3A, %add3A_2167, %dma_wait3A_2174] : memref<4x8192x1024xf32, #tpu.memory_space<hbm>> -> memref<1x32x1024xf32, #tpu.memory_space<hbm>>
    %dma_wait3A_2176 = tpu.memref_squeeze %dma_wait3A_2175 : memref<1x32x1024xf32, #tpu.memory_space<hbm>> -> memref<32x1024xf32, #tpu.memory_space<hbm>>
    %dma_wait3A_2177 = arith.constant 0 : i32
    %dma_wait3A_2178 = tpu.memref_slice %arg4[%select_n3A, %add3A_2167, %dma_wait3A_2177] : memref<4x8192x1024xf32, #tpu.memory_space<hbm>> -> memref<1x32x1024xf32, #tpu.memory_space<hbm>>
    %dma_wait3A_2179 = tpu.memref_squeeze %dma_wait3A_2178 : memref<1x32x1024xf32, #tpu.memory_space<hbm>> -> memref<32x1024xf32, #tpu.memory_space<hbm>>
    tpu.wait_dma2 semaphore(%arg15 : memref<!tpu.dma_semaphore, #tpu.memory_space<semaphore_mem>>) src(%arg9 : memref<32x1024xf32, #tpu.memory_space<vmem>>) dst(%dma_wait3A_2179 : memref<32x1024xf32, #tpu.memory_space<hbm>>)
    %add3A_2180 = arith.constant 864 : i32
    %add3A_2181 = arith.addi %sub3A_21, %add3A_2180 : i32
    %add3A_2182 = arith.constant 0 : i32
    %add3A_2183 = arith.addi %add3A_2181, %add3A_2182 : i32
    %get3A_2184 = arith.index_cast %add3A_2183 : i32 to index
    %get3A_2185 = tpu.vector_load %arg5[%get3A_2184] {strides = array<i32>} : memref<8192xi32, #tpu.memory_space<vmem>>, vector<16xi32>,
    %eq3A_2186 = arith.constant 1 : i32
    %eq3A_2187 = vector.broadcast %eq3A_2186 : i32 to vector<16xi32>
    %eq3A_2188 = arith.cmpi eq, %get3A_2185, %eq3A_2187 : vector<16xi32>
    %jit3A_2189 = arith.constant 0 : i32
    %jit3A_2190 = arith.constant 1 : i32
    %broadcast_in_dim3A_2191 = vector.broadcast %jit3A_2189 : i32 to vector<16xi32>
    %broadcast_in_dim3A_2192 = vector.broadcast %jit3A_2190 : i32 to vector<16xi32>
    %select_n3A_2193 = arith.select %eq3A_2188, %broadcast_in_dim3A_2191, %broadcast_in_dim3A_2192 : vector<16xi1>, vector<16xi32>
    %broadcast_in_dim3A_2194 = arith.constant true
    %broadcast_in_dim3A_2195 = vector.broadcast %broadcast_in_dim3A_2194 : i1 to vector<16xi1>
    %masked_cumsum3A_2196 = tpu.scan <sum>, %select_n3A_2193 masked %broadcast_in_dim3A_2195 : vector<16xi32>, vector<16xi1> -> vector<16xi32>
    %add3A_2197 = vector.broadcast %add3A_2159 : i32 to vector<16xi32>
    %add3A_2198 = arith.addi %add3A_2197, %masked_cumsum3A_2196 : vector<16xi32>
    %mul3A_2199 = arith.muli %add3A_2198, %select_n3A_2193 : vector<16xi32>
    %add3A_2200 = arith.constant 1 : i32
    %add3A_2201 = vector.broadcast %add3A_2200 : i32 to vector<16xi32>
    %add3A_2202 = arith.addi %mul3A_2199, %add3A_2201 : vector<16xi32>
    %swap3A_2203 = arith.constant 0 : index
    %swap3A_2204 = tpu.vector_load %arg6[%swap3A_2203] {strides = array<i32>} : memref<32xi32, #tpu.memory_space<vmem>>, vector<16xi32>,
    tpu.vector_store %arg6[%swap3A_2203], %add3A_2202 {strides = array<i32>} : memref<32xi32, #tpu.memory_space<vmem>>, vector<16xi32>,
    %reduce_sum3A_2205 = arith.constant true
    %reduce_sum3A_2206 = vector.broadcast %reduce_sum3A_2205 : i1 to vector<16xi1>
    %reduce_sum3A_2207 = tpu.scan <sum>, %select_n3A_2193 masked %reduce_sum3A_2206 : vector<16xi32>, vector<16xi1> -> vector<16xi32>
    %reduce_sum3A_2208 = vector.extract %reduce_sum3A_2207[15] : i32 from vector<16xi32>
    %add3A_2209 = arith.addi %add3A_2159, %reduce_sum3A_2208 : i32
    %add3A_2210 = arith.constant 864 : i32
    %add3A_2211 = arith.addi %sub3A_21, %add3A_2210 : i32
    %add3A_2212 = arith.constant 16 : i32
    %add3A_2213 = arith.addi %add3A_2211, %add3A_2212 : i32
    %get3A_2214 = arith.index_cast %add3A_2213 : i32 to index
    %get3A_2215 = tpu.vector_load %arg5[%get3A_2214] {strides = array<i32>} : memref<8192xi32, #tpu.memory_space<vmem>>, vector<16xi32>,
    %eq3A_2216 = arith.constant 1 : i32
    %eq3A_2217 = vector.broadcast %eq3A_2216 : i32 to vector<16xi32>
    %eq3A_2218 = arith.cmpi eq, %get3A_2215, %eq3A_2217 : vector<16xi32>
    %jit3A_2219 = arith.constant 0 : i32
    %jit3A_2220 = arith.constant 1 : i32
    %broadcast_in_dim3A_2221 = vector.broadcast %jit3A_2219 : i32 to vector<16xi32>
    %broadcast_in_dim3A_2222 = vector.broadcast %jit3A_2220 : i32 to vector<16xi32>
    %select_n3A_2223 = arith.select %eq3A_2218, %broadcast_in_dim3A_2221, %broadcast_in_dim3A_2222 : vector<16xi1>, vector<16xi32>
    %broadcast_in_dim3A_2224 = arith.constant true
    %broadcast_in_dim3A_2225 = vector.broadcast %broadcast_in_dim3A_2224 : i1 to vector<16xi1>
    %masked_cumsum3A_2226 = tpu.scan <sum>, %select_n3A_2223 masked %broadcast_in_dim3A_2225 : vector<16xi32>, vector<16xi1> -> vector<16xi32>
    %add3A_2227 = vector.broadcast %add3A_2209 : i32 to vector<16xi32>
    %add3A_2228 = arith.addi %add3A_2227, %masked_cumsum3A_2226 : vector<16xi32>
    %mul3A_2229 = arith.muli %add3A_2228, %select_n3A_2223 : vector<16xi32>
    %add3A_2230 = arith.constant 1 : i32
    %add3A_2231 = vector.broadcast %add3A_2230 : i32 to vector<16xi32>
    %add3A_2232 = arith.addi %mul3A_2229, %add3A_2231 : vector<16xi32>
    %swap3A_2233 = arith.constant 16 : index
    %swap3A_2234 = tpu.vector_load %arg6[%swap3A_2233] {strides = array<i32>} : memref<32xi32, #tpu.memory_space<vmem>>, vector<16xi32>,
    tpu.vector_store %arg6[%swap3A_2233], %add3A_2232 {strides = array<i32>} : memref<32xi32, #tpu.memory_space<vmem>>, vector<16xi32>,
    %reduce_sum3A_2235 = arith.constant true
    %reduce_sum3A_2236 = vector.broadcast %reduce_sum3A_2235 : i1 to vector<16xi1>
    %reduce_sum3A_2237 = tpu.scan <sum>, %select_n3A_2223 masked %reduce_sum3A_2236 : vector<16xi32>, vector<16xi1> -> vector<16xi32>
    %reduce_sum3A_2238 = vector.extract %reduce_sum3A_2237[15] : i32 from vector<16xi32>
    %add3A_2239 = arith.addi %add3A_2209, %reduce_sum3A_2238 : i32
    %dma_start3A_2240 = arith.constant 0 : i32
    %dma_start3A_2241 = arith.constant 0 : i32
    %dma_start3A_2242 = tpu.memref_slice %arg3[%dma_start3A_2240, %dma_start3A_2241] : memref<16384x1024xf32, #tpu.memory_space<hbm>> -> memref<16384x1024xf32, #tpu.memory_space<hbm>>
    tpu.enqueue_indirect_dma source(%dma_start3A_2242 : memref<16384x1024xf32, #tpu.memory_space<hbm>>) target(%arg9 : memref<32x1024xf32, #tpu.memory_space<vmem>>) offsets(%arg6 : memref<32xi32, #tpu.memory_space<vmem>>) semaphore(%arg12 : memref<!tpu.dma_semaphore, #tpu.memory_space<semaphore_mem>>)
    %dma_wait3A_2243 = arith.constant 0 : i32
    %dma_wait3A_2244 = arith.constant 0 : i32
    %dma_wait3A_2245 = tpu.memref_slice %arg3[%dma_wait3A_2243, %dma_wait3A_2244] : memref<16384x1024xf32, #tpu.memory_space<hbm>> -> memref<16384x1024xf32, #tpu.memory_space<hbm>>
    tpu.wait_indirect_dma semaphore(%arg13 : memref<!tpu.dma_semaphore, #tpu.memory_space<semaphore_mem>>) src(%dma_wait3A_2245 : memref<16384x1024xf32, #tpu.memory_space<hbm>>) dst(%arg10 : memref<32x1024xf32, #tpu.memory_space<vmem>>)
    %add3A_2246 = arith.constant 800 : i32
    %add3A_2247 = arith.addi %sub3A_21, %add3A_2246 : i32
    %dma_start3A_2248 = arith.constant 0 : i32
    %dma_start3A_2249 = tpu.memref_slice %arg4[%select_n3A, %add3A_2247, %dma_start3A_2248] : memref<4x8192x1024xf32, #tpu.memory_space<hbm>> -> memref<1x32x1024xf32, #tpu.memory_space<hbm>>
    %dma_start3A_2250 = tpu.memref_squeeze %dma_start3A_2249 : memref<1x32x1024xf32, #tpu.memory_space<hbm>> -> memref<32x1024xf32, #tpu.memory_space<hbm>>
    %dma_start3A_2251 = arith.constant 0 : i32
    %dma_start3A_2252 = tpu.memref_slice %arg4[%select_n3A, %add3A_2247, %dma_start3A_2251] : memref<4x8192x1024xf32, #tpu.memory_space<hbm>> -> memref<1x32x1024xf32, #tpu.memory_space<hbm>>
    %dma_start3A_2253 = tpu.memref_squeeze %dma_start3A_2252 : memref<1x32x1024xf32, #tpu.memory_space<hbm>> -> memref<32x1024xf32, #tpu.memory_space<hbm>>
    tpu.enqueue_dma source(%arg10 : memref<32x1024xf32, #tpu.memory_space<vmem>>) target(%dma_start3A_2253 : memref<32x1024xf32, #tpu.memory_space<hbm>>) target_semaphore(%arg16 : memref<!tpu.dma_semaphore, #tpu.memory_space<semaphore_mem>>)
    %dma_wait3A_2254 = arith.constant 0 : i32
    %dma_wait3A_2255 = tpu.memref_slice %arg4[%select_n3A, %add3A_2247, %dma_wait3A_2254] : memref<4x8192x1024xf32, #tpu.memory_space<hbm>> -> memref<1x32x1024xf32, #tpu.memory_space<hbm>>
    %dma_wait3A_2256 = tpu.memref_squeeze %dma_wait3A_2255 : memref<1x32x1024xf32, #tpu.memory_space<hbm>> -> memref<32x1024xf32, #tpu.memory_space<hbm>>
    %dma_wait3A_2257 = arith.constant 0 : i32
    %dma_wait3A_2258 = tpu.memref_slice %arg4[%select_n3A, %add3A_2247, %dma_wait3A_2257] : memref<4x8192x1024xf32, #tpu.memory_space<hbm>> -> memref<1x32x1024xf32, #tpu.memory_space<hbm>>
    %dma_wait3A_2259 = tpu.memref_squeeze %dma_wait3A_2258 : memref<1x32x1024xf32, #tpu.memory_space<hbm>> -> memref<32x1024xf32, #tpu.memory_space<hbm>>
    tpu.wait_dma2 semaphore(%arg16 : memref<!tpu.dma_semaphore, #tpu.memory_space<semaphore_mem>>) src(%arg10 : memref<32x1024xf32, #tpu.memory_space<vmem>>) dst(%dma_wait3A_2259 : memref<32x1024xf32, #tpu.memory_space<hbm>>)
    %add3A_2260 = arith.constant 896 : i32
    %add3A_2261 = arith.addi %sub3A_21, %add3A_2260 : i32
    %add3A_2262 = arith.constant 0 : i32
    %add3A_2263 = arith.addi %add3A_2261, %add3A_2262 : i32
    %get3A_2264 = arith.index_cast %add3A_2263 : i32 to index
    %get3A_2265 = tpu.vector_load %arg5[%get3A_2264] {strides = array<i32>} : memref<8192xi32, #tpu.memory_space<vmem>>, vector<16xi32>,
    %eq3A_2266 = arith.constant 1 : i32
    %eq3A_2267 = vector.broadcast %eq3A_2266 : i32 to vector<16xi32>
    %eq3A_2268 = arith.cmpi eq, %get3A_2265, %eq3A_2267 : vector<16xi32>
    %jit3A_2269 = arith.constant 0 : i32
    %jit3A_2270 = arith.constant 1 : i32
    %broadcast_in_dim3A_2271 = vector.broadcast %jit3A_2269 : i32 to vector<16xi32>
    %broadcast_in_dim3A_2272 = vector.broadcast %jit3A_2270 : i32 to vector<16xi32>
    %select_n3A_2273 = arith.select %eq3A_2268, %broadcast_in_dim3A_2271, %broadcast_in_dim3A_2272 : vector<16xi1>, vector<16xi32>
    %broadcast_in_dim3A_2274 = arith.constant true
    %broadcast_in_dim3A_2275 = vector.broadcast %broadcast_in_dim3A_2274 : i1 to vector<16xi1>
    %masked_cumsum3A_2276 = tpu.scan <sum>, %select_n3A_2273 masked %broadcast_in_dim3A_2275 : vector<16xi32>, vector<16xi1> -> vector<16xi32>
    %add3A_2277 = vector.broadcast %add3A_2239 : i32 to vector<16xi32>
    %add3A_2278 = arith.addi %add3A_2277, %masked_cumsum3A_2276 : vector<16xi32>
    %mul3A_2279 = arith.muli %add3A_2278, %select_n3A_2273 : vector<16xi32>
    %add3A_2280 = arith.constant 1 : i32
    %add3A_2281 = vector.broadcast %add3A_2280 : i32 to vector<16xi32>
    %add3A_2282 = arith.addi %mul3A_2279, %add3A_2281 : vector<16xi32>
    %swap3A_2283 = arith.constant 0 : index
    %swap3A_2284 = tpu.vector_load %arg7[%swap3A_2283] {strides = array<i32>} : memref<32xi32, #tpu.memory_space<vmem>>, vector<16xi32>,
    tpu.vector_store %arg7[%swap3A_2283], %add3A_2282 {strides = array<i32>} : memref<32xi32, #tpu.memory_space<vmem>>, vector<16xi32>,
    %reduce_sum3A_2285 = arith.constant true
    %reduce_sum3A_2286 = vector.broadcast %reduce_sum3A_2285 : i1 to vector<16xi1>
    %reduce_sum3A_2287 = tpu.scan <sum>, %select_n3A_2273 masked %reduce_sum3A_2286 : vector<16xi32>, vector<16xi1> -> vector<16xi32>
    %reduce_sum3A_2288 = vector.extract %reduce_sum3A_2287[15] : i32 from vector<16xi32>
    %add3A_2289 = arith.addi %add3A_2239, %reduce_sum3A_2288 : i32
    %add3A_2290 = arith.constant 896 : i32
    %add3A_2291 = arith.addi %sub3A_21, %add3A_2290 : i32
    %add3A_2292 = arith.constant 16 : i32
    %add3A_2293 = arith.addi %add3A_2291, %add3A_2292 : i32
    %get3A_2294 = arith.index_cast %add3A_2293 : i32 to index
    %get3A_2295 = tpu.vector_load %arg5[%get3A_2294] {strides = array<i32>} : memref<8192xi32, #tpu.memory_space<vmem>>, vector<16xi32>,
    %eq3A_2296 = arith.constant 1 : i32
    %eq3A_2297 = vector.broadcast %eq3A_2296 : i32 to vector<16xi32>
    %eq3A_2298 = arith.cmpi eq, %get3A_2295, %eq3A_2297 : vector<16xi32>
    %jit3A_2299 = arith.constant 0 : i32
    %jit3A_2300 = arith.constant 1 : i32
    %broadcast_in_dim3A_2301 = vector.broadcast %jit3A_2299 : i32 to vector<16xi32>
    %broadcast_in_dim3A_2302 = vector.broadcast %jit3A_2300 : i32 to vector<16xi32>
    %select_n3A_2303 = arith.select %eq3A_2298, %broadcast_in_dim3A_2301, %broadcast_in_dim3A_2302 : vector<16xi1>, vector<16xi32>
    %broadcast_in_dim3A_2304 = arith.constant true
    %broadcast_in_dim3A_2305 = vector.broadcast %broadcast_in_dim3A_2304 : i1 to vector<16xi1>
    %masked_cumsum3A_2306 = tpu.scan <sum>, %select_n3A_2303 masked %broadcast_in_dim3A_2305 : vector<16xi32>, vector<16xi1> -> vector<16xi32>
    %add3A_2307 = vector.broadcast %add3A_2289 : i32 to vector<16xi32>
    %add3A_2308 = arith.addi %add3A_2307, %masked_cumsum3A_2306 : vector<16xi32>
    %mul3A_2309 = arith.muli %add3A_2308, %select_n3A_2303 : vector<16xi32>
    %add3A_2310 = arith.constant 1 : i32
    %add3A_2311 = vector.broadcast %add3A_2310 : i32 to vector<16xi32>
    %add3A_2312 = arith.addi %mul3A_2309, %add3A_2311 : vector<16xi32>
    %swap3A_2313 = arith.constant 16 : index
    %swap3A_2314 = tpu.vector_load %arg7[%swap3A_2313] {strides = array<i32>} : memref<32xi32, #tpu.memory_space<vmem>>, vector<16xi32>,
    tpu.vector_store %arg7[%swap3A_2313], %add3A_2312 {strides = array<i32>} : memref<32xi32, #tpu.memory_space<vmem>>, vector<16xi32>,
    %reduce_sum3A_2315 = arith.constant true
    %reduce_sum3A_2316 = vector.broadcast %reduce_sum3A_2315 : i1 to vector<16xi1>
    %reduce_sum3A_2317 = tpu.scan <sum>, %select_n3A_2303 masked %reduce_sum3A_2316 : vector<16xi32>, vector<16xi1> -> vector<16xi32>
    %reduce_sum3A_2318 = vector.extract %reduce_sum3A_2317[15] : i32 from vector<16xi32>
    %add3A_2319 = arith.addi %add3A_2289, %reduce_sum3A_2318 : i32
    %dma_start3A_2320 = arith.constant 0 : i32
    %dma_start3A_2321 = arith.constant 0 : i32
    %dma_start3A_2322 = tpu.memref_slice %arg3[%dma_start3A_2320, %dma_start3A_2321] : memref<16384x1024xf32, #tpu.memory_space<hbm>> -> memref<16384x1024xf32, #tpu.memory_space<hbm>>
    tpu.enqueue_indirect_dma source(%dma_start3A_2322 : memref<16384x1024xf32, #tpu.memory_space<hbm>>) target(%arg10 : memref<32x1024xf32, #tpu.memory_space<vmem>>) offsets(%arg7 : memref<32xi32, #tpu.memory_space<vmem>>) semaphore(%arg13 : memref<!tpu.dma_semaphore, #tpu.memory_space<semaphore_mem>>)
    %dma_wait3A_2323 = arith.constant 0 : i32
    %dma_wait3A_2324 = arith.constant 0 : i32
    %dma_wait3A_2325 = tpu.memref_slice %arg3[%dma_wait3A_2323, %dma_wait3A_2324] : memref<16384x1024xf32, #tpu.memory_space<hbm>> -> memref<16384x1024xf32, #tpu.memory_space<hbm>>
    tpu.wait_indirect_dma semaphore(%arg14 : memref<!tpu.dma_semaphore, #tpu.memory_space<semaphore_mem>>) src(%dma_wait3A_2325 : memref<16384x1024xf32, #tpu.memory_space<hbm>>) dst(%arg11 : memref<32x1024xf32, #tpu.memory_space<vmem>>)
    %add3A_2326 = arith.constant 832 : i32
    %add3A_2327 = arith.addi %sub3A_21, %add3A_2326 : i32
    %dma_start3A_2328 = arith.constant 0 : i32
    %dma_start3A_2329 = tpu.memref_slice %arg4[%select_n3A, %add3A_2327, %dma_start3A_2328] : memref<4x8192x1024xf32, #tpu.memory_space<hbm>> -> memref<1x32x1024xf32, #tpu.memory_space<hbm>>
    %dma_start3A_2330 = tpu.memref_squeeze %dma_start3A_2329 : memref<1x32x1024xf32, #tpu.memory_space<hbm>> -> memref<32x1024xf32, #tpu.memory_space<hbm>>
    %dma_start3A_2331 = arith.constant 0 : i32
    %dma_start3A_2332 = tpu.memref_slice %arg4[%select_n3A, %add3A_2327, %dma_start3A_2331] : memref<4x8192x1024xf32, #tpu.memory_space<hbm>> -> memref<1x32x1024xf32, #tpu.memory_space<hbm>>
    %dma_start3A_2333 = tpu.memref_squeeze %dma_start3A_2332 : memref<1x32x1024xf32, #tpu.memory_space<hbm>> -> memref<32x1024xf32, #tpu.memory_space<hbm>>
    tpu.enqueue_dma source(%arg11 : memref<32x1024xf32, #tpu.memory_space<vmem>>) target(%dma_start3A_2333 : memref<32x1024xf32, #tpu.memory_space<hbm>>) target_semaphore(%arg17 : memref<!tpu.dma_semaphore, #tpu.memory_space<semaphore_mem>>)
    %dma_wait3A_2334 = arith.constant 0 : i32
    %dma_wait3A_2335 = tpu.memref_slice %arg4[%select_n3A, %add3A_2327, %dma_wait3A_2334] : memref<4x8192x1024xf32, #tpu.memory_space<hbm>> -> memref<1x32x1024xf32, #tpu.memory_space<hbm>>
    %dma_wait3A_2336 = tpu.memref_squeeze %dma_wait3A_2335 : memref<1x32x1024xf32, #tpu.memory_space<hbm>> -> memref<32x1024xf32, #tpu.memory_space<hbm>>
    %dma_wait3A_2337 = arith.constant 0 : i32
    %dma_wait3A_2338 = tpu.memref_slice %arg4[%select_n3A, %add3A_2327, %dma_wait3A_2337] : memref<4x8192x1024xf32, #tpu.memory_space<hbm>> -> memref<1x32x1024xf32, #tpu.memory_space<hbm>>
    %dma_wait3A_2339 = tpu.memref_squeeze %dma_wait3A_2338 : memref<1x32x1024xf32, #tpu.memory_space<hbm>> -> memref<32x1024xf32, #tpu.memory_space<hbm>>
    tpu.wait_dma2 semaphore(%arg17 : memref<!tpu.dma_semaphore, #tpu.memory_space<semaphore_mem>>) src(%arg11 : memref<32x1024xf32, #tpu.memory_space<vmem>>) dst(%dma_wait3A_2339 : memref<32x1024xf32, #tpu.memory_space<hbm>>)
    %add3A_2340 = arith.constant 928 : i32
    %add3A_2341 = arith.addi %sub3A_21, %add3A_2340 : i32
    %add3A_2342 = arith.constant 0 : i32
    %add3A_2343 = arith.addi %add3A_2341, %add3A_2342 : i32
    %get3A_2344 = arith.index_cast %add3A_2343 : i32 to index
    %get3A_2345 = tpu.vector_load %arg5[%get3A_2344] {strides = array<i32>} : memref<8192xi32, #tpu.memory_space<vmem>>, vector<16xi32>,
    %eq3A_2346 = arith.constant 1 : i32
    %eq3A_2347 = vector.broadcast %eq3A_2346 : i32 to vector<16xi32>
    %eq3A_2348 = arith.cmpi eq, %get3A_2345, %eq3A_2347 : vector<16xi32>
    %jit3A_2349 = arith.constant 0 : i32
    %jit3A_2350 = arith.constant 1 : i32
    %broadcast_in_dim3A_2351 = vector.broadcast %jit3A_2349 : i32 to vector<16xi32>
    %broadcast_in_dim3A_2352 = vector.broadcast %jit3A_2350 : i32 to vector<16xi32>
    %select_n3A_2353 = arith.select %eq3A_2348, %broadcast_in_dim3A_2351, %broadcast_in_dim3A_2352 : vector<16xi1>, vector<16xi32>
    %broadcast_in_dim3A_2354 = arith.constant true
    %broadcast_in_dim3A_2355 = vector.broadcast %broadcast_in_dim3A_2354 : i1 to vector<16xi1>
    %masked_cumsum3A_2356 = tpu.scan <sum>, %select_n3A_2353 masked %broadcast_in_dim3A_2355 : vector<16xi32>, vector<16xi1> -> vector<16xi32>
    %add3A_2357 = vector.broadcast %add3A_2319 : i32 to vector<16xi32>
    %add3A_2358 = arith.addi %add3A_2357, %masked_cumsum3A_2356 : vector<16xi32>
    %mul3A_2359 = arith.muli %add3A_2358, %select_n3A_2353 : vector<16xi32>
    %add3A_2360 = arith.constant 1 : i32
    %add3A_2361 = vector.broadcast %add3A_2360 : i32 to vector<16xi32>
    %add3A_2362 = arith.addi %mul3A_2359, %add3A_2361 : vector<16xi32>
    %swap3A_2363 = arith.constant 0 : index
    %swap3A_2364 = tpu.vector_load %arg8[%swap3A_2363] {strides = array<i32>} : memref<32xi32, #tpu.memory_space<vmem>>, vector<16xi32>,
    tpu.vector_store %arg8[%swap3A_2363], %add3A_2362 {strides = array<i32>} : memref<32xi32, #tpu.memory_space<vmem>>, vector<16xi32>,
    %reduce_sum3A_2365 = arith.constant true
    %reduce_sum3A_2366 = vector.broadcast %reduce_sum3A_2365 : i1 to vector<16xi1>
    %reduce_sum3A_2367 = tpu.scan <sum>, %select_n3A_2353 masked %reduce_sum3A_2366 : vector<16xi32>, vector<16xi1> -> vector<16xi32>
    %reduce_sum3A_2368 = vector.extract %reduce_sum3A_2367[15] : i32 from vector<16xi32>
    %add3A_2369 = arith.addi %add3A_2319, %reduce_sum3A_2368 : i32
    %add3A_2370 = arith.constant 928 : i32
    %add3A_2371 = arith.addi %sub3A_21, %add3A_2370 : i32
    %add3A_2372 = arith.constant 16 : i32
    %add3A_2373 = arith.addi %add3A_2371, %add3A_2372 : i32
    %get3A_2374 = arith.index_cast %add3A_2373 : i32 to index
    %get3A_2375 = tpu.vector_load %arg5[%get3A_2374] {strides = array<i32>} : memref<8192xi32, #tpu.memory_space<vmem>>, vector<16xi32>,
    %eq3A_2376 = arith.constant 1 : i32
    %eq3A_2377 = vector.broadcast %eq3A_2376 : i32 to vector<16xi32>
    %eq3A_2378 = arith.cmpi eq, %get3A_2375, %eq3A_2377 : vector<16xi32>
    %jit3A_2379 = arith.constant 0 : i32
    %jit3A_2380 = arith.constant 1 : i32
    %broadcast_in_dim3A_2381 = vector.broadcast %jit3A_2379 : i32 to vector<16xi32>
    %broadcast_in_dim3A_2382 = vector.broadcast %jit3A_2380 : i32 to vector<16xi32>
    %select_n3A_2383 = arith.select %eq3A_2378, %broadcast_in_dim3A_2381, %broadcast_in_dim3A_2382 : vector<16xi1>, vector<16xi32>
    %broadcast_in_dim3A_2384 = arith.constant true
    %broadcast_in_dim3A_2385 = vector.broadcast %broadcast_in_dim3A_2384 : i1 to vector<16xi1>
    %masked_cumsum3A_2386 = tpu.scan <sum>, %select_n3A_2383 masked %broadcast_in_dim3A_2385 : vector<16xi32>, vector<16xi1> -> vector<16xi32>
    %add3A_2387 = vector.broadcast %add3A_2369 : i32 to vector<16xi32>
    %add3A_2388 = arith.addi %add3A_2387, %masked_cumsum3A_2386 : vector<16xi32>
    %mul3A_2389 = arith.muli %add3A_2388, %select_n3A_2383 : vector<16xi32>
    %add3A_2390 = arith.constant 1 : i32
    %add3A_2391 = vector.broadcast %add3A_2390 : i32 to vector<16xi32>
    %add3A_2392 = arith.addi %mul3A_2389, %add3A_2391 : vector<16xi32>
    %swap3A_2393 = arith.constant 16 : index
    %swap3A_2394 = tpu.vector_load %arg8[%swap3A_2393] {strides = array<i32>} : memref<32xi32, #tpu.memory_space<vmem>>, vector<16xi32>,
    tpu.vector_store %arg8[%swap3A_2393], %add3A_2392 {strides = array<i32>} : memref<32xi32, #tpu.memory_space<vmem>>, vector<16xi32>,
    %reduce_sum3A_2395 = arith.constant true
    %reduce_sum3A_2396 = vector.broadcast %reduce_sum3A_2395 : i1 to vector<16xi1>
    %reduce_sum3A_2397 = tpu.scan <sum>, %select_n3A_2383 masked %reduce_sum3A_2396 : vector<16xi32>, vector<16xi1> -> vector<16xi32>
    %reduce_sum3A_2398 = vector.extract %reduce_sum3A_2397[15] : i32 from vector<16xi32>
    %add3A_2399 = arith.addi %add3A_2369, %reduce_sum3A_2398 : i32
    %dma_start3A_2400 = arith.constant 0 : i32
    %dma_start3A_2401 = arith.constant 0 : i32
    %dma_start3A_2402 = tpu.memref_slice %arg3[%dma_start3A_2400, %dma_start3A_2401] : memref<16384x1024xf32, #tpu.memory_space<hbm>> -> memref<16384x1024xf32, #tpu.memory_space<hbm>>
    tpu.enqueue_indirect_dma source(%dma_start3A_2402 : memref<16384x1024xf32, #tpu.memory_space<hbm>>) target(%arg11 : memref<32x1024xf32, #tpu.memory_space<vmem>>) offsets(%arg8 : memref<32xi32, #tpu.memory_space<vmem>>) semaphore(%arg14 : memref<!tpu.dma_semaphore, #tpu.memory_space<semaphore_mem>>)
    %dma_wait3A_2403 = arith.constant 0 : i32
    %dma_wait3A_2404 = arith.constant 0 : i32
    %dma_wait3A_2405 = tpu.memref_slice %arg3[%dma_wait3A_2403, %dma_wait3A_2404] : memref<16384x1024xf32, #tpu.memory_space<hbm>> -> memref<16384x1024xf32, #tpu.memory_space<hbm>>
    tpu.wait_indirect_dma semaphore(%arg12 : memref<!tpu.dma_semaphore, #tpu.memory_space<semaphore_mem>>) src(%dma_wait3A_2405 : memref<16384x1024xf32, #tpu.memory_space<hbm>>) dst(%arg9 : memref<32x1024xf32, #tpu.memory_space<vmem>>)
    %add3A_2406 = arith.constant 864 : i32
    %add3A_2407 = arith.addi %sub3A_21, %add3A_2406 : i32
    %dma_start3A_2408 = arith.constant 0 : i32
    %dma_start3A_2409 = tpu.memref_slice %arg4[%select_n3A, %add3A_2407, %dma_start3A_2408] : memref<4x8192x1024xf32, #tpu.memory_space<hbm>> -> memref<1x32x1024xf32, #tpu.memory_space<hbm>>
    %dma_start3A_2410 = tpu.memref_squeeze %dma_start3A_2409 : memref<1x32x1024xf32, #tpu.memory_space<hbm>> -> memref<32x1024xf32, #tpu.memory_space<hbm>>
    %dma_start3A_2411 = arith.constant 0 : i32
    %dma_start3A_2412 = tpu.memref_slice %arg4[%select_n3A, %add3A_2407, %dma_start3A_2411] : memref<4x8192x1024xf32, #tpu.memory_space<hbm>> -> memref<1x32x1024xf32, #tpu.memory_space<hbm>>
    %dma_start3A_2413 = tpu.memref_squeeze %dma_start3A_2412 : memref<1x32x1024xf32, #tpu.memory_space<hbm>> -> memref<32x1024xf32, #tpu.memory_space<hbm>>
    tpu.enqueue_dma source(%arg9 : memref<32x1024xf32, #tpu.memory_space<vmem>>) target(%dma_start3A_2413 : memref<32x1024xf32, #tpu.memory_space<hbm>>) target_semaphore(%arg15 : memref<!tpu.dma_semaphore, #tpu.memory_space<semaphore_mem>>)
    %dma_wait3A_2414 = arith.constant 0 : i32
    %dma_wait3A_2415 = tpu.memref_slice %arg4[%select_n3A, %add3A_2407, %dma_wait3A_2414] : memref<4x8192x1024xf32, #tpu.memory_space<hbm>> -> memref<1x32x1024xf32, #tpu.memory_space<hbm>>
    %dma_wait3A_2416 = tpu.memref_squeeze %dma_wait3A_2415 : memref<1x32x1024xf32, #tpu.memory_space<hbm>> -> memref<32x1024xf32, #tpu.memory_space<hbm>>
    %dma_wait3A_2417 = arith.constant 0 : i32
    %dma_wait3A_2418 = tpu.memref_slice %arg4[%select_n3A, %add3A_2407, %dma_wait3A_2417] : memref<4x8192x1024xf32, #tpu.memory_space<hbm>> -> memref<1x32x1024xf32, #tpu.memory_space<hbm>>
    %dma_wait3A_2419 = tpu.memref_squeeze %dma_wait3A_2418 : memref<1x32x1024xf32, #tpu.memory_space<hbm>> -> memref<32x1024xf32, #tpu.memory_space<hbm>>
    tpu.wait_dma2 semaphore(%arg15 : memref<!tpu.dma_semaphore, #tpu.memory_space<semaphore_mem>>) src(%arg9 : memref<32x1024xf32, #tpu.memory_space<vmem>>) dst(%dma_wait3A_2419 : memref<32x1024xf32, #tpu.memory_space<hbm>>)
    %add3A_2420 = arith.constant 960 : i32
    %add3A_2421 = arith.addi %sub3A_21, %add3A_2420 : i32
    %add3A_2422 = arith.constant 0 : i32
    %add3A_2423 = arith.addi %add3A_2421, %add3A_2422 : i32
    %get3A_2424 = arith.index_cast %add3A_2423 : i32 to index
    %get3A_2425 = tpu.vector_load %arg5[%get3A_2424] {strides = array<i32>} : memref<8192xi32, #tpu.memory_space<vmem>>, vector<16xi32>,
    %eq3A_2426 = arith.constant 1 : i32
    %eq3A_2427 = vector.broadcast %eq3A_2426 : i32 to vector<16xi32>
    %eq3A_2428 = arith.cmpi eq, %get3A_2425, %eq3A_2427 : vector<16xi32>
    %jit3A_2429 = arith.constant 0 : i32
    %jit3A_2430 = arith.constant 1 : i32
    %broadcast_in_dim3A_2431 = vector.broadcast %jit3A_2429 : i32 to vector<16xi32>
    %broadcast_in_dim3A_2432 = vector.broadcast %jit3A_2430 : i32 to vector<16xi32>
    %select_n3A_2433 = arith.select %eq3A_2428, %broadcast_in_dim3A_2431, %broadcast_in_dim3A_2432 : vector<16xi1>, vector<16xi32>
    %broadcast_in_dim3A_2434 = arith.constant true
    %broadcast_in_dim3A_2435 = vector.broadcast %broadcast_in_dim3A_2434 : i1 to vector<16xi1>
    %masked_cumsum3A_2436 = tpu.scan <sum>, %select_n3A_2433 masked %broadcast_in_dim3A_2435 : vector<16xi32>, vector<16xi1> -> vector<16xi32>
    %add3A_2437 = vector.broadcast %add3A_2399 : i32 to vector<16xi32>
    %add3A_2438 = arith.addi %add3A_2437, %masked_cumsum3A_2436 : vector<16xi32>
    %mul3A_2439 = arith.muli %add3A_2438, %select_n3A_2433 : vector<16xi32>
    %add3A_2440 = arith.constant 1 : i32
    %add3A_2441 = vector.broadcast %add3A_2440 : i32 to vector<16xi32>
    %add3A_2442 = arith.addi %mul3A_2439, %add3A_2441 : vector<16xi32>
    %swap3A_2443 = arith.constant 0 : index
    %swap3A_2444 = tpu.vector_load %arg6[%swap3A_2443] {strides = array<i32>} : memref<32xi32, #tpu.memory_space<vmem>>, vector<16xi32>,
    tpu.vector_store %arg6[%swap3A_2443], %add3A_2442 {strides = array<i32>} : memref<32xi32, #tpu.memory_space<vmem>>, vector<16xi32>,
    %reduce_sum3A_2445 = arith.constant true
    %reduce_sum3A_2446 = vector.broadcast %reduce_sum3A_2445 : i1 to vector<16xi1>
    %reduce_sum3A_2447 = tpu.scan <sum>, %select_n3A_2433 masked %reduce_sum3A_2446 : vector<16xi32>, vector<16xi1> -> vector<16xi32>
    %reduce_sum3A_2448 = vector.extract %reduce_sum3A_2447[15] : i32 from vector<16xi32>
    %add3A_2449 = arith.addi %add3A_2399, %reduce_sum3A_2448 : i32
    %add3A_2450 = arith.constant 960 : i32
    %add3A_2451 = arith.addi %sub3A_21, %add3A_2450 : i32
    %add3A_2452 = arith.constant 16 : i32
    %add3A_2453 = arith.addi %add3A_2451, %add3A_2452 : i32
    %get3A_2454 = arith.index_cast %add3A_2453 : i32 to index
    %get3A_2455 = tpu.vector_load %arg5[%get3A_2454] {strides = array<i32>} : memref<8192xi32, #tpu.memory_space<vmem>>, vector<16xi32>,
    %eq3A_2456 = arith.constant 1 : i32
    %eq3A_2457 = vector.broadcast %eq3A_2456 : i32 to vector<16xi32>
    %eq3A_2458 = arith.cmpi eq, %get3A_2455, %eq3A_2457 : vector<16xi32>
    %jit3A_2459 = arith.constant 0 : i32
    %jit3A_2460 = arith.constant 1 : i32
    %broadcast_in_dim3A_2461 = vector.broadcast %jit3A_2459 : i32 to vector<16xi32>
    %broadcast_in_dim3A_2462 = vector.broadcast %jit3A_2460 : i32 to vector<16xi32>
    %select_n3A_2463 = arith.select %eq3A_2458, %broadcast_in_dim3A_2461, %broadcast_in_dim3A_2462 : vector<16xi1>, vector<16xi32>
    %broadcast_in_dim3A_2464 = arith.constant true
    %broadcast_in_dim3A_2465 = vector.broadcast %broadcast_in_dim3A_2464 : i1 to vector<16xi1>
    %masked_cumsum3A_2466 = tpu.scan <sum>, %select_n3A_2463 masked %broadcast_in_dim3A_2465 : vector<16xi32>, vector<16xi1> -> vector<16xi32>
    %add3A_2467 = vector.broadcast %add3A_2449 : i32 to vector<16xi32>
    %add3A_2468 = arith.addi %add3A_2467, %masked_cumsum3A_2466 : vector<16xi32>
    %mul3A_2469 = arith.muli %add3A_2468, %select_n3A_2463 : vector<16xi32>
    %add3A_2470 = arith.constant 1 : i32
    %add3A_2471 = vector.broadcast %add3A_2470 : i32 to vector<16xi32>
    %add3A_2472 = arith.addi %mul3A_2469, %add3A_2471 : vector<16xi32>
    %swap3A_2473 = arith.constant 16 : index
    %swap3A_2474 = tpu.vector_load %arg6[%swap3A_2473] {strides = array<i32>} : memref<32xi32, #tpu.memory_space<vmem>>, vector<16xi32>,
    tpu.vector_store %arg6[%swap3A_2473], %add3A_2472 {strides = array<i32>} : memref<32xi32, #tpu.memory_space<vmem>>, vector<16xi32>,
    %reduce_sum3A_2475 = arith.constant true
    %reduce_sum3A_2476 = vector.broadcast %reduce_sum3A_2475 : i1 to vector<16xi1>
    %reduce_sum3A_2477 = tpu.scan <sum>, %select_n3A_2463 masked %reduce_sum3A_2476 : vector<16xi32>, vector<16xi1> -> vector<16xi32>
    %reduce_sum3A_2478 = vector.extract %reduce_sum3A_2477[15] : i32 from vector<16xi32>
    %add3A_2479 = arith.addi %add3A_2449, %reduce_sum3A_2478 : i32
    %dma_start3A_2480 = arith.constant 0 : i32
    %dma_start3A_2481 = arith.constant 0 : i32
    %dma_start3A_2482 = tpu.memref_slice %arg3[%dma_start3A_2480, %dma_start3A_2481] : memref<16384x1024xf32, #tpu.memory_space<hbm>> -> memref<16384x1024xf32, #tpu.memory_space<hbm>>
    tpu.enqueue_indirect_dma source(%dma_start3A_2482 : memref<16384x1024xf32, #tpu.memory_space<hbm>>) target(%arg9 : memref<32x1024xf32, #tpu.memory_space<vmem>>) offsets(%arg6 : memref<32xi32, #tpu.memory_space<vmem>>) semaphore(%arg12 : memref<!tpu.dma_semaphore, #tpu.memory_space<semaphore_mem>>)
    %dma_wait3A_2483 = arith.constant 0 : i32
    %dma_wait3A_2484 = arith.constant 0 : i32
    %dma_wait3A_2485 = tpu.memref_slice %arg3[%dma_wait3A_2483, %dma_wait3A_2484] : memref<16384x1024xf32, #tpu.memory_space<hbm>> -> memref<16384x1024xf32, #tpu.memory_space<hbm>>
    tpu.wait_indirect_dma semaphore(%arg13 : memref<!tpu.dma_semaphore, #tpu.memory_space<semaphore_mem>>) src(%dma_wait3A_2485 : memref<16384x1024xf32, #tpu.memory_space<hbm>>) dst(%arg10 : memref<32x1024xf32, #tpu.memory_space<vmem>>)
    %add3A_2486 = arith.constant 896 : i32
    %add3A_2487 = arith.addi %sub3A_21, %add3A_2486 : i32
    %dma_start3A_2488 = arith.constant 0 : i32
    %dma_start3A_2489 = tpu.memref_slice %arg4[%select_n3A, %add3A_2487, %dma_start3A_2488] : memref<4x8192x1024xf32, #tpu.memory_space<hbm>> -> memref<1x32x1024xf32, #tpu.memory_space<hbm>>
    %dma_start3A_2490 = tpu.memref_squeeze %dma_start3A_2489 : memref<1x32x1024xf32, #tpu.memory_space<hbm>> -> memref<32x1024xf32, #tpu.memory_space<hbm>>
    %dma_start3A_2491 = arith.constant 0 : i32
    %dma_start3A_2492 = tpu.memref_slice %arg4[%select_n3A, %add3A_2487, %dma_start3A_2491] : memref<4x8192x1024xf32, #tpu.memory_space<hbm>> -> memref<1x32x1024xf32, #tpu.memory_space<hbm>>
    %dma_start3A_2493 = tpu.memref_squeeze %dma_start3A_2492 : memref<1x32x1024xf32, #tpu.memory_space<hbm>> -> memref<32x1024xf32, #tpu.memory_space<hbm>>
    tpu.enqueue_dma source(%arg10 : memref<32x1024xf32, #tpu.memory_space<vmem>>) target(%dma_start3A_2493 : memref<32x1024xf32, #tpu.memory_space<hbm>>) target_semaphore(%arg16 : memref<!tpu.dma_semaphore, #tpu.memory_space<semaphore_mem>>)
    %dma_wait3A_2494 = arith.constant 0 : i32
    %dma_wait3A_2495 = tpu.memref_slice %arg4[%select_n3A, %add3A_2487, %dma_wait3A_2494] : memref<4x8192x1024xf32, #tpu.memory_space<hbm>> -> memref<1x32x1024xf32, #tpu.memory_space<hbm>>
    %dma_wait3A_2496 = tpu.memref_squeeze %dma_wait3A_2495 : memref<1x32x1024xf32, #tpu.memory_space<hbm>> -> memref<32x1024xf32, #tpu.memory_space<hbm>>
    %dma_wait3A_2497 = arith.constant 0 : i32
    %dma_wait3A_2498 = tpu.memref_slice %arg4[%select_n3A, %add3A_2487, %dma_wait3A_2497] : memref<4x8192x1024xf32, #tpu.memory_space<hbm>> -> memref<1x32x1024xf32, #tpu.memory_space<hbm>>
    %dma_wait3A_2499 = tpu.memref_squeeze %dma_wait3A_2498 : memref<1x32x1024xf32, #tpu.memory_space<hbm>> -> memref<32x1024xf32, #tpu.memory_space<hbm>>
    tpu.wait_dma2 semaphore(%arg16 : memref<!tpu.dma_semaphore, #tpu.memory_space<semaphore_mem>>) src(%arg10 : memref<32x1024xf32, #tpu.memory_space<vmem>>) dst(%dma_wait3A_2499 : memref<32x1024xf32, #tpu.memory_space<hbm>>)
    %add3A_2500 = arith.constant 992 : i32
    %add3A_2501 = arith.addi %sub3A_21, %add3A_2500 : i32
    %add3A_2502 = arith.constant 0 : i32
    %add3A_2503 = arith.addi %add3A_2501, %add3A_2502 : i32
    %get3A_2504 = arith.index_cast %add3A_2503 : i32 to index
    %get3A_2505 = tpu.vector_load %arg5[%get3A_2504] {strides = array<i32>} : memref<8192xi32, #tpu.memory_space<vmem>>, vector<16xi32>,
    %eq3A_2506 = arith.constant 1 : i32
    %eq3A_2507 = vector.broadcast %eq3A_2506 : i32 to vector<16xi32>
    %eq3A_2508 = arith.cmpi eq, %get3A_2505, %eq3A_2507 : vector<16xi32>
    %jit3A_2509 = arith.constant 0 : i32
    %jit3A_2510 = arith.constant 1 : i32
    %broadcast_in_dim3A_2511 = vector.broadcast %jit3A_2509 : i32 to vector<16xi32>
    %broadcast_in_dim3A_2512 = vector.broadcast %jit3A_2510 : i32 to vector<16xi32>
    %select_n3A_2513 = arith.select %eq3A_2508, %broadcast_in_dim3A_2511, %broadcast_in_dim3A_2512 : vector<16xi1>, vector<16xi32>
    %broadcast_in_dim3A_2514 = arith.constant true
    %broadcast_in_dim3A_2515 = vector.broadcast %broadcast_in_dim3A_2514 : i1 to vector<16xi1>
    %masked_cumsum3A_2516 = tpu.scan <sum>, %select_n3A_2513 masked %broadcast_in_dim3A_2515 : vector<16xi32>, vector<16xi1> -> vector<16xi32>
    %add3A_2517 = vector.broadcast %add3A_2479 : i32 to vector<16xi32>
    %add3A_2518 = arith.addi %add3A_2517, %masked_cumsum3A_2516 : vector<16xi32>
    %mul3A_2519 = arith.muli %add3A_2518, %select_n3A_2513 : vector<16xi32>
    %add3A_2520 = arith.constant 1 : i32
    %add3A_2521 = vector.broadcast %add3A_2520 : i32 to vector<16xi32>
    %add3A_2522 = arith.addi %mul3A_2519, %add3A_2521 : vector<16xi32>
    %swap3A_2523 = arith.constant 0 : index
    %swap3A_2524 = tpu.vector_load %arg7[%swap3A_2523] {strides = array<i32>} : memref<32xi32, #tpu.memory_space<vmem>>, vector<16xi32>,
    tpu.vector_store %arg7[%swap3A_2523], %add3A_2522 {strides = array<i32>} : memref<32xi32, #tpu.memory_space<vmem>>, vector<16xi32>,
    %reduce_sum3A_2525 = arith.constant true
    %reduce_sum3A_2526 = vector.broadcast %reduce_sum3A_2525 : i1 to vector<16xi1>
    %reduce_sum3A_2527 = tpu.scan <sum>, %select_n3A_2513 masked %reduce_sum3A_2526 : vector<16xi32>, vector<16xi1> -> vector<16xi32>
    %reduce_sum3A_2528 = vector.extract %reduce_sum3A_2527[15] : i32 from vector<16xi32>
    %add3A_2529 = arith.addi %add3A_2479, %reduce_sum3A_2528 : i32
    %add3A_2530 = arith.constant 992 : i32
    %add3A_2531 = arith.addi %sub3A_21, %add3A_2530 : i32
    %add3A_2532 = arith.constant 16 : i32
    %add3A_2533 = arith.addi %add3A_2531, %add3A_2532 : i32
    %get3A_2534 = arith.index_cast %add3A_2533 : i32 to index
    %get3A_2535 = tpu.vector_load %arg5[%get3A_2534] {strides = array<i32>} : memref<8192xi32, #tpu.memory_space<vmem>>, vector<16xi32>,
    %eq3A_2536 = arith.constant 1 : i32
    %eq3A_2537 = vector.broadcast %eq3A_2536 : i32 to vector<16xi32>
    %eq3A_2538 = arith.cmpi eq, %get3A_2535, %eq3A_2537 : vector<16xi32>
    %jit3A_2539 = arith.constant 0 : i32
    %jit3A_2540 = arith.constant 1 : i32
    %broadcast_in_dim3A_2541 = vector.broadcast %jit3A_2539 : i32 to vector<16xi32>
    %broadcast_in_dim3A_2542 = vector.broadcast %jit3A_2540 : i32 to vector<16xi32>
    %select_n3A_2543 = arith.select %eq3A_2538, %broadcast_in_dim3A_2541, %broadcast_in_dim3A_2542 : vector<16xi1>, vector<16xi32>
    %broadcast_in_dim3A_2544 = arith.constant true
    %broadcast_in_dim3A_2545 = vector.broadcast %broadcast_in_dim3A_2544 : i1 to vector<16xi1>
    %masked_cumsum3A_2546 = tpu.scan <sum>, %select_n3A_2543 masked %broadcast_in_dim3A_2545 : vector<16xi32>, vector<16xi1> -> vector<16xi32>
    %add3A_2547 = vector.broadcast %add3A_2529 : i32 to vector<16xi32>
    %add3A_2548 = arith.addi %add3A_2547, %masked_cumsum3A_2546 : vector<16xi32>
    %mul3A_2549 = arith.muli %add3A_2548, %select_n3A_2543 : vector<16xi32>
    %add3A_2550 = arith.constant 1 : i32
    %add3A_2551 = vector.broadcast %add3A_2550 : i32 to vector<16xi32>
    %add3A_2552 = arith.addi %mul3A_2549, %add3A_2551 : vector<16xi32>
    %swap3A_2553 = arith.constant 16 : index
    %swap3A_2554 = tpu.vector_load %arg7[%swap3A_2553] {strides = array<i32>} : memref<32xi32, #tpu.memory_space<vmem>>, vector<16xi32>,
    tpu.vector_store %arg7[%swap3A_2553], %add3A_2552 {strides = array<i32>} : memref<32xi32, #tpu.memory_space<vmem>>, vector<16xi32>,
    %reduce_sum3A_2555 = arith.constant true
    %reduce_sum3A_2556 = vector.broadcast %reduce_sum3A_2555 : i1 to vector<16xi1>
    %reduce_sum3A_2557 = tpu.scan <sum>, %select_n3A_2543 masked %reduce_sum3A_2556 : vector<16xi32>, vector<16xi1> -> vector<16xi32>
    %reduce_sum3A_2558 = vector.extract %reduce_sum3A_2557[15] : i32 from vector<16xi32>
    %add3A_2559 = arith.addi %add3A_2529, %reduce_sum3A_2558 : i32
    %dma_start3A_2560 = arith.constant 0 : i32
    %dma_start3A_2561 = arith.constant 0 : i32
    %dma_start3A_2562 = tpu.memref_slice %arg3[%dma_start3A_2560, %dma_start3A_2561] : memref<16384x1024xf32, #tpu.memory_space<hbm>> -> memref<16384x1024xf32, #tpu.memory_space<hbm>>
    tpu.enqueue_indirect_dma source(%dma_start3A_2562 : memref<16384x1024xf32, #tpu.memory_space<hbm>>) target(%arg10 : memref<32x1024xf32, #tpu.memory_space<vmem>>) offsets(%arg7 : memref<32xi32, #tpu.memory_space<vmem>>) semaphore(%arg13 : memref<!tpu.dma_semaphore, #tpu.memory_space<semaphore_mem>>)
    %dma_wait3A_2563 = arith.constant 0 : i32
    %dma_wait3A_2564 = arith.constant 0 : i32
    %dma_wait3A_2565 = tpu.memref_slice %arg3[%dma_wait3A_2563, %dma_wait3A_2564] : memref<16384x1024xf32, #tpu.memory_space<hbm>> -> memref<16384x1024xf32, #tpu.memory_space<hbm>>
    tpu.wait_indirect_dma semaphore(%arg14 : memref<!tpu.dma_semaphore, #tpu.memory_space<semaphore_mem>>) src(%dma_wait3A_2565 : memref<16384x1024xf32, #tpu.memory_space<hbm>>) dst(%arg11 : memref<32x1024xf32, #tpu.memory_space<vmem>>)
    %add3A_2566 = arith.constant 928 : i32
    %add3A_2567 = arith.addi %sub3A_21, %add3A_2566 : i32
    %dma_start3A_2568 = arith.constant 0 : i32
    %dma_start3A_2569 = tpu.memref_slice %arg4[%select_n3A, %add3A_2567, %dma_start3A_2568] : memref<4x8192x1024xf32, #tpu.memory_space<hbm>> -> memref<1x32x1024xf32, #tpu.memory_space<hbm>>
    %dma_start3A_2570 = tpu.memref_squeeze %dma_start3A_2569 : memref<1x32x1024xf32, #tpu.memory_space<hbm>> -> memref<32x1024xf32, #tpu.memory_space<hbm>>
    %dma_start3A_2571 = arith.constant 0 : i32
    %dma_start3A_2572 = tpu.memref_slice %arg4[%select_n3A, %add3A_2567, %dma_start3A_2571] : memref<4x8192x1024xf32, #tpu.memory_space<hbm>> -> memref<1x32x1024xf32, #tpu.memory_space<hbm>>
    %dma_start3A_2573 = tpu.memref_squeeze %dma_start3A_2572 : memref<1x32x1024xf32, #tpu.memory_space<hbm>> -> memref<32x1024xf32, #tpu.memory_space<hbm>>
    tpu.enqueue_dma source(%arg11 : memref<32x1024xf32, #tpu.memory_space<vmem>>) target(%dma_start3A_2573 : memref<32x1024xf32, #tpu.memory_space<hbm>>) target_semaphore(%arg17 : memref<!tpu.dma_semaphore, #tpu.memory_space<semaphore_mem>>)
    %dma_wait3A_2574 = arith.constant 0 : i32
    %dma_wait3A_2575 = arith.constant 0 : i32
    %dma_wait3A_2576 = tpu.memref_slice %arg3[%dma_wait3A_2574, %dma_wait3A_2575] : memref<16384x1024xf32, #tpu.memory_space<hbm>> -> memref<16384x1024xf32, #tpu.memory_space<hbm>>
    tpu.wait_indirect_dma semaphore(%arg12 : memref<!tpu.dma_semaphore, #tpu.memory_space<semaphore_mem>>) src(%dma_wait3A_2576 : memref<16384x1024xf32, #tpu.memory_space<hbm>>) dst(%arg9 : memref<32x1024xf32, #tpu.memory_space<vmem>>)
    %add3A_2577 = arith.constant 960 : i32
    %add3A_2578 = arith.addi %sub3A_21, %add3A_2577 : i32
    %dma_start3A_2579 = arith.constant 0 : i32
    %dma_start3A_2580 = tpu.memref_slice %arg4[%select_n3A, %add3A_2578, %dma_start3A_2579] : memref<4x8192x1024xf32, #tpu.memory_space<hbm>> -> memref<1x32x1024xf32, #tpu.memory_space<hbm>>
    %dma_start3A_2581 = tpu.memref_squeeze %dma_start3A_2580 : memref<1x32x1024xf32, #tpu.memory_space<hbm>> -> memref<32x1024xf32, #tpu.memory_space<hbm>>
    %dma_start3A_2582 = arith.constant 0 : i32
    %dma_start3A_2583 = tpu.memref_slice %arg4[%select_n3A, %add3A_2578, %dma_start3A_2582] : memref<4x8192x1024xf32, #tpu.memory_space<hbm>> -> memref<1x32x1024xf32, #tpu.memory_space<hbm>>
    %dma_start3A_2584 = tpu.memref_squeeze %dma_start3A_2583 : memref<1x32x1024xf32, #tpu.memory_space<hbm>> -> memref<32x1024xf32, #tpu.memory_space<hbm>>
    tpu.enqueue_dma source(%arg9 : memref<32x1024xf32, #tpu.memory_space<vmem>>) target(%dma_start3A_2584 : memref<32x1024xf32, #tpu.memory_space<hbm>>) target_semaphore(%arg15 : memref<!tpu.dma_semaphore, #tpu.memory_space<semaphore_mem>>)
    %dma_wait3A_2585 = arith.constant 0 : i32
    %dma_wait3A_2586 = arith.constant 0 : i32
    %dma_wait3A_2587 = tpu.memref_slice %arg3[%dma_wait3A_2585, %dma_wait3A_2586] : memref<16384x1024xf32, #tpu.memory_space<hbm>> -> memref<16384x1024xf32, #tpu.memory_space<hbm>>
    tpu.wait_indirect_dma semaphore(%arg13 : memref<!tpu.dma_semaphore, #tpu.memory_space<semaphore_mem>>) src(%dma_wait3A_2587 : memref<16384x1024xf32, #tpu.memory_space<hbm>>) dst(%arg10 : memref<32x1024xf32, #tpu.memory_space<vmem>>)
    %add3A_2588 = arith.constant 992 : i32
    %add3A_2589 = arith.addi %sub3A_21, %add3A_2588 : i32
    %dma_start3A_2590 = arith.constant 0 : i32
    %dma_start3A_2591 = tpu.memref_slice %arg4[%select_n3A, %add3A_2589, %dma_start3A_2590] : memref<4x8192x1024xf32, #tpu.memory_space<hbm>> -> memref<1x32x1024xf32, #tpu.memory_space<hbm>>
    %dma_start3A_2592 = tpu.memref_squeeze %dma_start3A_2591 : memref<1x32x1024xf32, #tpu.memory_space<hbm>> -> memref<32x1024xf32, #tpu.memory_space<hbm>>
    %dma_start3A_2593 = arith.constant 0 : i32
    %dma_start3A_2594 = tpu.memref_slice %arg4[%select_n3A, %add3A_2589, %dma_start3A_2593] : memref<4x8192x1024xf32, #tpu.memory_space<hbm>> -> memref<1x32x1024xf32, #tpu.memory_space<hbm>>
    %dma_start3A_2595 = tpu.memref_squeeze %dma_start3A_2594 : memref<1x32x1024xf32, #tpu.memory_space<hbm>> -> memref<32x1024xf32, #tpu.memory_space<hbm>>
    tpu.enqueue_dma source(%arg10 : memref<32x1024xf32, #tpu.memory_space<vmem>>) target(%dma_start3A_2595 : memref<32x1024xf32, #tpu.memory_space<hbm>>) target_semaphore(%arg16 : memref<!tpu.dma_semaphore, #tpu.memory_space<semaphore_mem>>)
    %dma_wait3A_2596 = arith.constant 0 : i32
    %dma_wait3A_2597 = tpu.memref_slice %arg4[%select_n3A, %add3A_2578, %dma_wait3A_2596] : memref<4x8192x1024xf32, #tpu.memory_space<hbm>> -> memref<1x32x1024xf32, #tpu.memory_space<hbm>>
    %dma_wait3A_2598 = tpu.memref_squeeze %dma_wait3A_2597 : memref<1x32x1024xf32, #tpu.memory_space<hbm>> -> memref<32x1024xf32, #tpu.memory_space<hbm>>
    %dma_wait3A_2599 = arith.constant 0 : i32
    %dma_wait3A_2600 = tpu.memref_slice %arg4[%select_n3A, %add3A_2578, %dma_wait3A_2599] : memref<4x8192x1024xf32, #tpu.memory_space<hbm>> -> memref<1x32x1024xf32, #tpu.memory_space<hbm>>
    %dma_wait3A_2601 = tpu.memref_squeeze %dma_wait3A_2600 : memref<1x32x1024xf32, #tpu.memory_space<hbm>> -> memref<32x1024xf32, #tpu.memory_space<hbm>>
    tpu.wait_dma2 semaphore(%arg15 : memref<!tpu.dma_semaphore, #tpu.memory_space<semaphore_mem>>) src(%arg9 : memref<32x1024xf32, #tpu.memory_space<vmem>>) dst(%dma_wait3A_2601 : memref<32x1024xf32, #tpu.memory_space<hbm>>)
    %dma_wait3A_2602 = arith.constant 0 : i32
    %dma_wait3A_2603 = tpu.memref_slice %arg4[%select_n3A, %add3A_2589, %dma_wait3A_2602] : memref<4x8192x1024xf32, #tpu.memory_space<hbm>> -> memref<1x32x1024xf32, #tpu.memory_space<hbm>>
    %dma_wait3A_2604 = tpu.memref_squeeze %dma_wait3A_2603 : memref<1x32x1024xf32, #tpu.memory_space<hbm>> -> memref<32x1024xf32, #tpu.memory_space<hbm>>
    %dma_wait3A_2605 = arith.constant 0 : i32
    %dma_wait3A_2606 = tpu.memref_slice %arg4[%select_n3A, %add3A_2589, %dma_wait3A_2605] : memref<4x8192x1024xf32, #tpu.memory_space<hbm>> -> memref<1x32x1024xf32, #tpu.memory_space<hbm>>
    %dma_wait3A_2607 = tpu.memref_squeeze %dma_wait3A_2606 : memref<1x32x1024xf32, #tpu.memory_space<hbm>> -> memref<32x1024xf32, #tpu.memory_space<hbm>>
    tpu.wait_dma2 semaphore(%arg16 : memref<!tpu.dma_semaphore, #tpu.memory_space<semaphore_mem>>) src(%arg10 : memref<32x1024xf32, #tpu.memory_space<vmem>>) dst(%dma_wait3A_2607 : memref<32x1024xf32, #tpu.memory_space<hbm>>)
    %dma_wait3A_2608 = arith.constant 0 : i32
    %dma_wait3A_2609 = tpu.memref_slice %arg4[%select_n3A, %add3A_2567, %dma_wait3A_2608] : memref<4x8192x1024xf32, #tpu.memory_space<hbm>> -> memref<1x32x1024xf32, #tpu.memory_space<hbm>>
    %dma_wait3A_2610 = tpu.memref_squeeze %dma_wait3A_2609 : memref<1x32x1024xf32, #tpu.memory_space<hbm>> -> memref<32x1024xf32, #tpu.memory_space<hbm>>
    %dma_wait3A_2611 = arith.constant 0 : i32
    %dma_wait3A_2612 = tpu.memref_slice %arg4[%select_n3A, %add3A_2567, %dma_wait3A_2611] : memref<4x8192x1024xf32, #tpu.memory_space<hbm>> -> memref<1x32x1024xf32, #tpu.memory_space<hbm>>
    %dma_wait3A_2613 = tpu.memref_squeeze %dma_wait3A_2612 : memref<1x32x1024xf32, #tpu.memory_space<hbm>> -> memref<32x1024xf32, #tpu.memory_space<hbm>>
    tpu.wait_dma2 semaphore(%arg17 : memref<!tpu.dma_semaphore, #tpu.memory_space<semaphore_mem>>) src(%arg11 : memref<32x1024xf32, #tpu.memory_space<vmem>>) dst(%dma_wait3A_2613 : memref<32x1024xf32, #tpu.memory_space<hbm>>)
    %barrier3A = arith.constant 0 : index
    tpu.barrier barrier_id(%barrier3A)
    return
  }
}

</mosaic_0001>

<sc_bundles>
// kernel: _posemb.3.cloned.1.call-start
scs
__scs_entry_jumppad:
0x0: {  	(pc) =	sbr.rel $0x88, $3  }
0x1: {  	(tag) =	ssettag $0x0;
	lr =	simm.s32 $0x1  }
0x2: {  	[smem:$0x3F9F] =	sst lr;
	_ =	strace $0xD0000000  }
0x3: {  	_ = 	snop  }
0x4: {  	_ = 	snop  }
0x5: {  	_ = 	snop  }
0x6: {  	_ = 	snop  }
0x7: {  	_ = 	snop  }
__scs_overlays_trampoline_lowered:
0x8: {  	[smem:$0x3FAE] =	sst s0  }
0x9: {  	[smem:$0x3FAF] =	sst s1  }
0xa: {  	[smem:$0x3FB0] =	sst s2  }
0xb: {  	[smem:$0x3FB1] =	sst s3  }
0xc: {  	[smem:$0x3FB2] =	sst s4  }
0xd: {  	[smem:$0x3FB3] =	sst s5  }
0xe: {  	[smem:$0x3FB4] =	sst s6  }
0xf: {  	[smem:$0x3FB5] =	sst s7  }
0x10: {  	[smem:$0x3FB6] =	sst s8  }
0x11: {  	[smem:$0x3FB7] =	sst s9;
	s0 =	simm.s32 @!p0 $0x0  }
0x12: {  	s1 =	sld [smem:$0x3F9D];
	s0 =	simm.s32 @p0 $0x1  }
0x13: {  	[smem:$0x3FB8] =	sst s0;
	s0 =	simm.s32 @!p1 $0x0  }
0x14: {  	s2 =	sld [smem:$0x3F9C];
	s0 =	simm.s32 @p1 $0x1  }
0x15: {  	[smem:$0x3FB9] =	sst s0;
	s0 =	simm.s32 @!p2 $0x0  }
0x16: {  	s3 =	sld [smem:$0x3FDB];
	s0 =	simm.s32 @p2 $0x1  }
0x17: {  	s4 =	simm.s32 $0x1BF5;
	[smem:$0x3FBB] =	sst s0  }
0x18: {  	s0 =	sld [smem:$0x3F9E];
	_ =	swait.ge [sflag:s4], $0x0  }
0x19: {  	s7 =	sld [smem:$0x3F9F]  }
0x1a: {  	s8 =	sadd.s32 $0xFFFFE003, lr  }
0x1b: {  	s9 =	sadd.s32 $0xFFFFFEF7, lr;
	s5 =	simm.s32 $0xFFFFFFFF;
	p2 =	slt.u32 s8, $0xFFFFF086  }
0x1c: {  	p1 =	slt.u32 s9, $0xF7A;
	s5 =	simm.s32 @!p2 $0x0  }
0x1d: {  	s5 =	simm.s32 @p1 $0x1;
	p0 =	seq.s32 s7, s2  }
0x1e: {  	s7 =	smul.u32 @!p0 $0xF7A, s2;
	p2 =	seq.s32 @!p0 s5, $0x0  }
0x1f: {  	s9 =	smul.u32 $0xF7A, s1;
	s8 =	simm.s32 @!p0 $0x1BF5;
	p2 =	por !p2, p0  }
0x20: {  	[sflag:s8] =	ssyncset.s32 @!p0 $0xFFFFF086;
	s6 =	sadd.s32 @!p0 s3, s7;
	s7 =	simm.s32 @!p0 $0x108  }
0x21: {  	s3 =	sadd.s32 s3, s9;
	s6 =	sadd.s32 @!p0 $0x88, s6;
	s7 =	simm.s32 @p2 $0x1082  }
0x22: {  	[simem:s7], [sflag:s8] =	dma.local @!p0 [hbm:s6], $0xF7A  }
0x23: {  	s9 =	sor.u32 $0xD0000000, s2;
	s6 =	simm.s32 $0x108;
	_ =	swait.ge @!p0 [sflag:s8], $0x0  }
0x24: {  	s3 =	sadd.s32 $0x88, s3;
	s6 =	simm.s32 @!p1 $0x1082;
	[sflag:s4] =	ssyncset.s32 $0xFFFFF086  }
0x25: {  	[simem:s6], [sflag:s4] =	dma.local [hbm:s3], $0xF7A  }
0x26: {  	[smem:$0x3F9F] =	sst s1;
	(tag) =	ssettag s2;
	_ =	strace s9  }
0x27: {  	s1 =	sld [smem:$0x3FAF]  }
0x28: {  	s2 =	sld [smem:$0x3FB0]  }
0x29: {  	s4 =	sld [smem:$0x3FB2]  }
0x2a: {  	p0 =	seq.s32 s5, $0x0;
	s5 =	sld [smem:$0x3FB3]  }
0x2b: {  	s6 =	sld [smem:$0x3FB4]  }
0x2c: {  	s7 =	sld [smem:$0x3FB5]  }
0x2d: {  	s3 =	simm.s32 $0x108;
	s8 =	sld [smem:$0x3FB6]  }
0x2e: {  	s3 =	simm.s32 @!p0 $0x1082;
	s9 =	sld [smem:$0x3FB7]  }
0x2f: {  	lr =	sadd.s32 s0, s3;
	s0 =	sld [smem:$0x3FAE]  }
0x30: {  	s3 =	sld [smem:$0x3FB1]  }
0x31: {  	[smem:$0x3FBA] =	sst s10  }
0x32: {  	s10 =	sld [smem:$0x3FB8];
	_ =	sdelay $0x3  }
0x33: {  	p0 =	seq.s32 s10, $0x1;
	s10 =	sld [smem:$0x3FBA];
	_ =	sdelay $0x3  }
0x34: {  	[smem:$0x3FBA] =	sst s10  }
0x35: {  	s10 =	sld [smem:$0x3FB9];
	_ =	sdelay $0x3  }
0x36: {  	p1 =	seq.s32 s10, $0x1;
	s10 =	sld [smem:$0x3FBA];
	_ =	sdelay $0x3  }
0x37: {  	[smem:$0x3FBA] =	sst s10  }
0x38: {  	s10 =	sld [smem:$0x3FBB]  }
0x39: {  	_ = 	snop;
	(pc) =	sbr.ind lr, $3  }
0x3a: {  	_ = 	snop  }
0x3b: {  	_ = 	snop  }
0x3c: {  	p2 =	seq.s32 s10, $0x1;
	s10 =	sld [smem:$0x3FBA]  }
0x3d: {  	_ =	shalt  }
0x3e: {  	_ =	shalt  }
0x3f: {  	_ =	shalt  }
0x40: {  	_ =	shalt  }
0x41: {  	_ =	shalt  }
0x42: {  	_ =	shalt  }
0x43: {  	_ =	shalt  }
0x44: {  	_ =	shalt  }
0x45: {  	_ =	shalt  }
0x46: {  	_ =	shalt  }
0x47: {  	_ =	shalt  }
0x48: {  	_ =	shalt  }
0x49: {  	_ =	shalt  }
0x4a: {  	_ =	shalt  }
0x4b: {  	_ =	shalt  }
0x4c: {  	_ =	shalt  }
0x4d: {  	_ =	shalt  }
0x4e: {  	_ =	shalt  }
0x4f: {  	_ =	shalt  }
0x50: {  	_ =	shalt  }
0x51: {  	_ =	shalt  }
0x52: {  	_ =	shalt  }
0x53: {  	_ =	shalt  }
0x54: {  	_ =	shalt  }
0x55: {  	_ =	shalt  }
0x56: {  	_ =	shalt  }
0x57: {  	_ =	shalt  }
0x58: {  	_ =	shalt  }
0x59: {  	_ =	shalt  }
0x5a: {  	_ =	shalt  }
0x5b: {  	_ =	shalt  }
0x5c: {  	_ =	shalt  }
0x5d: {  	_ =	shalt  }
0x5e: {  	_ =	shalt  }
0x5f: {  	_ =	shalt  }
0x60: {  	_ =	shalt  }
0x61: {  	_ =	shalt  }
0x62: {  	_ =	shalt  }
0x63: {  	_ =	shalt  }
0x64: {  	_ =	shalt  }
0x65: {  	_ =	shalt  }
0x66: {  	_ =	shalt  }
0x67: {  	_ =	shalt  }
0x68: {  	_ =	shalt  }
0x69: {  	_ =	shalt  }
0x6a: {  	_ =	shalt  }
0x6b: {  	_ =	shalt  }
0x6c: {  	_ =	shalt  }
0x6d: {  	_ =	shalt  }
0x6e: {  	_ =	shalt  }
0x6f: {  	_ =	shalt  }
0x70: {  	_ =	shalt  }
0x71: {  	_ =	shalt  }
0x72: {  	_ =	shalt  }
0x73: {  	_ =	shalt  }
0x74: {  	_ =	shalt  }
0x75: {  	_ =	shalt  }
0x76: {  	_ =	shalt  }
0x77: {  	_ =	shalt  }
0x78: {  	_ =	shalt  }
0x79: {  	_ =	shalt  }
0x7a: {  	_ =	shalt  }
0x7b: {  	_ =	shalt  }
0x7c: {  	_ =	shalt  }
0x7d: {  	_ =	shalt  }
0x7e: {  	_ =	shalt  }
0x7f: {  	_ =	shalt  }
0x80: {  	_ =	shalt  }
0x81: {  	_ =	shalt  }
0x82: {  	_ =	shalt  }
0x83: {  	_ =	shalt  }
0x84: {  	_ =	shalt  }
0x85: {  	_ =	shalt  }
0x86: {  	_ =	shalt  }
0x87: {  	_ =	shalt  }
.Lfunc_end0:
.L_simem_size_0:
called_computation_lowered:
.L_overlay_start_0:
0x88: {  	s2 =	sld [smem:$0x3FD9]  }
0x89: {  	s3 =	sld [smem:$0x3FFE];
	_ =	sdelay $0x1  }
0x8a: {  	s1 =	srdreg.scid  }
0x8b: {  	s0 =	sand.u32 $0x1, s1  }
0x8c: {  	s18 =	sshll.u32 s0, $0xA;
	s2 =	sadd.s32 s3, s2  }
0x8d: {  	s2 =	sadd.s32 s2, s18  }
0x8e: {  	[smem:$0x3FC6] =	sst s2  }
0x8f: {  	_ = 	snop  }
0x90: {  	s2 =	sld [smem:$0x3FC9]  }
0x91: {  	s19 =	sld [smem:$0x3FC8]  }
0x92: {  	s4 =	sld [smem:$0x3FD0];
	(tm) =	ssettm $0x1  }
0x93: {  	s5 =	sld [smem:$0x3FFB];
	_ =	sdelay $0x3  }
0x94: {  	_ =	strace s5  }
0x95: {  	s5 =	sld [smem:$0x3FFC];
	_ =	sdelay $0x3  }
0x96: {  	_ =	strace s5  }
0x97: {  	s5 =	sld [smem:$0x3FFD];
	_ =	sdelay $0x3  }
0x98: {  	_ =	strace s5  }
0x99: {  	_ =	strace $0x8FFFFFFF  }
0x9a: {  	s20 =	sld [smem:$0x3FDB];
	_ =	sdelay $0x1  }
0x9b: {  	s6 =	simm.s32 $_scs_section_size  }
0x9c: {  	s7 =	simm.s32 $_size__tile_overlayer_lowered;
	s8 =	simm.s32 $_tile_overlayer_lowered  }
0x9d: {  	s23 =	simm.s32 $0x1BFF;
	s22 =	sshll.u32 s8, $0x1;
	s5 =	sadd.s32 s6, s20  }
0x9e: {  	s9 =	simm.s32 $0x0;
	s21 =	sshll.u32 s7, $0x1;
	s7 =	sadd.s32 s22, s5  }
0x9f: {  	[timem:s9], [sflag:s23] =	dma.local [hbm:s7], s21  }
0xa0: {  	_ =	swait.ge [sflag:s23], s21  }
0xa1: {  	s6 =	ssub.s32 $0x0, s21;
	[sflag:s23] =	ssyncset.done $0x0  }
0xa2: {  	[sflag:s23] =	ssyncadd.s32 s6;
	_ =	sdelay $0x1  }
0xa3: {  	s24 =	simm.s32 $0x1B8B  }
0xa4: {  	_ =	swait.ge [sflag:s24], $0x1  }
0xa5: {  	[sflag:s24] =	ssyncset.done $0x0  }
0xa6: {  	s25 =	simm.s32 $0x1B8E;
	[sflag:s24] =	ssyncadd.s32 $0xFFFFFFFF  }
0xa7: {  	s26 =	simm.s32 $execute0_lowered;
	[smem:$0x3FD2] =	sst s25  }
0xa8: {  	s6 =	sshll.u32 s26, $0x1;
	_ =	strace $0x80000046;
	[dreg:$0x1] =	wrdreg $0xFFFFFFFF  }
0xa9: {  	s28 =	simm.s32 $_size_execute0_lowered;
	s5 =	sadd.s32 s5, s6;
	[dreg:$0x0] =	wrdreg $0x0  }
0xaa: {  	s6 =	sshll.u32 s28, $0x1;
	[dreg:$0x2] =	wrdreg s5  }
0xab: {  	[dreg:$0x3] =	wrdreg s6  }
0xac: {  	[dreg:$0x4] =	wrdreg $0xC0  }
0xad: {  	_ =	task [dreg:s9], $0x5FFFF  }
0xae: {  	[dreg:$0x1] =	wrdreg $0xFFFFFFFF  }
0xaf: {  	[dreg:$0x0] =	wrdreg $0x60  }
0xb0: {  	[dreg:$0x2] =	wrdreg s2  }
0xb1: {  	[dreg:$0x3] =	wrdreg s19  }
0xb2: {  	[dreg:$0x4] =	wrdreg s4  }
0xb3: {  	[dreg:$0x5] =	wrdreg $0x9  }
0xb4: {  	_ =	task.clear_ibuf [dreg:s9], $0x6FFFF;
	_ =	strace $0x90000046  }
0xb5: {  	s29 =	simm.s32 $0x9;
	_ =	strace $0x80000048  }
0xb6: {  	_ =	swait.ge [sflag:s29], $0x1  }
0xb7: {  	[sflag:s29] =	ssyncadd.s32 $0xFFFFFFFF  }
0xb8: {  	_ =	strace $0x90000048  }
0xb9: {  	_ =	sfence  }
0xba: {  	s30 =	sld [smem:$0x0];
	_ =	sdelay $0x2  }
0xbb: {  	s31 =	sshll.u32 s1, $0xD;
	s1 =	sshrl.u32 s1, $0x2  }
0xbc: {  	s3 =	sand.u32 $0x4000, s31;
	s1 =	sadd.s32 s1, s30  }
0xbd: {  	s0 =	sor.u32 s3, s0;
	s1 =	sshll.u32 s1, $0x11  }
0xbe: {  	s0 =	sor.u32 s1, s0  }
0xbf: {  	s0 =	sadd.s32 $0x8F2B, s0  }
0xc0: {  	[sflag:s0] =	ssyncadd.remote.s32 $0x1  }
0xc1: {  	_ =	sfence.sel $0xFFFF  }
0xc2: {  	[dreg:$0x0] =	wrdreg $0xFFFFFFFF;
	(pc) =	sbr.abs _section_cstart, $3  }
0xc3: {  	[dreg:$0x1] =	wrdreg $0xFFFFFFFF  }
0xc4: {  	_ =	task.clear_ibuf [dreg:s9], $0x2FFFF;
	_ =	strace $0x9FFFFFFF  }
0xc5: {  	(tm) =	ssettm $0x7FFFFFFF  }
tec
execute0_lowered:
.L_overlay_start_1:
0x0: {  	(tag) =	ssettag $0x1  }
0x1: {  	s0 =	srdreg.scid  }
0x2: {  	s4 =	rddreg [dreg:$0x0];
	s7 =	stileid.u32  }
0x3: {  	s0 =	sand.u32 $0x1, s0;
	s5 =	sshll.u32 s7, $0xB;
	s7 =	sshrl.u32 s7, $0x2  }
0x4: {  	s2 =	ssub.s32 $0x2, s0;
	s6 =	sshll.u32 s0, $0xA;
	s10 =	sshll.u32 s7, $0x4  }
0x5: {  	s5 =	sand.u32 $0x1800, s5;
	s3 =	sshrl.u32 s2, $0x1;
	s4 =	sadd.s32 s4, s10  }
0x6: {  	s9 =	ssub.s32 s2, s3;
	s2 =	sor.u32 s6, s5;
	[dreg:$0x5] =	wrdreg s4  }
0x7: {  	[smem:$0x7F7] =	sst s9;
	s11 =	sor.u32 $0x80, s2  }
0x8: {  	s3 =	sshll.u32 s7, $0x17;
	s14 =	sor.u32 $0xA0, s2;
	[dreg:$0x4] =	wrdreg s11  }
0x9: {  	s6 =	sshll.u32 s2, $0xA;
	s15 =	sor.u32 $0xC0, s2;
	[dreg:$0x6] =	wrdreg s14  }
0xa: {  	s16 =	sor.u32 $0xE0, s2;
	s18 =	sor.u32 $0x100, s2;
	[dreg:$0x7] =	wrdreg s15  }
0xb: {  	s19 =	sor.u32 $0x120, s2;
	s21 =	sor.u32 $0x140, s2;
	[dreg:$0x8] =	wrdreg s16  }
0xc: {  	s22 =	sor.u32 $0x160, s2;
	s23 =	sor.u32 $0x180, s2;
	[dreg:$0x9] =	wrdreg s18  }
0xd: {  	s24 =	sor.u32 $0x1A0, s2;
	s26 =	sor.u32 $0x1C0, s2;
	[dreg:$0xa] =	wrdreg s19  }
0xe: {  	s30 =	sor.u32 $0x1E0, s2;
	s31 =	sor.u32 $0x200, s2;
	[dreg:$0xb] =	wrdreg s21  }
0xf: {  	s12 =	sor.u32 s3, s6;
	s13 =	sshll.u32 s11, $0xA;
	[dreg:$0xc] =	wrdreg s22  }
0x10: {  	s17 =	sshll.u32 s14, $0xA;
	s8 =	sshll.u32 s15, $0xA;
	[dreg:$0xd] =	wrdreg s23  }
0x11: {  	s20 =	sshll.u32 s16, $0xA;
	s9 =	sshll.u32 s18, $0xA;
	[dreg:$0xe] =	wrdreg s24  }
0x12: {  	s10 =	sshll.u32 s19, $0xA;
	s11 =	sshll.u32 s21, $0xA;
	[dreg:$0xf] =	wrdreg s26  }
0x13: {  	s25 =	sshll.u32 s24, $0xA;
	s15 =	sshll.u32 s26, $0xA;
	[dreg:$0x10] =	wrdreg s30  }
0x14: {  	s16 =	sshll.u32 s30, $0xA;
	[dreg:$0x11] =	wrdreg s31;
	s0 =	sshll.u32 s31, $0xA  }
0x15: {  	s24 =	sor.u32 $0x2C0, s2;
	s26 =	sor.u32 $0x2E0, s2;
	s30 =	sor.u32 $0x300, s2  }
0x16: {  	s31 =	sor.u32 $0x320, s2;
	[smem:$0x7D8] =	sst s12;
	s5 =	sor.u32 s3, s13  }
0x17: {  	s7 =	sor.u32 s3, s17;
	s4 =	sor.u32 s3, s8;
	s6 =	sor.u32 s3, s20  }
0x18: {  	s9 =	sor.u32 s3, s9;
	s10 =	sor.u32 s3, s10;
	[dreg:$0x17] =	wrdreg s24  }
0x19: {  	s11 =	sor.u32 s3, s11;
	s12 =	sshll.u32 s22, $0xA;
	[dreg:$0x18] =	wrdreg s26  }
0x1a: {  	s13 =	sshll.u32 s23, $0xA;
	s17 =	sor.u32 s3, s15;
	[dreg:$0x19] =	wrdreg s30  }
0x1b: {  	s15 =	sor.u32 s3, s16;
	s16 =	sor.u32 s3, s0;
	[dreg:$0x1a] =	wrdreg s31  }
0x1c: {  	s8 =	sor.u32 $0x260, s2;
	s22 =	sor.u32 $0x280, s2;
	[smem:$0x7D9] =	sst s5  }
0x1d: {  	s23 =	sor.u32 $0x2A0, s2;
	[smem:$0x7DC] =	sst s4;
	s14 =	sor.u32 s3, s12  }
0x1e: {  	s12 =	sor.u32 s3, s13;
	s13 =	sor.u32 s3, s25;
	[dreg:$0x14] =	wrdreg s8  }
0x1f: {  	s4 =	sor.u32 $0x220, s2;
	s5 =	sor.u32 $0x240, s2;
	[dreg:$0x15] =	wrdreg s22  }
0x20: {  	s21 =	sshll.u32 s8, $0xA;
	[dreg:$0x16] =	wrdreg s23;
	s25 =	sshll.u32 s24, $0xA  }
0x21: {  	s24 =	sshll.u32 s26, $0xA;
	s8 =	sor.u32 $0x340, s2;
	[dreg:$0x12] =	wrdreg s4  }
0x22: {  	s7 =	sshrl.u32 s7, $0x3;
	s18 =	sshll.u32 s4, $0xA;
	[dreg:$0x13] =	wrdreg s5  }
0x23: {  	s19 =	sshll.u32 s5, $0xA;
	s26 =	sor.u32 s3, s24;
	s5 =	sshll.u32 s31, $0xA  }
0x24: {  	s31 =	sor.u32 $0x380, s2;
	[dreg:$0x1b] =	wrdreg s8;
	s28 =	sshll.u32 s8, $0xA  }
0x25: {  	s4 =	sor.u32 $0x3A0, s2;
	s8 =	sor.u32 $0x3C0, s2;
	s20 =	sor.u32 s3, s18  }
0x26: {  	s18 =	sor.u32 s3, s19;
	s19 =	sor.u32 s3, s21;
	[dreg:$0x1d] =	wrdreg s31  }
0x27: {  	s21 =	sshll.u32 s22, $0xA;
	s22 =	sshll.u32 s23, $0xA;
	[dreg:$0x1e] =	wrdreg s4  }
0x28: {  	s28 =	sor.u32 s3, s28;
	[dreg:$0x1f] =	wrdreg s8;
	s8 =	sshll.u32 s8, $0xA  }
0x29: {  	s23 =	sor.u32 s3, s21;
	s21 =	sor.u32 s3, s22;
	s22 =	sor.u32 s3, s25  }
0x2a: {  	s25 =	sshll.u32 s30, $0xA;
	s30 =	sor.u32 $0x360, s2;
	s8 =	sor.u32 s3, s8  }
0x2b: {  	s24 =	sor.u32 s3, s25;
	s25 =	sor.u32 s3, s5;
	[dreg:$0x1c] =	wrdreg s30  }
0x2c: {  	s29 =	sshll.u32 s30, $0xA;
	s30 =	sshll.u32 s31, $0xA;
	s5 =	sor.u32 $0x3E0, s2  }
0x2d: {  	s31 =	sshll.u32 s4, $0xA;
	s4 =	sld [smem:$0x7D8];
	s29 =	sor.u32 s3, s29  }
0x2e: {  	s30 =	sor.u32 s3, s30;
	[smem:$0x7D7] =	sst s5;
	s0 =	sshll.u32 s5, $0xA  }
0x2f: {  	s31 =	sor.u32 s3, s31;
	s3 =	sor.u32 s3, s0;
	s0 =	rddreg [dreg:$0x2]  }
0x30: {  	s5 =	sshrl.u32 s4, $0x3;
	s4 =	sld [smem:$0x7D9];
	s7 =	sadd.s32 s0, s7  }
0x31: {  	[smem:$0x7DB] =	sst s7  }
0x32: {  	s7 =	sld [smem:$0x7DC]  }
0x33: {  	s1 =	simm.s32 $0x0;
	s4 =	sshrl.u32 s4, $0x3  }
0x34: {  	[smem:$0x7FF] =	sst s1;
	s4 =	sadd.s32 s0, s4  }
0x35: {  	[smem:$0x7DA] =	sst s4;
	s4 =	sshrl.u32 s7, $0x3  }
0x36: {  	s6 =	sshrl.u32 s6, $0x3;
	s7 =	sshrl.u32 s9, $0x3;
	s4 =	sadd.s32 s0, s4  }
0x37: {  	s9 =	sadd.s32 s0, s7;
	s7 =	sshrl.u32 s11, $0x3;
	s11 =	sshrl.u32 s12, $0x3  }
0x38: {  	s12 =	sshrl.u32 s13, $0x3;
	s13 =	sshrl.u32 s17, $0x3;
	[smem:$0x7DD] =	sst s4  }
0x39: {  	s17 =	sshrl.u32 s20, $0x3;
	s4 =	sadd.s32 s0, s6;
	[smem:$0x7DF] =	sst s9  }
0x3a: {  	s9 =	sshrl.u32 s14, $0x3;
	s14 =	sadd.s32 s0, s13;
	[smem:$0x7DE] =	sst s4  }
0x3b: {  	s6 =	sshrl.u32 s10, $0x3;
	s20 =	sadd.s32 s0, s17;
	[smem:$0x7E5] =	sst s14  }
0x3c: {  	s4 =	sadd.s32 s0, s6;
	[smem:$0x7E8] =	sst s20  }
0x3d: {  	s13 =	sshrl.u32 s26, $0x3;
	s10 =	sadd.s32 s0, s9;
	[smem:$0x7E0] =	sst s4  }
0x3e: {  	s17 =	sshrl.u32 s28, $0x3;
	s14 =	sadd.s32 s0, s13;
	[smem:$0x7E2] =	sst s10  }
0x3f: {  	s6 =	sshrl.u32 s18, $0x3;
	s18 =	sadd.s32 s0, s17;
	[smem:$0x7EE] =	sst s14  }
0x40: {  	s9 =	sshrl.u32 s23, $0x3;
	s4 =	sadd.s32 s0, s7;
	[smem:$0x7F1] =	sst s18  }
0x41: {  	s15 =	sshrl.u32 s15, $0x3;
	s10 =	sadd.s32 s0, s9;
	[smem:$0x7E1] =	sst s4  }
0x42: {  	s4 =	sadd.s32 s0, s11;
	[smem:$0x7EB] =	sst s10;
	s11 =	sshrl.u32 s21, $0x3  }
0x43: {  	s21 =	sshrl.u32 s31, $0x3;
	[smem:$0x7E3] =	sst s4;
	s4 =	sadd.s32 s0, s12  }
0x44: {  	s12 =	sshrl.u32 s22, $0x3;
	s22 =	sadd.s32 s0, s21;
	[smem:$0x7E4] =	sst s4  }
0x45: {  	s16 =	sshrl.u32 s16, $0x3;
	s4 =	sadd.s32 s0, s15;
	[smem:$0x7F4] =	sst s22  }
0x46: {  	[smem:$0x7E6] =	sst s4;
	s4 =	sadd.s32 s0, s16  }
0x47: {  	s7 =	sshrl.u32 s19, $0x3;
	[smem:$0x7E7] =	sst s4;
	s4 =	sadd.s32 s0, s6  }
0x48: {  	p0 =	seq.s32 s2, $0x0;
	[smem:$0x7E9] =	sst s4;
	s4 =	sadd.s32 s0, s7  }
0x49: {  	s3 =	sshrl.u32 s3, $0x3;
	[smem:$0x7EA] =	sst s4;
	s4 =	sadd.s32 s0, s11  }
0x4a: {  	s15 =	sshrl.u32 s24, $0x3;
	[smem:$0x7EC] =	sst s4;
	s4 =	sadd.s32 s0, s12  }
0x4b: {  	s16 =	sshrl.u32 s25, $0x3;
	[smem:$0x7ED] =	sst s4;
	s4 =	sadd.s32 s0, s15  }
0x4c: {  	s5 =	sadd.s32 s0, s5;
	[smem:$0x7EF] =	sst s4;
	s4 =	sadd.s32 s0, s16  }
0x4d: {  	s26 =	sadd.s32 $0x1000, s5;
	s19 =	sshrl.u32 s29, $0x3;
	[smem:$0x7F0] =	sst s4  }
0x4e: {  	s20 =	sshrl.u32 s30, $0x3;
	s4 =	sadd.s32 s0, s19;
	s19 =	rddreg [dreg:$0x1]  }
0x4f: {  	s23 =	sshrl.u32 s8, $0x3;
	[smem:$0x7F2] =	sst s4;
	s4 =	sadd.s32 s0, s20  }
0x50: {  	s28 =	simm.s32 $0x4;
	[smem:$0x7F3] =	sst s4;
	s4 =	sadd.s32 s0, s23  }
0x51: {  	s30 =	sadd.s32 $0x2000, s5;
	s0 =	sadd.s32 s0, s3;
	[smem:$0x7F5] =	sst s4  }
0x52: {  	s17 =	simm.s32 $0x2;
	s13 =	simm.s32 $0x6;
	[smem:$0x7F6] =	sst s0  }
0x53: {  	s29 =	simm.s32 $0x5;
	_ =	strace $0x80000047;
	[smem:$0x7FA] =	sst s26  }
0x54: {  	s31 =	sadd.s32 $0x3000, s5;
	s24 =	sshrl.u32 s2, $0x4;
	[smem:$0x7FB] =	sst s30  }
.Ltmp0:
0x55: {  	s22 =	simm.s32 $0x3;
	s25 =	sld [smem:$0x7F7];
	(pc) =	sbr.rel .LBB2_1-.Ltmp0, $4  }
0x56: {  	s12 =	simm.s32 $0x1;
	s0 =	smax.u32 s24, $0x1;
	[smem:$0x7FC] =	sst s5  }
0x57: {  	v3 =	vlaneseq.u32;
	s9 =	sadd.s32 $0x100, s19;
	s0 =	sshll.u32 s0, $0x6;
	[smem:$0x7FD] =	sst s31  }
0x58: {  	vm0 =	vmmov $0xffff;
	v0 =	vimm.s32 $0x0;
	v2 =	vshrl.u32 v3, $0x3;
	s20 =	sadd.s32 $0x200, s19;
	[smem:$0x7F9] =	sst s0;
	s3 =	smax.u32 s25, $0x1  }
0x59: {  	v1 =	vand.u32 $0x7, v3;
	v3 =	vor.u32 $0x8, v3;
	v2 =	vmul.u32 $0x8, v2;
	s10 =	sadd.s32 $0x300, s19;
	[smem:$0x7F8] =	sst s3;
	s3 =	simm.s32 $0x0  }
.LBB2_4:
0x5a: {  	v5 =	vsel vm1, $0x1, v0  }
0x5b: {  	v4 =	vadd.s32 v5, v4  }
.LBB2_5:
0x5c: {  	v5 =	vld [tilespmem:s2+$0x0];
	_ =	sdelay $0x4  }
0x5d: {  	vm1 =	vne.s32 v5, $0x1  }
0x5e: {  	(xrf0) =	vadd.scan.msk.s32 $0xffff, v4;
	v4 =	vsel vm1, $0x1, v0  }
0x5f: {  	(xrf0) =	vadd.scan.msk.s32 $0xffff, v4;
	_ =	sdelay $0x4  }
0x60: {  	v4, _, _ =	vpop (xrf0)  }
0x61: {  	(v2sf) =	vpush v4, $0xF;
	v5, _, _ =	vpop (xrf0)  }
0x62: {  	(v2sf) =	vpush v5, $0xF  }
0x63: {  	v4 =	vadd.s32 $0x1, v4  }
0x64: {  	v4 =	vbroadcast v4, $0xF;
	_ =	sdelay $0x1  }
0x65: {  	v4 =	vadd.s32 v5, v4  }
0x66: {  	v4 =	vnsel vm1, $0x1, v4  }
0x67: {  	[tilespmem:$0x2000] =	vst v4  }
0x68: {  	v5 =	vld [tilespmem:s2+$0x10];
	_ =	sdelay $0x4  }
0x69: {  	vm1 =	vne.s32 v5, $0x1  }
0x6a: {  	v5 =	vsel vm1, $0x1, v0  }
0x6b: {  	(xrf0) =	vadd.scan.msk.s32 $0xffff, v5;
	v5 =	vshll.u32 v4, $0x3;
	s0 =	spop (v2sf)  }
0x6c: {  	v4 =	vand.u32 $0x7, v4;
	v5 =	vand.u32 $0xFFFFFFC0, v5;
	s7 =	spop (v2sf)  }
0x6d: {  	v4 =	vor.u32 v4, v5;
	s0 =	sadd.s32 s0, s7  }
0x6e: {  	v6 =	vperm.xlane v4, v1;
	v5 =	vmov s0  }
0x6f: {  	v5 =	vadd.s32 $0x1, v5  }
0x70: {  	v6 =	vadd.s32 v2, v6;
	v5 =	vbroadcast v5, $0x0  }
0x71: {  	v7, _, _ =	vpop (xrf0)  }
0x72: {  	v5 =	vadd.s32 v7, v5  }
0x73: {  	v5 =	vnsel vm1, $0x1, v5  }
0x74: {  	s15 =	simm.s32 $0x2180;
	[tilespmem:$0x2010] =	vst v5  }
0x75: {  	[tilespmem:s15], [sflag:$0x1] =	stream.indirect_vreg.gather [hbm4b:s19+s1], $0x80, v6, vm0, $0xb8;
	[tilespmem:$0x1A180] =	vst v63  }
0x76: {  	s16 =	simm.s32 $0x2980;
	v4 =	vperm.xlane v4, v3  }
0x77: {  	[tilespmem:s16], [sflag:$0x1] =	stream.indirect_vreg.gather [hbm4b:s9+s1], $0x80, v6, vm0, $0xb8;
	[tilespmem:$0x1A180] =	vst v63  }
0x78: {  	s18 =	simm.s32 $0x3180;
	v4 =	vadd.s32 v2, v4  }
0x79: {  	[tilespmem:s18], [sflag:$0x1] =	stream.indirect_vreg.gather [hbm4b:s20+s1], $0x80, v6, vm0, $0xb8;
	[tilespmem:$0x1A180] =	vst v63  }
0x7a: {  	s21 =	simm.s32 $0x3980  }
0x7b: {  	[tilespmem:s21], [sflag:$0x1] =	stream.indirect_vreg.gather [hbm4b:s10+s1], $0x80, v6, vm0, $0xb8;
	[tilespmem:$0x1A180] =	vst v63  }
0x7c: {  	s23 =	simm.s32 $0x4180  }
0x7d: {  	[tilespmem:s23], [sflag:$0x1] =	stream.indirect_vreg.gather [hbm4b:s19+s1], $0x80, v4, vm0, $0xb8;
	[tilespmem:$0x1A180] =	vst v63  }
0x7e: {  	s24 =	simm.s32 $0x4980  }
0x7f: {  	[tilespmem:s24], [sflag:$0x1] =	stream.indirect_vreg.gather [hbm4b:s9+s1], $0x80, v4, vm0, $0xb8;
	[tilespmem:$0x1A180] =	vst v63  }
0x80: {  	s25 =	simm.s32 $0x5180  }
0x81: {  	[tilespmem:s25], [sflag:$0x1] =	stream.indirect_vreg.gather [hbm4b:s20+s1], $0x80, v4, vm0, $0xb8;
	[tilespmem:$0x1A180] =	vst v63  }
0x82: {  	s30 =	simm.s32 $0x5980  }
0x83: {  	[tilespmem:s30], [sflag:$0x1] =	stream.indirect_vreg.gather [hbm4b:s10+s1], $0x80, v4, vm0, $0xb8;
	[tilespmem:$0x1A180] =	vst v63  }
0x84: {  	v4 =	vld [tilespmem:$0x2010];
	_ =	sdelay $0x4  }
0x85: {  	v5 =	vshll.u32 v4, $0x3  }
0x86: {  	v4 =	vand.u32 $0x7, v4;
	v5 =	vand.u32 $0xFFFFFFC0, v5  }
0x87: {  	v4 =	vor.u32 v4, v5  }
0x88: {  	v5 =	vperm.xlane v4, v1;
	_ =	sdelay $0x1  }
0x89: {  	v5 =	vadd.s32 v2, v5;
	_ =	sdelay $0x3  }
0x8a: {  	s31 =	simm.s32 $0x6180  }
0x8b: {  	[tilespmem:s31], [sflag:$0x1] =	stream.indirect_vreg.gather [hbm4b:s19+s1], $0x80, v5, vm0, $0xb8;
	[tilespmem:$0x1A180] =	vst v63  }
0x8c: {  	s7 =	simm.s32 $0x6980;
	v4 =	vperm.xlane v4, v3  }
0x8d: {  	[tilespmem:s7], [sflag:$0x1] =	stream.indirect_vreg.gather [hbm4b:s9+s1], $0x80, v5, vm0, $0xb8;
	[tilespmem:$0x1A180] =	vst v63  }
0x8e: {  	s11 =	simm.s32 $0x7180;
	v4 =	vadd.s32 v2, v4  }
0x8f: {  	[tilespmem:s11], [sflag:$0x1] =	stream.indirect_vreg.gather [hbm4b:s20+s1], $0x80, v5, vm0, $0xb8;
	[tilespmem:$0x1A180] =	vst v63  }
0x90: {  	s14 =	simm.s32 $0x7980  }
0x91: {  	[tilespmem:s14], [sflag:$0x1] =	stream.indirect_vreg.gather [hbm4b:s10+s1], $0x80, v5, vm0, $0xb8;
	[tilespmem:$0x1A180] =	vst v63  }
0x92: {  	s15 =	simm.s32 $0x8180  }
0x93: {  	[tilespmem:s15], [sflag:$0x1] =	stream.indirect_vreg.gather [hbm4b:s19+s1], $0x80, v4, vm0, $0xb8;
	[tilespmem:$0x1A180] =	vst v63  }
0x94: {  	s16 =	simm.s32 $0x8980  }
0x95: {  	[tilespmem:s16], [sflag:$0x1] =	stream.indirect_vreg.gather [hbm4b:s9+s1], $0x80, v4, vm0, $0xb8;
	[tilespmem:$0x1A180] =	vst v63  }
0x96: {  	s18 =	simm.s32 $0x9180  }
0x97: {  	(v2sf) =	vpush v7, $0xF;
	[tilespmem:s18], [sflag:$0x1] =	stream.indirect_vreg.gather [hbm4b:s20+s1], $0x80, v4, vm0, $0xb8;
	[tilespmem:$0x1A180] =	vst v63  }
0x98: {  	s21 =	simm.s32 $0x9980  }
0x99: {  	[tilespmem:s21], [sflag:$0x1] =	stream.indirect_vreg.gather [hbm4b:s10+s1], $0x80, v4, vm0, $0xb8;
	[tilespmem:$0x1A180] =	vst v63  }
0x9a: {  	v4 =	vld [tilespmem:s2+$0x20];
	_ =	sdelay $0x4  }
0x9b: {  	vm1 =	vne.s32 v4, $0x1  }
0x9c: {  	v4 =	vsel vm1, $0x1, v0  }
0x9d: {  	(xrf0) =	vadd.scan.msk.s32 $0xffff, v4;
	_ =	sdelay $0x4  }
0x9e: {  	s23 =	spop (v2sf)  }
0x9f: {  	s0 =	sadd.s32 s0, s23;
	v4, _, _ =	vpop (xrf0)  }
0xa0: {  	v5 =	vmov s0;
	(v2sf) =	vpush v4, $0xF  }
0xa1: {  	v5 =	vadd.s32 $0x1, v5  }
0xa2: {  	v5 =	vbroadcast v5, $0x0;
	_ =	sdelay $0x1  }
0xa3: {  	v4 =	vadd.s32 v4, v5  }
0xa4: {  	v4 =	vnsel vm1, $0x1, v4  }
0xa5: {  	[tilespmem:$0x2080] =	vst v4  }
0xa6: {  	v5 =	vld [tilespmem:s2+$0x30];
	_ =	sdelay $0x4  }
0xa7: {  	vm1 =	vne.s32 v5, $0x1  }
0xa8: {  	v5 =	vsel vm1, $0x1, v0  }
0xa9: {  	(xrf0) =	vadd.scan.msk.s32 $0xffff, v5;
	v5 =	vshll.u32 v4, $0x3  }
0xaa: {  	v4 =	vand.u32 $0x7, v4;
	v5 =	vand.u32 $0xFFFFFFC0, v5;
	s30 =	spop (v2sf)  }
0xab: {  	v4 =	vor.u32 v4, v5;
	s0 =	sadd.s32 s0, s30  }
0xac: {  	v57 =	vperm.xlane v4, v1;
	v5 =	vmov s0  }
0xad: {  	v5 =	vadd.s32 $0x1, v5  }
0xae: {  	v6 =	vadd.s32 v2, v57;
	v5 =	vbroadcast v5, $0x0  }
0xaf: {  	v58, _, _ =	vpop (xrf0)  }
0xb0: {  	v5 =	vadd.s32 v58, v5  }
0xb1: {  	v5 =	vnsel vm1, $0x1, v5  }
0xb2: {  	s31 =	simm.s32 $0xA180;
	[tilespmem:$0x2090] =	vst v5  }
0xb3: {  	[tilespmem:s31], [sflag:$0x2] =	stream.indirect_vreg.gather [hbm4b:s19+s1], $0x80, v6, vm0, $0xb8;
	[tilespmem:$0x1A180] =	vst v63  }
0xb4: {  	s7 =	simm.s32 $0xA980;
	v4 =	vperm.xlane v4, v3  }
0xb5: {  	[tilespmem:s7], [sflag:$0x2] =	stream.indirect_vreg.gather [hbm4b:s9+s1], $0x80, v6, vm0, $0xb8;
	[tilespmem:$0x1A180] =	vst v63  }
0xb6: {  	s11 =	simm.s32 $0xB180;
	v4 =	vadd.s32 v2, v4  }
0xb7: {  	[tilespmem:s11], [sflag:$0x2] =	stream.indirect_vreg.gather [hbm4b:s20+s1], $0x80, v6, vm0, $0xb8;
	[tilespmem:$0x1A180] =	vst v63  }
0xb8: {  	s14 =	simm.s32 $0xB980  }
0xb9: {  	[tilespmem:s14], [sflag:$0x2] =	stream.indirect_vreg.gather [hbm4b:s10+s1], $0x80, v6, vm0, $0xb8;
	[tilespmem:$0x1A180] =	vst v63  }
0xba: {  	s15 =	simm.s32 $0xC180  }
0xbb: {  	[tilespmem:s15], [sflag:$0x2] =	stream.indirect_vreg.gather [hbm4b:s19+s1], $0x80, v4, vm0, $0xb8;
	[tilespmem:$0x1A180] =	vst v63  }
0xbc: {  	s16 =	simm.s32 $0xC980  }
0xbd: {  	[tilespmem:s16], [sflag:$0x2] =	stream.indirect_vreg.gather [hbm4b:s9+s1], $0x80, v4, vm0, $0xb8;
	[tilespmem:$0x1A180] =	vst v63  }
0xbe: {  	s21 =	simm.s32 $0xD180  }
0xbf: {  	[tilespmem:s21], [sflag:$0x2] =	stream.indirect_vreg.gather [hbm4b:s20+s1], $0x80, v4, vm0, $0xb8;
	[tilespmem:$0x1A180] =	vst v63  }
0xc0: {  	s23 =	simm.s32 $0xD980  }
0xc1: {  	[tilespmem:s23], [sflag:$0x2] =	stream.indirect_vreg.gather [hbm4b:s10+s1], $0x80, v4, vm0, $0xb8;
	[tilespmem:$0x1A180] =	vst v63  }
0xc2: {  	v4 =	vld [tilespmem:$0x2090];
	_ =	sdelay $0x4  }
0xc3: {  	v5 =	vshll.u32 v4, $0x3  }
0xc4: {  	v4 =	vand.u32 $0x7, v4;
	v5 =	vand.u32 $0xFFFFFFC0, v5  }
0xc5: {  	v4 =	vor.u32 v4, v5  }
0xc6: {  	v5 =	vperm.xlane v4, v1;
	_ =	sdelay $0x1  }
0xc7: {  	v5 =	vadd.s32 v2, v5;
	_ =	sdelay $0x3  }
0xc8: {  	s30 =	simm.s32 $0xE180  }
0xc9: {  	[tilespmem:s30], [sflag:$0x2] =	stream.indirect_vreg.gather [hbm4b:s19+s1], $0x80, v5, vm0, $0xb8;
	[tilespmem:$0x1A180] =	vst v63  }
0xca: {  	s31 =	simm.s32 $0xE980;
	v4 =	vperm.xlane v4, v3  }
0xcb: {  	[tilespmem:s31], [sflag:$0x2] =	stream.indirect_vreg.gather [hbm4b:s9+s1], $0x80, v5, vm0, $0xb8;
	[tilespmem:$0x1A180] =	vst v63  }
0xcc: {  	s7 =	simm.s32 $0xF180;
	v4 =	vadd.s32 v2, v4  }
0xcd: {  	[tilespmem:s7], [sflag:$0x2] =	stream.indirect_vreg.gather [hbm4b:s20+s1], $0x80, v5, vm0, $0xb8;
	[tilespmem:$0x1A180] =	vst v63  }
0xce: {  	s15 =	simm.s32 $0xF980  }
0xcf: {  	[tilespmem:s15], [sflag:$0x2] =	stream.indirect_vreg.gather [hbm4b:s10+s1], $0x80, v5, vm0, $0xb8;
	[tilespmem:$0x1A180] =	vst v63  }
0xd0: {  	s16 =	simm.s32 $0x10180  }
0xd1: {  	[tilespmem:s16], [sflag:$0x2] =	stream.indirect_vreg.gather [hbm4b:s19+s1], $0x80, v4, vm0, $0xb8;
	[tilespmem:$0x1A180] =	vst v63  }
0xd2: {  	s21 =	simm.s32 $0x10980  }
0xd3: {  	[tilespmem:s21], [sflag:$0x2] =	stream.indirect_vreg.gather [hbm4b:s9+s1], $0x80, v4, vm0, $0xb8;
	[tilespmem:$0x1A180] =	vst v63  }
0xd4: {  	s23 =	simm.s32 $0x11180  }
0xd5: {  	(v2sf) =	vpush v58, $0xF;
	[tilespmem:s23], [sflag:$0x2] =	stream.indirect_vreg.gather [hbm4b:s20+s1], $0x80, v4, vm0, $0xb8;
	[tilespmem:$0x1A180] =	vst v63  }
0xd6: {  	s31 =	simm.s32 $0x11980  }
0xd7: {  	[tilespmem:s31], [sflag:$0x2] =	stream.indirect_vreg.gather [hbm4b:s10+s1], $0x80, v4, vm0, $0xb8;
	[tilespmem:$0x1A180] =	vst v63  }
0xd8: {  	v4 =	vld [tilespmem:s2+$0x40];
	_ =	sdelay $0x4  }
0xd9: {  	vm1 =	vne.s32 v4, $0x1  }
0xda: {  	v4 =	vsel vm1, $0x1, v0  }
0xdb: {  	(xrf0) =	vadd.scan.msk.s32 $0xffff, v4;
	_ =	sdelay $0x4  }
0xdc: {  	[smem:$0x7D6] =	sst s3;
	s3 =	spop (v2sf)  }
0xdd: {  	s0 =	sadd.s32 s0, s3;
	v4, _, _ =	vpop (xrf0)  }
0xde: {  	v5 =	vmov s0;
	(v2sf) =	vpush v4, $0xF  }
0xdf: {  	v5 =	vadd.s32 $0x1, v5  }
0xe0: {  	v5 =	vbroadcast v5, $0x0;
	_ =	sdelay $0x1  }
0xe1: {  	v4 =	vadd.s32 v4, v5  }
0xe2: {  	v4 =	vnsel vm1, $0x1, v4  }
0xe3: {  	[tilespmem:$0x2100] =	vst v4  }
0xe4: {  	v5 =	vld [tilespmem:s2+$0x50];
	_ =	sdelay $0x4  }
0xe5: {  	vm1 =	vne.s32 v5, $0x1  }
0xe6: {  	v5 =	vsel vm1, $0x1, v0  }
0xe7: {  	(xrf0) =	vadd.scan.msk.s32 $0xffff, v5;
	v5 =	vshll.u32 v4, $0x3  }
0xe8: {  	v4 =	vand.u32 $0x7, v4;
	v5 =	vand.u32 $0xFFFFFFC0, v5;
	s15 =	spop (v2sf)  }
0xe9: {  	v4 =	vor.u32 v4, v5;
	s0 =	sadd.s32 s0, s15  }
0xea: {  	v59 =	vperm.xlane v4, v1;
	v5 =	vmov s0  }
0xeb: {  	v5 =	vadd.s32 $0x1, v5  }
0xec: {  	v6 =	vadd.s32 v2, v59;
	v5 =	vbroadcast v5, $0x0  }
0xed: {  	v60, _, _ =	vpop (xrf0)  }
0xee: {  	v5 =	vadd.s32 v60, v5  }
0xef: {  	v5 =	vnsel vm1, $0x1, v5  }
0xf0: {  	s16 =	simm.s32 $0x12180;
	[tilespmem:$0x2110] =	vst v5  }
0xf1: {  	[tilespmem:s16], [sflag:$0x3] =	stream.indirect_vreg.gather [hbm4b:s19+s1], $0x80, v6, vm0, $0xb8;
	[tilespmem:$0x1A180] =	vst v63  }
0xf2: {  	s21 =	simm.s32 $0x12980;
	v4 =	vperm.xlane v4, v3  }
0xf3: {  	[tilespmem:s21], [sflag:$0x3] =	stream.indirect_vreg.gather [hbm4b:s9+s1], $0x80, v6, vm0, $0xb8;
	[tilespmem:$0x1A180] =	vst v63  }
0xf4: {  	s23 =	simm.s32 $0x13180;
	v4 =	vadd.s32 v2, v4  }
0xf5: {  	[tilespmem:s23], [sflag:$0x3] =	stream.indirect_vreg.gather [hbm4b:s20+s1], $0x80, v6, vm0, $0xb8;
	[tilespmem:$0x1A180] =	vst v63  }
0xf6: {  	s31 =	simm.s32 $0x13980  }
0xf7: {  	[tilespmem:s31], [sflag:$0x3] =	stream.indirect_vreg.gather [hbm4b:s10+s1], $0x80, v6, vm0, $0xb8;
	[tilespmem:$0x1A180] =	vst v63  }
0xf8: {  	s7 =	simm.s32 $0x14180  }
0xf9: {  	[tilespmem:s7], [sflag:$0x3] =	stream.indirect_vreg.gather [hbm4b:s19+s1], $0x80, v4, vm0, $0xb8;
	[tilespmem:$0x1A180] =	vst v63  }
0xfa: {  	s15 =	simm.s32 $0x14980  }
0xfb: {  	[tilespmem:s15], [sflag:$0x3] =	stream.indirect_vreg.gather [hbm4b:s9+s1], $0x80, v4, vm0, $0xb8;
	[tilespmem:$0x1A180] =	vst v63  }
0xfc: {  	s16 =	simm.s32 $0x15180  }
0xfd: {  	[tilespmem:s16], [sflag:$0x3] =	stream.indirect_vreg.gather [hbm4b:s20+s1], $0x80, v4, vm0, $0xb8;
	[tilespmem:$0x1A180] =	vst v63  }
0xfe: {  	s21 =	simm.s32 $0x15980  }
0xff: {  	[tilespmem:s21], [sflag:$0x3] =	stream.indirect_vreg.gather [hbm4b:s10+s1], $0x80, v4, vm0, $0xb8;
	[tilespmem:$0x1A180] =	vst v63  }
0x100: {  	v4 =	vld [tilespmem:$0x2110];
	_ =	sdelay $0x4  }
0x101: {  	v5 =	vshll.u32 v4, $0x3  }
0x102: {  	v4 =	vand.u32 $0x7, v4;
	v5 =	vand.u32 $0xFFFFFFC0, v5  }
0x103: {  	v4 =	vor.u32 v4, v5  }
0x104: {  	v5 =	vperm.xlane v4, v1;
	_ =	sdelay $0x1  }
0x105: {  	v5 =	vadd.s32 v2, v5;
	_ =	sdelay $0x3  }
0x106: {  	s23 =	simm.s32 $0x16180  }
0x107: {  	[tilespmem:s23], [sflag:$0x3] =	stream.indirect_vreg.gather [hbm4b:s19+s1], $0x80, v5, vm0, $0xb8;
	[tilespmem:$0x1A180] =	vst v63  }
0x108: {  	s31 =	simm.s32 $0x16980;
	v4 =	vperm.xlane v4, v3  }
0x109: {  	[tilespmem:s31], [sflag:$0x3] =	stream.indirect_vreg.gather [hbm4b:s9+s1], $0x80, v5, vm0, $0xb8;
	[tilespmem:$0x1A180] =	vst v63  }
0x10a: {  	s7 =	simm.s32 $0x17180;
	v4 =	vadd.s32 v2, v4  }
0x10b: {  	[tilespmem:s7], [sflag:$0x3] =	stream.indirect_vreg.gather [hbm4b:s20+s1], $0x80, v5, vm0, $0xb8;
	[tilespmem:$0x1A180] =	vst v63  }
0x10c: {  	s15 =	simm.s32 $0x17980  }
0x10d: {  	[tilespmem:s15], [sflag:$0x3] =	stream.indirect_vreg.gather [hbm4b:s10+s1], $0x80, v5, vm0, $0xb8;
	[tilespmem:$0x1A180] =	vst v63  }
0x10e: {  	s16 =	simm.s32 $0x18180  }
0x10f: {  	[tilespmem:s16], [sflag:$0x3] =	stream.indirect_vreg.gather [hbm4b:s19+s1], $0x80, v4, vm0, $0xb8;
	[tilespmem:$0x1A180] =	vst v63  }
0x110: {  	s21 =	simm.s32 $0x18980  }
0x111: {  	[tilespmem:s21], [sflag:$0x3] =	stream.indirect_vreg.gather [hbm4b:s9+s1], $0x80, v4, vm0, $0xb8;
	[tilespmem:$0x1A180] =	vst v63  }
0x112: {  	s23 =	simm.s32 $0x19180  }
0x113: {  	[tilespmem:s23], [sflag:$0x3] =	stream.indirect_vreg.gather [hbm4b:s20+s1], $0x80, v4, vm0, $0xb8;
	[tilespmem:$0x1A180] =	vst v63  }
0x114: {  	s31 =	simm.s32 $0x19980  }
0x115: {  	[tilespmem:s31], [sflag:$0x3] =	stream.indirect_vreg.gather [hbm4b:s10+s1], $0x80, v4, vm0, $0xb8;
	[tilespmem:$0x1A180] =	vst v63  }
0x116: {  	_ =	swait.ge [sflag:s12], $0x8000  }
0x117: {  	(v2sf) =	vpush v60, $0xF;
	_ =	sdelay $0xa  }
0x118: {  	s21 =	sld [smem:$0x7FC]  }
0x119: {  	[sflag:s12] =	ssyncset.done $0x0  }
0x11a: {  	s15 =	simm.s32 $0x2180;
	[sflag:s12] =	ssyncadd.s32 $0xFFFF8000  }
0x11b: {  	[hbm4b:s21+s1] =	stream.linear.scatter [tilespmem:s15], [sflag:$0x4], $0x8000, $0x38;
	[tilespmem:$0x1A180] =	vst v63  }
0x11c: {  	s3 =	spop (v2sf)  }
0x11d: {  	_ =	swait.ge [sflag:s28], $0x8000  }
0x11e: {  	[sflag:s28] =	ssyncset.done $0x0  }
0x11f: {  	[sflag:s28] =	ssyncadd.s32 $0xFFFF8000  }
0x120: {  	v4 =	vld [tilespmem:s2+$0x60];
	_ =	sdelay $0x4  }
0x121: {  	vm1 =	vne.s32 v4, $0x1  }
0x122: {  	v4 =	vsel vm1, $0x1, v0  }
0x123: {  	(xrf0) =	vadd.scan.msk.s32 $0xffff, v4;
	_ =	sdelay $0x5  }
0x124: {  	s0 =	sadd.s32 s0, s3;
	v4, _, _ =	vpop (xrf0)  }
0x125: {  	v5 =	vmov s0;
	(v2sf) =	vpush v4, $0xF  }
0x126: {  	v5 =	vadd.s32 $0x1, v5  }
0x127: {  	v5 =	vbroadcast v5, $0x0;
	_ =	sdelay $0x1  }
0x128: {  	v4 =	vadd.s32 v4, v5  }
0x129: {  	v4 =	vnsel vm1, $0x1, v4  }
0x12a: {  	[tilespmem:$0x2000] =	vst v4  }
0x12b: {  	v5 =	vld [tilespmem:s2+$0x70];
	_ =	sdelay $0x4  }
0x12c: {  	vm1 =	vne.s32 v5, $0x1  }
0x12d: {  	v5 =	vsel vm1, $0x1, v0  }
0x12e: {  	(xrf0) =	vadd.scan.msk.s32 $0xffff, v5;
	v5 =	vshll.u32 v4, $0x3  }
0x12f: {  	v4 =	vand.u32 $0x7, v4;
	v5 =	vand.u32 $0xFFFFFFC0, v5;
	s16 =	spop (v2sf)  }
0x130: {  	v4 =	vor.u32 v4, v5;
	s0 =	sadd.s32 s0, s16  }
0x131: {  	v61 =	vperm.xlane v4, v1;
	v5 =	vmov s0  }
0x132: {  	v5 =	vadd.s32 $0x1, v5  }
0x133: {  	v6 =	vadd.s32 v2, v61;
	v5 =	vbroadcast v5, $0x0  }
0x134: {  	v62, _, _ =	vpop (xrf0)  }
0x135: {  	v5 =	vadd.s32 v62, v5  }
0x136: {  	v5 =	vnsel vm1, $0x1, v5  }
0x137: {  	[tilespmem:$0x2010] =	vst v5  }
0x138: {  	[tilespmem:s15], [sflag:$0x1] =	stream.indirect_vreg.gather [hbm4b:s19+s1], $0x80, v6, vm0, $0xb8;
	[tilespmem:$0x1A180] =	vst v63  }
0x139: {  	s26 =	simm.s32 $0x2980;
	v4 =	vperm.xlane v4, v3  }
0x13a: {  	[tilespmem:s26], [sflag:$0x1] =	stream.indirect_vreg.gather [hbm4b:s9+s1], $0x80, v6, vm0, $0xb8;
	[tilespmem:$0x1A180] =	vst v63  }
0x13b: {  	s5 =	simm.s32 $0x3180;
	v4 =	vadd.s32 v2, v4  }
0x13c: {  	[tilespmem:s5], [sflag:$0x1] =	stream.indirect_vreg.gather [hbm4b:s20+s1], $0x80, v6, vm0, $0xb8;
	[tilespmem:$0x1A180] =	vst v63  }
0x13d: {  	s6 =	simm.s32 $0x3980  }
0x13e: {  	[tilespmem:s6], [sflag:$0x1] =	stream.indirect_vreg.gather [hbm4b:s10+s1], $0x80, v6, vm0, $0xb8;
	[tilespmem:$0x1A180] =	vst v63  }
0x13f: {  	s4 =	simm.s32 $0x4180  }
0x140: {  	[tilespmem:s4], [sflag:$0x1] =	stream.indirect_vreg.gather [hbm4b:s19+s1], $0x80, v4, vm0, $0xb8;
	[tilespmem:$0x1A180] =	vst v63  }
0x141: {  	s8 =	simm.s32 $0x4980  }
0x142: {  	[tilespmem:s8], [sflag:$0x1] =	stream.indirect_vreg.gather [hbm4b:s9+s1], $0x80, v4, vm0, $0xb8;
	[tilespmem:$0x1A180] =	vst v63  }
0x143: {  	s24 =	simm.s32 $0x5180  }
0x144: {  	[tilespmem:s24], [sflag:$0x1] =	stream.indirect_vreg.gather [hbm4b:s20+s1], $0x80, v4, vm0, $0xb8;
	[tilespmem:$0x1A180] =	vst v63  }
0x145: {  	s24 =	simm.s32 $0x5980  }
0x146: {  	[tilespmem:s24], [sflag:$0x1] =	stream.indirect_vreg.gather [hbm4b:s10+s1], $0x80, v4, vm0, $0xb8;
	[tilespmem:$0x1A180] =	vst v63  }
0x147: {  	v4 =	vld [tilespmem:$0x2010];
	_ =	sdelay $0x4  }
0x148: {  	v5 =	vshll.u32 v4, $0x3  }
0x149: {  	v4 =	vand.u32 $0x7, v4;
	v5 =	vand.u32 $0xFFFFFFC0, v5  }
0x14a: {  	v4 =	vor.u32 v4, v5  }
0x14b: {  	v5 =	vperm.xlane v4, v1;
	_ =	sdelay $0x1  }
0x14c: {  	v5 =	vadd.s32 v2, v5;
	_ =	sdelay $0x3  }
0x14d: {  	s16 =	simm.s32 $0x6180  }
0x14e: {  	[tilespmem:s16], [sflag:$0x1] =	stream.indirect_vreg.gather [hbm4b:s19+s1], $0x80, v5, vm0, $0xb8;
	[tilespmem:$0x1A180] =	vst v63  }
0x14f: {  	s23 =	simm.s32 $0x6980;
	v4 =	vperm.xlane v4, v3  }
0x150: {  	[tilespmem:s23], [sflag:$0x1] =	stream.indirect_vreg.gather [hbm4b:s9+s1], $0x80, v5, vm0, $0xb8;
	[tilespmem:$0x1A180] =	vst v63  }
0x151: {  	s25 =	simm.s32 $0x7180;
	v4 =	vadd.s32 v2, v4  }
0x152: {  	[tilespmem:s25], [sflag:$0x1] =	stream.indirect_vreg.gather [hbm4b:s20+s1], $0x80, v5, vm0, $0xb8;
	[tilespmem:$0x1A180] =	vst v63  }
0x153: {  	s25 =	simm.s32 $0x7980  }
0x154: {  	[tilespmem:s25], [sflag:$0x1] =	stream.indirect_vreg.gather [hbm4b:s10+s1], $0x80, v5, vm0, $0xb8;
	[tilespmem:$0x1A180] =	vst v63  }
0x155: {  	s26 =	simm.s32 $0x8180  }
0x156: {  	[tilespmem:s26], [sflag:$0x1] =	stream.indirect_vreg.gather [hbm4b:s19+s1], $0x80, v4, vm0, $0xb8;
	[tilespmem:$0x1A180] =	vst v63  }
0x157: {  	s15 =	simm.s32 $0x8980  }
0x158: {  	[tilespmem:s15], [sflag:$0x1] =	stream.indirect_vreg.gather [hbm4b:s9+s1], $0x80, v4, vm0, $0xb8;
	[tilespmem:$0x1A180] =	vst v63  }
0x159: {  	s31 =	simm.s32 $0x9180  }
0x15a: {  	[tilespmem:s31], [sflag:$0x1] =	stream.indirect_vreg.gather [hbm4b:s20+s1], $0x80, v4, vm0, $0xb8;
	[tilespmem:$0x1A180] =	vst v63  }
0x15b: {  	s18 =	simm.s32 $0x9980  }
0x15c: {  	[tilespmem:s18], [sflag:$0x1] =	stream.indirect_vreg.gather [hbm4b:s10+s1], $0x80, v4, vm0, $0xb8;
	[tilespmem:$0x1A180] =	vst v63  }
0x15d: {  	_ =	swait.ge [sflag:s17], $0x8000  }
0x15e: {  	(v2sf) =	vpush v62, $0xF;
	_ =	sdelay $0xa  }
0x15f: {  	s3 =	sld [smem:$0x7FA]  }
0x160: {  	[sflag:s17] =	ssyncset.done $0x0  }
0x161: {  	s4 =	simm.s32 $0xA180;
	[sflag:s17] =	ssyncadd.s32 $0xFFFF8000  }
0x162: {  	[hbm4b:s3+s1] =	stream.linear.scatter [tilespmem:s4], [sflag:$0x5], $0x8000, $0x38;
	[tilespmem:$0x1A180] =	vst v63  }
0x163: {  	s18 =	spop (v2sf)  }
0x164: {  	_ =	swait.ge [sflag:s29], $0x8000  }
0x165: {  	[sflag:s29] =	ssyncset.done $0x0  }
0x166: {  	s5 =	rddreg [dreg:$0x4];
	[sflag:s29] =	ssyncadd.s32 $0xFFFF8000  }
0x167: {  	v4 =	vld [tilespmem:s5+$0x0];
	_ =	sdelay $0x4  }
0x168: {  	vm1 =	vne.s32 v4, $0x1  }
0x169: {  	v4 =	vsel vm1, $0x1, v0  }
0x16a: {  	(xrf0) =	vadd.scan.msk.s32 $0xffff, v4;
	_ =	sdelay $0x5  }
0x16b: {  	s0 =	sadd.s32 s0, s18;
	v4, _, _ =	vpop (xrf0)  }
0x16c: {  	v5 =	vmov s0;
	(v2sf) =	vpush v4, $0xF  }
0x16d: {  	v5 =	vadd.s32 $0x1, v5  }
0x16e: {  	v5 =	vbroadcast v5, $0x0;
	_ =	sdelay $0x1  }
0x16f: {  	v4 =	vadd.s32 v4, v5  }
0x170: {  	v4 =	vnsel vm1, $0x1, v4  }
0x171: {  	[tilespmem:$0x2080] =	vst v4  }
0x172: {  	v5 =	vld [tilespmem:s2+$0x90];
	_ =	sdelay $0x4  }
0x173: {  	vm1 =	vne.s32 v5, $0x1  }
0x174: {  	v5 =	vsel vm1, $0x1, v0  }
0x175: {  	(xrf0) =	vadd.scan.msk.s32 $0xffff, v5;
	v5 =	vshll.u32 v4, $0x3  }
0x176: {  	v4 =	vand.u32 $0x7, v4;
	v5 =	vand.u32 $0xFFFFFFC0, v5;
	s6 =	spop (v2sf)  }
0x177: {  	v4 =	vor.u32 v4, v5;
	s0 =	sadd.s32 s0, s6  }
0x178: {  	v63 =	vperm.xlane v4, v1;
	v5 =	vmov s0  }
0x179: {  	v5 =	vadd.s32 $0x1, v5  }
0x17a: {  	v6 =	vadd.s32 v2, v63;
	v5 =	vbroadcast v5, $0x0  }
0x17b: {  	v9, _, _ =	vpop (xrf0)  }
0x17c: {  	v5 =	vadd.s32 v9, v5  }
0x17d: {  	v5 =	vnsel vm1, $0x1, v5  }
0x17e: {  	[tilespmem:$0x2090] =	vst v5  }
0x17f: {  	[tilespmem:s4], [sflag:$0x2] =	stream.indirect_vreg.gather [hbm4b:s19+s1], $0x80, v6, vm0, $0xb8;
	[tilespmem:$0x1A180] =	vst v63  }
0x180: {  	s8 =	simm.s32 $0xA980;
	v4 =	vperm.xlane v4, v3  }
0x181: {  	[tilespmem:s8], [sflag:$0x2] =	stream.indirect_vreg.gather [hbm4b:s9+s1], $0x80, v6, vm0, $0xb8;
	[tilespmem:$0x1A180] =	vst v63  }
0x182: {  	s3 =	simm.s32 $0xB180;
	v4 =	vadd.s32 v2, v4  }
0x183: {  	[tilespmem:s3], [sflag:$0x2] =	stream.indirect_vreg.gather [hbm4b:s20+s1], $0x80, v6, vm0, $0xb8;
	[tilespmem:$0x1A180] =	vst v63  }
0x184: {  	s18 =	simm.s32 $0xB980  }
0x185: {  	[tilespmem:s18], [sflag:$0x2] =	stream.indirect_vreg.gather [hbm4b:s10+s1], $0x80, v6, vm0, $0xb8;
	[tilespmem:$0x1A180] =	vst v63  }
0x186: {  	s5 =	simm.s32 $0xC180  }
0x187: {  	[tilespmem:s5], [sflag:$0x2] =	stream.indirect_vreg.gather [hbm4b:s19+s1], $0x80, v4, vm0, $0xb8;
	[tilespmem:$0x1A180] =	vst v63  }
0x188: {  	s6 =	simm.s32 $0xC980  }
0x189: {  	[tilespmem:s6], [sflag:$0x2] =	stream.indirect_vreg.gather [hbm4b:s9+s1], $0x80, v4, vm0, $0xb8;
	[tilespmem:$0x1A180] =	vst v63  }
0x18a: {  	s4 =	simm.s32 $0xD180  }
0x18b: {  	[tilespmem:s4], [sflag:$0x2] =	stream.indirect_vreg.gather [hbm4b:s20+s1], $0x80, v4, vm0, $0xb8;
	[tilespmem:$0x1A180] =	vst v63  }
0x18c: {  	s11 =	simm.s32 $0xD980  }
0x18d: {  	[tilespmem:s11], [sflag:$0x2] =	stream.indirect_vreg.gather [hbm4b:s10+s1], $0x80, v4, vm0, $0xb8;
	[tilespmem:$0x1A180] =	vst v63  }
0x18e: {  	v4 =	vld [tilespmem:$0x2090];
	_ =	sdelay $0x4  }
0x18f: {  	v5 =	vshll.u32 v4, $0x3  }
0x190: {  	v4 =	vand.u32 $0x7, v4;
	v5 =	vand.u32 $0xFFFFFFC0, v5  }
0x191: {  	v4 =	vor.u32 v4, v5  }
0x192: {  	v5 =	vperm.xlane v4, v1;
	_ =	sdelay $0x1  }
0x193: {  	v5 =	vadd.s32 v2, v5;
	_ =	sdelay $0x3  }
0x194: {  	s14 =	simm.s32 $0xE180  }
0x195: {  	[tilespmem:s14], [sflag:$0x2] =	stream.indirect_vreg.gather [hbm4b:s19+s1], $0x80, v5, vm0, $0xb8;
	[tilespmem:$0x1A180] =	vst v63  }
0x196: {  	s30 =	simm.s32 $0xE980;
	v4 =	vperm.xlane v4, v3  }
0x197: {  	[tilespmem:s30], [sflag:$0x2] =	stream.indirect_vreg.gather [hbm4b:s9+s1], $0x80, v5, vm0, $0xb8;
	[tilespmem:$0x1A180] =	vst v63  }
0x198: {  	s11 =	simm.s32 $0xF180;
	v4 =	vadd.s32 v2, v4  }
0x199: {  	[tilespmem:s11], [sflag:$0x2] =	stream.indirect_vreg.gather [hbm4b:s20+s1], $0x80, v5, vm0, $0xb8;
	[tilespmem:$0x1A180] =	vst v63  }
0x19a: {  	s14 =	simm.s32 $0xF980  }
0x19b: {  	[tilespmem:s14], [sflag:$0x2] =	stream.indirect_vreg.gather [hbm4b:s10+s1], $0x80, v5, vm0, $0xb8;
	[tilespmem:$0x1A180] =	vst v63  }
0x19c: {  	s30 =	simm.s32 $0x10180  }
0x19d: {  	[tilespmem:s30], [sflag:$0x2] =	stream.indirect_vreg.gather [hbm4b:s19+s1], $0x80, v4, vm0, $0xb8;
	[tilespmem:$0x1A180] =	vst v63  }
0x19e: {  	s8 =	simm.s32 $0x10980  }
0x19f: {  	[tilespmem:s8], [sflag:$0x2] =	stream.indirect_vreg.gather [hbm4b:s9+s1], $0x80, v4, vm0, $0xb8;
	[tilespmem:$0x1A180] =	vst v63  }
0x1a0: {  	s21 =	simm.s32 $0x11180  }
0x1a1: {  	[tilespmem:s21], [sflag:$0x2] =	stream.indirect_vreg.gather [hbm4b:s20+s1], $0x80, v4, vm0, $0xb8;
	[tilespmem:$0x1A180] =	vst v63  }
0x1a2: {  	s18 =	simm.s32 $0x11980  }
0x1a3: {  	[tilespmem:s18], [sflag:$0x2] =	stream.indirect_vreg.gather [hbm4b:s10+s1], $0x80, v4, vm0, $0xb8;
	[tilespmem:$0x1A180] =	vst v63  }
0x1a4: {  	_ =	swait.ge [sflag:s22], $0x8000  }
0x1a5: {  	(v2sf) =	vpush v9, $0xF;
	_ =	sdelay $0xa  }
0x1a6: {  	s21 =	sld [smem:$0x7FB]  }
0x1a7: {  	[sflag:s22] =	ssyncset.done $0x0  }
0x1a8: {  	s18 =	simm.s32 $0x12180;
	[sflag:s22] =	ssyncadd.s32 $0xFFFF8000  }
0x1a9: {  	[hbm4b:s21+s1] =	stream.linear.scatter [tilespmem:s18], [sflag:$0x6], $0x8000, $0x38;
	[tilespmem:$0x1A180] =	vst v63  }
0x1aa: {  	s7 =	spop (v2sf)  }
0x1ab: {  	_ =	swait.ge [sflag:s13], $0x8000  }
0x1ac: {  	[sflag:s13] =	ssyncset.done $0x0  }
0x1ad: {  	s21 =	rddreg [dreg:$0x6];
	[sflag:s13] =	ssyncadd.s32 $0xFFFF8000  }
0x1ae: {  	v4 =	vld [tilespmem:s21+$0x0];
	_ =	sdelay $0x4  }
0x1af: {  	vm1 =	vne.s32 v4, $0x1  }
0x1b0: {  	v4 =	vsel vm1, $0x1, v0  }
0x1b1: {  	(xrf0) =	vadd.scan.msk.s32 $0xffff, v4;
	_ =	sdelay $0x5  }
0x1b2: {  	s0 =	sadd.s32 s0, s7;
	v4, _, _ =	vpop (xrf0)  }
0x1b3: {  	v5 =	vmov s0;
	(v2sf) =	vpush v4, $0xF  }
0x1b4: {  	v5 =	vadd.s32 $0x1, v5  }
0x1b5: {  	v5 =	vbroadcast v5, $0x0;
	_ =	sdelay $0x1  }
0x1b6: {  	v4 =	vadd.s32 v4, v5  }
0x1b7: {  	v4 =	vnsel vm1, $0x1, v4  }
0x1b8: {  	[tilespmem:$0x2100] =	vst v4  }
0x1b9: {  	v5 =	vld [tilespmem:s2+$0xB0];
	_ =	sdelay $0x4  }
0x1ba: {  	vm1 =	vne.s32 v5, $0x1  }
0x1bb: {  	v5 =	vsel vm1, $0x1, v0  }
0x1bc: {  	(xrf0) =	vadd.scan.msk.s32 $0xffff, v5;
	v5 =	vshll.u32 v4, $0x3  }
0x1bd: {  	v4 =	vand.u32 $0x7, v4;
	v5 =	vand.u32 $0xFFFFFFC0, v5;
	s21 =	spop (v2sf)  }
0x1be: {  	v4 =	vor.u32 v4, v5;
	s0 =	sadd.s32 s0, s21  }
0x1bf: {  	v10 =	vperm.xlane v4, v1;
	v5 =	vmov s0  }
0x1c0: {  	v5 =	vadd.s32 $0x1, v5  }
0x1c1: {  	v6 =	vadd.s32 v2, v10;
	v5 =	vbroadcast v5, $0x0  }
0x1c2: {  	v11, _, _ =	vpop (xrf0)  }
0x1c3: {  	v5 =	vadd.s32 v11, v5  }
0x1c4: {  	v5 =	vnsel vm1, $0x1, v5  }
0x1c5: {  	[tilespmem:$0x2110] =	vst v5  }
0x1c6: {  	[tilespmem:s18], [sflag:$0x3] =	stream.indirect_vreg.gather [hbm4b:s19+s1], $0x80, v6, vm0, $0xb8;
	[tilespmem:$0x1A180] =	vst v63  }
0x1c7: {  	v4 =	vperm.xlane v4, v3;
	s18 =	simm.s32 $0x12980  }
0x1c8: {  	[tilespmem:s18], [sflag:$0x3] =	stream.indirect_vreg.gather [hbm4b:s9+s1], $0x80, v6, vm0, $0xb8;
	[tilespmem:$0x1A180] =	vst v63  }
0x1c9: {  	v4 =	vadd.s32 v2, v4;
	s21 =	simm.s32 $0x13180  }
0x1ca: {  	[tilespmem:s21], [sflag:$0x3] =	stream.indirect_vreg.gather [hbm4b:s20+s1], $0x80, v6, vm0, $0xb8;
	[tilespmem:$0x1A180] =	vst v63  }
0x1cb: {  	s18 =	simm.s32 $0x13980  }
0x1cc: {  	[tilespmem:s18], [sflag:$0x3] =	stream.indirect_vreg.gather [hbm4b:s10+s1], $0x80, v6, vm0, $0xb8;
	[tilespmem:$0x1A180] =	vst v63  }
0x1cd: {  	s21 =	simm.s32 $0x14180  }
0x1ce: {  	[tilespmem:s21], [sflag:$0x3] =	stream.indirect_vreg.gather [hbm4b:s19+s1], $0x80, v4, vm0, $0xb8;
	[tilespmem:$0x1A180] =	vst v63  }
0x1cf: {  	s18 =	simm.s32 $0x14980  }
0x1d0: {  	[tilespmem:s18], [sflag:$0x3] =	stream.indirect_vreg.gather [hbm4b:s9+s1], $0x80, v4, vm0, $0xb8;
	[tilespmem:$0x1A180] =	vst v63  }
0x1d1: {  	s21 =	simm.s32 $0x15180  }
0x1d2: {  	[tilespmem:s21], [sflag:$0x3] =	stream.indirect_vreg.gather [hbm4b:s20+s1], $0x80, v4, vm0, $0xb8;
	[tilespmem:$0x1A180] =	vst v63  }
0x1d3: {  	s18 =	simm.s32 $0x15980  }
0x1d4: {  	[tilespmem:s18], [sflag:$0x3] =	stream.indirect_vreg.gather [hbm4b:s10+s1], $0x80, v4, vm0, $0xb8;
	[tilespmem:$0x1A180] =	vst v63  }
0x1d5: {  	v4 =	vld [tilespmem:$0x2110];
	_ =	sdelay $0x4  }
0x1d6: {  	v5 =	vshll.u32 v4, $0x3  }
0x1d7: {  	v4 =	vand.u32 $0x7, v4;
	v5 =	vand.u32 $0xFFFFFFC0, v5  }
0x1d8: {  	v4 =	vor.u32 v4, v5  }
0x1d9: {  	v5 =	vperm.xlane v4, v1;
	_ =	sdelay $0x1  }
0x1da: {  	v5 =	vadd.s32 v2, v5;
	_ =	sdelay $0x3  }
0x1db: {  	s21 =	simm.s32 $0x16180  }
0x1dc: {  	[tilespmem:s21], [sflag:$0x3] =	stream.indirect_vreg.gather [hbm4b:s19+s1], $0x80, v5, vm0, $0xb8;
	[tilespmem:$0x1A180] =	vst v63  }
0x1dd: {  	s18 =	simm.s32 $0x16980;
	v4 =	vperm.xlane v4, v3  }
0x1de: {  	[tilespmem:s18], [sflag:$0x3] =	stream.indirect_vreg.gather [hbm4b:s9+s1], $0x80, v5, vm0, $0xb8;
	[tilespmem:$0x1A180] =	vst v63  }
0x1df: {  	v4 =	vadd.s32 v2, v4;
	s21 =	simm.s32 $0x17180  }
0x1e0: {  	[tilespmem:s21], [sflag:$0x3] =	stream.indirect_vreg.gather [hbm4b:s20+s1], $0x80, v5, vm0, $0xb8;
	[tilespmem:$0x1A180] =	vst v63  }
0x1e1: {  	s18 =	simm.s32 $0x17980  }
0x1e2: {  	[tilespmem:s18], [sflag:$0x3] =	stream.indirect_vreg.gather [hbm4b:s10+s1], $0x80, v5, vm0, $0xb8;
	[tilespmem:$0x1A180] =	vst v63  }
0x1e3: {  	s21 =	simm.s32 $0x18180  }
0x1e4: {  	[tilespmem:s21], [sflag:$0x3] =	stream.indirect_vreg.gather [hbm4b:s19+s1], $0x80, v4, vm0, $0xb8;
	[tilespmem:$0x1A180] =	vst v63  }
0x1e5: {  	s18 =	simm.s32 $0x18980  }
0x1e6: {  	[tilespmem:s18], [sflag:$0x3] =	stream.indirect_vreg.gather [hbm4b:s9+s1], $0x80, v4, vm0, $0xb8;
	[tilespmem:$0x1A180] =	vst v63  }
0x1e7: {  	s21 =	simm.s32 $0x19180  }
0x1e8: {  	[tilespmem:s21], [sflag:$0x3] =	stream.indirect_vreg.gather [hbm4b:s20+s1], $0x80, v4, vm0, $0xb8;
	[tilespmem:$0x1A180] =	vst v63  }
0x1e9: {  	s18 =	simm.s32 $0x19980  }
0x1ea: {  	[tilespmem:s18], [sflag:$0x3] =	stream.indirect_vreg.gather [hbm4b:s10+s1], $0x80, v4, vm0, $0xb8;
	[tilespmem:$0x1A180] =	vst v63  }
0x1eb: {  	_ =	swait.ge [sflag:s12], $0x8000  }
0x1ec: {  	(v2sf) =	vpush v11, $0xF;
	_ =	sdelay $0xa  }
0x1ed: {  	s21 =	sld [smem:$0x7FD]  }
0x1ee: {  	[sflag:s12] =	ssyncset.done $0x0  }
0x1ef: {  	s18 =	simm.s32 $0x2180;
	[sflag:s12] =	ssyncadd.s32 $0xFFFF8000  }
0x1f0: {  	[hbm4b:s21+s1] =	stream.linear.scatter [tilespmem:s18], [sflag:$0x4], $0x8000, $0x38;
	[tilespmem:$0x1A180] =	vst v63  }
0x1f1: {  	s7 =	spop (v2sf)  }
0x1f2: {  	_ =	swait.ge [sflag:s28], $0x8000  }
0x1f3: {  	[sflag:s28] =	ssyncset.done $0x0  }
0x1f4: {  	s21 =	rddreg [dreg:$0x7];
	[sflag:s28] =	ssyncadd.s32 $0xFFFF8000  }
0x1f5: {  	v4 =	vld [tilespmem:s21+$0x0];
	_ =	sdelay $0x4  }
0x1f6: {  	vm1 =	vne.s32 v4, $0x1  }
0x1f7: {  	v4 =	vsel vm1, $0x1, v0  }
0x1f8: {  	(xrf0) =	vadd.scan.msk.s32 $0xffff, v4;
	_ =	sdelay $0x5  }
0x1f9: {  	s0 =	sadd.s32 s0, s7;
	v4, _, _ =	vpop (xrf0)  }
0x1fa: {  	v5 =	vmov s0;
	(v2sf) =	vpush v4, $0xF  }
0x1fb: {  	v5 =	vadd.s32 $0x1, v5  }
0x1fc: {  	v5 =	vbroadcast v5, $0x0;
	_ =	sdelay $0x1  }
0x1fd: {  	v4 =	vadd.s32 v4, v5  }
0x1fe: {  	v4 =	vnsel vm1, $0x1, v4  }
0x1ff: {  	[tilespmem:$0x2000] =	vst v4  }
0x200: {  	v5 =	vld [tilespmem:s2+$0xD0];
	_ =	sdelay $0x4  }
0x201: {  	vm1 =	vne.s32 v5, $0x1  }
0x202: {  	v5 =	vsel vm1, $0x1, v0  }
0x203: {  	(xrf0) =	vadd.scan.msk.s32 $0xffff, v5;
	v5 =	vshll.u32 v4, $0x3  }
0x204: {  	v4 =	vand.u32 $0x7, v4;
	v5 =	vand.u32 $0xFFFFFFC0, v5;
	s21 =	spop (v2sf)  }
0x205: {  	v4 =	vor.u32 v4, v5;
	s0 =	sadd.s32 s0, s21  }
0x206: {  	v12 =	vperm.xlane v4, v1;
	v5 =	vmov s0  }
0x207: {  	v5 =	vadd.s32 $0x1, v5  }
0x208: {  	v6 =	vadd.s32 v2, v12;
	v5 =	vbroadcast v5, $0x0  }
0x209: {  	v13, _, _ =	vpop (xrf0)  }
0x20a: {  	v5 =	vadd.s32 v13, v5  }
0x20b: {  	v5 =	vnsel vm1, $0x1, v5  }
0x20c: {  	[tilespmem:$0x2010] =	vst v5  }
0x20d: {  	[tilespmem:s18], [sflag:$0x1] =	stream.indirect_vreg.gather [hbm4b:s19+s1], $0x80, v6, vm0, $0xb8;
	[tilespmem:$0x1A180] =	vst v63  }
0x20e: {  	v4 =	vperm.xlane v4, v3;
	s18 =	simm.s32 $0x2980  }
0x20f: {  	[tilespmem:s18], [sflag:$0x1] =	stream.indirect_vreg.gather [hbm4b:s9+s1], $0x80, v6, vm0, $0xb8;
	[tilespmem:$0x1A180] =	vst v63  }
0x210: {  	v4 =	vadd.s32 v2, v4;
	s21 =	simm.s32 $0x3180  }
0x211: {  	[tilespmem:s21], [sflag:$0x1] =	stream.indirect_vreg.gather [hbm4b:s20+s1], $0x80, v6, vm0, $0xb8;
	[tilespmem:$0x1A180] =	vst v63  }
0x212: {  	s18 =	simm.s32 $0x3980  }
0x213: {  	[tilespmem:s18], [sflag:$0x1] =	stream.indirect_vreg.gather [hbm4b:s10+s1], $0x80, v6, vm0, $0xb8;
	[tilespmem:$0x1A180] =	vst v63  }
0x214: {  	s21 =	simm.s32 $0x4180  }
0x215: {  	[tilespmem:s21], [sflag:$0x1] =	stream.indirect_vreg.gather [hbm4b:s19+s1], $0x80, v4, vm0, $0xb8;
	[tilespmem:$0x1A180] =	vst v63  }
0x216: {  	s18 =	simm.s32 $0x4980  }
0x217: {  	[tilespmem:s18], [sflag:$0x1] =	stream.indirect_vreg.gather [hbm4b:s9+s1], $0x80, v4, vm0, $0xb8;
	[tilespmem:$0x1A180] =	vst v63  }
0x218: {  	s21 =	simm.s32 $0x5180  }
0x219: {  	[tilespmem:s21], [sflag:$0x1] =	stream.indirect_vreg.gather [hbm4b:s20+s1], $0x80, v4, vm0, $0xb8;
	[tilespmem:$0x1A180] =	vst v63  }
0x21a: {  	_ = 	snop  }
0x21b: {  	[tilespmem:s24], [sflag:$0x1] =	stream.indirect_vreg.gather [hbm4b:s10+s1], $0x80, v4, vm0, $0xb8;
	[tilespmem:$0x1A180] =	vst v63  }
0x21c: {  	v4 =	vld [tilespmem:$0x2010];
	_ =	sdelay $0x4  }
0x21d: {  	v5 =	vshll.u32 v4, $0x3  }
0x21e: {  	v4 =	vand.u32 $0x7, v4;
	v5 =	vand.u32 $0xFFFFFFC0, v5  }
0x21f: {  	v4 =	vor.u32 v4, v5  }
0x220: {  	v5 =	vperm.xlane v4, v1;
	_ =	sdelay $0x1  }
0x221: {  	v5 =	vadd.s32 v2, v5;
	_ =	sdelay $0x4  }
0x222: {  	[tilespmem:s16], [sflag:$0x1] =	stream.indirect_vreg.gather [hbm4b:s19+s1], $0x80, v5, vm0, $0xb8;
	[tilespmem:$0x1A180] =	vst v63  }
0x223: {  	v4 =	vperm.xlane v4, v3  }
0x224: {  	[tilespmem:s23], [sflag:$0x1] =	stream.indirect_vreg.gather [hbm4b:s9+s1], $0x80, v5, vm0, $0xb8;
	[tilespmem:$0x1A180] =	vst v63  }
0x225: {  	v4 =	vadd.s32 v2, v4;
	s16 =	simm.s32 $0x7180  }
0x226: {  	[tilespmem:s16], [sflag:$0x1] =	stream.indirect_vreg.gather [hbm4b:s20+s1], $0x80, v5, vm0, $0xb8;
	[tilespmem:$0x1A180] =	vst v63  }
0x227: {  	_ = 	snop  }
0x228: {  	[tilespmem:s25], [sflag:$0x1] =	stream.indirect_vreg.gather [hbm4b:s10+s1], $0x80, v5, vm0, $0xb8;
	[tilespmem:$0x1A180] =	vst v63  }
0x229: {  	_ = 	snop  }
0x22a: {  	[tilespmem:s26], [sflag:$0x1] =	stream.indirect_vreg.gather [hbm4b:s19+s1], $0x80, v4, vm0, $0xb8;
	[tilespmem:$0x1A180] =	vst v63  }
0x22b: {  	_ = 	snop  }
0x22c: {  	[tilespmem:s15], [sflag:$0x1] =	stream.indirect_vreg.gather [hbm4b:s9+s1], $0x80, v4, vm0, $0xb8;
	[tilespmem:$0x1A180] =	vst v63  }
0x22d: {  	_ = 	snop  }
0x22e: {  	[tilespmem:s31], [sflag:$0x1] =	stream.indirect_vreg.gather [hbm4b:s20+s1], $0x80, v4, vm0, $0xb8;
	[tilespmem:$0x1A180] =	vst v63  }
0x22f: {  	s26 =	simm.s32 $0x9980  }
0x230: {  	[tilespmem:s26], [sflag:$0x1] =	stream.indirect_vreg.gather [hbm4b:s10+s1], $0x80, v4, vm0, $0xb8;
	[tilespmem:$0x1A180] =	vst v63  }
0x231: {  	_ =	swait.ge [sflag:s17], $0x8000  }
0x232: {  	(v2sf) =	vpush v13, $0xF;
	_ =	sdelay $0xa  }
0x233: {  	s23 =	sld [smem:$0x7DA]  }
0x234: {  	[sflag:s17] =	ssyncset.done $0x0  }
0x235: {  	s24 =	simm.s32 $0xA180;
	[sflag:s17] =	ssyncadd.s32 $0xFFFF8000  }
0x236: {  	[hbm4b:s23+s1] =	stream.linear.scatter [tilespmem:s24], [sflag:$0x5], $0x8000, $0x38;
	[tilespmem:$0x1A180] =	vst v63  }
0x237: {  	s18 =	spop (v2sf)  }
0x238: {  	_ =	swait.ge [sflag:s29], $0x8000  }
0x239: {  	[sflag:s29] =	ssyncset.done $0x0  }
0x23a: {  	s25 =	rddreg [dreg:$0x8];
	[sflag:s29] =	ssyncadd.s32 $0xFFFF8000  }
0x23b: {  	v4 =	vld [tilespmem:s25+$0x0];
	_ =	sdelay $0x4  }
0x23c: {  	vm1 =	vne.s32 v4, $0x1  }
0x23d: {  	v4 =	vsel vm1, $0x1, v0  }
0x23e: {  	(xrf0) =	vadd.scan.msk.s32 $0xffff, v4;
	_ =	sdelay $0x5  }
0x23f: {  	s0 =	sadd.s32 s0, s18;
	v4, _, _ =	vpop (xrf0)  }
0x240: {  	v5 =	vmov s0;
	(v2sf) =	vpush v4, $0xF  }
0x241: {  	v5 =	vadd.s32 $0x1, v5  }
0x242: {  	v5 =	vbroadcast v5, $0x0;
	_ =	sdelay $0x1  }
0x243: {  	v4 =	vadd.s32 v4, v5  }
0x244: {  	v4 =	vnsel vm1, $0x1, v4  }
0x245: {  	[tilespmem:$0x2080] =	vst v4  }
0x246: {  	v5 =	vld [tilespmem:s2+$0xF0];
	_ =	sdelay $0x4  }
0x247: {  	vm1 =	vne.s32 v5, $0x1  }
0x248: {  	v5 =	vsel vm1, $0x1, v0  }
0x249: {  	(xrf0) =	vadd.scan.msk.s32 $0xffff, v5;
	v5 =	vshll.u32 v4, $0x3  }
0x24a: {  	v4 =	vand.u32 $0x7, v4;
	v5 =	vand.u32 $0xFFFFFFC0, v5;
	s31 =	spop (v2sf)  }
0x24b: {  	v4 =	vor.u32 v4, v5;
	s0 =	sadd.s32 s0, s31  }
0x24c: {  	v14 =	vperm.xlane v4, v1;
	v5 =	vmov s0  }
0x24d: {  	v5 =	vadd.s32 $0x1, v5  }
0x24e: {  	v6 =	vadd.s32 v2, v14;
	v5 =	vbroadcast v5, $0x0  }
0x24f: {  	v15, _, _ =	vpop (xrf0)  }
0x250: {  	v5 =	vadd.s32 v15, v5  }
0x251: {  	v5 =	vnsel vm1, $0x1, v5  }
0x252: {  	[tilespmem:$0x2090] =	vst v5  }
0x253: {  	[tilespmem:s24], [sflag:$0x2] =	stream.indirect_vreg.gather [hbm4b:s19+s1], $0x80, v6, vm0, $0xb8;
	[tilespmem:$0x1A180] =	vst v63  }
0x254: {  	s25 =	simm.s32 $0xA980;
	v4 =	vperm.xlane v4, v3  }
0x255: {  	[tilespmem:s25], [sflag:$0x2] =	stream.indirect_vreg.gather [hbm4b:s9+s1], $0x80, v6, vm0, $0xb8;
	[tilespmem:$0x1A180] =	vst v63  }
0x256: {  	v4 =	vadd.s32 v2, v4  }
0x257: {  	[tilespmem:s3], [sflag:$0x2] =	stream.indirect_vreg.gather [hbm4b:s20+s1], $0x80, v6, vm0, $0xb8;
	[tilespmem:$0x1A180] =	vst v63  }
0x258: {  	s7 =	simm.s32 $0xB980  }
0x259: {  	[tilespmem:s7], [sflag:$0x2] =	stream.indirect_vreg.gather [hbm4b:s10+s1], $0x80, v6, vm0, $0xb8;
	[tilespmem:$0x1A180] =	vst v63  }
0x25a: {  	_ = 	snop  }
0x25b: {  	[tilespmem:s5], [sflag:$0x2] =	stream.indirect_vreg.gather [hbm4b:s19+s1], $0x80, v4, vm0, $0xb8;
	[tilespmem:$0x1A180] =	vst v63  }
0x25c: {  	_ = 	snop  }
0x25d: {  	[tilespmem:s6], [sflag:$0x2] =	stream.indirect_vreg.gather [hbm4b:s9+s1], $0x80, v4, vm0, $0xb8;
	[tilespmem:$0x1A180] =	vst v63  }
0x25e: {  	_ = 	snop  }
0x25f: {  	[tilespmem:s4], [sflag:$0x2] =	stream.indirect_vreg.gather [hbm4b:s20+s1], $0x80, v4, vm0, $0xb8;
	[tilespmem:$0x1A180] =	vst v63  }
0x260: {  	s3 =	simm.s32 $0xD980  }
0x261: {  	[tilespmem:s3], [sflag:$0x2] =	stream.indirect_vreg.gather [hbm4b:s10+s1], $0x80, v4, vm0, $0xb8;
	[tilespmem:$0x1A180] =	vst v63  }
0x262: {  	v4 =	vld [tilespmem:$0x2090];
	_ =	sdelay $0x4  }
0x263: {  	v5 =	vshll.u32 v4, $0x3  }
0x264: {  	v4 =	vand.u32 $0x7, v4;
	v5 =	vand.u32 $0xFFFFFFC0, v5  }
0x265: {  	v4 =	vor.u32 v4, v5  }
0x266: {  	v5 =	vperm.xlane v4, v1;
	_ =	sdelay $0x1  }
0x267: {  	v5 =	vadd.s32 v2, v5;
	_ =	sdelay $0x3  }
0x268: {  	s24 =	simm.s32 $0xE180  }
0x269: {  	[tilespmem:s24], [sflag:$0x2] =	stream.indirect_vreg.gather [hbm4b:s19+s1], $0x80, v5, vm0, $0xb8;
	[tilespmem:$0x1A180] =	vst v63  }
0x26a: {  	s31 =	simm.s32 $0xE980;
	v4 =	vperm.xlane v4, v3  }
0x26b: {  	[tilespmem:s31], [sflag:$0x2] =	stream.indirect_vreg.gather [hbm4b:s9+s1], $0x80, v5, vm0, $0xb8;
	[tilespmem:$0x1A180] =	vst v63  }
0x26c: {  	v4 =	vadd.s32 v2, v4  }
0x26d: {  	[tilespmem:s11], [sflag:$0x2] =	stream.indirect_vreg.gather [hbm4b:s20+s1], $0x80, v5, vm0, $0xb8;
	[tilespmem:$0x1A180] =	vst v63  }
0x26e: {  	_ = 	snop  }
0x26f: {  	[tilespmem:s14], [sflag:$0x2] =	stream.indirect_vreg.gather [hbm4b:s10+s1], $0x80, v5, vm0, $0xb8;
	[tilespmem:$0x1A180] =	vst v63  }
0x270: {  	_ = 	snop  }
0x271: {  	[tilespmem:s30], [sflag:$0x2] =	stream.indirect_vreg.gather [hbm4b:s19+s1], $0x80, v4, vm0, $0xb8;
	[tilespmem:$0x1A180] =	vst v63  }
0x272: {  	_ = 	snop  }
0x273: {  	[tilespmem:s8], [sflag:$0x2] =	stream.indirect_vreg.gather [hbm4b:s9+s1], $0x80, v4, vm0, $0xb8;
	[tilespmem:$0x1A180] =	vst v63  }
0x274: {  	s5 =	simm.s32 $0x11180  }
0x275: {  	[tilespmem:s5], [sflag:$0x2] =	stream.indirect_vreg.gather [hbm4b:s20+s1], $0x80, v4, vm0, $0xb8;
	[tilespmem:$0x1A180] =	vst v63  }
0x276: {  	s15 =	simm.s32 $0x11980  }
0x277: {  	[tilespmem:s15], [sflag:$0x2] =	stream.indirect_vreg.gather [hbm4b:s10+s1], $0x80, v4, vm0, $0xb8;
	[tilespmem:$0x1A180] =	vst v63  }
0x278: {  	_ =	swait.ge [sflag:s22], $0x8000  }
0x279: {  	(v2sf) =	vpush v15, $0xF;
	_ =	sdelay $0xa  }
0x27a: {  	s18 =	sld [smem:$0x7DB]  }
0x27b: {  	[sflag:s22] =	ssyncset.done $0x0  }
0x27c: {  	s23 =	simm.s32 $0x12180;
	[sflag:s22] =	ssyncadd.s32 $0xFFFF8000  }
0x27d: {  	[hbm4b:s18+s1] =	stream.linear.scatter [tilespmem:s23], [sflag:$0x6], $0x8000, $0x38;
	[tilespmem:$0x1A180] =	vst v63  }
0x27e: {  	s16 =	spop (v2sf)  }
0x27f: {  	_ =	swait.ge [sflag:s13], $0x8000  }
0x280: {  	[sflag:s13] =	ssyncset.done $0x0  }
0x281: {  	s30 =	rddreg [dreg:$0x9];
	[sflag:s13] =	ssyncadd.s32 $0xFFFF8000  }
0x282: {  	v4 =	vld [tilespmem:s30+$0x0];
	_ =	sdelay $0x4  }
0x283: {  	vm1 =	vne.s32 v4, $0x1  }
0x284: {  	v4 =	vsel vm1, $0x1, v0  }
0x285: {  	(xrf0) =	vadd.scan.msk.s32 $0xffff, v4;
	_ =	sdelay $0x5  }
0x286: {  	s0 =	sadd.s32 s0, s16;
	v4, _, _ =	vpop (xrf0)  }
0x287: {  	v5 =	vmov s0;
	(v2sf) =	vpush v4, $0xF  }
0x288: {  	v5 =	vadd.s32 $0x1, v5  }
0x289: {  	v5 =	vbroadcast v5, $0x0;
	_ =	sdelay $0x1  }
0x28a: {  	v4 =	vadd.s32 v4, v5  }
0x28b: {  	v4 =	vnsel vm1, $0x1, v4  }
0x28c: {  	[tilespmem:$0x2100] =	vst v4  }
0x28d: {  	v5 =	vld [tilespmem:s2+$0x110];
	_ =	sdelay $0x4  }
0x28e: {  	vm1 =	vne.s32 v5, $0x1  }
0x28f: {  	v5 =	vsel vm1, $0x1, v0  }
0x290: {  	(xrf0) =	vadd.scan.msk.s32 $0xffff, v5;
	v5 =	vshll.u32 v4, $0x3  }
0x291: {  	v4 =	vand.u32 $0x7, v4;
	v5 =	vand.u32 $0xFFFFFFC0, v5;
	s4 =	spop (v2sf)  }
0x292: {  	v4 =	vor.u32 v4, v5;
	s0 =	sadd.s32 s0, s4  }
0x293: {  	v16 =	vperm.xlane v4, v1;
	v5 =	vmov s0  }
0x294: {  	v5 =	vadd.s32 $0x1, v5  }
0x295: {  	v6 =	vadd.s32 v2, v16;
	v5 =	vbroadcast v5, $0x0  }
0x296: {  	v17, _, _ =	vpop (xrf0)  }
0x297: {  	v5 =	vadd.s32 v17, v5  }
0x298: {  	v5 =	vnsel vm1, $0x1, v5  }
0x299: {  	[tilespmem:$0x2110] =	vst v5  }
0x29a: {  	[tilespmem:s23], [sflag:$0x3] =	stream.indirect_vreg.gather [hbm4b:s19+s1], $0x80, v6, vm0, $0xb8;
	[tilespmem:$0x1A180] =	vst v63  }
0x29b: {  	s7 =	simm.s32 $0x12980;
	v4 =	vperm.xlane v4, v3  }
0x29c: {  	[tilespmem:s7], [sflag:$0x3] =	stream.indirect_vreg.gather [hbm4b:s9+s1], $0x80, v6, vm0, $0xb8;
	[tilespmem:$0x1A180] =	vst v63  }
0x29d: {  	v4 =	vadd.s32 v2, v4;
	s23 =	simm.s32 $0x13180  }
0x29e: {  	[tilespmem:s23], [sflag:$0x3] =	stream.indirect_vreg.gather [hbm4b:s20+s1], $0x80, v6, vm0, $0xb8;
	[tilespmem:$0x1A180] =	vst v63  }
0x29f: {  	s30 =	simm.s32 $0x13980  }
0x2a0: {  	[tilespmem:s30], [sflag:$0x3] =	stream.indirect_vreg.gather [hbm4b:s10+s1], $0x80, v6, vm0, $0xb8;
	[tilespmem:$0x1A180] =	vst v63  }
0x2a1: {  	s8 =	simm.s32 $0x14180  }
0x2a2: {  	[tilespmem:s8], [sflag:$0x3] =	stream.indirect_vreg.gather [hbm4b:s19+s1], $0x80, v4, vm0, $0xb8;
	[tilespmem:$0x1A180] =	vst v63  }
0x2a3: {  	s11 =	simm.s32 $0x14980  }
0x2a4: {  	[tilespmem:s11], [sflag:$0x3] =	stream.indirect_vreg.gather [hbm4b:s9+s1], $0x80, v4, vm0, $0xb8;
	[tilespmem:$0x1A180] =	vst v63  }
0x2a5: {  	s14 =	simm.s32 $0x15180  }
0x2a6: {  	[tilespmem:s14], [sflag:$0x3] =	stream.indirect_vreg.gather [hbm4b:s20+s1], $0x80, v4, vm0, $0xb8;
	[tilespmem:$0x1A180] =	vst v63  }
0x2a7: {  	s15 =	simm.s32 $0x15980  }
0x2a8: {  	[tilespmem:s15], [sflag:$0x3] =	stream.indirect_vreg.gather [hbm4b:s10+s1], $0x80, v4, vm0, $0xb8;
	[tilespmem:$0x1A180] =	vst v63  }
0x2a9: {  	v4 =	vld [tilespmem:$0x2110];
	_ =	sdelay $0x4  }
0x2aa: {  	v5 =	vshll.u32 v4, $0x3  }
0x2ab: {  	v4 =	vand.u32 $0x7, v4;
	v5 =	vand.u32 $0xFFFFFFC0, v5  }
0x2ac: {  	v4 =	vor.u32 v4, v5  }
0x2ad: {  	v5 =	vperm.xlane v4, v1;
	_ =	sdelay $0x1  }
0x2ae: {  	v5 =	vadd.s32 v2, v5;
	_ =	sdelay $0x3  }
0x2af: {  	s16 =	simm.s32 $0x16180  }
0x2b0: {  	[tilespmem:s16], [sflag:$0x3] =	stream.indirect_vreg.gather [hbm4b:s19+s1], $0x80, v5, vm0, $0xb8;
	[tilespmem:$0x1A180] =	vst v63  }
0x2b1: {  	s18 =	simm.s32 $0x16980;
	v4 =	vperm.xlane v4, v3  }
0x2b2: {  	[tilespmem:s18], [sflag:$0x3] =	stream.indirect_vreg.gather [hbm4b:s9+s1], $0x80, v5, vm0, $0xb8;
	[tilespmem:$0x1A180] =	vst v63  }
0x2b3: {  	s14 =	simm.s32 $0x17180;
	v4 =	vadd.s32 v2, v4  }
0x2b4: {  	[tilespmem:s14], [sflag:$0x3] =	stream.indirect_vreg.gather [hbm4b:s20+s1], $0x80, v5, vm0, $0xb8;
	[tilespmem:$0x1A180] =	vst v63  }
0x2b5: {  	s15 =	simm.s32 $0x17980  }
0x2b6: {  	[tilespmem:s15], [sflag:$0x3] =	stream.indirect_vreg.gather [hbm4b:s10+s1], $0x80, v5, vm0, $0xb8;
	[tilespmem:$0x1A180] =	vst v63  }
0x2b7: {  	s8 =	simm.s32 $0x18180  }
0x2b8: {  	[tilespmem:s8], [sflag:$0x3] =	stream.indirect_vreg.gather [hbm4b:s19+s1], $0x80, v4, vm0, $0xb8;
	[tilespmem:$0x1A180] =	vst v63  }
0x2b9: {  	s18 =	simm.s32 $0x18980  }
0x2ba: {  	[tilespmem:s18], [sflag:$0x3] =	stream.indirect_vreg.gather [hbm4b:s9+s1], $0x80, v4, vm0, $0xb8;
	[tilespmem:$0x1A180] =	vst v63  }
0x2bb: {  	s16 =	simm.s32 $0x19180  }
0x2bc: {  	[tilespmem:s16], [sflag:$0x3] =	stream.indirect_vreg.gather [hbm4b:s20+s1], $0x80, v4, vm0, $0xb8;
	[tilespmem:$0x1A180] =	vst v63  }
0x2bd: {  	s21 =	simm.s32 $0x19980  }
0x2be: {  	[tilespmem:s21], [sflag:$0x3] =	stream.indirect_vreg.gather [hbm4b:s10+s1], $0x80, v4, vm0, $0xb8;
	[tilespmem:$0x1A180] =	vst v63  }
0x2bf: {  	_ =	swait.ge [sflag:s12], $0x8000  }
0x2c0: {  	(v2sf) =	vpush v17, $0xF;
	_ =	sdelay $0xa  }
0x2c1: {  	s6 =	sld [smem:$0x7DD]  }
0x2c2: {  	[sflag:s12] =	ssyncset.done $0x0  }
0x2c3: {  	s4 =	simm.s32 $0x2180;
	[sflag:s12] =	ssyncadd.s32 $0xFFFF8000  }
0x2c4: {  	[hbm4b:s6+s1] =	stream.linear.scatter [tilespmem:s4], [sflag:$0x4], $0x8000, $0x38;
	[tilespmem:$0x1A180] =	vst v63  }
0x2c5: {  	s7 =	spop (v2sf)  }
0x2c6: {  	_ =	swait.ge [sflag:s28], $0x8000  }
0x2c7: {  	[sflag:s28] =	ssyncset.done $0x0  }
0x2c8: {  	s11 =	rddreg [dreg:$0xa];
	[sflag:s28] =	ssyncadd.s32 $0xFFFF8000  }
0x2c9: {  	v4 =	vld [tilespmem:s11+$0x0];
	_ =	sdelay $0x4  }
0x2ca: {  	vm1 =	vne.s32 v4, $0x1  }
0x2cb: {  	v4 =	vsel vm1, $0x1, v0  }
0x2cc: {  	(xrf0) =	vadd.scan.msk.s32 $0xffff, v4;
	_ =	sdelay $0x5  }
0x2cd: {  	s0 =	sadd.s32 s0, s7;
	v4, _, _ =	vpop (xrf0)  }
0x2ce: {  	v5 =	vmov s0;
	(v2sf) =	vpush v4, $0xF  }
0x2cf: {  	v5 =	vadd.s32 $0x1, v5  }
0x2d0: {  	v5 =	vbroadcast v5, $0x0;
	_ =	sdelay $0x1  }
0x2d1: {  	v4 =	vadd.s32 v4, v5  }
0x2d2: {  	v4 =	vnsel vm1, $0x1, v4  }
0x2d3: {  	[tilespmem:$0x2000] =	vst v4  }
0x2d4: {  	v5 =	vld [tilespmem:s2+$0x130];
	_ =	sdelay $0x4  }
0x2d5: {  	vm1 =	vne.s32 v5, $0x1  }
0x2d6: {  	v5 =	vsel vm1, $0x1, v0  }
0x2d7: {  	(xrf0) =	vadd.scan.msk.s32 $0xffff, v5;
	v5 =	vshll.u32 v4, $0x3  }
0x2d8: {  	v4 =	vand.u32 $0x7, v4;
	v5 =	vand.u32 $0xFFFFFFC0, v5;
	s6 =	spop (v2sf)  }
0x2d9: {  	v4 =	vor.u32 v4, v5;
	s0 =	sadd.s32 s0, s6  }
0x2da: {  	v18 =	vperm.xlane v4, v1;
	v5 =	vmov s0  }
0x2db: {  	v5 =	vadd.s32 $0x1, v5  }
0x2dc: {  	v6 =	vadd.s32 v2, v18;
	v5 =	vbroadcast v5, $0x0  }
0x2dd: {  	v19, _, _ =	vpop (xrf0)  }
0x2de: {  	v5 =	vadd.s32 v19, v5  }
0x2df: {  	v5 =	vnsel vm1, $0x1, v5  }
0x2e0: {  	[tilespmem:$0x2010] =	vst v5  }
0x2e1: {  	[tilespmem:s4], [sflag:$0x1] =	stream.indirect_vreg.gather [hbm4b:s19+s1], $0x80, v6, vm0, $0xb8;
	[tilespmem:$0x1A180] =	vst v63  }
0x2e2: {  	s7 =	simm.s32 $0x2980;
	v4 =	vperm.xlane v4, v3  }
0x2e3: {  	[tilespmem:s7], [sflag:$0x1] =	stream.indirect_vreg.gather [hbm4b:s9+s1], $0x80, v6, vm0, $0xb8;
	[tilespmem:$0x1A180] =	vst v63  }
0x2e4: {  	s11 =	simm.s32 $0x3180;
	v4 =	vadd.s32 v2, v4  }
0x2e5: {  	[tilespmem:s11], [sflag:$0x1] =	stream.indirect_vreg.gather [hbm4b:s20+s1], $0x80, v6, vm0, $0xb8;
	[tilespmem:$0x1A180] =	vst v63  }
0x2e6: {  	s21 =	simm.s32 $0x3980  }
0x2e7: {  	[tilespmem:s21], [sflag:$0x1] =	stream.indirect_vreg.gather [hbm4b:s10+s1], $0x80, v6, vm0, $0xb8;
	[tilespmem:$0x1A180] =	vst v63  }
0x2e8: {  	s6 =	simm.s32 $0x4180  }
0x2e9: {  	[tilespmem:s6], [sflag:$0x1] =	stream.indirect_vreg.gather [hbm4b:s19+s1], $0x80, v4, vm0, $0xb8;
	[tilespmem:$0x1A180] =	vst v63  }
0x2ea: {  	s7 =	simm.s32 $0x4980  }
0x2eb: {  	[tilespmem:s7], [sflag:$0x1] =	stream.indirect_vreg.gather [hbm4b:s9+s1], $0x80, v4, vm0, $0xb8;
	[tilespmem:$0x1A180] =	vst v63  }
0x2ec: {  	s11 =	simm.s32 $0x5180  }
0x2ed: {  	[tilespmem:s11], [sflag:$0x1] =	stream.indirect_vreg.gather [hbm4b:s20+s1], $0x80, v4, vm0, $0xb8;
	[tilespmem:$0x1A180] =	vst v63  }
0x2ee: {  	s11 =	simm.s32 $0x5980  }
0x2ef: {  	[tilespmem:s11], [sflag:$0x1] =	stream.indirect_vreg.gather [hbm4b:s10+s1], $0x80, v4, vm0, $0xb8;
	[tilespmem:$0x1A180] =	vst v63  }
0x2f0: {  	v4 =	vld [tilespmem:$0x2010];
	_ =	sdelay $0x4  }
0x2f1: {  	v5 =	vshll.u32 v4, $0x3  }
0x2f2: {  	v4 =	vand.u32 $0x7, v4;
	v5 =	vand.u32 $0xFFFFFFC0, v5  }
0x2f3: {  	v4 =	vor.u32 v4, v5  }
0x2f4: {  	v5 =	vperm.xlane v4, v1;
	_ =	sdelay $0x1  }
0x2f5: {  	v5 =	vadd.s32 v2, v5;
	_ =	sdelay $0x3  }
0x2f6: {  	s21 =	simm.s32 $0x6180  }
0x2f7: {  	[tilespmem:s21], [sflag:$0x1] =	stream.indirect_vreg.gather [hbm4b:s19+s1], $0x80, v5, vm0, $0xb8;
	[tilespmem:$0x1A180] =	vst v63  }
0x2f8: {  	s6 =	simm.s32 $0x6980;
	v4 =	vperm.xlane v4, v3  }
0x2f9: {  	[tilespmem:s6], [sflag:$0x1] =	stream.indirect_vreg.gather [hbm4b:s9+s1], $0x80, v5, vm0, $0xb8;
	[tilespmem:$0x1A180] =	vst v63  }
0x2fa: {  	s7 =	simm.s32 $0x7180;
	v4 =	vadd.s32 v2, v4  }
0x2fb: {  	[tilespmem:s7], [sflag:$0x1] =	stream.indirect_vreg.gather [hbm4b:s20+s1], $0x80, v5, vm0, $0xb8;
	[tilespmem:$0x1A180] =	vst v63  }
0x2fc: {  	s6 =	simm.s32 $0x7980  }
0x2fd: {  	[tilespmem:s6], [sflag:$0x1] =	stream.indirect_vreg.gather [hbm4b:s10+s1], $0x80, v5, vm0, $0xb8;
	[tilespmem:$0x1A180] =	vst v63  }
0x2fe: {  	s21 =	simm.s32 $0x8180  }
0x2ff: {  	[tilespmem:s21], [sflag:$0x1] =	stream.indirect_vreg.gather [hbm4b:s19+s1], $0x80, v4, vm0, $0xb8;
	[tilespmem:$0x1A180] =	vst v63  }
0x300: {  	s7 =	simm.s32 $0x8980  }
0x301: {  	[tilespmem:s7], [sflag:$0x1] =	stream.indirect_vreg.gather [hbm4b:s9+s1], $0x80, v4, vm0, $0xb8;
	[tilespmem:$0x1A180] =	vst v63  }
0x302: {  	s21 =	simm.s32 $0x9180  }
0x303: {  	[tilespmem:s21], [sflag:$0x1] =	stream.indirect_vreg.gather [hbm4b:s20+s1], $0x80, v4, vm0, $0xb8;
	[tilespmem:$0x1A180] =	vst v63  }
0x304: {  	_ = 	snop  }
0x305: {  	[tilespmem:s26], [sflag:$0x1] =	stream.indirect_vreg.gather [hbm4b:s10+s1], $0x80, v4, vm0, $0xb8;
	[tilespmem:$0x1A180] =	vst v63  }
0x306: {  	_ =	swait.ge [sflag:s17], $0x8000  }
0x307: {  	(v2sf) =	vpush v19, $0xF;
	_ =	sdelay $0xa  }
0x308: {  	s26 =	sld [smem:$0x7DE]  }
0x309: {  	[sflag:s17] =	ssyncset.done $0x0  }
0x30a: {  	s4 =	simm.s32 $0xA180;
	[sflag:s17] =	ssyncadd.s32 $0xFFFF8000  }
0x30b: {  	[hbm4b:s26+s1] =	stream.linear.scatter [tilespmem:s4], [sflag:$0x5], $0x8000, $0x38;
	[tilespmem:$0x1A180] =	vst v63  }
0x30c: {  	s7 =	spop (v2sf)  }
0x30d: {  	_ =	swait.ge [sflag:s29], $0x8000  }
0x30e: {  	[sflag:s29] =	ssyncset.done $0x0  }
0x30f: {  	s26 =	rddreg [dreg:$0xb];
	[sflag:s29] =	ssyncadd.s32 $0xFFFF8000  }
0x310: {  	v4 =	vld [tilespmem:s26+$0x0];
	_ =	sdelay $0x4  }
0x311: {  	vm1 =	vne.s32 v4, $0x1  }
0x312: {  	v4 =	vsel vm1, $0x1, v0  }
0x313: {  	(xrf0) =	vadd.scan.msk.s32 $0xffff, v4;
	_ =	sdelay $0x5  }
0x314: {  	s0 =	sadd.s32 s0, s7;
	v4, _, _ =	vpop (xrf0)  }
0x315: {  	v5 =	vmov s0;
	(v2sf) =	vpush v4, $0xF  }
0x316: {  	v5 =	vadd.s32 $0x1, v5  }
0x317: {  	v5 =	vbroadcast v5, $0x0;
	_ =	sdelay $0x1  }
0x318: {  	v4 =	vadd.s32 v4, v5  }
0x319: {  	v4 =	vnsel vm1, $0x1, v4  }
0x31a: {  	[tilespmem:$0x2080] =	vst v4  }
0x31b: {  	v5 =	vld [tilespmem:s2+$0x150];
	_ =	sdelay $0x4  }
0x31c: {  	vm1 =	vne.s32 v5, $0x1  }
0x31d: {  	v5 =	vsel vm1, $0x1, v0  }
0x31e: {  	(xrf0) =	vadd.scan.msk.s32 $0xffff, v5;
	v5 =	vshll.u32 v4, $0x3  }
0x31f: {  	v4 =	vand.u32 $0x7, v4;
	v5 =	vand.u32 $0xFFFFFFC0, v5;
	s26 =	spop (v2sf)  }
0x320: {  	v4 =	vor.u32 v4, v5;
	s0 =	sadd.s32 s0, s26  }
0x321: {  	v20 =	vperm.xlane v4, v1;
	v5 =	vmov s0  }
0x322: {  	v5 =	vadd.s32 $0x1, v5  }
0x323: {  	v6 =	vadd.s32 v2, v20;
	v5 =	vbroadcast v5, $0x0  }
0x324: {  	v21, _, _ =	vpop (xrf0)  }
0x325: {  	v5 =	vadd.s32 v21, v5  }
0x326: {  	v5 =	vnsel vm1, $0x1, v5  }
0x327: {  	[tilespmem:$0x2090] =	vst v5  }
0x328: {  	[tilespmem:s4], [sflag:$0x2] =	stream.indirect_vreg.gather [hbm4b:s19+s1], $0x80, v6, vm0, $0xb8;
	[tilespmem:$0x1A180] =	vst v63  }
0x329: {  	v4 =	vperm.xlane v4, v3  }
0x32a: {  	[tilespmem:s25], [sflag:$0x2] =	stream.indirect_vreg.gather [hbm4b:s9+s1], $0x80, v6, vm0, $0xb8;
	[tilespmem:$0x1A180] =	vst v63  }
0x32b: {  	v4 =	vadd.s32 v2, v4;
	s4 =	simm.s32 $0xB180  }
0x32c: {  	[tilespmem:s4], [sflag:$0x2] =	stream.indirect_vreg.gather [hbm4b:s20+s1], $0x80, v6, vm0, $0xb8;
	[tilespmem:$0x1A180] =	vst v63  }
0x32d: {  	s25 =	simm.s32 $0xB980  }
0x32e: {  	[tilespmem:s25], [sflag:$0x2] =	stream.indirect_vreg.gather [hbm4b:s10+s1], $0x80, v6, vm0, $0xb8;
	[tilespmem:$0x1A180] =	vst v63  }
0x32f: {  	s26 =	simm.s32 $0xC180  }
0x330: {  	[tilespmem:s26], [sflag:$0x2] =	stream.indirect_vreg.gather [hbm4b:s19+s1], $0x80, v4, vm0, $0xb8;
	[tilespmem:$0x1A180] =	vst v63  }
0x331: {  	s21 =	simm.s32 $0xC980  }
0x332: {  	[tilespmem:s21], [sflag:$0x2] =	stream.indirect_vreg.gather [hbm4b:s9+s1], $0x80, v4, vm0, $0xb8;
	[tilespmem:$0x1A180] =	vst v63  }
0x333: {  	s21 =	simm.s32 $0xD180  }
0x334: {  	[tilespmem:s21], [sflag:$0x2] =	stream.indirect_vreg.gather [hbm4b:s20+s1], $0x80, v4, vm0, $0xb8;
	[tilespmem:$0x1A180] =	vst v63  }
0x335: {  	_ = 	snop  }
0x336: {  	[tilespmem:s3], [sflag:$0x2] =	stream.indirect_vreg.gather [hbm4b:s10+s1], $0x80, v4, vm0, $0xb8;
	[tilespmem:$0x1A180] =	vst v63  }
0x337: {  	v4 =	vld [tilespmem:$0x2090];
	_ =	sdelay $0x4  }
0x338: {  	v5 =	vshll.u32 v4, $0x3  }
0x339: {  	v4 =	vand.u32 $0x7, v4;
	v5 =	vand.u32 $0xFFFFFFC0, v5  }
0x33a: {  	v4 =	vor.u32 v4, v5  }
0x33b: {  	v5 =	vperm.xlane v4, v1;
	_ =	sdelay $0x1  }
0x33c: {  	v5 =	vadd.s32 v2, v5;
	_ =	sdelay $0x4  }
0x33d: {  	[tilespmem:s24], [sflag:$0x2] =	stream.indirect_vreg.gather [hbm4b:s19+s1], $0x80, v5, vm0, $0xb8;
	[tilespmem:$0x1A180] =	vst v63  }
0x33e: {  	v4 =	vperm.xlane v4, v3  }
0x33f: {  	[tilespmem:s31], [sflag:$0x2] =	stream.indirect_vreg.gather [hbm4b:s9+s1], $0x80, v5, vm0, $0xb8;
	[tilespmem:$0x1A180] =	vst v63  }
0x340: {  	v4 =	vadd.s32 v2, v4;
	s31 =	simm.s32 $0xF180  }
0x341: {  	[tilespmem:s31], [sflag:$0x2] =	stream.indirect_vreg.gather [hbm4b:s20+s1], $0x80, v5, vm0, $0xb8;
	[tilespmem:$0x1A180] =	vst v63  }
0x342: {  	s24 =	simm.s32 $0xF980  }
0x343: {  	[tilespmem:s24], [sflag:$0x2] =	stream.indirect_vreg.gather [hbm4b:s10+s1], $0x80, v5, vm0, $0xb8;
	[tilespmem:$0x1A180] =	vst v63  }
0x344: {  	s31 =	simm.s32 $0x10180  }
0x345: {  	[tilespmem:s31], [sflag:$0x2] =	stream.indirect_vreg.gather [hbm4b:s19+s1], $0x80, v4, vm0, $0xb8;
	[tilespmem:$0x1A180] =	vst v63  }
0x346: {  	s7 =	simm.s32 $0x10980  }
0x347: {  	[tilespmem:s7], [sflag:$0x2] =	stream.indirect_vreg.gather [hbm4b:s9+s1], $0x80, v4, vm0, $0xb8;
	[tilespmem:$0x1A180] =	vst v63  }
0x348: {  	_ = 	snop  }
0x349: {  	[tilespmem:s5], [sflag:$0x2] =	stream.indirect_vreg.gather [hbm4b:s20+s1], $0x80, v4, vm0, $0xb8;
	[tilespmem:$0x1A180] =	vst v63  }
0x34a: {  	s21 =	simm.s32 $0x11980  }
0x34b: {  	[tilespmem:s21], [sflag:$0x2] =	stream.indirect_vreg.gather [hbm4b:s10+s1], $0x80, v4, vm0, $0xb8;
	[tilespmem:$0x1A180] =	vst v63  }
0x34c: {  	_ =	swait.ge [sflag:s22], $0x8000  }
0x34d: {  	(v2sf) =	vpush v21, $0xF;
	_ =	sdelay $0xa  }
0x34e: {  	s3 =	sld [smem:$0x7DF]  }
0x34f: {  	[sflag:s22] =	ssyncset.done $0x0  }
0x350: {  	s5 =	simm.s32 $0x12180;
	[sflag:s22] =	ssyncadd.s32 $0xFFFF8000  }
0x351: {  	[hbm4b:s3+s1] =	stream.linear.scatter [tilespmem:s5], [sflag:$0x6], $0x8000, $0x38;
	[tilespmem:$0x1A180] =	vst v63  }
0x352: {  	s7 =	spop (v2sf)  }
0x353: {  	_ =	swait.ge [sflag:s13], $0x8000  }
0x354: {  	[sflag:s13] =	ssyncset.done $0x0  }
0x355: {  	s3 =	rddreg [dreg:$0xc];
	[sflag:s13] =	ssyncadd.s32 $0xFFFF8000  }
0x356: {  	v4 =	vld [tilespmem:s3+$0x0];
	_ =	sdelay $0x4  }
0x357: {  	vm1 =	vne.s32 v4, $0x1  }
0x358: {  	v4 =	vsel vm1, $0x1, v0  }
0x359: {  	(xrf0) =	vadd.scan.msk.s32 $0xffff, v4;
	_ =	sdelay $0x5  }
0x35a: {  	s0 =	sadd.s32 s0, s7;
	v4, _, _ =	vpop (xrf0)  }
0x35b: {  	v5 =	vmov s0;
	(v2sf) =	vpush v4, $0xF  }
0x35c: {  	v5 =	vadd.s32 $0x1, v5  }
0x35d: {  	v5 =	vbroadcast v5, $0x0;
	_ =	sdelay $0x1  }
0x35e: {  	v4 =	vadd.s32 v4, v5  }
0x35f: {  	v4 =	vnsel vm1, $0x1, v4  }
0x360: {  	[tilespmem:$0x2100] =	vst v4  }
0x361: {  	v5 =	vld [tilespmem:s2+$0x170];
	_ =	sdelay $0x4  }
0x362: {  	vm1 =	vne.s32 v5, $0x1  }
0x363: {  	v5 =	vsel vm1, $0x1, v0  }
0x364: {  	(xrf0) =	vadd.scan.msk.s32 $0xffff, v5;
	v5 =	vshll.u32 v4, $0x3  }
0x365: {  	v4 =	vand.u32 $0x7, v4;
	v5 =	vand.u32 $0xFFFFFFC0, v5;
	s3 =	spop (v2sf)  }
0x366: {  	v4 =	vor.u32 v4, v5;
	s0 =	sadd.s32 s0, s3  }
0x367: {  	v22 =	vperm.xlane v4, v1;
	v5 =	vmov s0  }
0x368: {  	v5 =	vadd.s32 $0x1, v5  }
0x369: {  	v6 =	vadd.s32 v2, v22;
	v5 =	vbroadcast v5, $0x0  }
0x36a: {  	v23, _, _ =	vpop (xrf0)  }
0x36b: {  	v5 =	vadd.s32 v23, v5  }
0x36c: {  	v5 =	vnsel vm1, $0x1, v5  }
0x36d: {  	[tilespmem:$0x2110] =	vst v5  }
0x36e: {  	[tilespmem:s5], [sflag:$0x3] =	stream.indirect_vreg.gather [hbm4b:s19+s1], $0x80, v6, vm0, $0xb8;
	[tilespmem:$0x1A180] =	vst v63  }
0x36f: {  	v4 =	vperm.xlane v4, v3;
	s5 =	simm.s32 $0x12980  }
0x370: {  	[tilespmem:s5], [sflag:$0x3] =	stream.indirect_vreg.gather [hbm4b:s9+s1], $0x80, v6, vm0, $0xb8;
	[tilespmem:$0x1A180] =	vst v63  }
0x371: {  	v4 =	vadd.s32 v2, v4  }
0x372: {  	[tilespmem:s23], [sflag:$0x3] =	stream.indirect_vreg.gather [hbm4b:s20+s1], $0x80, v6, vm0, $0xb8;
	[tilespmem:$0x1A180] =	vst v63  }
0x373: {  	_ = 	snop  }
0x374: {  	[tilespmem:s30], [sflag:$0x3] =	stream.indirect_vreg.gather [hbm4b:s10+s1], $0x80, v6, vm0, $0xb8;
	[tilespmem:$0x1A180] =	vst v63  }
0x375: {  	s7 =	simm.s32 $0x14180  }
0x376: {  	[tilespmem:s7], [sflag:$0x3] =	stream.indirect_vreg.gather [hbm4b:s19+s1], $0x80, v4, vm0, $0xb8;
	[tilespmem:$0x1A180] =	vst v63  }
0x377: {  	s21 =	simm.s32 $0x14980  }
0x378: {  	[tilespmem:s21], [sflag:$0x3] =	stream.indirect_vreg.gather [hbm4b:s9+s1], $0x80, v4, vm0, $0xb8;
	[tilespmem:$0x1A180] =	vst v63  }
0x379: {  	s30 =	simm.s32 $0x15180  }
0x37a: {  	[tilespmem:s30], [sflag:$0x3] =	stream.indirect_vreg.gather [hbm4b:s20+s1], $0x80, v4, vm0, $0xb8;
	[tilespmem:$0x1A180] =	vst v63  }
0x37b: {  	s5 =	simm.s32 $0x15980  }
0x37c: {  	[tilespmem:s5], [sflag:$0x3] =	stream.indirect_vreg.gather [hbm4b:s10+s1], $0x80, v4, vm0, $0xb8;
	[tilespmem:$0x1A180] =	vst v63  }
0x37d: {  	v4 =	vld [tilespmem:$0x2110];
	_ =	sdelay $0x4  }
0x37e: {  	v5 =	vshll.u32 v4, $0x3  }
0x37f: {  	v4 =	vand.u32 $0x7, v4;
	v5 =	vand.u32 $0xFFFFFFC0, v5  }
0x380: {  	v4 =	vor.u32 v4, v5  }
0x381: {  	v5 =	vperm.xlane v4, v1;
	_ =	sdelay $0x1  }
0x382: {  	v5 =	vadd.s32 v2, v5;
	_ =	sdelay $0x3  }
0x383: {  	s7 =	simm.s32 $0x16180  }
0x384: {  	[tilespmem:s7], [sflag:$0x3] =	stream.indirect_vreg.gather [hbm4b:s19+s1], $0x80, v5, vm0, $0xb8;
	[tilespmem:$0x1A180] =	vst v63  }
0x385: {  	s21 =	simm.s32 $0x16980;
	v4 =	vperm.xlane v4, v3  }
0x386: {  	[tilespmem:s21], [sflag:$0x3] =	stream.indirect_vreg.gather [hbm4b:s9+s1], $0x80, v5, vm0, $0xb8;
	[tilespmem:$0x1A180] =	vst v63  }
0x387: {  	v4 =	vadd.s32 v2, v4  }
0x388: {  	[tilespmem:s14], [sflag:$0x3] =	stream.indirect_vreg.gather [hbm4b:s20+s1], $0x80, v5, vm0, $0xb8;
	[tilespmem:$0x1A180] =	vst v63  }
0x389: {  	_ = 	snop  }
0x38a: {  	[tilespmem:s15], [sflag:$0x3] =	stream.indirect_vreg.gather [hbm4b:s10+s1], $0x80, v5, vm0, $0xb8;
	[tilespmem:$0x1A180] =	vst v63  }
0x38b: {  	_ = 	snop  }
0x38c: {  	[tilespmem:s8], [sflag:$0x3] =	stream.indirect_vreg.gather [hbm4b:s19+s1], $0x80, v4, vm0, $0xb8;
	[tilespmem:$0x1A180] =	vst v63  }
0x38d: {  	_ = 	snop  }
0x38e: {  	[tilespmem:s18], [sflag:$0x3] =	stream.indirect_vreg.gather [hbm4b:s9+s1], $0x80, v4, vm0, $0xb8;
	[tilespmem:$0x1A180] =	vst v63  }
0x38f: {  	_ = 	snop  }
0x390: {  	[tilespmem:s16], [sflag:$0x3] =	stream.indirect_vreg.gather [hbm4b:s20+s1], $0x80, v4, vm0, $0xb8;
	[tilespmem:$0x1A180] =	vst v63  }
0x391: {  	s30 =	simm.s32 $0x19980  }
0x392: {  	[tilespmem:s30], [sflag:$0x3] =	stream.indirect_vreg.gather [hbm4b:s10+s1], $0x80, v4, vm0, $0xb8;
	[tilespmem:$0x1A180] =	vst v63  }
0x393: {  	_ =	swait.ge [sflag:s12], $0x8000  }
0x394: {  	(v2sf) =	vpush v23, $0xF;
	_ =	sdelay $0xa  }
0x395: {  	s8 =	sld [smem:$0x7E0]  }
0x396: {  	[sflag:s12] =	ssyncset.done $0x0  }
0x397: {  	s15 =	simm.s32 $0x2180;
	[sflag:s12] =	ssyncadd.s32 $0xFFFF8000  }
0x398: {  	[hbm4b:s8+s1] =	stream.linear.scatter [tilespmem:s15], [sflag:$0x4], $0x8000, $0x38;
	[tilespmem:$0x1A180] =	vst v63  }
0x399: {  	s5 =	spop (v2sf)  }
0x39a: {  	_ =	swait.ge [sflag:s28], $0x8000  }
0x39b: {  	[sflag:s28] =	ssyncset.done $0x0  }
0x39c: {  	s16 =	rddreg [dreg:$0xd];
	[sflag:s28] =	ssyncadd.s32 $0xFFFF8000  }
0x39d: {  	v4 =	vld [tilespmem:s16+$0x0];
	_ =	sdelay $0x4  }
0x39e: {  	vm1 =	vne.s32 v4, $0x1  }
0x39f: {  	v4 =	vsel vm1, $0x1, v0  }
0x3a0: {  	(xrf0) =	vadd.scan.msk.s32 $0xffff, v4;
	_ =	sdelay $0x5  }
0x3a1: {  	s0 =	sadd.s32 s0, s5;
	v4, _, _ =	vpop (xrf0)  }
0x3a2: {  	v5 =	vmov s0;
	(v2sf) =	vpush v4, $0xF  }
0x3a3: {  	v5 =	vadd.s32 $0x1, v5  }
0x3a4: {  	v5 =	vbroadcast v5, $0x0;
	_ =	sdelay $0x1  }
0x3a5: {  	v4 =	vadd.s32 v4, v5  }
0x3a6: {  	v4 =	vnsel vm1, $0x1, v4  }
0x3a7: {  	[tilespmem:$0x2000] =	vst v4  }
0x3a8: {  	v5 =	vld [tilespmem:s2+$0x190];
	_ =	sdelay $0x4  }
0x3a9: {  	vm1 =	vne.s32 v5, $0x1  }
0x3aa: {  	v5 =	vsel vm1, $0x1, v0  }
0x3ab: {  	(xrf0) =	vadd.scan.msk.s32 $0xffff, v5;
	v5 =	vshll.u32 v4, $0x3  }
0x3ac: {  	v4 =	vand.u32 $0x7, v4;
	v5 =	vand.u32 $0xFFFFFFC0, v5;
	s18 =	spop (v2sf)  }
0x3ad: {  	v4 =	vor.u32 v4, v5;
	s0 =	sadd.s32 s0, s18  }
0x3ae: {  	v24 =	vperm.xlane v4, v1;
	v5 =	vmov s0  }
0x3af: {  	v5 =	vadd.s32 $0x1, v5  }
0x3b0: {  	v6 =	vadd.s32 v2, v24;
	v5 =	vbroadcast v5, $0x0  }
0x3b1: {  	v25, _, _ =	vpop (xrf0)  }
0x3b2: {  	v5 =	vadd.s32 v25, v5  }
0x3b3: {  	v5 =	vnsel vm1, $0x1, v5  }
0x3b4: {  	[tilespmem:$0x2010] =	vst v5  }
0x3b5: {  	[tilespmem:s15], [sflag:$0x1] =	stream.indirect_vreg.gather [hbm4b:s19+s1], $0x80, v6, vm0, $0xb8;
	[tilespmem:$0x1A180] =	vst v63  }
0x3b6: {  	s21 =	simm.s32 $0x2980;
	v4 =	vperm.xlane v4, v3  }
0x3b7: {  	[tilespmem:s21], [sflag:$0x1] =	stream.indirect_vreg.gather [hbm4b:s9+s1], $0x80, v6, vm0, $0xb8;
	[tilespmem:$0x1A180] =	vst v63  }
0x3b8: {  	s30 =	simm.s32 $0x3180;
	v4 =	vadd.s32 v2, v4  }
0x3b9: {  	[tilespmem:s30], [sflag:$0x1] =	stream.indirect_vreg.gather [hbm4b:s20+s1], $0x80, v6, vm0, $0xb8;
	[tilespmem:$0x1A180] =	vst v63  }
0x3ba: {  	s5 =	simm.s32 $0x3980  }
0x3bb: {  	[tilespmem:s5], [sflag:$0x1] =	stream.indirect_vreg.gather [hbm4b:s10+s1], $0x80, v6, vm0, $0xb8;
	[tilespmem:$0x1A180] =	vst v63  }
0x3bc: {  	s7 =	simm.s32 $0x4180  }
0x3bd: {  	[tilespmem:s7], [sflag:$0x1] =	stream.indirect_vreg.gather [hbm4b:s19+s1], $0x80, v4, vm0, $0xb8;
	[tilespmem:$0x1A180] =	vst v63  }
0x3be: {  	s8 =	simm.s32 $0x4980  }
0x3bf: {  	[tilespmem:s8], [sflag:$0x1] =	stream.indirect_vreg.gather [hbm4b:s9+s1], $0x80, v4, vm0, $0xb8;
	[tilespmem:$0x1A180] =	vst v63  }
0x3c0: {  	s15 =	simm.s32 $0x5180  }
0x3c1: {  	[tilespmem:s15], [sflag:$0x1] =	stream.indirect_vreg.gather [hbm4b:s20+s1], $0x80, v4, vm0, $0xb8;
	[tilespmem:$0x1A180] =	vst v63  }
0x3c2: {  	_ = 	snop  }
0x3c3: {  	[tilespmem:s11], [sflag:$0x1] =	stream.indirect_vreg.gather [hbm4b:s10+s1], $0x80, v4, vm0, $0xb8;
	[tilespmem:$0x1A180] =	vst v63  }
0x3c4: {  	v4 =	vld [tilespmem:$0x2010];
	_ =	sdelay $0x4  }
0x3c5: {  	v5 =	vshll.u32 v4, $0x3  }
0x3c6: {  	v4 =	vand.u32 $0x7, v4;
	v5 =	vand.u32 $0xFFFFFFC0, v5  }
0x3c7: {  	v4 =	vor.u32 v4, v5  }
0x3c8: {  	v5 =	vperm.xlane v4, v1;
	_ =	sdelay $0x1  }
0x3c9: {  	v5 =	vadd.s32 v2, v5;
	_ =	sdelay $0x3  }
0x3ca: {  	s16 =	simm.s32 $0x6180  }
0x3cb: {  	[tilespmem:s16], [sflag:$0x1] =	stream.indirect_vreg.gather [hbm4b:s19+s1], $0x80, v5, vm0, $0xb8;
	[tilespmem:$0x1A180] =	vst v63  }
0x3cc: {  	s18 =	simm.s32 $0x6980;
	v4 =	vperm.xlane v4, v3  }
0x3cd: {  	[tilespmem:s18], [sflag:$0x1] =	stream.indirect_vreg.gather [hbm4b:s9+s1], $0x80, v5, vm0, $0xb8;
	[tilespmem:$0x1A180] =	vst v63  }
0x3ce: {  	s21 =	simm.s32 $0x7180;
	v4 =	vadd.s32 v2, v4  }
0x3cf: {  	[tilespmem:s21], [sflag:$0x1] =	stream.indirect_vreg.gather [hbm4b:s20+s1], $0x80, v5, vm0, $0xb8;
	[tilespmem:$0x1A180] =	vst v63  }
0x3d0: {  	_ = 	snop  }
0x3d1: {  	[tilespmem:s6], [sflag:$0x1] =	stream.indirect_vreg.gather [hbm4b:s10+s1], $0x80, v5, vm0, $0xb8;
	[tilespmem:$0x1A180] =	vst v63  }
0x3d2: {  	s30 =	simm.s32 $0x8180  }
0x3d3: {  	[tilespmem:s30], [sflag:$0x1] =	stream.indirect_vreg.gather [hbm4b:s19+s1], $0x80, v4, vm0, $0xb8;
	[tilespmem:$0x1A180] =	vst v63  }
0x3d4: {  	s5 =	simm.s32 $0x8980  }
0x3d5: {  	[tilespmem:s5], [sflag:$0x1] =	stream.indirect_vreg.gather [hbm4b:s9+s1], $0x80, v4, vm0, $0xb8;
	[tilespmem:$0x1A180] =	vst v63  }
0x3d6: {  	s6 =	simm.s32 $0x9180  }
0x3d7: {  	[tilespmem:s6], [sflag:$0x1] =	stream.indirect_vreg.gather [hbm4b:s20+s1], $0x80, v4, vm0, $0xb8;
	[tilespmem:$0x1A180] =	vst v63  }
0x3d8: {  	s7 =	simm.s32 $0x9980  }
0x3d9: {  	[tilespmem:s7], [sflag:$0x1] =	stream.indirect_vreg.gather [hbm4b:s10+s1], $0x80, v4, vm0, $0xb8;
	[tilespmem:$0x1A180] =	vst v63  }
0x3da: {  	_ =	swait.ge [sflag:s17], $0x8000  }
0x3db: {  	(v2sf) =	vpush v25, $0xF;
	_ =	sdelay $0xa  }
0x3dc: {  	s11 =	sld [smem:$0x7E1]  }
0x3dd: {  	[sflag:s17] =	ssyncset.done $0x0  }
0x3de: {  	s15 =	simm.s32 $0xA180;
	[sflag:s17] =	ssyncadd.s32 $0xFFFF8000  }
0x3df: {  	[hbm4b:s11+s1] =	stream.linear.scatter [tilespmem:s15], [sflag:$0x5], $0x8000, $0x38;
	[tilespmem:$0x1A180] =	vst v63  }
0x3e0: {  	s8 =	spop (v2sf)  }
0x3e1: {  	_ =	swait.ge [sflag:s29], $0x8000  }
0x3e2: {  	[sflag:s29] =	ssyncset.done $0x0  }
0x3e3: {  	s16 =	rddreg [dreg:$0xe];
	[sflag:s29] =	ssyncadd.s32 $0xFFFF8000  }
0x3e4: {  	v4 =	vld [tilespmem:s16+$0x0];
	_ =	sdelay $0x4  }
0x3e5: {  	vm1 =	vne.s32 v4, $0x1  }
0x3e6: {  	v4 =	vsel vm1, $0x1, v0  }
0x3e7: {  	(xrf0) =	vadd.scan.msk.s32 $0xffff, v4;
	_ =	sdelay $0x5  }
0x3e8: {  	s0 =	sadd.s32 s0, s8;
	v4, _, _ =	vpop (xrf0)  }
0x3e9: {  	v5 =	vmov s0;
	(v2sf) =	vpush v4, $0xF  }
0x3ea: {  	v5 =	vadd.s32 $0x1, v5  }
0x3eb: {  	v5 =	vbroadcast v5, $0x0;
	_ =	sdelay $0x1  }
0x3ec: {  	v4 =	vadd.s32 v4, v5  }
0x3ed: {  	v4 =	vnsel vm1, $0x1, v4  }
0x3ee: {  	[tilespmem:$0x2080] =	vst v4  }
0x3ef: {  	v5 =	vld [tilespmem:s2+$0x1B0];
	_ =	sdelay $0x4  }
0x3f0: {  	vm1 =	vne.s32 v5, $0x1  }
0x3f1: {  	v5 =	vsel vm1, $0x1, v0  }
0x3f2: {  	(xrf0) =	vadd.scan.msk.s32 $0xffff, v5;
	v5 =	vshll.u32 v4, $0x3  }
0x3f3: {  	v4 =	vand.u32 $0x7, v4;
	v5 =	vand.u32 $0xFFFFFFC0, v5;
	s18 =	spop (v2sf)  }
0x3f4: {  	v4 =	vor.u32 v4, v5;
	s0 =	sadd.s32 s0, s18  }
0x3f5: {  	v26 =	vperm.xlane v4, v1;
	v5 =	vmov s0  }
0x3f6: {  	v5 =	vadd.s32 $0x1, v5  }
0x3f7: {  	v6 =	vadd.s32 v2, v26;
	v5 =	vbroadcast v5, $0x0  }
0x3f8: {  	v27, _, _ =	vpop (xrf0)  }
0x3f9: {  	v5 =	vadd.s32 v27, v5  }
0x3fa: {  	v5 =	vnsel vm1, $0x1, v5  }
0x3fb: {  	[tilespmem:$0x2090] =	vst v5  }
0x3fc: {  	[tilespmem:s15], [sflag:$0x2] =	stream.indirect_vreg.gather [hbm4b:s19+s1], $0x80, v6, vm0, $0xb8;
	[tilespmem:$0x1A180] =	vst v63  }
0x3fd: {  	s30 =	simm.s32 $0xA980;
	v4 =	vperm.xlane v4, v3  }
0x3fe: {  	[tilespmem:s30], [sflag:$0x2] =	stream.indirect_vreg.gather [hbm4b:s9+s1], $0x80, v6, vm0, $0xb8;
	[tilespmem:$0x1A180] =	vst v63  }
0x3ff: {  	v4 =	vadd.s32 v2, v4  }
0x400: {  	[tilespmem:s4], [sflag:$0x2] =	stream.indirect_vreg.gather [hbm4b:s20+s1], $0x80, v6, vm0, $0xb8;
	[tilespmem:$0x1A180] =	vst v63  }
0x401: {  	_ = 	snop  }
0x402: {  	[tilespmem:s25], [sflag:$0x2] =	stream.indirect_vreg.gather [hbm4b:s10+s1], $0x80, v6, vm0, $0xb8;
	[tilespmem:$0x1A180] =	vst v63  }
0x403: {  	_ = 	snop  }
0x404: {  	[tilespmem:s26], [sflag:$0x2] =	stream.indirect_vreg.gather [hbm4b:s19+s1], $0x80, v4, vm0, $0xb8;
	[tilespmem:$0x1A180] =	vst v63  }
0x405: {  	s21 =	simm.s32 $0xC980  }
0x406: {  	[tilespmem:s21], [sflag:$0x2] =	stream.indirect_vreg.gather [hbm4b:s9+s1], $0x80, v4, vm0, $0xb8;
	[tilespmem:$0x1A180] =	vst v63  }
0x407: {  	s25 =	simm.s32 $0xD180  }
0x408: {  	[tilespmem:s25], [sflag:$0x2] =	stream.indirect_vreg.gather [hbm4b:s20+s1], $0x80, v4, vm0, $0xb8;
	[tilespmem:$0x1A180] =	vst v63  }
0x409: {  	s3 =	simm.s32 $0xD980  }
0x40a: {  	[tilespmem:s3], [sflag:$0x2] =	stream.indirect_vreg.gather [hbm4b:s10+s1], $0x80, v4, vm0, $0xb8;
	[tilespmem:$0x1A180] =	vst v63  }
0x40b: {  	v4 =	vld [tilespmem:$0x2090];
	_ =	sdelay $0x4  }
0x40c: {  	v5 =	vshll.u32 v4, $0x3  }
0x40d: {  	v4 =	vand.u32 $0x7, v4;
	v5 =	vand.u32 $0xFFFFFFC0, v5  }
0x40e: {  	v4 =	vor.u32 v4, v5  }
0x40f: {  	v5 =	vperm.xlane v4, v1;
	_ =	sdelay $0x1  }
0x410: {  	v5 =	vadd.s32 v2, v5;
	_ =	sdelay $0x3  }
0x411: {  	s15 =	simm.s32 $0xE180  }
0x412: {  	[tilespmem:s15], [sflag:$0x2] =	stream.indirect_vreg.gather [hbm4b:s19+s1], $0x80, v5, vm0, $0xb8;
	[tilespmem:$0x1A180] =	vst v63  }
0x413: {  	s8 =	simm.s32 $0xE980;
	v4 =	vperm.xlane v4, v3  }
0x414: {  	[tilespmem:s8], [sflag:$0x2] =	stream.indirect_vreg.gather [hbm4b:s9+s1], $0x80, v5, vm0, $0xb8;
	[tilespmem:$0x1A180] =	vst v63  }
0x415: {  	s26 =	simm.s32 $0xF180;
	v4 =	vadd.s32 v2, v4  }
0x416: {  	[tilespmem:s26], [sflag:$0x2] =	stream.indirect_vreg.gather [hbm4b:s20+s1], $0x80, v5, vm0, $0xb8;
	[tilespmem:$0x1A180] =	vst v63  }
0x417: {  	_ = 	snop  }
0x418: {  	[tilespmem:s24], [sflag:$0x2] =	stream.indirect_vreg.gather [hbm4b:s10+s1], $0x80, v5, vm0, $0xb8;
	[tilespmem:$0x1A180] =	vst v63  }
0x419: {  	_ = 	snop  }
0x41a: {  	[tilespmem:s31], [sflag:$0x2] =	stream.indirect_vreg.gather [hbm4b:s19+s1], $0x80, v4, vm0, $0xb8;
	[tilespmem:$0x1A180] =	vst v63  }
0x41b: {  	s31 =	simm.s32 $0x10980  }
0x41c: {  	[tilespmem:s31], [sflag:$0x2] =	stream.indirect_vreg.gather [hbm4b:s9+s1], $0x80, v4, vm0, $0xb8;
	[tilespmem:$0x1A180] =	vst v63  }
0x41d: {  	s18 =	simm.s32 $0x11180  }
0x41e: {  	[tilespmem:s18], [sflag:$0x2] =	stream.indirect_vreg.gather [hbm4b:s20+s1], $0x80, v4, vm0, $0xb8;
	[tilespmem:$0x1A180] =	vst v63  }
0x41f: {  	s16 =	simm.s32 $0x11980  }
0x420: {  	[tilespmem:s16], [sflag:$0x2] =	stream.indirect_vreg.gather [hbm4b:s10+s1], $0x80, v4, vm0, $0xb8;
	[tilespmem:$0x1A180] =	vst v63  }
0x421: {  	_ =	swait.ge [sflag:s22], $0x8000  }
0x422: {  	(v2sf) =	vpush v27, $0xF;
	_ =	sdelay $0xa  }
0x423: {  	s5 =	sld [smem:$0x7E2]  }
0x424: {  	[sflag:s22] =	ssyncset.done $0x0  }
0x425: {  	s6 =	simm.s32 $0x12180;
	[sflag:s22] =	ssyncadd.s32 $0xFFFF8000  }
0x426: {  	[hbm4b:s5+s1] =	stream.linear.scatter [tilespmem:s6], [sflag:$0x6], $0x8000, $0x38;
	[tilespmem:$0x1A180] =	vst v63  }
0x427: {  	s4 =	spop (v2sf)  }
0x428: {  	_ =	swait.ge [sflag:s13], $0x8000  }
0x429: {  	[sflag:s13] =	ssyncset.done $0x0  }
0x42a: {  	s11 =	rddreg [dreg:$0xf];
	[sflag:s13] =	ssyncadd.s32 $0xFFFF8000  }
0x42b: {  	v4 =	vld [tilespmem:s11+$0x0];
	_ =	sdelay $0x4  }
0x42c: {  	vm1 =	vne.s32 v4, $0x1  }
0x42d: {  	v4 =	vsel vm1, $0x1, v0  }
0x42e: {  	(xrf0) =	vadd.scan.msk.s32 $0xffff, v4;
	_ =	sdelay $0x5  }
0x42f: {  	s0 =	sadd.s32 s0, s4;
	v4, _, _ =	vpop (xrf0)  }
0x430: {  	v5 =	vmov s0;
	(v2sf) =	vpush v4, $0xF  }
0x431: {  	v5 =	vadd.s32 $0x1, v5  }
0x432: {  	v5 =	vbroadcast v5, $0x0;
	_ =	sdelay $0x1  }
0x433: {  	v4 =	vadd.s32 v4, v5  }
0x434: {  	v4 =	vnsel vm1, $0x1, v4  }
0x435: {  	[tilespmem:$0x2100] =	vst v4  }
0x436: {  	v5 =	vld [tilespmem:s2+$0x1D0];
	_ =	sdelay $0x4  }
0x437: {  	vm1 =	vne.s32 v5, $0x1  }
0x438: {  	v5 =	vsel vm1, $0x1, v0  }
0x439: {  	(xrf0) =	vadd.scan.msk.s32 $0xffff, v5;
	v5 =	vshll.u32 v4, $0x3  }
0x43a: {  	v4 =	vand.u32 $0x7, v4;
	v5 =	vand.u32 $0xFFFFFFC0, v5;
	s21 =	spop (v2sf)  }
0x43b: {  	v4 =	vor.u32 v4, v5;
	s0 =	sadd.s32 s0, s21  }
0x43c: {  	v28 =	vperm.xlane v4, v1;
	v5 =	vmov s0  }
0x43d: {  	v5 =	vadd.s32 $0x1, v5  }
0x43e: {  	v6 =	vadd.s32 v2, v28;
	v5 =	vbroadcast v5, $0x0  }
0x43f: {  	v29, _, _ =	vpop (xrf0)  }
0x440: {  	v5 =	vadd.s32 v29, v5  }
0x441: {  	v5 =	vnsel vm1, $0x1, v5  }
0x442: {  	[tilespmem:$0x2110] =	vst v5  }
0x443: {  	[tilespmem:s6], [sflag:$0x3] =	stream.indirect_vreg.gather [hbm4b:s19+s1], $0x80, v6, vm0, $0xb8;
	[tilespmem:$0x1A180] =	vst v63  }
0x444: {  	s24 =	simm.s32 $0x12980;
	v4 =	vperm.xlane v4, v3  }
0x445: {  	[tilespmem:s24], [sflag:$0x3] =	stream.indirect_vreg.gather [hbm4b:s9+s1], $0x80, v6, vm0, $0xb8;
	[tilespmem:$0x1A180] =	vst v63  }
0x446: {  	s23 =	simm.s32 $0x13180;
	v4 =	vadd.s32 v2, v4  }
0x447: {  	[tilespmem:s23], [sflag:$0x3] =	stream.indirect_vreg.gather [hbm4b:s20+s1], $0x80, v6, vm0, $0xb8;
	[tilespmem:$0x1A180] =	vst v63  }
0x448: {  	s5 =	simm.s32 $0x13980  }
0x449: {  	[tilespmem:s5], [sflag:$0x3] =	stream.indirect_vreg.gather [hbm4b:s10+s1], $0x80, v6, vm0, $0xb8;
	[tilespmem:$0x1A180] =	vst v63  }
0x44a: {  	s25 =	simm.s32 $0x14180  }
0x44b: {  	[tilespmem:s25], [sflag:$0x3] =	stream.indirect_vreg.gather [hbm4b:s19+s1], $0x80, v4, vm0, $0xb8;
	[tilespmem:$0x1A180] =	vst v63  }
0x44c: {  	s26 =	simm.s32 $0x14980  }
0x44d: {  	[tilespmem:s26], [sflag:$0x3] =	stream.indirect_vreg.gather [hbm4b:s9+s1], $0x80, v4, vm0, $0xb8;
	[tilespmem:$0x1A180] =	vst v63  }
0x44e: {  	s31 =	simm.s32 $0x15180  }
0x44f: {  	[tilespmem:s31], [sflag:$0x3] =	stream.indirect_vreg.gather [hbm4b:s20+s1], $0x80, v4, vm0, $0xb8;
	[tilespmem:$0x1A180] =	vst v63  }
0x450: {  	s6 =	simm.s32 $0x15980  }
0x451: {  	[tilespmem:s6], [sflag:$0x3] =	stream.indirect_vreg.gather [hbm4b:s10+s1], $0x80, v4, vm0, $0xb8;
	[tilespmem:$0x1A180] =	vst v63  }
0x452: {  	v4 =	vld [tilespmem:$0x2110];
	_ =	sdelay $0x4  }
0x453: {  	v5 =	vshll.u32 v4, $0x3  }
0x454: {  	v4 =	vand.u32 $0x7, v4;
	v5 =	vand.u32 $0xFFFFFFC0, v5  }
0x455: {  	v4 =	vor.u32 v4, v5  }
0x456: {  	v5 =	vperm.xlane v4, v1;
	_ =	sdelay $0x1  }
0x457: {  	v5 =	vadd.s32 v2, v5;
	_ =	sdelay $0x3  }
0x458: {  	s7 =	simm.s32 $0x16180  }
0x459: {  	[tilespmem:s7], [sflag:$0x3] =	stream.indirect_vreg.gather [hbm4b:s19+s1], $0x80, v5, vm0, $0xb8;
	[tilespmem:$0x1A180] =	vst v63  }
0x45a: {  	s11 =	simm.s32 $0x16980;
	v4 =	vperm.xlane v4, v3  }
0x45b: {  	[tilespmem:s11], [sflag:$0x3] =	stream.indirect_vreg.gather [hbm4b:s9+s1], $0x80, v5, vm0, $0xb8;
	[tilespmem:$0x1A180] =	vst v63  }
0x45c: {  	s14 =	simm.s32 $0x17180;
	v4 =	vadd.s32 v2, v4  }
0x45d: {  	[tilespmem:s14], [sflag:$0x3] =	stream.indirect_vreg.gather [hbm4b:s20+s1], $0x80, v5, vm0, $0xb8;
	[tilespmem:$0x1A180] =	vst v63  }
0x45e: {  	s21 =	simm.s32 $0x17980  }
0x45f: {  	[tilespmem:s21], [sflag:$0x3] =	stream.indirect_vreg.gather [hbm4b:s10+s1], $0x80, v5, vm0, $0xb8;
	[tilespmem:$0x1A180] =	vst v63  }
0x460: {  	s23 =	simm.s32 $0x18180  }
0x461: {  	[tilespmem:s23], [sflag:$0x3] =	stream.indirect_vreg.gather [hbm4b:s19+s1], $0x80, v4, vm0, $0xb8;
	[tilespmem:$0x1A180] =	vst v63  }
0x462: {  	s24 =	simm.s32 $0x18980  }
0x463: {  	[tilespmem:s24], [sflag:$0x3] =	stream.indirect_vreg.gather [hbm4b:s9+s1], $0x80, v4, vm0, $0xb8;
	[tilespmem:$0x1A180] =	vst v63  }
0x464: {  	s25 =	simm.s32 $0x19180  }
0x465: {  	[tilespmem:s25], [sflag:$0x3] =	stream.indirect_vreg.gather [hbm4b:s20+s1], $0x80, v4, vm0, $0xb8;
	[tilespmem:$0x1A180] =	vst v63  }
0x466: {  	s26 =	simm.s32 $0x19980  }
0x467: {  	[tilespmem:s26], [sflag:$0x3] =	stream.indirect_vreg.gather [hbm4b:s10+s1], $0x80, v4, vm0, $0xb8;
	[tilespmem:$0x1A180] =	vst v63  }
0x468: {  	_ =	swait.ge [sflag:s12], $0x8000  }
0x469: {  	(v2sf) =	vpush v29, $0xF;
	_ =	sdelay $0xa  }
0x46a: {  	s4 =	sld [smem:$0x7E3]  }
0x46b: {  	[sflag:s12] =	ssyncset.done $0x0  }
0x46c: {  	s6 =	simm.s32 $0x2180;
	[sflag:s12] =	ssyncadd.s32 $0xFFFF8000  }
0x46d: {  	[hbm4b:s4+s1] =	stream.linear.scatter [tilespmem:s6], [sflag:$0x4], $0x8000, $0x38;
	[tilespmem:$0x1A180] =	vst v63  }
0x46e: {  	s31 =	spop (v2sf)  }
0x46f: {  	_ =	swait.ge [sflag:s28], $0x8000  }
0x470: {  	[sflag:s28] =	ssyncset.done $0x0  }
0x471: {  	s11 =	rddreg [dreg:$0x10];
	[sflag:s28] =	ssyncadd.s32 $0xFFFF8000  }
0x472: {  	v4 =	vld [tilespmem:s11+$0x0];
	_ =	sdelay $0x4  }
0x473: {  	vm1 =	vne.s32 v4, $0x1  }
0x474: {  	v4 =	vsel vm1, $0x1, v0  }
0x475: {  	(xrf0) =	vadd.scan.msk.s32 $0xffff, v4;
	_ =	sdelay $0x5  }
0x476: {  	s0 =	sadd.s32 s0, s31;
	v4, _, _ =	vpop (xrf0)  }
0x477: {  	v5 =	vmov s0;
	(v2sf) =	vpush v4, $0xF  }
0x478: {  	v5 =	vadd.s32 $0x1, v5  }
0x479: {  	v5 =	vbroadcast v5, $0x0;
	_ =	sdelay $0x1  }
0x47a: {  	v4 =	vadd.s32 v4, v5  }
0x47b: {  	v4 =	vnsel vm1, $0x1, v4  }
0x47c: {  	[tilespmem:$0x2000] =	vst v4  }
0x47d: {  	v5 =	vld [tilespmem:s2+$0x1F0];
	_ =	sdelay $0x4  }
0x47e: {  	vm1 =	vne.s32 v5, $0x1  }
0x47f: {  	v5 =	vsel vm1, $0x1, v0  }
0x480: {  	(xrf0) =	vadd.scan.msk.s32 $0xffff, v5;
	v5 =	vshll.u32 v4, $0x3  }
0x481: {  	v4 =	vand.u32 $0x7, v4;
	v5 =	vand.u32 $0xFFFFFFC0, v5;
	s14 =	spop (v2sf)  }
0x482: {  	v4 =	vor.u32 v4, v5;
	s0 =	sadd.s32 s0, s14  }
0x483: {  	v30 =	vperm.xlane v4, v1;
	v5 =	vmov s0  }
0x484: {  	v5 =	vadd.s32 $0x1, v5  }
0x485: {  	v6 =	vadd.s32 v2, v30;
	v5 =	vbroadcast v5, $0x0  }
0x486: {  	v31, _, _ =	vpop (xrf0)  }
0x487: {  	v5 =	vadd.s32 v31, v5  }
0x488: {  	v5 =	vnsel vm1, $0x1, v5  }
0x489: {  	[tilespmem:$0x2010] =	vst v5  }
0x48a: {  	[tilespmem:s6], [sflag:$0x1] =	stream.indirect_vreg.gather [hbm4b:s19+s1], $0x80, v6, vm0, $0xb8;
	[tilespmem:$0x1A180] =	vst v63  }
0x48b: {  	s26 =	simm.s32 $0x2980;
	v4 =	vperm.xlane v4, v3  }
0x48c: {  	[tilespmem:s26], [sflag:$0x1] =	stream.indirect_vreg.gather [hbm4b:s9+s1], $0x80, v6, vm0, $0xb8;
	[tilespmem:$0x1A180] =	vst v63  }
0x48d: {  	v4 =	vadd.s32 v2, v4;
	s6 =	simm.s32 $0x3180  }
0x48e: {  	[tilespmem:s6], [sflag:$0x1] =	stream.indirect_vreg.gather [hbm4b:s20+s1], $0x80, v6, vm0, $0xb8;
	[tilespmem:$0x1A180] =	vst v63  }
0x48f: {  	s11 =	simm.s32 $0x3980  }
0x490: {  	[tilespmem:s11], [sflag:$0x1] =	stream.indirect_vreg.gather [hbm4b:s10+s1], $0x80, v6, vm0, $0xb8;
	[tilespmem:$0x1A180] =	vst v63  }
0x491: {  	s14 =	simm.s32 $0x4180  }
0x492: {  	[tilespmem:s14], [sflag:$0x1] =	stream.indirect_vreg.gather [hbm4b:s19+s1], $0x80, v4, vm0, $0xb8;
	[tilespmem:$0x1A180] =	vst v63  }
0x493: {  	s23 =	simm.s32 $0x4980  }
0x494: {  	[tilespmem:s23], [sflag:$0x1] =	stream.indirect_vreg.gather [hbm4b:s9+s1], $0x80, v4, vm0, $0xb8;
	[tilespmem:$0x1A180] =	vst v63  }
0x495: {  	s24 =	simm.s32 $0x5180  }
0x496: {  	[tilespmem:s24], [sflag:$0x1] =	stream.indirect_vreg.gather [hbm4b:s20+s1], $0x80, v4, vm0, $0xb8;
	[tilespmem:$0x1A180] =	vst v63  }
0x497: {  	s21 =	simm.s32 $0x5980  }
0x498: {  	[tilespmem:s21], [sflag:$0x1] =	stream.indirect_vreg.gather [hbm4b:s10+s1], $0x80, v4, vm0, $0xb8;
	[tilespmem:$0x1A180] =	vst v63  }
0x499: {  	v4 =	vld [tilespmem:$0x2010];
	_ =	sdelay $0x4  }
0x49a: {  	v5 =	vshll.u32 v4, $0x3  }
0x49b: {  	v4 =	vand.u32 $0x7, v4;
	v5 =	vand.u32 $0xFFFFFFC0, v5  }
0x49c: {  	v4 =	vor.u32 v4, v5  }
0x49d: {  	v5 =	vperm.xlane v4, v1;
	_ =	sdelay $0x1  }
0x49e: {  	v5 =	vadd.s32 v2, v5;
	_ =	sdelay $0x3  }
0x49f: {  	s25 =	simm.s32 $0x6180  }
0x4a0: {  	[tilespmem:s25], [sflag:$0x1] =	stream.indirect_vreg.gather [hbm4b:s19+s1], $0x80, v5, vm0, $0xb8;
	[tilespmem:$0x1A180] =	vst v63  }
0x4a1: {  	s31 =	simm.s32 $0x6980;
	v4 =	vperm.xlane v4, v3  }
0x4a2: {  	[tilespmem:s31], [sflag:$0x1] =	stream.indirect_vreg.gather [hbm4b:s9+s1], $0x80, v5, vm0, $0xb8;
	[tilespmem:$0x1A180] =	vst v63  }
0x4a3: {  	v4 =	vadd.s32 v2, v4;
	s25 =	simm.s32 $0x7180  }
0x4a4: {  	[tilespmem:s25], [sflag:$0x1] =	stream.indirect_vreg.gather [hbm4b:s20+s1], $0x80, v5, vm0, $0xb8;
	[tilespmem:$0x1A180] =	vst v63  }
0x4a5: {  	s7 =	simm.s32 $0x7980  }
0x4a6: {  	[tilespmem:s7], [sflag:$0x1] =	stream.indirect_vreg.gather [hbm4b:s10+s1], $0x80, v5, vm0, $0xb8;
	[tilespmem:$0x1A180] =	vst v63  }
0x4a7: {  	s21 =	simm.s32 $0x8180  }
0x4a8: {  	[tilespmem:s21], [sflag:$0x1] =	stream.indirect_vreg.gather [hbm4b:s19+s1], $0x80, v4, vm0, $0xb8;
	[tilespmem:$0x1A180] =	vst v63  }
0x4a9: {  	s31 =	simm.s32 $0x8980  }
0x4aa: {  	[tilespmem:s31], [sflag:$0x1] =	stream.indirect_vreg.gather [hbm4b:s9+s1], $0x80, v4, vm0, $0xb8;
	[tilespmem:$0x1A180] =	vst v63  }
0x4ab: {  	s7 =	simm.s32 $0x9180  }
0x4ac: {  	[tilespmem:s7], [sflag:$0x1] =	stream.indirect_vreg.gather [hbm4b:s20+s1], $0x80, v4, vm0, $0xb8;
	[tilespmem:$0x1A180] =	vst v63  }
0x4ad: {  	s4 =	simm.s32 $0x9980  }
0x4ae: {  	[tilespmem:s4], [sflag:$0x1] =	stream.indirect_vreg.gather [hbm4b:s10+s1], $0x80, v4, vm0, $0xb8;
	[tilespmem:$0x1A180] =	vst v63  }
0x4af: {  	_ =	swait.ge [sflag:s17], $0x8000  }
0x4b0: {  	(v2sf) =	vpush v31, $0xF;
	_ =	sdelay $0xa  }
0x4b1: {  	s21 =	sld [smem:$0x7E4]  }
0x4b2: {  	[sflag:s17] =	ssyncset.done $0x0  }
0x4b3: {  	s31 =	simm.s32 $0xA180;
	[sflag:s17] =	ssyncadd.s32 $0xFFFF8000  }
0x4b4: {  	[hbm4b:s21+s1] =	stream.linear.scatter [tilespmem:s31], [sflag:$0x5], $0x8000, $0x38;
	[tilespmem:$0x1A180] =	vst v63  }
0x4b5: {  	s7 =	spop (v2sf)  }
0x4b6: {  	_ =	swait.ge [sflag:s29], $0x8000  }
0x4b7: {  	[sflag:s29] =	ssyncset.done $0x0  }
0x4b8: {  	s21 =	rddreg [dreg:$0x11];
	[sflag:s29] =	ssyncadd.s32 $0xFFFF8000  }
0x4b9: {  	v4 =	vld [tilespmem:s21+$0x0];
	_ =	sdelay $0x4  }
0x4ba: {  	vm1 =	vne.s32 v4, $0x1  }
0x4bb: {  	v4 =	vsel vm1, $0x1, v0  }
0x4bc: {  	(xrf0) =	vadd.scan.msk.s32 $0xffff, v4;
	_ =	sdelay $0x5  }
0x4bd: {  	s0 =	sadd.s32 s0, s7;
	v4, _, _ =	vpop (xrf0)  }
0x4be: {  	v5 =	vmov s0;
	(v2sf) =	vpush v4, $0xF  }
0x4bf: {  	v5 =	vadd.s32 $0x1, v5  }
0x4c0: {  	v5 =	vbroadcast v5, $0x0;
	_ =	sdelay $0x1  }
0x4c1: {  	v4 =	vadd.s32 v4, v5  }
0x4c2: {  	v4 =	vnsel vm1, $0x1, v4  }
0x4c3: {  	[tilespmem:$0x2080] =	vst v4  }
0x4c4: {  	v5 =	vld [tilespmem:s2+$0x210];
	_ =	sdelay $0x4  }
0x4c5: {  	vm1 =	vne.s32 v5, $0x1  }
0x4c6: {  	v5 =	vsel vm1, $0x1, v0  }
0x4c7: {  	(xrf0) =	vadd.scan.msk.s32 $0xffff, v5;
	v5 =	vshll.u32 v4, $0x3  }
0x4c8: {  	v4 =	vand.u32 $0x7, v4;
	v5 =	vand.u32 $0xFFFFFFC0, v5;
	s21 =	spop (v2sf)  }
0x4c9: {  	v4 =	vor.u32 v4, v5;
	s0 =	sadd.s32 s0, s21  }
0x4ca: {  	v32 =	vperm.xlane v4, v1;
	v5 =	vmov s0  }
0x4cb: {  	v5 =	vadd.s32 $0x1, v5  }
0x4cc: {  	v6 =	vadd.s32 v2, v32;
	v5 =	vbroadcast v5, $0x0  }
0x4cd: {  	v33, _, _ =	vpop (xrf0)  }
0x4ce: {  	v5 =	vadd.s32 v33, v5  }
0x4cf: {  	v5 =	vnsel vm1, $0x1, v5  }
0x4d0: {  	[tilespmem:$0x2090] =	vst v5  }
0x4d1: {  	[tilespmem:s31], [sflag:$0x2] =	stream.indirect_vreg.gather [hbm4b:s19+s1], $0x80, v6, vm0, $0xb8;
	[tilespmem:$0x1A180] =	vst v63  }
0x4d2: {  	v4 =	vperm.xlane v4, v3  }
0x4d3: {  	[tilespmem:s30], [sflag:$0x2] =	stream.indirect_vreg.gather [hbm4b:s9+s1], $0x80, v6, vm0, $0xb8;
	[tilespmem:$0x1A180] =	vst v63  }
0x4d4: {  	v4 =	vadd.s32 v2, v4;
	s30 =	simm.s32 $0xB180  }
0x4d5: {  	[tilespmem:s30], [sflag:$0x2] =	stream.indirect_vreg.gather [hbm4b:s20+s1], $0x80, v6, vm0, $0xb8;
	[tilespmem:$0x1A180] =	vst v63  }
0x4d6: {  	s31 =	simm.s32 $0xB980  }
0x4d7: {  	[tilespmem:s31], [sflag:$0x2] =	stream.indirect_vreg.gather [hbm4b:s10+s1], $0x80, v6, vm0, $0xb8;
	[tilespmem:$0x1A180] =	vst v63  }
0x4d8: {  	s21 =	simm.s32 $0xC180  }
0x4d9: {  	[tilespmem:s21], [sflag:$0x2] =	stream.indirect_vreg.gather [hbm4b:s19+s1], $0x80, v4, vm0, $0xb8;
	[tilespmem:$0x1A180] =	vst v63  }
0x4da: {  	s30 =	simm.s32 $0xC980  }
0x4db: {  	[tilespmem:s30], [sflag:$0x2] =	stream.indirect_vreg.gather [hbm4b:s9+s1], $0x80, v4, vm0, $0xb8;
	[tilespmem:$0x1A180] =	vst v63  }
0x4dc: {  	s31 =	simm.s32 $0xD180  }
0x4dd: {  	[tilespmem:s31], [sflag:$0x2] =	stream.indirect_vreg.gather [hbm4b:s20+s1], $0x80, v4, vm0, $0xb8;
	[tilespmem:$0x1A180] =	vst v63  }
0x4de: {  	_ = 	snop  }
0x4df: {  	[tilespmem:s3], [sflag:$0x2] =	stream.indirect_vreg.gather [hbm4b:s10+s1], $0x80, v4, vm0, $0xb8;
	[tilespmem:$0x1A180] =	vst v63  }
0x4e0: {  	v4 =	vld [tilespmem:$0x2090];
	_ =	sdelay $0x4  }
0x4e1: {  	v5 =	vshll.u32 v4, $0x3  }
0x4e2: {  	v4 =	vand.u32 $0x7, v4;
	v5 =	vand.u32 $0xFFFFFFC0, v5  }
0x4e3: {  	v4 =	vor.u32 v4, v5  }
0x4e4: {  	v5 =	vperm.xlane v4, v1;
	_ =	sdelay $0x1  }
0x4e5: {  	v5 =	vadd.s32 v2, v5;
	_ =	sdelay $0x4  }
0x4e6: {  	[tilespmem:s15], [sflag:$0x2] =	stream.indirect_vreg.gather [hbm4b:s19+s1], $0x80, v5, vm0, $0xb8;
	[tilespmem:$0x1A180] =	vst v63  }
0x4e7: {  	v4 =	vperm.xlane v4, v3  }
0x4e8: {  	[tilespmem:s8], [sflag:$0x2] =	stream.indirect_vreg.gather [hbm4b:s9+s1], $0x80, v5, vm0, $0xb8;
	[tilespmem:$0x1A180] =	vst v63  }
0x4e9: {  	s21 =	simm.s32 $0xF180;
	v4 =	vadd.s32 v2, v4  }
0x4ea: {  	[tilespmem:s21], [sflag:$0x2] =	stream.indirect_vreg.gather [hbm4b:s20+s1], $0x80, v5, vm0, $0xb8;
	[tilespmem:$0x1A180] =	vst v63  }
0x4eb: {  	s30 =	simm.s32 $0xF980  }
0x4ec: {  	[tilespmem:s30], [sflag:$0x2] =	stream.indirect_vreg.gather [hbm4b:s10+s1], $0x80, v5, vm0, $0xb8;
	[tilespmem:$0x1A180] =	vst v63  }
0x4ed: {  	s31 =	simm.s32 $0x10180  }
0x4ee: {  	[tilespmem:s31], [sflag:$0x2] =	stream.indirect_vreg.gather [hbm4b:s19+s1], $0x80, v4, vm0, $0xb8;
	[tilespmem:$0x1A180] =	vst v63  }
0x4ef: {  	s7 =	simm.s32 $0x10980  }
0x4f0: {  	[tilespmem:s7], [sflag:$0x2] =	stream.indirect_vreg.gather [hbm4b:s9+s1], $0x80, v4, vm0, $0xb8;
	[tilespmem:$0x1A180] =	vst v63  }
0x4f1: {  	_ = 	snop  }
0x4f2: {  	[tilespmem:s18], [sflag:$0x2] =	stream.indirect_vreg.gather [hbm4b:s20+s1], $0x80, v4, vm0, $0xb8;
	[tilespmem:$0x1A180] =	vst v63  }
0x4f3: {  	_ = 	snop  }
0x4f4: {  	[tilespmem:s16], [sflag:$0x2] =	stream.indirect_vreg.gather [hbm4b:s10+s1], $0x80, v4, vm0, $0xb8;
	[tilespmem:$0x1A180] =	vst v63  }
0x4f5: {  	_ =	swait.ge [sflag:s22], $0x8000  }
0x4f6: {  	(v2sf) =	vpush v33, $0xF;
	_ =	sdelay $0xa  }
0x4f7: {  	s15 =	sld [smem:$0x7E5]  }
0x4f8: {  	[sflag:s22] =	ssyncset.done $0x0  }
0x4f9: {  	s16 =	simm.s32 $0x12180;
	[sflag:s22] =	ssyncadd.s32 $0xFFFF8000  }
0x4fa: {  	[hbm4b:s15+s1] =	stream.linear.scatter [tilespmem:s16], [sflag:$0x6], $0x8000, $0x38;
	[tilespmem:$0x1A180] =	vst v63  }
0x4fb: {  	s8 =	spop (v2sf)  }
0x4fc: {  	_ =	swait.ge [sflag:s13], $0x8000  }
0x4fd: {  	[sflag:s13] =	ssyncset.done $0x0  }
0x4fe: {  	s18 =	rddreg [dreg:$0x12];
	[sflag:s13] =	ssyncadd.s32 $0xFFFF8000  }
0x4ff: {  	v4 =	vld [tilespmem:s18+$0x0];
	_ =	sdelay $0x4  }
0x500: {  	vm1 =	vne.s32 v4, $0x1  }
0x501: {  	v4 =	vsel vm1, $0x1, v0  }
0x502: {  	(xrf0) =	vadd.scan.msk.s32 $0xffff, v4;
	_ =	sdelay $0x5  }
0x503: {  	s0 =	sadd.s32 s0, s8;
	v4, _, _ =	vpop (xrf0)  }
0x504: {  	v5 =	vmov s0;
	(v2sf) =	vpush v4, $0xF  }
0x505: {  	v5 =	vadd.s32 $0x1, v5  }
0x506: {  	v5 =	vbroadcast v5, $0x0;
	_ =	sdelay $0x1  }
0x507: {  	v4 =	vadd.s32 v4, v5  }
0x508: {  	v4 =	vnsel vm1, $0x1, v4  }
0x509: {  	[tilespmem:$0x2100] =	vst v4  }
0x50a: {  	v5 =	vld [tilespmem:s2+$0x230];
	_ =	sdelay $0x4  }
0x50b: {  	vm1 =	vne.s32 v5, $0x1  }
0x50c: {  	v5 =	vsel vm1, $0x1, v0  }
0x50d: {  	(xrf0) =	vadd.scan.msk.s32 $0xffff, v5;
	v5 =	vshll.u32 v4, $0x3  }
0x50e: {  	v4 =	vand.u32 $0x7, v4;
	v5 =	vand.u32 $0xFFFFFFC0, v5;
	s21 =	spop (v2sf)  }
0x50f: {  	v4 =	vor.u32 v4, v5;
	s0 =	sadd.s32 s0, s21  }
0x510: {  	v34 =	vperm.xlane v4, v1;
	v5 =	vmov s0  }
0x511: {  	v5 =	vadd.s32 $0x1, v5  }
0x512: {  	v6 =	vadd.s32 v2, v34;
	v5 =	vbroadcast v5, $0x0  }
0x513: {  	v35, _, _ =	vpop (xrf0)  }
0x514: {  	v5 =	vadd.s32 v35, v5  }
0x515: {  	v5 =	vnsel vm1, $0x1, v5  }
0x516: {  	[tilespmem:$0x2110] =	vst v5  }
0x517: {  	[tilespmem:s16], [sflag:$0x3] =	stream.indirect_vreg.gather [hbm4b:s19+s1], $0x80, v6, vm0, $0xb8;
	[tilespmem:$0x1A180] =	vst v63  }
0x518: {  	s31 =	simm.s32 $0x12980;
	v4 =	vperm.xlane v4, v3  }
0x519: {  	[tilespmem:s31], [sflag:$0x3] =	stream.indirect_vreg.gather [hbm4b:s9+s1], $0x80, v6, vm0, $0xb8;
	[tilespmem:$0x1A180] =	vst v63  }
0x51a: {  	s30 =	simm.s32 $0x13180;
	v4 =	vadd.s32 v2, v4  }
0x51b: {  	[tilespmem:s30], [sflag:$0x3] =	stream.indirect_vreg.gather [hbm4b:s20+s1], $0x80, v6, vm0, $0xb8;
	[tilespmem:$0x1A180] =	vst v63  }
0x51c: {  	_ = 	snop  }
0x51d: {  	[tilespmem:s5], [sflag:$0x3] =	stream.indirect_vreg.gather [hbm4b:s10+s1], $0x80, v6, vm0, $0xb8;
	[tilespmem:$0x1A180] =	vst v63  }
0x51e: {  	s30 =	simm.s32 $0x14180  }
0x51f: {  	[tilespmem:s30], [sflag:$0x3] =	stream.indirect_vreg.gather [hbm4b:s19+s1], $0x80, v4, vm0, $0xb8;
	[tilespmem:$0x1A180] =	vst v63  }
0x520: {  	s5 =	simm.s32 $0x14980  }
0x521: {  	[tilespmem:s5], [sflag:$0x3] =	stream.indirect_vreg.gather [hbm4b:s9+s1], $0x80, v4, vm0, $0xb8;
	[tilespmem:$0x1A180] =	vst v63  }
0x522: {  	s5 =	simm.s32 $0x15180  }
0x523: {  	[tilespmem:s5], [sflag:$0x3] =	stream.indirect_vreg.gather [hbm4b:s20+s1], $0x80, v4, vm0, $0xb8;
	[tilespmem:$0x1A180] =	vst v63  }
0x524: {  	s7 =	simm.s32 $0x15980  }
0x525: {  	[tilespmem:s7], [sflag:$0x3] =	stream.indirect_vreg.gather [hbm4b:s10+s1], $0x80, v4, vm0, $0xb8;
	[tilespmem:$0x1A180] =	vst v63  }
0x526: {  	v4 =	vld [tilespmem:$0x2110];
	_ =	sdelay $0x4  }
0x527: {  	v5 =	vshll.u32 v4, $0x3  }
0x528: {  	v4 =	vand.u32 $0x7, v4;
	v5 =	vand.u32 $0xFFFFFFC0, v5  }
0x529: {  	v4 =	vor.u32 v4, v5  }
0x52a: {  	v5 =	vperm.xlane v4, v1;
	_ =	sdelay $0x1  }
0x52b: {  	v5 =	vadd.s32 v2, v5;
	_ =	sdelay $0x3  }
0x52c: {  	s8 =	simm.s32 $0x16180  }
0x52d: {  	[tilespmem:s8], [sflag:$0x3] =	stream.indirect_vreg.gather [hbm4b:s19+s1], $0x80, v5, vm0, $0xb8;
	[tilespmem:$0x1A180] =	vst v63  }
0x52e: {  	s15 =	simm.s32 $0x16980;
	v4 =	vperm.xlane v4, v3  }
0x52f: {  	[tilespmem:s15], [sflag:$0x3] =	stream.indirect_vreg.gather [hbm4b:s9+s1], $0x80, v5, vm0, $0xb8;
	[tilespmem:$0x1A180] =	vst v63  }
0x530: {  	s16 =	simm.s32 $0x17180;
	v4 =	vadd.s32 v2, v4  }
0x531: {  	[tilespmem:s16], [sflag:$0x3] =	stream.indirect_vreg.gather [hbm4b:s20+s1], $0x80, v5, vm0, $0xb8;
	[tilespmem:$0x1A180] =	vst v63  }
0x532: {  	s15 =	simm.s32 $0x17980  }
0x533: {  	[tilespmem:s15], [sflag:$0x3] =	stream.indirect_vreg.gather [hbm4b:s10+s1], $0x80, v5, vm0, $0xb8;
	[tilespmem:$0x1A180] =	vst v63  }
0x534: {  	s18 =	simm.s32 $0x18180  }
0x535: {  	[tilespmem:s18], [sflag:$0x3] =	stream.indirect_vreg.gather [hbm4b:s19+s1], $0x80, v4, vm0, $0xb8;
	[tilespmem:$0x1A180] =	vst v63  }
0x536: {  	s18 =	simm.s32 $0x18980  }
0x537: {  	[tilespmem:s18], [sflag:$0x3] =	stream.indirect_vreg.gather [hbm4b:s9+s1], $0x80, v4, vm0, $0xb8;
	[tilespmem:$0x1A180] =	vst v63  }
0x538: {  	s21 =	simm.s32 $0x19180  }
0x539: {  	[tilespmem:s21], [sflag:$0x3] =	stream.indirect_vreg.gather [hbm4b:s20+s1], $0x80, v4, vm0, $0xb8;
	[tilespmem:$0x1A180] =	vst v63  }
0x53a: {  	s7 =	simm.s32 $0x19980  }
0x53b: {  	[tilespmem:s7], [sflag:$0x3] =	stream.indirect_vreg.gather [hbm4b:s10+s1], $0x80, v4, vm0, $0xb8;
	[tilespmem:$0x1A180] =	vst v63  }
0x53c: {  	_ =	swait.ge [sflag:s12], $0x8000  }
0x53d: {  	(v2sf) =	vpush v35, $0xF;
	_ =	sdelay $0xa  }
0x53e: {  	s16 =	sld [smem:$0x7E6]  }
0x53f: {  	[sflag:s12] =	ssyncset.done $0x0  }
0x540: {  	s3 =	simm.s32 $0x2180;
	[sflag:s12] =	ssyncadd.s32 $0xFFFF8000  }
0x541: {  	[hbm4b:s16+s1] =	stream.linear.scatter [tilespmem:s3], [sflag:$0x4], $0x8000, $0x38;
	[tilespmem:$0x1A180] =	vst v63  }
0x542: {  	s8 =	spop (v2sf)  }
0x543: {  	_ =	swait.ge [sflag:s28], $0x8000  }
0x544: {  	[sflag:s28] =	ssyncset.done $0x0  }
0x545: {  	s16 =	rddreg [dreg:$0x13];
	[sflag:s28] =	ssyncadd.s32 $0xFFFF8000  }
0x546: {  	v4 =	vld [tilespmem:s16+$0x0];
	_ =	sdelay $0x4  }
0x547: {  	vm1 =	vne.s32 v4, $0x1  }
0x548: {  	v4 =	vsel vm1, $0x1, v0  }
0x549: {  	(xrf0) =	vadd.scan.msk.s32 $0xffff, v4;
	_ =	sdelay $0x5  }
0x54a: {  	s0 =	sadd.s32 s0, s8;
	v4, _, _ =	vpop (xrf0)  }
0x54b: {  	v5 =	vmov s0;
	(v2sf) =	vpush v4, $0xF  }
0x54c: {  	v5 =	vadd.s32 $0x1, v5  }
0x54d: {  	v5 =	vbroadcast v5, $0x0;
	_ =	sdelay $0x1  }
0x54e: {  	v4 =	vadd.s32 v4, v5  }
0x54f: {  	v4 =	vnsel vm1, $0x1, v4  }
0x550: {  	[tilespmem:$0x2000] =	vst v4  }
0x551: {  	v5 =	vld [tilespmem:s2+$0x250];
	_ =	sdelay $0x4  }
0x552: {  	vm1 =	vne.s32 v5, $0x1  }
0x553: {  	v5 =	vsel vm1, $0x1, v0  }
0x554: {  	(xrf0) =	vadd.scan.msk.s32 $0xffff, v5;
	v5 =	vshll.u32 v4, $0x3  }
0x555: {  	v4 =	vand.u32 $0x7, v4;
	v5 =	vand.u32 $0xFFFFFFC0, v5;
	s21 =	spop (v2sf)  }
0x556: {  	v4 =	vor.u32 v4, v5;
	s0 =	sadd.s32 s0, s21  }
0x557: {  	v36 =	vperm.xlane v4, v1;
	v5 =	vmov s0  }
0x558: {  	v5 =	vadd.s32 $0x1, v5  }
0x559: {  	v6 =	vadd.s32 v2, v36;
	v5 =	vbroadcast v5, $0x0  }
0x55a: {  	v37, _, _ =	vpop (xrf0)  }
0x55b: {  	v5 =	vadd.s32 v37, v5  }
0x55c: {  	v5 =	vnsel vm1, $0x1, v5  }
0x55d: {  	[tilespmem:$0x2010] =	vst v5  }
0x55e: {  	[tilespmem:s3], [sflag:$0x1] =	stream.indirect_vreg.gather [hbm4b:s19+s1], $0x80, v6, vm0, $0xb8;
	[tilespmem:$0x1A180] =	vst v63  }
0x55f: {  	v4 =	vperm.xlane v4, v3  }
0x560: {  	[tilespmem:s26], [sflag:$0x1] =	stream.indirect_vreg.gather [hbm4b:s9+s1], $0x80, v6, vm0, $0xb8;
	[tilespmem:$0x1A180] =	vst v63  }
0x561: {  	v4 =	vadd.s32 v2, v4  }
0x562: {  	[tilespmem:s6], [sflag:$0x1] =	stream.indirect_vreg.gather [hbm4b:s20+s1], $0x80, v6, vm0, $0xb8;
	[tilespmem:$0x1A180] =	vst v63  }
0x563: {  	_ = 	snop  }
0x564: {  	[tilespmem:s11], [sflag:$0x1] =	stream.indirect_vreg.gather [hbm4b:s10+s1], $0x80, v6, vm0, $0xb8;
	[tilespmem:$0x1A180] =	vst v63  }
0x565: {  	_ = 	snop  }
0x566: {  	[tilespmem:s14], [sflag:$0x1] =	stream.indirect_vreg.gather [hbm4b:s19+s1], $0x80, v4, vm0, $0xb8;
	[tilespmem:$0x1A180] =	vst v63  }
0x567: {  	_ = 	snop  }
0x568: {  	[tilespmem:s23], [sflag:$0x1] =	stream.indirect_vreg.gather [hbm4b:s9+s1], $0x80, v4, vm0, $0xb8;
	[tilespmem:$0x1A180] =	vst v63  }
0x569: {  	_ = 	snop  }
0x56a: {  	[tilespmem:s24], [sflag:$0x1] =	stream.indirect_vreg.gather [hbm4b:s20+s1], $0x80, v4, vm0, $0xb8;
	[tilespmem:$0x1A180] =	vst v63  }
0x56b: {  	s24 =	simm.s32 $0x5980  }
0x56c: {  	[tilespmem:s24], [sflag:$0x1] =	stream.indirect_vreg.gather [hbm4b:s10+s1], $0x80, v4, vm0, $0xb8;
	[tilespmem:$0x1A180] =	vst v63  }
0x56d: {  	v4 =	vld [tilespmem:$0x2010];
	_ =	sdelay $0x4  }
0x56e: {  	v5 =	vshll.u32 v4, $0x3  }
0x56f: {  	v4 =	vand.u32 $0x7, v4;
	v5 =	vand.u32 $0xFFFFFFC0, v5  }
0x570: {  	v4 =	vor.u32 v4, v5  }
0x571: {  	v5 =	vperm.xlane v4, v1;
	_ =	sdelay $0x1  }
0x572: {  	v5 =	vadd.s32 v2, v5;
	_ =	sdelay $0x3  }
0x573: {  	s26 =	simm.s32 $0x6180  }
0x574: {  	[tilespmem:s26], [sflag:$0x1] =	stream.indirect_vreg.gather [hbm4b:s19+s1], $0x80, v5, vm0, $0xb8;
	[tilespmem:$0x1A180] =	vst v63  }
0x575: {  	s6 =	simm.s32 $0x6980;
	v4 =	vperm.xlane v4, v3  }
0x576: {  	[tilespmem:s6], [sflag:$0x1] =	stream.indirect_vreg.gather [hbm4b:s9+s1], $0x80, v5, vm0, $0xb8;
	[tilespmem:$0x1A180] =	vst v63  }
0x577: {  	v4 =	vadd.s32 v2, v4  }
0x578: {  	[tilespmem:s25], [sflag:$0x1] =	stream.indirect_vreg.gather [hbm4b:s20+s1], $0x80, v5, vm0, $0xb8;
	[tilespmem:$0x1A180] =	vst v63  }
0x579: {  	s14 =	simm.s32 $0x7980  }
0x57a: {  	[tilespmem:s14], [sflag:$0x1] =	stream.indirect_vreg.gather [hbm4b:s10+s1], $0x80, v5, vm0, $0xb8;
	[tilespmem:$0x1A180] =	vst v63  }
0x57b: {  	s23 =	simm.s32 $0x8180  }
0x57c: {  	[tilespmem:s23], [sflag:$0x1] =	stream.indirect_vreg.gather [hbm4b:s19+s1], $0x80, v4, vm0, $0xb8;
	[tilespmem:$0x1A180] =	vst v63  }
0x57d: {  	s11 =	simm.s32 $0x8980  }
0x57e: {  	[tilespmem:s11], [sflag:$0x1] =	stream.indirect_vreg.gather [hbm4b:s9+s1], $0x80, v4, vm0, $0xb8;
	[tilespmem:$0x1A180] =	vst v63  }
0x57f: {  	s25 =	simm.s32 $0x9180  }
0x580: {  	[tilespmem:s25], [sflag:$0x1] =	stream.indirect_vreg.gather [hbm4b:s20+s1], $0x80, v4, vm0, $0xb8;
	[tilespmem:$0x1A180] =	vst v63  }
0x581: {  	_ = 	snop  }
0x582: {  	[tilespmem:s4], [sflag:$0x1] =	stream.indirect_vreg.gather [hbm4b:s10+s1], $0x80, v4, vm0, $0xb8;
	[tilespmem:$0x1A180] =	vst v63  }
0x583: {  	_ =	swait.ge [sflag:s17], $0x8000  }
0x584: {  	(v2sf) =	vpush v37, $0xF;
	_ =	sdelay $0xa  }
0x585: {  	s4 =	sld [smem:$0x7E7]  }
0x586: {  	[sflag:s17] =	ssyncset.done $0x0  }
0x587: {  	s8 =	simm.s32 $0xA180;
	[sflag:s17] =	ssyncadd.s32 $0xFFFF8000  }
0x588: {  	[hbm4b:s4+s1] =	stream.linear.scatter [tilespmem:s8], [sflag:$0x5], $0x8000, $0x38;
	[tilespmem:$0x1A180] =	vst v63  }
0x589: {  	s3 =	spop (v2sf)  }
0x58a: {  	_ =	swait.ge [sflag:s29], $0x8000  }
0x58b: {  	[sflag:s29] =	ssyncset.done $0x0  }
0x58c: {  	s16 =	rddreg [dreg:$0x14];
	[sflag:s29] =	ssyncadd.s32 $0xFFFF8000  }
0x58d: {  	v4 =	vld [tilespmem:s16+$0x0];
	_ =	sdelay $0x4  }
0x58e: {  	vm1 =	vne.s32 v4, $0x1  }
0x58f: {  	v4 =	vsel vm1, $0x1, v0  }
0x590: {  	(xrf0) =	vadd.scan.msk.s32 $0xffff, v4;
	_ =	sdelay $0x5  }
0x591: {  	s0 =	sadd.s32 s0, s3;
	v4, _, _ =	vpop (xrf0)  }
0x592: {  	v5 =	vmov s0;
	(v2sf) =	vpush v4, $0xF  }
0x593: {  	v5 =	vadd.s32 $0x1, v5  }
0x594: {  	v5 =	vbroadcast v5, $0x0;
	_ =	sdelay $0x1  }
0x595: {  	v4 =	vadd.s32 v4, v5  }
0x596: {  	v4 =	vnsel vm1, $0x1, v4  }
0x597: {  	[tilespmem:$0x2080] =	vst v4  }
0x598: {  	v5 =	vld [tilespmem:s2+$0x270];
	_ =	sdelay $0x4  }
0x599: {  	vm1 =	vne.s32 v5, $0x1  }
0x59a: {  	v5 =	vsel vm1, $0x1, v0  }
0x59b: {  	(xrf0) =	vadd.scan.msk.s32 $0xffff, v5;
	v5 =	vshll.u32 v4, $0x3  }
0x59c: {  	v4 =	vand.u32 $0x7, v4;
	v5 =	vand.u32 $0xFFFFFFC0, v5;
	s3 =	spop (v2sf)  }
0x59d: {  	v4 =	vor.u32 v4, v5;
	s0 =	sadd.s32 s0, s3  }
0x59e: {  	v38 =	vperm.xlane v4, v1;
	v5 =	vmov s0  }
0x59f: {  	v5 =	vadd.s32 $0x1, v5  }
0x5a0: {  	v6 =	vadd.s32 v2, v38;
	v5 =	vbroadcast v5, $0x0  }
0x5a1: {  	v39, _, _ =	vpop (xrf0)  }
0x5a2: {  	v5 =	vadd.s32 v39, v5  }
0x5a3: {  	v5 =	vnsel vm1, $0x1, v5  }
0x5a4: {  	[tilespmem:$0x2090] =	vst v5  }
0x5a5: {  	[tilespmem:s8], [sflag:$0x2] =	stream.indirect_vreg.gather [hbm4b:s19+s1], $0x80, v6, vm0, $0xb8;
	[tilespmem:$0x1A180] =	vst v63  }
0x5a6: {  	s7 =	simm.s32 $0xA980;
	v4 =	vperm.xlane v4, v3  }
0x5a7: {  	[tilespmem:s7], [sflag:$0x2] =	stream.indirect_vreg.gather [hbm4b:s9+s1], $0x80, v6, vm0, $0xb8;
	[tilespmem:$0x1A180] =	vst v63  }
0x5a8: {  	v4 =	vadd.s32 v2, v4;
	s8 =	simm.s32 $0xB180  }
0x5a9: {  	[tilespmem:s8], [sflag:$0x2] =	stream.indirect_vreg.gather [hbm4b:s20+s1], $0x80, v6, vm0, $0xb8;
	[tilespmem:$0x1A180] =	vst v63  }
0x5aa: {  	s16 =	simm.s32 $0xB980  }
0x5ab: {  	[tilespmem:s16], [sflag:$0x2] =	stream.indirect_vreg.gather [hbm4b:s10+s1], $0x80, v6, vm0, $0xb8;
	[tilespmem:$0x1A180] =	vst v63  }
0x5ac: {  	s21 =	simm.s32 $0xC180  }
0x5ad: {  	[tilespmem:s21], [sflag:$0x2] =	stream.indirect_vreg.gather [hbm4b:s19+s1], $0x80, v4, vm0, $0xb8;
	[tilespmem:$0x1A180] =	vst v63  }
0x5ae: {  	s4 =	simm.s32 $0xC980  }
0x5af: {  	[tilespmem:s4], [sflag:$0x2] =	stream.indirect_vreg.gather [hbm4b:s9+s1], $0x80, v4, vm0, $0xb8;
	[tilespmem:$0x1A180] =	vst v63  }
0x5b0: {  	s7 =	simm.s32 $0xD180  }
0x5b1: {  	[tilespmem:s7], [sflag:$0x2] =	stream.indirect_vreg.gather [hbm4b:s20+s1], $0x80, v4, vm0, $0xb8;
	[tilespmem:$0x1A180] =	vst v63  }
0x5b2: {  	s3 =	simm.s32 $0xD980  }
0x5b3: {  	[tilespmem:s3], [sflag:$0x2] =	stream.indirect_vreg.gather [hbm4b:s10+s1], $0x80, v4, vm0, $0xb8;
	[tilespmem:$0x1A180] =	vst v63  }
0x5b4: {  	v4 =	vld [tilespmem:$0x2090];
	_ =	sdelay $0x4  }
0x5b5: {  	v5 =	vshll.u32 v4, $0x3  }
0x5b6: {  	v4 =	vand.u32 $0x7, v4;
	v5 =	vand.u32 $0xFFFFFFC0, v5  }
0x5b7: {  	v4 =	vor.u32 v4, v5  }
0x5b8: {  	v5 =	vperm.xlane v4, v1;
	_ =	sdelay $0x1  }
0x5b9: {  	v5 =	vadd.s32 v2, v5;
	_ =	sdelay $0x3  }
0x5ba: {  	s8 =	simm.s32 $0xE180  }
0x5bb: {  	[tilespmem:s8], [sflag:$0x2] =	stream.indirect_vreg.gather [hbm4b:s19+s1], $0x80, v5, vm0, $0xb8;
	[tilespmem:$0x1A180] =	vst v63  }
0x5bc: {  	s16 =	simm.s32 $0xE980;
	v4 =	vperm.xlane v4, v3  }
0x5bd: {  	[tilespmem:s16], [sflag:$0x2] =	stream.indirect_vreg.gather [hbm4b:s9+s1], $0x80, v5, vm0, $0xb8;
	[tilespmem:$0x1A180] =	vst v63  }
0x5be: {  	s21 =	simm.s32 $0xF180;
	v4 =	vadd.s32 v2, v4  }
0x5bf: {  	[tilespmem:s21], [sflag:$0x2] =	stream.indirect_vreg.gather [hbm4b:s20+s1], $0x80, v5, vm0, $0xb8;
	[tilespmem:$0x1A180] =	vst v63  }
0x5c0: {  	s7 =	simm.s32 $0xF980  }
0x5c1: {  	[tilespmem:s7], [sflag:$0x2] =	stream.indirect_vreg.gather [hbm4b:s10+s1], $0x80, v5, vm0, $0xb8;
	[tilespmem:$0x1A180] =	vst v63  }
0x5c2: {  	s8 =	simm.s32 $0x10180  }
0x5c3: {  	[tilespmem:s8], [sflag:$0x2] =	stream.indirect_vreg.gather [hbm4b:s19+s1], $0x80, v4, vm0, $0xb8;
	[tilespmem:$0x1A180] =	vst v63  }
0x5c4: {  	s16 =	simm.s32 $0x10980  }
0x5c5: {  	[tilespmem:s16], [sflag:$0x2] =	stream.indirect_vreg.gather [hbm4b:s9+s1], $0x80, v4, vm0, $0xb8;
	[tilespmem:$0x1A180] =	vst v63  }
0x5c6: {  	s4 =	simm.s32 $0x11180  }
0x5c7: {  	[tilespmem:s4], [sflag:$0x2] =	stream.indirect_vreg.gather [hbm4b:s20+s1], $0x80, v4, vm0, $0xb8;
	[tilespmem:$0x1A180] =	vst v63  }
0x5c8: {  	s21 =	simm.s32 $0x11980  }
0x5c9: {  	[tilespmem:s21], [sflag:$0x2] =	stream.indirect_vreg.gather [hbm4b:s10+s1], $0x80, v4, vm0, $0xb8;
	[tilespmem:$0x1A180] =	vst v63  }
0x5ca: {  	_ =	swait.ge [sflag:s22], $0x8000  }
0x5cb: {  	(v2sf) =	vpush v39, $0xF;
	_ =	sdelay $0xa  }
0x5cc: {  	s8 =	sld [smem:$0x7E8]  }
0x5cd: {  	[sflag:s22] =	ssyncset.done $0x0  }
0x5ce: {  	s16 =	simm.s32 $0x12180;
	[sflag:s22] =	ssyncadd.s32 $0xFFFF8000  }
0x5cf: {  	[hbm4b:s8+s1] =	stream.linear.scatter [tilespmem:s16], [sflag:$0x6], $0x8000, $0x38;
	[tilespmem:$0x1A180] =	vst v63  }
0x5d0: {  	s7 =	spop (v2sf)  }
0x5d1: {  	_ =	swait.ge [sflag:s13], $0x8000  }
0x5d2: {  	[sflag:s13] =	ssyncset.done $0x0  }
0x5d3: {  	s8 =	rddreg [dreg:$0x15];
	[sflag:s13] =	ssyncadd.s32 $0xFFFF8000  }
0x5d4: {  	v4 =	vld [tilespmem:s8+$0x0];
	_ =	sdelay $0x4  }
0x5d5: {  	vm1 =	vne.s32 v4, $0x1  }
0x5d6: {  	v4 =	vsel vm1, $0x1, v0  }
0x5d7: {  	(xrf0) =	vadd.scan.msk.s32 $0xffff, v4;
	_ =	sdelay $0x5  }
0x5d8: {  	s0 =	sadd.s32 s0, s7;
	v4, _, _ =	vpop (xrf0)  }
0x5d9: {  	v5 =	vmov s0;
	(v2sf) =	vpush v4, $0xF  }
0x5da: {  	v5 =	vadd.s32 $0x1, v5  }
0x5db: {  	v5 =	vbroadcast v5, $0x0;
	_ =	sdelay $0x1  }
0x5dc: {  	v4 =	vadd.s32 v4, v5  }
0x5dd: {  	v4 =	vnsel vm1, $0x1, v4  }
0x5de: {  	[tilespmem:$0x2100] =	vst v4  }
0x5df: {  	v5 =	vld [tilespmem:s2+$0x290];
	_ =	sdelay $0x4  }
0x5e0: {  	vm1 =	vne.s32 v5, $0x1  }
0x5e1: {  	v5 =	vsel vm1, $0x1, v0  }
0x5e2: {  	(xrf0) =	vadd.scan.msk.s32 $0xffff, v5;
	v5 =	vshll.u32 v4, $0x3  }
0x5e3: {  	v4 =	vand.u32 $0x7, v4;
	v5 =	vand.u32 $0xFFFFFFC0, v5;
	s8 =	spop (v2sf)  }
0x5e4: {  	v4 =	vor.u32 v4, v5;
	s0 =	sadd.s32 s0, s8  }
0x5e5: {  	v40 =	vperm.xlane v4, v1;
	v5 =	vmov s0  }
0x5e6: {  	v5 =	vadd.s32 $0x1, v5  }
0x5e7: {  	v6 =	vadd.s32 v2, v40;
	v5 =	vbroadcast v5, $0x0  }
0x5e8: {  	v41, _, _ =	vpop (xrf0)  }
0x5e9: {  	v5 =	vadd.s32 v41, v5  }
0x5ea: {  	v5 =	vnsel vm1, $0x1, v5  }
0x5eb: {  	[tilespmem:$0x2110] =	vst v5  }
0x5ec: {  	[tilespmem:s16], [sflag:$0x3] =	stream.indirect_vreg.gather [hbm4b:s19+s1], $0x80, v6, vm0, $0xb8;
	[tilespmem:$0x1A180] =	vst v63  }
0x5ed: {  	v4 =	vperm.xlane v4, v3  }
0x5ee: {  	[tilespmem:s31], [sflag:$0x3] =	stream.indirect_vreg.gather [hbm4b:s9+s1], $0x80, v6, vm0, $0xb8;
	[tilespmem:$0x1A180] =	vst v63  }
0x5ef: {  	v4 =	vadd.s32 v2, v4;
	s16 =	simm.s32 $0x13180  }
0x5f0: {  	[tilespmem:s16], [sflag:$0x3] =	stream.indirect_vreg.gather [hbm4b:s20+s1], $0x80, v6, vm0, $0xb8;
	[tilespmem:$0x1A180] =	vst v63  }
0x5f1: {  	s8 =	simm.s32 $0x13980  }
0x5f2: {  	[tilespmem:s8], [sflag:$0x3] =	stream.indirect_vreg.gather [hbm4b:s10+s1], $0x80, v6, vm0, $0xb8;
	[tilespmem:$0x1A180] =	vst v63  }
0x5f3: {  	_ = 	snop  }
0x5f4: {  	[tilespmem:s30], [sflag:$0x3] =	stream.indirect_vreg.gather [hbm4b:s19+s1], $0x80, v4, vm0, $0xb8;
	[tilespmem:$0x1A180] =	vst v63  }
0x5f5: {  	s21 =	simm.s32 $0x14980  }
0x5f6: {  	[tilespmem:s21], [sflag:$0x3] =	stream.indirect_vreg.gather [hbm4b:s9+s1], $0x80, v4, vm0, $0xb8;
	[tilespmem:$0x1A180] =	vst v63  }
0x5f7: {  	_ = 	snop  }
0x5f8: {  	[tilespmem:s5], [sflag:$0x3] =	stream.indirect_vreg.gather [hbm4b:s20+s1], $0x80, v4, vm0, $0xb8;
	[tilespmem:$0x1A180] =	vst v63  }
0x5f9: {  	s30 =	simm.s32 $0x15980  }
0x5fa: {  	[tilespmem:s30], [sflag:$0x3] =	stream.indirect_vreg.gather [hbm4b:s10+s1], $0x80, v4, vm0, $0xb8;
	[tilespmem:$0x1A180] =	vst v63  }
0x5fb: {  	v4 =	vld [tilespmem:$0x2110];
	_ =	sdelay $0x4  }
0x5fc: {  	v5 =	vshll.u32 v4, $0x3  }
0x5fd: {  	v4 =	vand.u32 $0x7, v4;
	v5 =	vand.u32 $0xFFFFFFC0, v5  }
0x5fe: {  	v4 =	vor.u32 v4, v5  }
0x5ff: {  	v5 =	vperm.xlane v4, v1;
	_ =	sdelay $0x1  }
0x600: {  	v5 =	vadd.s32 v2, v5;
	_ =	sdelay $0x3  }
0x601: {  	s31 =	simm.s32 $0x16180  }
0x602: {  	[tilespmem:s31], [sflag:$0x3] =	stream.indirect_vreg.gather [hbm4b:s19+s1], $0x80, v5, vm0, $0xb8;
	[tilespmem:$0x1A180] =	vst v63  }
0x603: {  	s7 =	simm.s32 $0x16980;
	v4 =	vperm.xlane v4, v3  }
0x604: {  	[tilespmem:s7], [sflag:$0x3] =	stream.indirect_vreg.gather [hbm4b:s9+s1], $0x80, v5, vm0, $0xb8;
	[tilespmem:$0x1A180] =	vst v63  }
0x605: {  	s16 =	simm.s32 $0x17180;
	v4 =	vadd.s32 v2, v4  }
0x606: {  	[tilespmem:s16], [sflag:$0x3] =	stream.indirect_vreg.gather [hbm4b:s20+s1], $0x80, v5, vm0, $0xb8;
	[tilespmem:$0x1A180] =	vst v63  }
0x607: {  	_ = 	snop  }
0x608: {  	[tilespmem:s15], [sflag:$0x3] =	stream.indirect_vreg.gather [hbm4b:s10+s1], $0x80, v5, vm0, $0xb8;
	[tilespmem:$0x1A180] =	vst v63  }
0x609: {  	s21 =	simm.s32 $0x18180  }
0x60a: {  	[tilespmem:s21], [sflag:$0x3] =	stream.indirect_vreg.gather [hbm4b:s19+s1], $0x80, v4, vm0, $0xb8;
	[tilespmem:$0x1A180] =	vst v63  }
0x60b: {  	_ = 	snop  }
0x60c: {  	[tilespmem:s18], [sflag:$0x3] =	stream.indirect_vreg.gather [hbm4b:s9+s1], $0x80, v4, vm0, $0xb8;
	[tilespmem:$0x1A180] =	vst v63  }
0x60d: {  	s30 =	simm.s32 $0x19180  }
0x60e: {  	[tilespmem:s30], [sflag:$0x3] =	stream.indirect_vreg.gather [hbm4b:s20+s1], $0x80, v4, vm0, $0xb8;
	[tilespmem:$0x1A180] =	vst v63  }
0x60f: {  	s31 =	simm.s32 $0x19980  }
0x610: {  	[tilespmem:s31], [sflag:$0x3] =	stream.indirect_vreg.gather [hbm4b:s10+s1], $0x80, v4, vm0, $0xb8;
	[tilespmem:$0x1A180] =	vst v63  }
0x611: {  	_ =	swait.ge [sflag:s12], $0x8000  }
0x612: {  	(v2sf) =	vpush v41, $0xF;
	_ =	sdelay $0xa  }
0x613: {  	s15 =	sld [smem:$0x7E9]  }
0x614: {  	[sflag:s12] =	ssyncset.done $0x0  }
0x615: {  	s16 =	simm.s32 $0x2180;
	[sflag:s12] =	ssyncadd.s32 $0xFFFF8000  }
0x616: {  	[hbm4b:s15+s1] =	stream.linear.scatter [tilespmem:s16], [sflag:$0x4], $0x8000, $0x38;
	[tilespmem:$0x1A180] =	vst v63  }
0x617: {  	s5 =	spop (v2sf)  }
0x618: {  	_ =	swait.ge [sflag:s28], $0x8000  }
0x619: {  	[sflag:s28] =	ssyncset.done $0x0  }
0x61a: {  	s18 =	rddreg [dreg:$0x16];
	[sflag:s28] =	ssyncadd.s32 $0xFFFF8000  }
0x61b: {  	v4 =	vld [tilespmem:s18+$0x0];
	_ =	sdelay $0x4  }
0x61c: {  	vm1 =	vne.s32 v4, $0x1  }
0x61d: {  	v4 =	vsel vm1, $0x1, v0  }
0x61e: {  	(xrf0) =	vadd.scan.msk.s32 $0xffff, v4;
	_ =	sdelay $0x5  }
0x61f: {  	s0 =	sadd.s32 s0, s5;
	v4, _, _ =	vpop (xrf0)  }
0x620: {  	v5 =	vmov s0;
	(v2sf) =	vpush v4, $0xF  }
0x621: {  	v5 =	vadd.s32 $0x1, v5  }
0x622: {  	v5 =	vbroadcast v5, $0x0;
	_ =	sdelay $0x1  }
0x623: {  	v4 =	vadd.s32 v4, v5  }
0x624: {  	v4 =	vnsel vm1, $0x1, v4  }
0x625: {  	[tilespmem:$0x2000] =	vst v4  }
0x626: {  	v5 =	vld [tilespmem:s2+$0x2B0];
	_ =	sdelay $0x4  }
0x627: {  	vm1 =	vne.s32 v5, $0x1  }
0x628: {  	v5 =	vsel vm1, $0x1, v0  }
0x629: {  	(xrf0) =	vadd.scan.msk.s32 $0xffff, v5;
	v5 =	vshll.u32 v4, $0x3  }
0x62a: {  	v4 =	vand.u32 $0x7, v4;
	v5 =	vand.u32 $0xFFFFFFC0, v5;
	s21 =	spop (v2sf)  }
0x62b: {  	v4 =	vor.u32 v4, v5;
	s0 =	sadd.s32 s0, s21  }
0x62c: {  	v42 =	vperm.xlane v4, v1;
	v5 =	vmov s0  }
0x62d: {  	v5 =	vadd.s32 $0x1, v5  }
0x62e: {  	v6 =	vadd.s32 v2, v42;
	v5 =	vbroadcast v5, $0x0  }
0x62f: {  	v43, _, _ =	vpop (xrf0)  }
0x630: {  	v5 =	vadd.s32 v43, v5  }
0x631: {  	v5 =	vnsel vm1, $0x1, v5  }
0x632: {  	[tilespmem:$0x2010] =	vst v5  }
0x633: {  	[tilespmem:s16], [sflag:$0x1] =	stream.indirect_vreg.gather [hbm4b:s19+s1], $0x80, v6, vm0, $0xb8;
	[tilespmem:$0x1A180] =	vst v63  }
0x634: {  	s18 =	simm.s32 $0x2980;
	v4 =	vperm.xlane v4, v3  }
0x635: {  	[tilespmem:s18], [sflag:$0x1] =	stream.indirect_vreg.gather [hbm4b:s9+s1], $0x80, v6, vm0, $0xb8;
	[tilespmem:$0x1A180] =	vst v63  }
0x636: {  	s15 =	simm.s32 $0x3180;
	v4 =	vadd.s32 v2, v4  }
0x637: {  	[tilespmem:s15], [sflag:$0x1] =	stream.indirect_vreg.gather [hbm4b:s20+s1], $0x80, v6, vm0, $0xb8;
	[tilespmem:$0x1A180] =	vst v63  }
0x638: {  	s16 =	simm.s32 $0x3980  }
0x639: {  	[tilespmem:s16], [sflag:$0x1] =	stream.indirect_vreg.gather [hbm4b:s10+s1], $0x80, v6, vm0, $0xb8;
	[tilespmem:$0x1A180] =	vst v63  }
0x63a: {  	s30 =	simm.s32 $0x4180  }
0x63b: {  	[tilespmem:s30], [sflag:$0x1] =	stream.indirect_vreg.gather [hbm4b:s19+s1], $0x80, v4, vm0, $0xb8;
	[tilespmem:$0x1A180] =	vst v63  }
0x63c: {  	s31 =	simm.s32 $0x4980  }
0x63d: {  	[tilespmem:s31], [sflag:$0x1] =	stream.indirect_vreg.gather [hbm4b:s9+s1], $0x80, v4, vm0, $0xb8;
	[tilespmem:$0x1A180] =	vst v63  }
0x63e: {  	s7 =	simm.s32 $0x5180  }
0x63f: {  	[tilespmem:s7], [sflag:$0x1] =	stream.indirect_vreg.gather [hbm4b:s20+s1], $0x80, v4, vm0, $0xb8;
	[tilespmem:$0x1A180] =	vst v63  }
0x640: {  	_ = 	snop  }
0x641: {  	[tilespmem:s24], [sflag:$0x1] =	stream.indirect_vreg.gather [hbm4b:s10+s1], $0x80, v4, vm0, $0xb8;
	[tilespmem:$0x1A180] =	vst v63  }
0x642: {  	v4 =	vld [tilespmem:$0x2010];
	_ =	sdelay $0x4  }
0x643: {  	v5 =	vshll.u32 v4, $0x3  }
0x644: {  	v4 =	vand.u32 $0x7, v4;
	v5 =	vand.u32 $0xFFFFFFC0, v5  }
0x645: {  	v4 =	vor.u32 v4, v5  }
0x646: {  	v5 =	vperm.xlane v4, v1;
	_ =	sdelay $0x1  }
0x647: {  	v5 =	vadd.s32 v2, v5;
	_ =	sdelay $0x4  }
0x648: {  	[tilespmem:s26], [sflag:$0x1] =	stream.indirect_vreg.gather [hbm4b:s19+s1], $0x80, v5, vm0, $0xb8;
	[tilespmem:$0x1A180] =	vst v63  }
0x649: {  	v4 =	vperm.xlane v4, v3  }
0x64a: {  	[tilespmem:s6], [sflag:$0x1] =	stream.indirect_vreg.gather [hbm4b:s9+s1], $0x80, v5, vm0, $0xb8;
	[tilespmem:$0x1A180] =	vst v63  }
0x64b: {  	s21 =	simm.s32 $0x7180;
	v4 =	vadd.s32 v2, v4  }
0x64c: {  	[tilespmem:s21], [sflag:$0x1] =	stream.indirect_vreg.gather [hbm4b:s20+s1], $0x80, v5, vm0, $0xb8;
	[tilespmem:$0x1A180] =	vst v63  }
0x64d: {  	_ = 	snop  }
0x64e: {  	[tilespmem:s14], [sflag:$0x1] =	stream.indirect_vreg.gather [hbm4b:s10+s1], $0x80, v5, vm0, $0xb8;
	[tilespmem:$0x1A180] =	vst v63  }
0x64f: {  	_ = 	snop  }
0x650: {  	[tilespmem:s23], [sflag:$0x1] =	stream.indirect_vreg.gather [hbm4b:s19+s1], $0x80, v4, vm0, $0xb8;
	[tilespmem:$0x1A180] =	vst v63  }
0x651: {  	_ = 	snop  }
0x652: {  	[tilespmem:s11], [sflag:$0x1] =	stream.indirect_vreg.gather [hbm4b:s9+s1], $0x80, v4, vm0, $0xb8;
	[tilespmem:$0x1A180] =	vst v63  }
0x653: {  	_ = 	snop  }
0x654: {  	[tilespmem:s25], [sflag:$0x1] =	stream.indirect_vreg.gather [hbm4b:s20+s1], $0x80, v4, vm0, $0xb8;
	[tilespmem:$0x1A180] =	vst v63  }
0x655: {  	s6 =	simm.s32 $0x9980  }
0x656: {  	[tilespmem:s6], [sflag:$0x1] =	stream.indirect_vreg.gather [hbm4b:s10+s1], $0x80, v4, vm0, $0xb8;
	[tilespmem:$0x1A180] =	vst v63  }
0x657: {  	_ =	swait.ge [sflag:s17], $0x8000  }
0x658: {  	(v2sf) =	vpush v43, $0xF;
	_ =	sdelay $0xa  }
0x659: {  	s24 =	sld [smem:$0x7EA]  }
0x65a: {  	[sflag:s17] =	ssyncset.done $0x0  }
0x65b: {  	s25 =	simm.s32 $0xA180;
	[sflag:s17] =	ssyncadd.s32 $0xFFFF8000  }
0x65c: {  	[hbm4b:s24+s1] =	stream.linear.scatter [tilespmem:s25], [sflag:$0x5], $0x8000, $0x38;
	[tilespmem:$0x1A180] =	vst v63  }
0x65d: {  	s23 =	spop (v2sf)  }
0x65e: {  	_ =	swait.ge [sflag:s29], $0x8000  }
0x65f: {  	[sflag:s29] =	ssyncset.done $0x0  }
0x660: {  	s26 =	rddreg [dreg:$0x17];
	[sflag:s29] =	ssyncadd.s32 $0xFFFF8000  }
0x661: {  	v4 =	vld [tilespmem:s26+$0x0];
	_ =	sdelay $0x4  }
0x662: {  	vm1 =	vne.s32 v4, $0x1  }
0x663: {  	v4 =	vsel vm1, $0x1, v0  }
0x664: {  	(xrf0) =	vadd.scan.msk.s32 $0xffff, v4;
	_ =	sdelay $0x5  }
0x665: {  	s0 =	sadd.s32 s0, s23;
	v4, _, _ =	vpop (xrf0)  }
0x666: {  	v5 =	vmov s0;
	(v2sf) =	vpush v4, $0xF  }
0x667: {  	v5 =	vadd.s32 $0x1, v5  }
0x668: {  	v5 =	vbroadcast v5, $0x0;
	_ =	sdelay $0x1  }
0x669: {  	v4 =	vadd.s32 v4, v5  }
0x66a: {  	v4 =	vnsel vm1, $0x1, v4  }
0x66b: {  	[tilespmem:$0x2080] =	vst v4  }
0x66c: {  	v5 =	vld [tilespmem:s2+$0x2D0];
	_ =	sdelay $0x4  }
0x66d: {  	vm1 =	vne.s32 v5, $0x1  }
0x66e: {  	v5 =	vsel vm1, $0x1, v0  }
0x66f: {  	(xrf0) =	vadd.scan.msk.s32 $0xffff, v5;
	v5 =	vshll.u32 v4, $0x3  }
0x670: {  	v4 =	vand.u32 $0x7, v4;
	v5 =	vand.u32 $0xFFFFFFC0, v5;
	s30 =	spop (v2sf)  }
0x671: {  	v4 =	vor.u32 v4, v5;
	s0 =	sadd.s32 s0, s30  }
0x672: {  	v44 =	vperm.xlane v4, v1;
	v5 =	vmov s0  }
0x673: {  	v5 =	vadd.s32 $0x1, v5  }
0x674: {  	v6 =	vadd.s32 v2, v44;
	v5 =	vbroadcast v5, $0x0  }
0x675: {  	v45, _, _ =	vpop (xrf0)  }
0x676: {  	v5 =	vadd.s32 v45, v5  }
0x677: {  	v5 =	vnsel vm1, $0x1, v5  }
0x678: {  	[tilespmem:$0x2090] =	vst v5  }
0x679: {  	[tilespmem:s25], [sflag:$0x2] =	stream.indirect_vreg.gather [hbm4b:s19+s1], $0x80, v6, vm0, $0xb8;
	[tilespmem:$0x1A180] =	vst v63  }
0x67a: {  	s31 =	simm.s32 $0xA980;
	v4 =	vperm.xlane v4, v3  }
0x67b: {  	[tilespmem:s31], [sflag:$0x2] =	stream.indirect_vreg.gather [hbm4b:s9+s1], $0x80, v6, vm0, $0xb8;
	[tilespmem:$0x1A180] =	vst v63  }
0x67c: {  	s11 =	simm.s32 $0xB180;
	v4 =	vadd.s32 v2, v4  }
0x67d: {  	[tilespmem:s11], [sflag:$0x2] =	stream.indirect_vreg.gather [hbm4b:s20+s1], $0x80, v6, vm0, $0xb8;
	[tilespmem:$0x1A180] =	vst v63  }
0x67e: {  	s14 =	simm.s32 $0xB980  }
0x67f: {  	[tilespmem:s14], [sflag:$0x2] =	stream.indirect_vreg.gather [hbm4b:s10+s1], $0x80, v6, vm0, $0xb8;
	[tilespmem:$0x1A180] =	vst v63  }
0x680: {  	s23 =	simm.s32 $0xC180  }
0x681: {  	[tilespmem:s23], [sflag:$0x2] =	stream.indirect_vreg.gather [hbm4b:s19+s1], $0x80, v4, vm0, $0xb8;
	[tilespmem:$0x1A180] =	vst v63  }
0x682: {  	s24 =	simm.s32 $0xC980  }
0x683: {  	[tilespmem:s24], [sflag:$0x2] =	stream.indirect_vreg.gather [hbm4b:s9+s1], $0x80, v4, vm0, $0xb8;
	[tilespmem:$0x1A180] =	vst v63  }
0x684: {  	s25 =	simm.s32 $0xD180  }
0x685: {  	[tilespmem:s25], [sflag:$0x2] =	stream.indirect_vreg.gather [hbm4b:s20+s1], $0x80, v4, vm0, $0xb8;
	[tilespmem:$0x1A180] =	vst v63  }
0x686: {  	_ = 	snop  }
0x687: {  	[tilespmem:s3], [sflag:$0x2] =	stream.indirect_vreg.gather [hbm4b:s10+s1], $0x80, v4, vm0, $0xb8;
	[tilespmem:$0x1A180] =	vst v63  }
0x688: {  	v4 =	vld [tilespmem:$0x2090];
	_ =	sdelay $0x4  }
0x689: {  	v5 =	vshll.u32 v4, $0x3  }
0x68a: {  	v4 =	vand.u32 $0x7, v4;
	v5 =	vand.u32 $0xFFFFFFC0, v5  }
0x68b: {  	v4 =	vor.u32 v4, v5  }
0x68c: {  	v5 =	vperm.xlane v4, v1;
	_ =	sdelay $0x1  }
0x68d: {  	v5 =	vadd.s32 v2, v5;
	_ =	sdelay $0x3  }
0x68e: {  	s5 =	simm.s32 $0xE180  }
0x68f: {  	[tilespmem:s5], [sflag:$0x2] =	stream.indirect_vreg.gather [hbm4b:s19+s1], $0x80, v5, vm0, $0xb8;
	[tilespmem:$0x1A180] =	vst v63  }
0x690: {  	s7 =	simm.s32 $0xE980;
	v4 =	vperm.xlane v4, v3  }
0x691: {  	[tilespmem:s7], [sflag:$0x2] =	stream.indirect_vreg.gather [hbm4b:s9+s1], $0x80, v5, vm0, $0xb8;
	[tilespmem:$0x1A180] =	vst v63  }
0x692: {  	s26 =	simm.s32 $0xF180;
	v4 =	vadd.s32 v2, v4  }
0x693: {  	[tilespmem:s26], [sflag:$0x2] =	stream.indirect_vreg.gather [hbm4b:s20+s1], $0x80, v5, vm0, $0xb8;
	[tilespmem:$0x1A180] =	vst v63  }
0x694: {  	s30 =	simm.s32 $0xF980  }
0x695: {  	[tilespmem:s30], [sflag:$0x2] =	stream.indirect_vreg.gather [hbm4b:s10+s1], $0x80, v5, vm0, $0xb8;
	[tilespmem:$0x1A180] =	vst v63  }
0x696: {  	s31 =	simm.s32 $0x10180  }
0x697: {  	[tilespmem:s31], [sflag:$0x2] =	stream.indirect_vreg.gather [hbm4b:s19+s1], $0x80, v4, vm0, $0xb8;
	[tilespmem:$0x1A180] =	vst v63  }
0x698: {  	s21 =	simm.s32 $0x10980  }
0x699: {  	[tilespmem:s21], [sflag:$0x2] =	stream.indirect_vreg.gather [hbm4b:s9+s1], $0x80, v4, vm0, $0xb8;
	[tilespmem:$0x1A180] =	vst v63  }
0x69a: {  	_ = 	snop  }
0x69b: {  	[tilespmem:s4], [sflag:$0x2] =	stream.indirect_vreg.gather [hbm4b:s20+s1], $0x80, v4, vm0, $0xb8;
	[tilespmem:$0x1A180] =	vst v63  }
0x69c: {  	s4 =	simm.s32 $0x11980  }
0x69d: {  	[tilespmem:s4], [sflag:$0x2] =	stream.indirect_vreg.gather [hbm4b:s10+s1], $0x80, v4, vm0, $0xb8;
	[tilespmem:$0x1A180] =	vst v63  }
0x69e: {  	_ =	swait.ge [sflag:s22], $0x8000  }
0x69f: {  	(v2sf) =	vpush v45, $0xF;
	_ =	sdelay $0xa  }
0x6a0: {  	s5 =	sld [smem:$0x7EB]  }
0x6a1: {  	[sflag:s22] =	ssyncset.done $0x0  }
0x6a2: {  	s3 =	simm.s32 $0x12180;
	[sflag:s22] =	ssyncadd.s32 $0xFFFF8000  }
0x6a3: {  	[hbm4b:s5+s1] =	stream.linear.scatter [tilespmem:s3], [sflag:$0x6], $0x8000, $0x38;
	[tilespmem:$0x1A180] =	vst v63  }
0x6a4: {  	s7 =	spop (v2sf)  }
0x6a5: {  	_ =	swait.ge [sflag:s13], $0x8000  }
0x6a6: {  	[sflag:s13] =	ssyncset.done $0x0  }
0x6a7: {  	s4 =	rddreg [dreg:$0x18];
	[sflag:s13] =	ssyncadd.s32 $0xFFFF8000  }
0x6a8: {  	v4 =	vld [tilespmem:s4+$0x0];
	_ =	sdelay $0x4  }
0x6a9: {  	vm1 =	vne.s32 v4, $0x1  }
0x6aa: {  	v4 =	vsel vm1, $0x1, v0  }
0x6ab: {  	(xrf0) =	vadd.scan.msk.s32 $0xffff, v4;
	_ =	sdelay $0x5  }
0x6ac: {  	s0 =	sadd.s32 s0, s7;
	v4, _, _ =	vpop (xrf0)  }
0x6ad: {  	v5 =	vmov s0;
	(v2sf) =	vpush v4, $0xF  }
0x6ae: {  	v5 =	vadd.s32 $0x1, v5  }
0x6af: {  	v5 =	vbroadcast v5, $0x0;
	_ =	sdelay $0x1  }
0x6b0: {  	v4 =	vadd.s32 v4, v5  }
0x6b1: {  	v4 =	vnsel vm1, $0x1, v4  }
0x6b2: {  	[tilespmem:$0x2100] =	vst v4  }
0x6b3: {  	v5 =	vld [tilespmem:s2+$0x2F0];
	_ =	sdelay $0x4  }
0x6b4: {  	vm1 =	vne.s32 v5, $0x1  }
0x6b5: {  	v5 =	vsel vm1, $0x1, v0  }
0x6b6: {  	(xrf0) =	vadd.scan.msk.s32 $0xffff, v5;
	v5 =	vshll.u32 v4, $0x3  }
0x6b7: {  	v4 =	vand.u32 $0x7, v4;
	v5 =	vand.u32 $0xFFFFFFC0, v5;
	s5 =	spop (v2sf)  }
0x6b8: {  	v4 =	vor.u32 v4, v5;
	s0 =	sadd.s32 s0, s5  }
0x6b9: {  	v46 =	vperm.xlane v4, v1;
	v5 =	vmov s0  }
0x6ba: {  	v5 =	vadd.s32 $0x1, v5  }
0x6bb: {  	v6 =	vadd.s32 v2, v46;
	v5 =	vbroadcast v5, $0x0  }
0x6bc: {  	v47, _, _ =	vpop (xrf0)  }
0x6bd: {  	v5 =	vadd.s32 v47, v5  }
0x6be: {  	v5 =	vnsel vm1, $0x1, v5  }
0x6bf: {  	[tilespmem:$0x2110] =	vst v5  }
0x6c0: {  	[tilespmem:s3], [sflag:$0x3] =	stream.indirect_vreg.gather [hbm4b:s19+s1], $0x80, v6, vm0, $0xb8;
	[tilespmem:$0x1A180] =	vst v63  }
0x6c1: {  	s21 =	simm.s32 $0x12980;
	v4 =	vperm.xlane v4, v3  }
0x6c2: {  	[tilespmem:s21], [sflag:$0x3] =	stream.indirect_vreg.gather [hbm4b:s9+s1], $0x80, v6, vm0, $0xb8;
	[tilespmem:$0x1A180] =	vst v63  }
0x6c3: {  	v4 =	vadd.s32 v2, v4;
	s5 =	simm.s32 $0x13180  }
0x6c4: {  	[tilespmem:s5], [sflag:$0x3] =	stream.indirect_vreg.gather [hbm4b:s20+s1], $0x80, v6, vm0, $0xb8;
	[tilespmem:$0x1A180] =	vst v63  }
0x6c5: {  	_ = 	snop  }
0x6c6: {  	[tilespmem:s8], [sflag:$0x3] =	stream.indirect_vreg.gather [hbm4b:s10+s1], $0x80, v6, vm0, $0xb8;
	[tilespmem:$0x1A180] =	vst v63  }
0x6c7: {  	s8 =	simm.s32 $0x14180  }
0x6c8: {  	[tilespmem:s8], [sflag:$0x3] =	stream.indirect_vreg.gather [hbm4b:s19+s1], $0x80, v4, vm0, $0xb8;
	[tilespmem:$0x1A180] =	vst v63  }
0x6c9: {  	s7 =	simm.s32 $0x14980  }
0x6ca: {  	[tilespmem:s7], [sflag:$0x3] =	stream.indirect_vreg.gather [hbm4b:s9+s1], $0x80, v4, vm0, $0xb8;
	[tilespmem:$0x1A180] =	vst v63  }
0x6cb: {  	s21 =	simm.s32 $0x15180  }
0x6cc: {  	[tilespmem:s21], [sflag:$0x3] =	stream.indirect_vreg.gather [hbm4b:s20+s1], $0x80, v4, vm0, $0xb8;
	[tilespmem:$0x1A180] =	vst v63  }
0x6cd: {  	s5 =	simm.s32 $0x15980  }
0x6ce: {  	[tilespmem:s5], [sflag:$0x3] =	stream.indirect_vreg.gather [hbm4b:s10+s1], $0x80, v4, vm0, $0xb8;
	[tilespmem:$0x1A180] =	vst v63  }
0x6cf: {  	v4 =	vld [tilespmem:$0x2110];
	_ =	sdelay $0x4  }
0x6d0: {  	v5 =	vshll.u32 v4, $0x3  }
0x6d1: {  	v4 =	vand.u32 $0x7, v4;
	v5 =	vand.u32 $0xFFFFFFC0, v5  }
0x6d2: {  	v4 =	vor.u32 v4, v5  }
0x6d3: {  	v5 =	vperm.xlane v4, v1;
	_ =	sdelay $0x1  }
0x6d4: {  	v5 =	vadd.s32 v2, v5;
	_ =	sdelay $0x3  }
0x6d5: {  	s7 =	simm.s32 $0x16180  }
0x6d6: {  	[tilespmem:s7], [sflag:$0x3] =	stream.indirect_vreg.gather [hbm4b:s19+s1], $0x80, v5, vm0, $0xb8;
	[tilespmem:$0x1A180] =	vst v63  }
0x6d7: {  	s21 =	simm.s32 $0x16980;
	v4 =	vperm.xlane v4, v3  }
0x6d8: {  	[tilespmem:s21], [sflag:$0x3] =	stream.indirect_vreg.gather [hbm4b:s9+s1], $0x80, v5, vm0, $0xb8;
	[tilespmem:$0x1A180] =	vst v63  }
0x6d9: {  	s5 =	simm.s32 $0x17180;
	v4 =	vadd.s32 v2, v4  }
0x6da: {  	[tilespmem:s5], [sflag:$0x3] =	stream.indirect_vreg.gather [hbm4b:s20+s1], $0x80, v5, vm0, $0xb8;
	[tilespmem:$0x1A180] =	vst v63  }
0x6db: {  	s7 =	simm.s32 $0x17980  }
0x6dc: {  	[tilespmem:s7], [sflag:$0x3] =	stream.indirect_vreg.gather [hbm4b:s10+s1], $0x80, v5, vm0, $0xb8;
	[tilespmem:$0x1A180] =	vst v63  }
0x6dd: {  	s21 =	simm.s32 $0x18180  }
0x6de: {  	[tilespmem:s21], [sflag:$0x3] =	stream.indirect_vreg.gather [hbm4b:s19+s1], $0x80, v4, vm0, $0xb8;
	[tilespmem:$0x1A180] =	vst v63  }
0x6df: {  	s5 =	simm.s32 $0x18980  }
0x6e0: {  	[tilespmem:s5], [sflag:$0x3] =	stream.indirect_vreg.gather [hbm4b:s9+s1], $0x80, v4, vm0, $0xb8;
	[tilespmem:$0x1A180] =	vst v63  }
0x6e1: {  	s7 =	simm.s32 $0x19180  }
0x6e2: {  	[tilespmem:s7], [sflag:$0x3] =	stream.indirect_vreg.gather [hbm4b:s20+s1], $0x80, v4, vm0, $0xb8;
	[tilespmem:$0x1A180] =	vst v63  }
0x6e3: {  	s21 =	simm.s32 $0x19980  }
0x6e4: {  	[tilespmem:s21], [sflag:$0x3] =	stream.indirect_vreg.gather [hbm4b:s10+s1], $0x80, v4, vm0, $0xb8;
	[tilespmem:$0x1A180] =	vst v63  }
0x6e5: {  	_ =	swait.ge [sflag:s12], $0x8000  }
0x6e6: {  	(v2sf) =	vpush v47, $0xF;
	_ =	sdelay $0xa  }
0x6e7: {  	s5 =	sld [smem:$0x7EC]  }
0x6e8: {  	[sflag:s12] =	ssyncset.done $0x0  }
0x6e9: {  	s3 =	simm.s32 $0x2180;
	[sflag:s12] =	ssyncadd.s32 $0xFFFF8000  }
0x6ea: {  	[hbm4b:s5+s1] =	stream.linear.scatter [tilespmem:s3], [sflag:$0x4], $0x8000, $0x38;
	[tilespmem:$0x1A180] =	vst v63  }
0x6eb: {  	s7 =	spop (v2sf)  }
0x6ec: {  	_ =	swait.ge [sflag:s28], $0x8000  }
0x6ed: {  	[sflag:s28] =	ssyncset.done $0x0  }
0x6ee: {  	s5 =	rddreg [dreg:$0x19];
	[sflag:s28] =	ssyncadd.s32 $0xFFFF8000  }
0x6ef: {  	v4 =	vld [tilespmem:s5+$0x0];
	_ =	sdelay $0x4  }
0x6f0: {  	vm1 =	vne.s32 v4, $0x1  }
0x6f1: {  	v4 =	vsel vm1, $0x1, v0  }
0x6f2: {  	(xrf0) =	vadd.scan.msk.s32 $0xffff, v4;
	_ =	sdelay $0x5  }
0x6f3: {  	s0 =	sadd.s32 s0, s7;
	v4, _, _ =	vpop (xrf0)  }
0x6f4: {  	v5 =	vmov s0;
	(v2sf) =	vpush v4, $0xF  }
0x6f5: {  	v5 =	vadd.s32 $0x1, v5  }
0x6f6: {  	v5 =	vbroadcast v5, $0x0;
	_ =	sdelay $0x1  }
0x6f7: {  	v4 =	vadd.s32 v4, v5  }
0x6f8: {  	v4 =	vnsel vm1, $0x1, v4  }
0x6f9: {  	[tilespmem:$0x2000] =	vst v4  }
0x6fa: {  	v5 =	vld [tilespmem:s2+$0x310];
	_ =	sdelay $0x4  }
0x6fb: {  	vm1 =	vne.s32 v5, $0x1  }
0x6fc: {  	v5 =	vsel vm1, $0x1, v0  }
0x6fd: {  	(xrf0) =	vadd.scan.msk.s32 $0xffff, v5;
	v5 =	vshll.u32 v4, $0x3  }
0x6fe: {  	v4 =	vand.u32 $0x7, v4;
	v5 =	vand.u32 $0xFFFFFFC0, v5;
	s5 =	spop (v2sf)  }
0x6ff: {  	v4 =	vor.u32 v4, v5;
	s0 =	sadd.s32 s0, s5  }
0x700: {  	v48 =	vperm.xlane v4, v1;
	v5 =	vmov s0  }
0x701: {  	v5 =	vadd.s32 $0x1, v5  }
0x702: {  	v6 =	vadd.s32 v2, v48;
	v5 =	vbroadcast v5, $0x0  }
0x703: {  	v49, _, _ =	vpop (xrf0)  }
0x704: {  	v5 =	vadd.s32 v49, v5  }
0x705: {  	v5 =	vnsel vm1, $0x1, v5  }
0x706: {  	[tilespmem:$0x2010] =	vst v5  }
0x707: {  	[tilespmem:s3], [sflag:$0x1] =	stream.indirect_vreg.gather [hbm4b:s19+s1], $0x80, v6, vm0, $0xb8;
	[tilespmem:$0x1A180] =	vst v63  }
0x708: {  	v4 =	vperm.xlane v4, v3  }
0x709: {  	[tilespmem:s18], [sflag:$0x1] =	stream.indirect_vreg.gather [hbm4b:s9+s1], $0x80, v6, vm0, $0xb8;
	[tilespmem:$0x1A180] =	vst v63  }
0x70a: {  	v4 =	vadd.s32 v2, v4  }
0x70b: {  	[tilespmem:s15], [sflag:$0x1] =	stream.indirect_vreg.gather [hbm4b:s20+s1], $0x80, v6, vm0, $0xb8;
	[tilespmem:$0x1A180] =	vst v63  }
0x70c: {  	_ = 	snop  }
0x70d: {  	[tilespmem:s16], [sflag:$0x1] =	stream.indirect_vreg.gather [hbm4b:s10+s1], $0x80, v6, vm0, $0xb8;
	[tilespmem:$0x1A180] =	vst v63  }
0x70e: {  	s16 =	simm.s32 $0x4180  }
0x70f: {  	[tilespmem:s16], [sflag:$0x1] =	stream.indirect_vreg.gather [hbm4b:s19+s1], $0x80, v4, vm0, $0xb8;
	[tilespmem:$0x1A180] =	vst v63  }
0x710: {  	s21 =	simm.s32 $0x4980  }
0x711: {  	[tilespmem:s21], [sflag:$0x1] =	stream.indirect_vreg.gather [hbm4b:s9+s1], $0x80, v4, vm0, $0xb8;
	[tilespmem:$0x1A180] =	vst v63  }
0x712: {  	s5 =	simm.s32 $0x5180  }
0x713: {  	[tilespmem:s5], [sflag:$0x1] =	stream.indirect_vreg.gather [hbm4b:s20+s1], $0x80, v4, vm0, $0xb8;
	[tilespmem:$0x1A180] =	vst v63  }
0x714: {  	s7 =	simm.s32 $0x5980  }
0x715: {  	[tilespmem:s7], [sflag:$0x1] =	stream.indirect_vreg.gather [hbm4b:s10+s1], $0x80, v4, vm0, $0xb8;
	[tilespmem:$0x1A180] =	vst v63  }
0x716: {  	v4 =	vld [tilespmem:$0x2010];
	_ =	sdelay $0x4  }
0x717: {  	v5 =	vshll.u32 v4, $0x3  }
0x718: {  	v4 =	vand.u32 $0x7, v4;
	v5 =	vand.u32 $0xFFFFFFC0, v5  }
0x719: {  	v4 =	vor.u32 v4, v5  }
0x71a: {  	v5 =	vperm.xlane v4, v1;
	_ =	sdelay $0x1  }
0x71b: {  	v5 =	vadd.s32 v2, v5;
	_ =	sdelay $0x3  }
0x71c: {  	s15 =	simm.s32 $0x6180  }
0x71d: {  	[tilespmem:s15], [sflag:$0x1] =	stream.indirect_vreg.gather [hbm4b:s19+s1], $0x80, v5, vm0, $0xb8;
	[tilespmem:$0x1A180] =	vst v63  }
0x71e: {  	s18 =	simm.s32 $0x6980;
	v4 =	vperm.xlane v4, v3  }
0x71f: {  	[tilespmem:s18], [sflag:$0x1] =	stream.indirect_vreg.gather [hbm4b:s9+s1], $0x80, v5, vm0, $0xb8;
	[tilespmem:$0x1A180] =	vst v63  }
0x720: {  	s21 =	simm.s32 $0x7180;
	v4 =	vadd.s32 v2, v4  }
0x721: {  	[tilespmem:s21], [sflag:$0x1] =	stream.indirect_vreg.gather [hbm4b:s20+s1], $0x80, v5, vm0, $0xb8;
	[tilespmem:$0x1A180] =	vst v63  }
0x722: {  	s15 =	simm.s32 $0x7980  }
0x723: {  	[tilespmem:s15], [sflag:$0x1] =	stream.indirect_vreg.gather [hbm4b:s10+s1], $0x80, v5, vm0, $0xb8;
	[tilespmem:$0x1A180] =	vst v63  }
0x724: {  	s18 =	simm.s32 $0x8180  }
0x725: {  	[tilespmem:s18], [sflag:$0x1] =	stream.indirect_vreg.gather [hbm4b:s19+s1], $0x80, v4, vm0, $0xb8;
	[tilespmem:$0x1A180] =	vst v63  }
0x726: {  	s3 =	simm.s32 $0x8980  }
0x727: {  	[tilespmem:s3], [sflag:$0x1] =	stream.indirect_vreg.gather [hbm4b:s9+s1], $0x80, v4, vm0, $0xb8;
	[tilespmem:$0x1A180] =	vst v63  }
0x728: {  	s5 =	simm.s32 $0x9180  }
0x729: {  	[tilespmem:s5], [sflag:$0x1] =	stream.indirect_vreg.gather [hbm4b:s20+s1], $0x80, v4, vm0, $0xb8;
	[tilespmem:$0x1A180] =	vst v63  }
0x72a: {  	_ = 	snop  }
0x72b: {  	[tilespmem:s6], [sflag:$0x1] =	stream.indirect_vreg.gather [hbm4b:s10+s1], $0x80, v4, vm0, $0xb8;
	[tilespmem:$0x1A180] =	vst v63  }
0x72c: {  	_ =	swait.ge [sflag:s17], $0x8000  }
0x72d: {  	(v2sf) =	vpush v49, $0xF;
	_ =	sdelay $0xa  }
0x72e: {  	s6 =	sld [smem:$0x7ED]  }
0x72f: {  	[sflag:s17] =	ssyncset.done $0x0  }
0x730: {  	s3 =	simm.s32 $0xA180;
	[sflag:s17] =	ssyncadd.s32 $0xFFFF8000  }
0x731: {  	[hbm4b:s6+s1] =	stream.linear.scatter [tilespmem:s3], [sflag:$0x5], $0x8000, $0x38;
	[tilespmem:$0x1A180] =	vst v63  }
0x732: {  	s7 =	spop (v2sf)  }
0x733: {  	_ =	swait.ge [sflag:s29], $0x8000  }
0x734: {  	[sflag:s29] =	ssyncset.done $0x0  }
0x735: {  	s5 =	rddreg [dreg:$0x1a];
	[sflag:s29] =	ssyncadd.s32 $0xFFFF8000  }
0x736: {  	v4 =	vld [tilespmem:s5+$0x0];
	_ =	sdelay $0x4  }
0x737: {  	vm1 =	vne.s32 v4, $0x1  }
0x738: {  	v4 =	vsel vm1, $0x1, v0  }
0x739: {  	(xrf0) =	vadd.scan.msk.s32 $0xffff, v4;
	_ =	sdelay $0x5  }
0x73a: {  	s0 =	sadd.s32 s0, s7;
	v4, _, _ =	vpop (xrf0)  }
0x73b: {  	v5 =	vmov s0;
	(v2sf) =	vpush v4, $0xF  }
0x73c: {  	v5 =	vadd.s32 $0x1, v5  }
0x73d: {  	v5 =	vbroadcast v5, $0x0;
	_ =	sdelay $0x1  }
0x73e: {  	v4 =	vadd.s32 v4, v5  }
0x73f: {  	v4 =	vnsel vm1, $0x1, v4  }
0x740: {  	[tilespmem:$0x2080] =	vst v4  }
0x741: {  	v5 =	vld [tilespmem:s2+$0x330];
	_ =	sdelay $0x4  }
0x742: {  	vm1 =	vne.s32 v5, $0x1  }
0x743: {  	v5 =	vsel vm1, $0x1, v0  }
0x744: {  	(xrf0) =	vadd.scan.msk.s32 $0xffff, v5;
	v5 =	vshll.u32 v4, $0x3  }
0x745: {  	v4 =	vand.u32 $0x7, v4;
	v5 =	vand.u32 $0xFFFFFFC0, v5;
	s21 =	spop (v2sf)  }
0x746: {  	v4 =	vor.u32 v4, v5;
	s0 =	sadd.s32 s0, s21  }
0x747: {  	v50 =	vperm.xlane v4, v1;
	v5 =	vmov s0  }
0x748: {  	v5 =	vadd.s32 $0x1, v5  }
0x749: {  	v6 =	vadd.s32 v2, v50;
	v5 =	vbroadcast v5, $0x0  }
0x74a: {  	v51, _, _ =	vpop (xrf0)  }
0x74b: {  	v5 =	vadd.s32 v51, v5  }
0x74c: {  	v5 =	vnsel vm1, $0x1, v5  }
0x74d: {  	[tilespmem:$0x2090] =	vst v5  }
0x74e: {  	[tilespmem:s3], [sflag:$0x2] =	stream.indirect_vreg.gather [hbm4b:s19+s1], $0x80, v6, vm0, $0xb8;
	[tilespmem:$0x1A180] =	vst v63  }
0x74f: {  	s6 =	simm.s32 $0xA980;
	v4 =	vperm.xlane v4, v3  }
0x750: {  	[tilespmem:s6], [sflag:$0x2] =	stream.indirect_vreg.gather [hbm4b:s9+s1], $0x80, v6, vm0, $0xb8;
	[tilespmem:$0x1A180] =	vst v63  }
0x751: {  	v4 =	vadd.s32 v2, v4  }
0x752: {  	[tilespmem:s11], [sflag:$0x2] =	stream.indirect_vreg.gather [hbm4b:s20+s1], $0x80, v6, vm0, $0xb8;
	[tilespmem:$0x1A180] =	vst v63  }
0x753: {  	_ = 	snop  }
0x754: {  	[tilespmem:s14], [sflag:$0x2] =	stream.indirect_vreg.gather [hbm4b:s10+s1], $0x80, v6, vm0, $0xb8;
	[tilespmem:$0x1A180] =	vst v63  }
0x755: {  	_ = 	snop  }
0x756: {  	[tilespmem:s23], [sflag:$0x2] =	stream.indirect_vreg.gather [hbm4b:s19+s1], $0x80, v4, vm0, $0xb8;
	[tilespmem:$0x1A180] =	vst v63  }
0x757: {  	_ = 	snop  }
0x758: {  	[tilespmem:s24], [sflag:$0x2] =	stream.indirect_vreg.gather [hbm4b:s9+s1], $0x80, v4, vm0, $0xb8;
	[tilespmem:$0x1A180] =	vst v63  }
0x759: {  	_ = 	snop  }
0x75a: {  	[tilespmem:s25], [sflag:$0x2] =	stream.indirect_vreg.gather [hbm4b:s20+s1], $0x80, v4, vm0, $0xb8;
	[tilespmem:$0x1A180] =	vst v63  }
0x75b: {  	s3 =	simm.s32 $0xD980  }
0x75c: {  	[tilespmem:s3], [sflag:$0x2] =	stream.indirect_vreg.gather [hbm4b:s10+s1], $0x80, v4, vm0, $0xb8;
	[tilespmem:$0x1A180] =	vst v63  }
0x75d: {  	v4 =	vld [tilespmem:$0x2090];
	_ =	sdelay $0x4  }
0x75e: {  	v5 =	vshll.u32 v4, $0x3  }
0x75f: {  	v4 =	vand.u32 $0x7, v4;
	v5 =	vand.u32 $0xFFFFFFC0, v5  }
0x760: {  	v4 =	vor.u32 v4, v5  }
0x761: {  	v5 =	vperm.xlane v4, v1;
	_ =	sdelay $0x1  }
0x762: {  	v5 =	vadd.s32 v2, v5;
	_ =	sdelay $0x3  }
0x763: {  	s11 =	simm.s32 $0xE180  }
0x764: {  	[tilespmem:s11], [sflag:$0x2] =	stream.indirect_vreg.gather [hbm4b:s19+s1], $0x80, v5, vm0, $0xb8;
	[tilespmem:$0x1A180] =	vst v63  }
0x765: {  	s14 =	simm.s32 $0xE980;
	v4 =	vperm.xlane v4, v3  }
0x766: {  	[tilespmem:s14], [sflag:$0x2] =	stream.indirect_vreg.gather [hbm4b:s9+s1], $0x80, v5, vm0, $0xb8;
	[tilespmem:$0x1A180] =	vst v63  }
0x767: {  	v4 =	vadd.s32 v2, v4  }
0x768: {  	[tilespmem:s26], [sflag:$0x2] =	stream.indirect_vreg.gather [hbm4b:s20+s1], $0x80, v5, vm0, $0xb8;
	[tilespmem:$0x1A180] =	vst v63  }
0x769: {  	_ = 	snop  }
0x76a: {  	[tilespmem:s30], [sflag:$0x2] =	stream.indirect_vreg.gather [hbm4b:s10+s1], $0x80, v5, vm0, $0xb8;
	[tilespmem:$0x1A180] =	vst v63  }
0x76b: {  	_ = 	snop  }
0x76c: {  	[tilespmem:s31], [sflag:$0x2] =	stream.indirect_vreg.gather [hbm4b:s19+s1], $0x80, v4, vm0, $0xb8;
	[tilespmem:$0x1A180] =	vst v63  }
0x76d: {  	s26 =	simm.s32 $0x10980  }
0x76e: {  	[tilespmem:s26], [sflag:$0x2] =	stream.indirect_vreg.gather [hbm4b:s9+s1], $0x80, v4, vm0, $0xb8;
	[tilespmem:$0x1A180] =	vst v63  }
0x76f: {  	s5 =	simm.s32 $0x11180  }
0x770: {  	[tilespmem:s5], [sflag:$0x2] =	stream.indirect_vreg.gather [hbm4b:s20+s1], $0x80, v4, vm0, $0xb8;
	[tilespmem:$0x1A180] =	vst v63  }
0x771: {  	s23 =	simm.s32 $0x11980  }
0x772: {  	[tilespmem:s23], [sflag:$0x2] =	stream.indirect_vreg.gather [hbm4b:s10+s1], $0x80, v4, vm0, $0xb8;
	[tilespmem:$0x1A180] =	vst v63  }
0x773: {  	_ =	swait.ge [sflag:s22], $0x8000  }
0x774: {  	(v2sf) =	vpush v51, $0xF;
	_ =	sdelay $0xa  }
0x775: {  	s31 =	sld [smem:$0x7EE]  }
0x776: {  	[sflag:s22] =	ssyncset.done $0x0  }
0x777: {  	s4 =	simm.s32 $0x12180;
	[sflag:s22] =	ssyncadd.s32 $0xFFFF8000  }
0x778: {  	[hbm4b:s31+s1] =	stream.linear.scatter [tilespmem:s4], [sflag:$0x6], $0x8000, $0x38;
	[tilespmem:$0x1A180] =	vst v63  }
0x779: {  	s30 =	spop (v2sf)  }
0x77a: {  	_ =	swait.ge [sflag:s13], $0x8000  }
0x77b: {  	[sflag:s13] =	ssyncset.done $0x0  }
0x77c: {  	s24 =	rddreg [dreg:$0x1b];
	[sflag:s13] =	ssyncadd.s32 $0xFFFF8000  }
0x77d: {  	v4 =	vld [tilespmem:s24+$0x0];
	_ =	sdelay $0x4  }
0x77e: {  	vm1 =	vne.s32 v4, $0x1  }
0x77f: {  	v4 =	vsel vm1, $0x1, v0  }
0x780: {  	(xrf0) =	vadd.scan.msk.s32 $0xffff, v4;
	_ =	sdelay $0x5  }
0x781: {  	s0 =	sadd.s32 s0, s30;
	v4, _, _ =	vpop (xrf0)  }
0x782: {  	v5 =	vmov s0;
	(v2sf) =	vpush v4, $0xF  }
0x783: {  	v5 =	vadd.s32 $0x1, v5  }
0x784: {  	v5 =	vbroadcast v5, $0x0;
	_ =	sdelay $0x1  }
0x785: {  	v4 =	vadd.s32 v4, v5  }
0x786: {  	v4 =	vnsel vm1, $0x1, v4  }
0x787: {  	[tilespmem:$0x2100] =	vst v4  }
0x788: {  	v5 =	vld [tilespmem:s2+$0x350];
	_ =	sdelay $0x4  }
0x789: {  	vm1 =	vne.s32 v5, $0x1  }
0x78a: {  	v5 =	vsel vm1, $0x1, v0  }
0x78b: {  	(xrf0) =	vadd.scan.msk.s32 $0xffff, v5;
	v5 =	vshll.u32 v4, $0x3  }
0x78c: {  	v4 =	vand.u32 $0x7, v4;
	v5 =	vand.u32 $0xFFFFFFC0, v5;
	s25 =	spop (v2sf)  }
0x78d: {  	v4 =	vor.u32 v4, v5;
	s0 =	sadd.s32 s0, s25  }
0x78e: {  	v52 =	vperm.xlane v4, v1;
	v5 =	vmov s0  }
0x78f: {  	v5 =	vadd.s32 $0x1, v5  }
0x790: {  	v6 =	vadd.s32 v2, v52;
	v5 =	vbroadcast v5, $0x0  }
0x791: {  	v53, _, _ =	vpop (xrf0)  }
0x792: {  	v5 =	vadd.s32 v53, v5  }
0x793: {  	v5 =	vnsel vm1, $0x1, v5  }
0x794: {  	[tilespmem:$0x2110] =	vst v5  }
0x795: {  	[tilespmem:s4], [sflag:$0x3] =	stream.indirect_vreg.gather [hbm4b:s19+s1], $0x80, v6, vm0, $0xb8;
	[tilespmem:$0x1A180] =	vst v63  }
0x796: {  	s26 =	simm.s32 $0x12980;
	v4 =	vperm.xlane v4, v3  }
0x797: {  	[tilespmem:s26], [sflag:$0x3] =	stream.indirect_vreg.gather [hbm4b:s9+s1], $0x80, v6, vm0, $0xb8;
	[tilespmem:$0x1A180] =	vst v63  }
0x798: {  	s30 =	simm.s32 $0x13180;
	v4 =	vadd.s32 v2, v4  }
0x799: {  	[tilespmem:s30], [sflag:$0x3] =	stream.indirect_vreg.gather [hbm4b:s20+s1], $0x80, v6, vm0, $0xb8;
	[tilespmem:$0x1A180] =	vst v63  }
0x79a: {  	s31 =	simm.s32 $0x13980  }
0x79b: {  	[tilespmem:s31], [sflag:$0x3] =	stream.indirect_vreg.gather [hbm4b:s10+s1], $0x80, v6, vm0, $0xb8;
	[tilespmem:$0x1A180] =	vst v63  }
0x79c: {  	_ = 	snop  }
0x79d: {  	[tilespmem:s8], [sflag:$0x3] =	stream.indirect_vreg.gather [hbm4b:s19+s1], $0x80, v4, vm0, $0xb8;
	[tilespmem:$0x1A180] =	vst v63  }
0x79e: {  	s7 =	simm.s32 $0x14980  }
0x79f: {  	[tilespmem:s7], [sflag:$0x3] =	stream.indirect_vreg.gather [hbm4b:s9+s1], $0x80, v4, vm0, $0xb8;
	[tilespmem:$0x1A180] =	vst v63  }
0x7a0: {  	s8 =	simm.s32 $0x15180  }
0x7a1: {  	[tilespmem:s8], [sflag:$0x3] =	stream.indirect_vreg.gather [hbm4b:s20+s1], $0x80, v4, vm0, $0xb8;
	[tilespmem:$0x1A180] =	vst v63  }
0x7a2: {  	s21 =	simm.s32 $0x15980  }
0x7a3: {  	[tilespmem:s21], [sflag:$0x3] =	stream.indirect_vreg.gather [hbm4b:s10+s1], $0x80, v4, vm0, $0xb8;
	[tilespmem:$0x1A180] =	vst v63  }
0x7a4: {  	v4 =	vld [tilespmem:$0x2110];
	_ =	sdelay $0x4  }
0x7a5: {  	v5 =	vshll.u32 v4, $0x3  }
0x7a6: {  	v4 =	vand.u32 $0x7, v4;
	v5 =	vand.u32 $0xFFFFFFC0, v5  }
0x7a7: {  	v4 =	vor.u32 v4, v5  }
0x7a8: {  	v5 =	vperm.xlane v4, v1;
	_ =	sdelay $0x1  }
0x7a9: {  	v5 =	vadd.s32 v2, v5;
	_ =	sdelay $0x3  }
0x7aa: {  	s24 =	simm.s32 $0x16180  }
0x7ab: {  	[tilespmem:s24], [sflag:$0x3] =	stream.indirect_vreg.gather [hbm4b:s19+s1], $0x80, v5, vm0, $0xb8;
	[tilespmem:$0x1A180] =	vst v63  }
0x7ac: {  	s25 =	simm.s32 $0x16980;
	v4 =	vperm.xlane v4, v3  }
0x7ad: {  	[tilespmem:s25], [sflag:$0x3] =	stream.indirect_vreg.gather [hbm4b:s9+s1], $0x80, v5, vm0, $0xb8;
	[tilespmem:$0x1A180] =	vst v63  }
0x7ae: {  	s7 =	simm.s32 $0x17180;
	v4 =	vadd.s32 v2, v4  }
0x7af: {  	[tilespmem:s7], [sflag:$0x3] =	stream.indirect_vreg.gather [hbm4b:s20+s1], $0x80, v5, vm0, $0xb8;
	[tilespmem:$0x1A180] =	vst v63  }
0x7b0: {  	s8 =	simm.s32 $0x17980  }
0x7b1: {  	[tilespmem:s8], [sflag:$0x3] =	stream.indirect_vreg.gather [hbm4b:s10+s1], $0x80, v5, vm0, $0xb8;
	[tilespmem:$0x1A180] =	vst v63  }
0x7b2: {  	s21 =	simm.s32 $0x18180  }
0x7b3: {  	[tilespmem:s21], [sflag:$0x3] =	stream.indirect_vreg.gather [hbm4b:s19+s1], $0x80, v4, vm0, $0xb8;
	[tilespmem:$0x1A180] =	vst v63  }
0x7b4: {  	s24 =	simm.s32 $0x18980  }
0x7b5: {  	[tilespmem:s24], [sflag:$0x3] =	stream.indirect_vreg.gather [hbm4b:s9+s1], $0x80, v4, vm0, $0xb8;
	[tilespmem:$0x1A180] =	vst v63  }
0x7b6: {  	s25 =	simm.s32 $0x19180  }
0x7b7: {  	[tilespmem:s25], [sflag:$0x3] =	stream.indirect_vreg.gather [hbm4b:s20+s1], $0x80, v4, vm0, $0xb8;
	[tilespmem:$0x1A180] =	vst v63  }
0x7b8: {  	s7 =	simm.s32 $0x19980  }
0x7b9: {  	[tilespmem:s7], [sflag:$0x3] =	stream.indirect_vreg.gather [hbm4b:s10+s1], $0x80, v4, vm0, $0xb8;
	[tilespmem:$0x1A180] =	vst v63  }
0x7ba: {  	_ =	swait.ge [sflag:s12], $0x8000  }
0x7bb: {  	(v2sf) =	vpush v53, $0xF;
	_ =	sdelay $0xa  }
0x7bc: {  	s8 =	sld [smem:$0x7EF]  }
0x7bd: {  	[sflag:s12] =	ssyncset.done $0x0  }
0x7be: {  	s4 =	simm.s32 $0x2180;
	[sflag:s12] =	ssyncadd.s32 $0xFFFF8000  }
0x7bf: {  	[hbm4b:s8+s1] =	stream.linear.scatter [tilespmem:s4], [sflag:$0x4], $0x8000, $0x38;
	[tilespmem:$0x1A180] =	vst v63  }
0x7c0: {  	s7 =	spop (v2sf)  }
0x7c1: {  	_ =	swait.ge [sflag:s28], $0x8000  }
0x7c2: {  	[sflag:s28] =	ssyncset.done $0x0  }
0x7c3: {  	s8 =	rddreg [dreg:$0x1c];
	[sflag:s28] =	ssyncadd.s32 $0xFFFF8000  }
0x7c4: {  	v4 =	vld [tilespmem:s8+$0x0];
	_ =	sdelay $0x4  }
0x7c5: {  	vm1 =	vne.s32 v4, $0x1  }
0x7c6: {  	v4 =	vsel vm1, $0x1, v0  }
0x7c7: {  	(xrf0) =	vadd.scan.msk.s32 $0xffff, v4;
	_ =	sdelay $0x5  }
0x7c8: {  	s0 =	sadd.s32 s0, s7;
	v4, _, _ =	vpop (xrf0)  }
0x7c9: {  	v5 =	vmov s0;
	(v2sf) =	vpush v4, $0xF  }
0x7ca: {  	v5 =	vadd.s32 $0x1, v5  }
0x7cb: {  	v5 =	vbroadcast v5, $0x0;
	_ =	sdelay $0x1  }
0x7cc: {  	v4 =	vadd.s32 v4, v5  }
0x7cd: {  	v4 =	vnsel vm1, $0x1, v4  }
0x7ce: {  	[tilespmem:$0x2000] =	vst v4  }
0x7cf: {  	v5 =	vld [tilespmem:s2+$0x370];
	_ =	sdelay $0x4  }
0x7d0: {  	vm1 =	vne.s32 v5, $0x1  }
0x7d1: {  	v5 =	vsel vm1, $0x1, v0  }
0x7d2: {  	(xrf0) =	vadd.scan.msk.s32 $0xffff, v5;
	v5 =	vshll.u32 v4, $0x3  }
0x7d3: {  	v4 =	vand.u32 $0x7, v4;
	v5 =	vand.u32 $0xFFFFFFC0, v5;
	s8 =	spop (v2sf)  }
0x7d4: {  	v4 =	vor.u32 v4, v5;
	s0 =	sadd.s32 s0, s8  }
0x7d5: {  	v54 =	vperm.xlane v4, v1;
	v5 =	vmov s0  }
0x7d6: {  	v5 =	vadd.s32 $0x1, v5  }
0x7d7: {  	v6 =	vadd.s32 v2, v54;
	v5 =	vbroadcast v5, $0x0  }
0x7d8: {  	v55, _, _ =	vpop (xrf0)  }
0x7d9: {  	v5 =	vadd.s32 v55, v5  }
0x7da: {  	v5 =	vnsel vm1, $0x1, v5  }
0x7db: {  	[tilespmem:$0x2010] =	vst v5  }
0x7dc: {  	[tilespmem:s4], [sflag:$0x1] =	stream.indirect_vreg.gather [hbm4b:s19+s1], $0x80, v6, vm0, $0xb8;
	[tilespmem:$0x1A180] =	vst v63  }
0x7dd: {  	s21 =	simm.s32 $0x2980;
	v4 =	vperm.xlane v4, v3  }
0x7de: {  	[tilespmem:s21], [sflag:$0x1] =	stream.indirect_vreg.gather [hbm4b:s9+s1], $0x80, v6, vm0, $0xb8;
	[tilespmem:$0x1A180] =	vst v63  }
0x7df: {  	s7 =	simm.s32 $0x3180;
	v4 =	vadd.s32 v2, v4  }
0x7e0: {  	[tilespmem:s7], [sflag:$0x1] =	stream.indirect_vreg.gather [hbm4b:s20+s1], $0x80, v6, vm0, $0xb8;
	[tilespmem:$0x1A180] =	vst v63  }
0x7e1: {  	s21 =	simm.s32 $0x3980  }
0x7e2: {  	[tilespmem:s21], [sflag:$0x1] =	stream.indirect_vreg.gather [hbm4b:s10+s1], $0x80, v6, vm0, $0xb8;
	[tilespmem:$0x1A180] =	vst v63  }
0x7e3: {  	_ = 	snop  }
0x7e4: {  	[tilespmem:s16], [sflag:$0x1] =	stream.indirect_vreg.gather [hbm4b:s19+s1], $0x80, v4, vm0, $0xb8;
	[tilespmem:$0x1A180] =	vst v63  }
0x7e5: {  	s7 =	simm.s32 $0x4980  }
0x7e6: {  	[tilespmem:s7], [sflag:$0x1] =	stream.indirect_vreg.gather [hbm4b:s9+s1], $0x80, v4, vm0, $0xb8;
	[tilespmem:$0x1A180] =	vst v63  }
0x7e7: {  	s21 =	simm.s32 $0x5180  }
0x7e8: {  	[tilespmem:s21], [sflag:$0x1] =	stream.indirect_vreg.gather [hbm4b:s20+s1], $0x80, v4, vm0, $0xb8;
	[tilespmem:$0x1A180] =	vst v63  }
0x7e9: {  	s4 =	simm.s32 $0x5980  }
0x7ea: {  	[tilespmem:s4], [sflag:$0x1] =	stream.indirect_vreg.gather [hbm4b:s10+s1], $0x80, v4, vm0, $0xb8;
	[tilespmem:$0x1A180] =	vst v63  }
0x7eb: {  	v4 =	vld [tilespmem:$0x2010];
	_ =	sdelay $0x4  }
0x7ec: {  	v5 =	vshll.u32 v4, $0x3  }
0x7ed: {  	v4 =	vand.u32 $0x7, v4;
	v5 =	vand.u32 $0xFFFFFFC0, v5  }
0x7ee: {  	v4 =	vor.u32 v4, v5  }
0x7ef: {  	v5 =	vperm.xlane v4, v1;
	_ =	sdelay $0x1  }
0x7f0: {  	v5 =	vadd.s32 v2, v5;
	_ =	sdelay $0x3  }
0x7f1: {  	s21 =	simm.s32 $0x6180  }
0x7f2: {  	[tilespmem:s21], [sflag:$0x1] =	stream.indirect_vreg.gather [hbm4b:s19+s1], $0x80, v5, vm0, $0xb8;
	[tilespmem:$0x1A180] =	vst v63  }
0x7f3: {  	s4 =	simm.s32 $0x6980;
	v4 =	vperm.xlane v4, v3  }
0x7f4: {  	[tilespmem:s4], [sflag:$0x1] =	stream.indirect_vreg.gather [hbm4b:s9+s1], $0x80, v5, vm0, $0xb8;
	[tilespmem:$0x1A180] =	vst v63  }
0x7f5: {  	s7 =	simm.s32 $0x7180;
	v4 =	vadd.s32 v2, v4  }
0x7f6: {  	[tilespmem:s7], [sflag:$0x1] =	stream.indirect_vreg.gather [hbm4b:s20+s1], $0x80, v5, vm0, $0xb8;
	[tilespmem:$0x1A180] =	vst v63  }
0x7f7: {  	_ = 	snop  }
0x7f8: {  	[tilespmem:s15], [sflag:$0x1] =	stream.indirect_vreg.gather [hbm4b:s10+s1], $0x80, v5, vm0, $0xb8;
	[tilespmem:$0x1A180] =	vst v63  }
0x7f9: {  	_ = 	snop  }
0x7fa: {  	[tilespmem:s18], [sflag:$0x1] =	stream.indirect_vreg.gather [hbm4b:s19+s1], $0x80, v4, vm0, $0xb8;
	[tilespmem:$0x1A180] =	vst v63  }
0x7fb: {  	s21 =	simm.s32 $0x8980  }
0x7fc: {  	[tilespmem:s21], [sflag:$0x1] =	stream.indirect_vreg.gather [hbm4b:s9+s1], $0x80, v4, vm0, $0xb8;
	[tilespmem:$0x1A180] =	vst v63  }
0x7fd: {  	s4 =	simm.s32 $0x9180  }
0x7fe: {  	[tilespmem:s4], [sflag:$0x1] =	stream.indirect_vreg.gather [hbm4b:s20+s1], $0x80, v4, vm0, $0xb8;
	[tilespmem:$0x1A180] =	vst v63  }
0x7ff: {  	s7 =	simm.s32 $0x9980  }
0x800: {  	[tilespmem:s7], [sflag:$0x1] =	stream.indirect_vreg.gather [hbm4b:s10+s1], $0x80, v4, vm0, $0xb8;
	[tilespmem:$0x1A180] =	vst v63  }
0x801: {  	_ =	swait.ge [sflag:s17], $0x8000  }
0x802: {  	(v2sf) =	vpush v55, $0xF;
	_ =	sdelay $0xa  }
0x803: {  	s21 =	sld [smem:$0x7F0]  }
0x804: {  	[sflag:s17] =	ssyncset.done $0x0  }
0x805: {  	s4 =	simm.s32 $0xA180;
	[sflag:s17] =	ssyncadd.s32 $0xFFFF8000  }
0x806: {  	[hbm4b:s21+s1] =	stream.linear.scatter [tilespmem:s4], [sflag:$0x5], $0x8000, $0x38;
	[tilespmem:$0x1A180] =	vst v63  }
0x807: {  	s7 =	spop (v2sf)  }
0x808: {  	_ =	swait.ge [sflag:s29], $0x8000  }
0x809: {  	[sflag:s29] =	ssyncset.done $0x0  }
0x80a: {  	s21 =	rddreg [dreg:$0x1d];
	[sflag:s29] =	ssyncadd.s32 $0xFFFF8000  }
0x80b: {  	v4 =	vld [tilespmem:s21+$0x0];
	_ =	sdelay $0x4  }
0x80c: {  	vm1 =	vne.s32 v4, $0x1  }
0x80d: {  	v4 =	vsel vm1, $0x1, v0  }
0x80e: {  	(xrf0) =	vadd.scan.msk.s32 $0xffff, v4;
	_ =	sdelay $0x5  }
0x80f: {  	s0 =	sadd.s32 s0, s7;
	v4, _, _ =	vpop (xrf0)  }
0x810: {  	v5 =	vmov s0;
	(v2sf) =	vpush v4, $0xF  }
0x811: {  	v5 =	vadd.s32 $0x1, v5  }
0x812: {  	v5 =	vbroadcast v5, $0x0;
	_ =	sdelay $0x1  }
0x813: {  	v4 =	vadd.s32 v4, v5  }
0x814: {  	v4 =	vnsel vm1, $0x1, v4  }
0x815: {  	[tilespmem:$0x2080] =	vst v4  }
0x816: {  	v5 =	vld [tilespmem:s2+$0x390];
	_ =	sdelay $0x4  }
0x817: {  	vm1 =	vne.s32 v5, $0x1  }
0x818: {  	v5 =	vsel vm1, $0x1, v0  }
0x819: {  	(xrf0) =	vadd.scan.msk.s32 $0xffff, v5;
	v5 =	vshll.u32 v4, $0x3  }
0x81a: {  	v4 =	vand.u32 $0x7, v4;
	v5 =	vand.u32 $0xFFFFFFC0, v5;
	s21 =	spop (v2sf)  }
0x81b: {  	v4 =	vor.u32 v4, v5;
	s0 =	sadd.s32 s0, s21  }
0x81c: {  	v56 =	vperm.xlane v4, v1;
	v5 =	vmov s0  }
0x81d: {  	v5 =	vadd.s32 $0x1, v5  }
0x81e: {  	v6 =	vadd.s32 v2, v56;
	v5 =	vbroadcast v5, $0x0  }
0x81f: {  	v57, _, _ =	vpop (xrf0)  }
0x820: {  	v5 =	vadd.s32 v57, v5  }
0x821: {  	v5 =	vnsel vm1, $0x1, v5  }
0x822: {  	[tilespmem:$0x2090] =	vst v5  }
0x823: {  	[tilespmem:s4], [sflag:$0x2] =	stream.indirect_vreg.gather [hbm4b:s19+s1], $0x80, v6, vm0, $0xb8;
	[tilespmem:$0x1A180] =	vst v63  }
0x824: {  	v4 =	vperm.xlane v4, v3  }
0x825: {  	[tilespmem:s6], [sflag:$0x2] =	stream.indirect_vreg.gather [hbm4b:s9+s1], $0x80, v6, vm0, $0xb8;
	[tilespmem:$0x1A180] =	vst v63  }
0x826: {  	v4 =	vadd.s32 v2, v4;
	s21 =	simm.s32 $0xB180  }
0x827: {  	[tilespmem:s21], [sflag:$0x2] =	stream.indirect_vreg.gather [hbm4b:s20+s1], $0x80, v6, vm0, $0xb8;
	[tilespmem:$0x1A180] =	vst v63  }
0x828: {  	s21 =	simm.s32 $0xB980  }
0x829: {  	[tilespmem:s21], [sflag:$0x2] =	stream.indirect_vreg.gather [hbm4b:s10+s1], $0x80, v6, vm0, $0xb8;
	[tilespmem:$0x1A180] =	vst v63  }
0x82a: {  	s21 =	simm.s32 $0xC180  }
0x82b: {  	[tilespmem:s21], [sflag:$0x2] =	stream.indirect_vreg.gather [hbm4b:s19+s1], $0x80, v4, vm0, $0xb8;
	[tilespmem:$0x1A180] =	vst v63  }
0x82c: {  	s21 =	simm.s32 $0xC980  }
0x82d: {  	[tilespmem:s21], [sflag:$0x2] =	stream.indirect_vreg.gather [hbm4b:s9+s1], $0x80, v4, vm0, $0xb8;
	[tilespmem:$0x1A180] =	vst v63  }
0x82e: {  	s21 =	simm.s32 $0xD180  }
0x82f: {  	[tilespmem:s21], [sflag:$0x2] =	stream.indirect_vreg.gather [hbm4b:s20+s1], $0x80, v4, vm0, $0xb8;
	[tilespmem:$0x1A180] =	vst v63  }
0x830: {  	_ = 	snop  }
0x831: {  	[tilespmem:s3], [sflag:$0x2] =	stream.indirect_vreg.gather [hbm4b:s10+s1], $0x80, v4, vm0, $0xb8;
	[tilespmem:$0x1A180] =	vst v63  }
0x832: {  	v4 =	vld [tilespmem:$0x2090];
	_ =	sdelay $0x4  }
0x833: {  	v5 =	vshll.u32 v4, $0x3  }
0x834: {  	v4 =	vand.u32 $0x7, v4;
	v5 =	vand.u32 $0xFFFFFFC0, v5  }
0x835: {  	v4 =	vor.u32 v4, v5  }
0x836: {  	v5 =	vperm.xlane v4, v1;
	_ =	sdelay $0x1  }
0x837: {  	v5 =	vadd.s32 v2, v5;
	_ =	sdelay $0x4  }
0x838: {  	[tilespmem:s11], [sflag:$0x2] =	stream.indirect_vreg.gather [hbm4b:s19+s1], $0x80, v5, vm0, $0xb8;
	[tilespmem:$0x1A180] =	vst v63  }
0x839: {  	v4 =	vperm.xlane v4, v3  }
0x83a: {  	[tilespmem:s14], [sflag:$0x2] =	stream.indirect_vreg.gather [hbm4b:s9+s1], $0x80, v5, vm0, $0xb8;
	[tilespmem:$0x1A180] =	vst v63  }
0x83b: {  	s21 =	simm.s32 $0xF180;
	v4 =	vadd.s32 v2, v4  }
0x83c: {  	[tilespmem:s21], [sflag:$0x2] =	stream.indirect_vreg.gather [hbm4b:s20+s1], $0x80, v5, vm0, $0xb8;
	[tilespmem:$0x1A180] =	vst v63  }
0x83d: {  	s7 =	simm.s32 $0xF980  }
0x83e: {  	[tilespmem:s7], [sflag:$0x2] =	stream.indirect_vreg.gather [hbm4b:s10+s1], $0x80, v5, vm0, $0xb8;
	[tilespmem:$0x1A180] =	vst v63  }
0x83f: {  	s21 =	simm.s32 $0x10180  }
0x840: {  	[tilespmem:s21], [sflag:$0x2] =	stream.indirect_vreg.gather [hbm4b:s19+s1], $0x80, v4, vm0, $0xb8;
	[tilespmem:$0x1A180] =	vst v63  }
0x841: {  	s7 =	simm.s32 $0x10980  }
0x842: {  	[tilespmem:s7], [sflag:$0x2] =	stream.indirect_vreg.gather [hbm4b:s9+s1], $0x80, v4, vm0, $0xb8;
	[tilespmem:$0x1A180] =	vst v63  }
0x843: {  	_ = 	snop  }
0x844: {  	[tilespmem:s5], [sflag:$0x2] =	stream.indirect_vreg.gather [hbm4b:s20+s1], $0x80, v4, vm0, $0xb8;
	[tilespmem:$0x1A180] =	vst v63  }
0x845: {  	_ = 	snop  }
0x846: {  	[tilespmem:s23], [sflag:$0x2] =	stream.indirect_vreg.gather [hbm4b:s10+s1], $0x80, v4, vm0, $0xb8;
	[tilespmem:$0x1A180] =	vst v63  }
0x847: {  	_ =	swait.ge [sflag:s22], $0x8000  }
0x848: {  	(v2sf) =	vpush v57, $0xF;
	_ =	sdelay $0xa  }
0x849: {  	s21 =	sld [smem:$0x7F1]  }
0x84a: {  	[sflag:s22] =	ssyncset.done $0x0  }
0x84b: {  	s3 =	simm.s32 $0x12180;
	[sflag:s22] =	ssyncadd.s32 $0xFFFF8000  }
0x84c: {  	[hbm4b:s21+s1] =	stream.linear.scatter [tilespmem:s3], [sflag:$0x6], $0x8000, $0x38;
	[tilespmem:$0x1A180] =	vst v63  }
0x84d: {  	s7 =	spop (v2sf)  }
0x84e: {  	_ =	swait.ge [sflag:s13], $0x8000  }
0x84f: {  	[sflag:s13] =	ssyncset.done $0x0  }
0x850: {  	s21 =	rddreg [dreg:$0x1e];
	[sflag:s13] =	ssyncadd.s32 $0xFFFF8000  }
0x851: {  	v4 =	vld [tilespmem:s21+$0x0];
	_ =	sdelay $0x4  }
0x852: {  	vm1 =	vne.s32 v4, $0x1  }
0x853: {  	v4 =	vsel vm1, $0x1, v0  }
0x854: {  	(xrf0) =	vadd.scan.msk.s32 $0xffff, v4;
	_ =	sdelay $0x5  }
0x855: {  	s0 =	sadd.s32 s0, s7;
	v4, _, _ =	vpop (xrf0)  }
0x856: {  	v5 =	vmov s0;
	(v2sf) =	vpush v4, $0xF  }
0x857: {  	v5 =	vadd.s32 $0x1, v5  }
0x858: {  	v5 =	vbroadcast v5, $0x0;
	_ =	sdelay $0x1  }
0x859: {  	v4 =	vadd.s32 v4, v5  }
0x85a: {  	v4 =	vnsel vm1, $0x1, v4  }
0x85b: {  	[tilespmem:$0x2100] =	vst v4  }
0x85c: {  	v5 =	vld [tilespmem:s2+$0x3B0];
	_ =	sdelay $0x4  }
0x85d: {  	vm1 =	vne.s32 v5, $0x1  }
0x85e: {  	v5 =	vsel vm1, $0x1, v0  }
0x85f: {  	(xrf0) =	vadd.scan.msk.s32 $0xffff, v5;
	v5 =	vshll.u32 v4, $0x3  }
0x860: {  	v4 =	vand.u32 $0x7, v4;
	v5 =	vand.u32 $0xFFFFFFC0, v5;
	s21 =	spop (v2sf)  }
0x861: {  	v4 =	vor.u32 v4, v5;
	s0 =	sadd.s32 s0, s21  }
0x862: {  	v58 =	vperm.xlane v4, v1;
	v5 =	vmov s0  }
0x863: {  	v5 =	vadd.s32 $0x1, v5  }
0x864: {  	v6 =	vadd.s32 v2, v58;
	v5 =	vbroadcast v5, $0x0  }
0x865: {  	v59, _, _ =	vpop (xrf0)  }
0x866: {  	v5 =	vadd.s32 v59, v5  }
0x867: {  	v5 =	vnsel vm1, $0x1, v5  }
0x868: {  	[tilespmem:$0x2110] =	vst v5  }
0x869: {  	[tilespmem:s3], [sflag:$0x3] =	stream.indirect_vreg.gather [hbm4b:s19+s1], $0x80, v6, vm0, $0xb8;
	[tilespmem:$0x1A180] =	vst v63  }
0x86a: {  	s26 =	simm.s32 $0x12980;
	v4 =	vperm.xlane v4, v3  }
0x86b: {  	[tilespmem:s26], [sflag:$0x3] =	stream.indirect_vreg.gather [hbm4b:s9+s1], $0x80, v6, vm0, $0xb8;
	[tilespmem:$0x1A180] =	vst v63  }
0x86c: {  	v4 =	vadd.s32 v2, v4;
	s21 =	simm.s32 $0x13180  }
0x86d: {  	[tilespmem:s21], [sflag:$0x3] =	stream.indirect_vreg.gather [hbm4b:s20+s1], $0x80, v6, vm0, $0xb8;
	[tilespmem:$0x1A180] =	vst v63  }
0x86e: {  	s26 =	simm.s32 $0x13980  }
0x86f: {  	[tilespmem:s26], [sflag:$0x3] =	stream.indirect_vreg.gather [hbm4b:s10+s1], $0x80, v6, vm0, $0xb8;
	[tilespmem:$0x1A180] =	vst v63  }
0x870: {  	s21 =	simm.s32 $0x14180  }
0x871: {  	[tilespmem:s21], [sflag:$0x3] =	stream.indirect_vreg.gather [hbm4b:s19+s1], $0x80, v4, vm0, $0xb8;
	[tilespmem:$0x1A180] =	vst v63  }
0x872: {  	s26 =	simm.s32 $0x14980  }
0x873: {  	[tilespmem:s26], [sflag:$0x3] =	stream.indirect_vreg.gather [hbm4b:s9+s1], $0x80, v4, vm0, $0xb8;
	[tilespmem:$0x1A180] =	vst v63  }
0x874: {  	s21 =	simm.s32 $0x15180  }
0x875: {  	[tilespmem:s21], [sflag:$0x3] =	stream.indirect_vreg.gather [hbm4b:s20+s1], $0x80, v4, vm0, $0xb8;
	[tilespmem:$0x1A180] =	vst v63  }
0x876: {  	s30 =	simm.s32 $0x15980  }
0x877: {  	[tilespmem:s30], [sflag:$0x3] =	stream.indirect_vreg.gather [hbm4b:s10+s1], $0x80, v4, vm0, $0xb8;
	[tilespmem:$0x1A180] =	vst v63  }
0x878: {  	v4 =	vld [tilespmem:$0x2110];
	_ =	sdelay $0x4  }
0x879: {  	v5 =	vshll.u32 v4, $0x3  }
0x87a: {  	v4 =	vand.u32 $0x7, v4;
	v5 =	vand.u32 $0xFFFFFFC0, v5  }
0x87b: {  	v4 =	vor.u32 v4, v5  }
0x87c: {  	v5 =	vperm.xlane v4, v1;
	_ =	sdelay $0x1  }
0x87d: {  	v5 =	vadd.s32 v2, v5;
	_ =	sdelay $0x3  }
0x87e: {  	s31 =	simm.s32 $0x16180  }
0x87f: {  	[tilespmem:s31], [sflag:$0x3] =	stream.indirect_vreg.gather [hbm4b:s19+s1], $0x80, v5, vm0, $0xb8;
	[tilespmem:$0x1A180] =	vst v63  }
0x880: {  	s26 =	simm.s32 $0x16980;
	v4 =	vperm.xlane v4, v3  }
0x881: {  	[tilespmem:s26], [sflag:$0x3] =	stream.indirect_vreg.gather [hbm4b:s9+s1], $0x80, v5, vm0, $0xb8;
	[tilespmem:$0x1A180] =	vst v63  }
0x882: {  	s30 =	simm.s32 $0x17180;
	v4 =	vadd.s32 v2, v4  }
0x883: {  	[tilespmem:s30], [sflag:$0x3] =	stream.indirect_vreg.gather [hbm4b:s20+s1], $0x80, v5, vm0, $0xb8;
	[tilespmem:$0x1A180] =	vst v63  }
0x884: {  	s31 =	simm.s32 $0x17980  }
0x885: {  	[tilespmem:s31], [sflag:$0x3] =	stream.indirect_vreg.gather [hbm4b:s10+s1], $0x80, v5, vm0, $0xb8;
	[tilespmem:$0x1A180] =	vst v63  }
0x886: {  	s21 =	simm.s32 $0x18180  }
0x887: {  	[tilespmem:s21], [sflag:$0x3] =	stream.indirect_vreg.gather [hbm4b:s19+s1], $0x80, v4, vm0, $0xb8;
	[tilespmem:$0x1A180] =	vst v63  }
0x888: {  	s24 =	simm.s32 $0x18980  }
0x889: {  	[tilespmem:s24], [sflag:$0x3] =	stream.indirect_vreg.gather [hbm4b:s9+s1], $0x80, v4, vm0, $0xb8;
	[tilespmem:$0x1A180] =	vst v63  }
0x88a: {  	s25 =	simm.s32 $0x19180  }
0x88b: {  	[tilespmem:s25], [sflag:$0x3] =	stream.indirect_vreg.gather [hbm4b:s20+s1], $0x80, v4, vm0, $0xb8;
	[tilespmem:$0x1A180] =	vst v63  }
0x88c: {  	s25 =	simm.s32 $0x19980  }
0x88d: {  	[tilespmem:s25], [sflag:$0x3] =	stream.indirect_vreg.gather [hbm4b:s10+s1], $0x80, v4, vm0, $0xb8;
	[tilespmem:$0x1A180] =	vst v63  }
0x88e: {  	_ =	swait.ge [sflag:s12], $0x8000  }
0x88f: {  	(v2sf) =	vpush v59, $0xF;
	_ =	sdelay $0xa  }
0x890: {  	s30 =	sld [smem:$0x7F2]  }
0x891: {  	[sflag:s12] =	ssyncset.done $0x0  }
0x892: {  	s8 =	simm.s32 $0x2180;
	[sflag:s12] =	ssyncadd.s32 $0xFFFF8000  }
0x893: {  	[hbm4b:s30+s1] =	stream.linear.scatter [tilespmem:s8], [sflag:$0x4], $0x8000, $0x38;
	[tilespmem:$0x1A180] =	vst v63  }
0x894: {  	s26 =	spop (v2sf)  }
0x895: {  	_ =	swait.ge [sflag:s28], $0x8000  }
0x896: {  	[sflag:s28] =	ssyncset.done $0x0  }
0x897: {  	s31 =	rddreg [dreg:$0x1f];
	[sflag:s28] =	ssyncadd.s32 $0xFFFF8000  }
0x898: {  	v4 =	vld [tilespmem:s31+$0x0];
	_ =	sdelay $0x4  }
0x899: {  	vm1 =	vne.s32 v4, $0x1  }
0x89a: {  	v4 =	vsel vm1, $0x1, v0  }
0x89b: {  	(xrf0) =	vadd.scan.msk.s32 $0xffff, v4;
	_ =	sdelay $0x5  }
0x89c: {  	s0 =	sadd.s32 s0, s26;
	v4, _, _ =	vpop (xrf0)  }
0x89d: {  	v5 =	vmov s0;
	(v2sf) =	vpush v4, $0xF  }
0x89e: {  	v5 =	vadd.s32 $0x1, v5  }
0x89f: {  	v5 =	vbroadcast v5, $0x0;
	_ =	sdelay $0x1  }
0x8a0: {  	v4 =	vadd.s32 v4, v5  }
0x8a1: {  	v4 =	vnsel vm1, $0x1, v4  }
0x8a2: {  	[tilespmem:$0x2000] =	vst v4  }
0x8a3: {  	v5 =	vld [tilespmem:s2+$0x3D0];
	_ =	sdelay $0x4  }
0x8a4: {  	vm1 =	vne.s32 v5, $0x1  }
0x8a5: {  	v5 =	vsel vm1, $0x1, v0  }
0x8a6: {  	(xrf0) =	vadd.scan.msk.s32 $0xffff, v5;
	v5 =	vshll.u32 v4, $0x3  }
0x8a7: {  	v4 =	vand.u32 $0x7, v4;
	v5 =	vand.u32 $0xFFFFFFC0, v5;
	s21 =	spop (v2sf)  }
0x8a8: {  	v4 =	vor.u32 v4, v5;
	s0 =	sadd.s32 s0, s21  }
0x8a9: {  	v60 =	vperm.xlane v4, v1;
	v5 =	vmov s0  }
0x8aa: {  	v5 =	vadd.s32 $0x1, v5  }
0x8ab: {  	v6 =	vadd.s32 v2, v60;
	v5 =	vbroadcast v5, $0x0  }
0x8ac: {  	v61, _, _ =	vpop (xrf0)  }
0x8ad: {  	v5 =	vadd.s32 v61, v5  }
0x8ae: {  	v5 =	vnsel vm1, $0x1, v5  }
0x8af: {  	[tilespmem:$0x2010] =	vst v5  }
0x8b0: {  	[tilespmem:s8], [sflag:$0x1] =	stream.indirect_vreg.gather [hbm4b:s19+s1], $0x80, v6, vm0, $0xb8;
	[tilespmem:$0x1A180] =	vst v63  }
0x8b1: {  	s24 =	simm.s32 $0x2980;
	v4 =	vperm.xlane v4, v3  }
0x8b2: {  	[tilespmem:s24], [sflag:$0x1] =	stream.indirect_vreg.gather [hbm4b:s9+s1], $0x80, v6, vm0, $0xb8;
	[tilespmem:$0x1A180] =	vst v63  }
0x8b3: {  	s25 =	simm.s32 $0x3180;
	v4 =	vadd.s32 v2, v4  }
0x8b4: {  	[tilespmem:s25], [sflag:$0x1] =	stream.indirect_vreg.gather [hbm4b:s20+s1], $0x80, v6, vm0, $0xb8;
	[tilespmem:$0x1A180] =	vst v63  }
0x8b5: {  	s26 =	simm.s32 $0x3980  }
0x8b6: {  	[tilespmem:s26], [sflag:$0x1] =	stream.indirect_vreg.gather [hbm4b:s10+s1], $0x80, v6, vm0, $0xb8;
	[tilespmem:$0x1A180] =	vst v63  }
0x8b7: {  	s16 =	simm.s32 $0x4180  }
0x8b8: {  	[tilespmem:s16], [sflag:$0x1] =	stream.indirect_vreg.gather [hbm4b:s19+s1], $0x80, v4, vm0, $0xb8;
	[tilespmem:$0x1A180] =	vst v63  }
0x8b9: {  	s30 =	simm.s32 $0x4980  }
0x8ba: {  	[tilespmem:s30], [sflag:$0x1] =	stream.indirect_vreg.gather [hbm4b:s9+s1], $0x80, v4, vm0, $0xb8;
	[tilespmem:$0x1A180] =	vst v63  }
0x8bb: {  	s31 =	simm.s32 $0x5180  }
0x8bc: {  	[tilespmem:s31], [sflag:$0x1] =	stream.indirect_vreg.gather [hbm4b:s20+s1], $0x80, v4, vm0, $0xb8;
	[tilespmem:$0x1A180] =	vst v63  }
0x8bd: {  	s16 =	simm.s32 $0x5980  }
0x8be: {  	[tilespmem:s16], [sflag:$0x1] =	stream.indirect_vreg.gather [hbm4b:s10+s1], $0x80, v4, vm0, $0xb8;
	[tilespmem:$0x1A180] =	vst v63  }
0x8bf: {  	v4 =	vld [tilespmem:$0x2010];
	_ =	sdelay $0x4  }
0x8c0: {  	v5 =	vshll.u32 v4, $0x3  }
0x8c1: {  	v4 =	vand.u32 $0x7, v4;
	v5 =	vand.u32 $0xFFFFFFC0, v5  }
0x8c2: {  	v4 =	vor.u32 v4, v5  }
0x8c3: {  	v5 =	vperm.xlane v4, v1;
	_ =	sdelay $0x1  }
0x8c4: {  	v5 =	vadd.s32 v2, v5;
	_ =	sdelay $0x3  }
0x8c5: {  	s21 =	simm.s32 $0x6180  }
0x8c6: {  	[tilespmem:s21], [sflag:$0x1] =	stream.indirect_vreg.gather [hbm4b:s19+s1], $0x80, v5, vm0, $0xb8;
	[tilespmem:$0x1A180] =	vst v63  }
0x8c7: {  	s24 =	simm.s32 $0x6980;
	v4 =	vperm.xlane v4, v3  }
0x8c8: {  	[tilespmem:s24], [sflag:$0x1] =	stream.indirect_vreg.gather [hbm4b:s9+s1], $0x80, v5, vm0, $0xb8;
	[tilespmem:$0x1A180] =	vst v63  }
0x8c9: {  	s25 =	simm.s32 $0x7180;
	v4 =	vadd.s32 v2, v4  }
0x8ca: {  	[tilespmem:s25], [sflag:$0x1] =	stream.indirect_vreg.gather [hbm4b:s20+s1], $0x80, v5, vm0, $0xb8;
	[tilespmem:$0x1A180] =	vst v63  }
0x8cb: {  	s26 =	simm.s32 $0x7980  }
0x8cc: {  	[tilespmem:s26], [sflag:$0x1] =	stream.indirect_vreg.gather [hbm4b:s10+s1], $0x80, v5, vm0, $0xb8;
	[tilespmem:$0x1A180] =	vst v63  }
0x8cd: {  	s15 =	simm.s32 $0x8180  }
0x8ce: {  	[tilespmem:s15], [sflag:$0x1] =	stream.indirect_vreg.gather [hbm4b:s19+s1], $0x80, v4, vm0, $0xb8;
	[tilespmem:$0x1A180] =	vst v63  }
0x8cf: {  	s18 =	simm.s32 $0x8980  }
0x8d0: {  	[tilespmem:s18], [sflag:$0x1] =	stream.indirect_vreg.gather [hbm4b:s9+s1], $0x80, v4, vm0, $0xb8;
	[tilespmem:$0x1A180] =	vst v63  }
0x8d1: {  	s30 =	simm.s32 $0x9180  }
0x8d2: {  	[tilespmem:s30], [sflag:$0x1] =	stream.indirect_vreg.gather [hbm4b:s20+s1], $0x80, v4, vm0, $0xb8;
	[tilespmem:$0x1A180] =	vst v63  }
0x8d3: {  	s31 =	simm.s32 $0x9980  }
0x8d4: {  	[tilespmem:s31], [sflag:$0x1] =	stream.indirect_vreg.gather [hbm4b:s10+s1], $0x80, v4, vm0, $0xb8;
	[tilespmem:$0x1A180] =	vst v63  }
0x8d5: {  	_ =	swait.ge [sflag:s17], $0x8000  }
0x8d6: {  	(v2sf) =	vpush v61, $0xF;
	_ =	sdelay $0xa  }
0x8d7: {  	s16 =	sld [smem:$0x7F3]  }
0x8d8: {  	[sflag:s17] =	ssyncset.done $0x0  }
0x8d9: {  	s4 =	simm.s32 $0xA180;
	[sflag:s17] =	ssyncadd.s32 $0xFFFF8000  }
0x8da: {  	[hbm4b:s16+s1] =	stream.linear.scatter [tilespmem:s4], [sflag:$0x5], $0x8000, $0x38;
	[tilespmem:$0x1A180] =	vst v63  }
0x8db: {  	s15 =	spop (v2sf)  }
0x8dc: {  	_ =	swait.ge [sflag:s29], $0x8000  }
0x8dd: {  	s18 =	sld [smem:$0x7D7]  }
0x8de: {  	[sflag:s29] =	ssyncset.done $0x0  }
0x8df: {  	[sflag:s29] =	ssyncadd.s32 $0xFFFF8000  }
0x8e0: {  	v4 =	vld [tilespmem:s18+$0x0];
	_ =	sdelay $0x4  }
0x8e1: {  	vm1 =	vne.s32 v4, $0x1  }
0x8e2: {  	v4 =	vsel vm1, $0x1, v0  }
0x8e3: {  	(xrf0) =	vadd.scan.msk.s32 $0xffff, v4;
	_ =	sdelay $0x5  }
0x8e4: {  	s0 =	sadd.s32 s0, s15;
	v4, _, _ =	vpop (xrf0)  }
0x8e5: {  	v5 =	vmov s0;
	(v2sf) =	vpush v4, $0xF  }
0x8e6: {  	v5 =	vadd.s32 $0x1, v5  }
0x8e7: {  	v5 =	vbroadcast v5, $0x0;
	_ =	sdelay $0x1  }
0x8e8: {  	v4 =	vadd.s32 v4, v5  }
0x8e9: {  	v4 =	vnsel vm1, $0x1, v4  }
0x8ea: {  	[tilespmem:$0x2080] =	vst v4  }
0x8eb: {  	v5 =	vld [tilespmem:s2+$0x3F0];
	_ =	sdelay $0x4  }
0x8ec: {  	vm1 =	vne.s32 v5, $0x1  }
0x8ed: {  	v5 =	vsel vm1, $0x1, v0  }
0x8ee: {  	(xrf0) =	vadd.scan.msk.s32 $0xffff, v5;
	v5 =	vshll.u32 v4, $0x3  }
0x8ef: {  	v4 =	vand.u32 $0x7, v4;
	v5 =	vand.u32 $0xFFFFFFC0, v5;
	s24 =	spop (v2sf)  }
0x8f0: {  	v4 =	vor.u32 v4, v5;
	s0 =	sadd.s32 s0, s24  }
0x8f1: {  	v62 =	vperm.xlane v4, v1;
	v5 =	vmov s0  }
0x8f2: {  	v5 =	vadd.s32 $0x1, v5  }
0x8f3: {  	v6 =	vadd.s32 v2, v62;
	v5 =	vbroadcast v5, $0x0  }
0x8f4: {  	v63, _, _ =	vpop (xrf0)  }
0x8f5: {  	v5 =	vadd.s32 v63, v5  }
0x8f6: {  	v5 =	vnsel vm1, $0x1, v5  }
0x8f7: {  	[tilespmem:$0x2090] =	vst v5  }
0x8f8: {  	[tilespmem:s4], [sflag:$0x2] =	stream.indirect_vreg.gather [hbm4b:s19+s1], $0x80, v6, vm0, $0xb8;
	[tilespmem:$0x1A180] =	vst v63  }
0x8f9: {  	s6 =	simm.s32 $0xA980;
	v4 =	vperm.xlane v4, v3  }
0x8fa: {  	[tilespmem:s6], [sflag:$0x2] =	stream.indirect_vreg.gather [hbm4b:s9+s1], $0x80, v6, vm0, $0xb8;
	[tilespmem:$0x1A180] =	vst v63  }
0x8fb: {  	s25 =	simm.s32 $0xB180;
	v4 =	vadd.s32 v2, v4  }
0x8fc: {  	[tilespmem:s25], [sflag:$0x2] =	stream.indirect_vreg.gather [hbm4b:s20+s1], $0x80, v6, vm0, $0xb8;
	[tilespmem:$0x1A180] =	vst v63  }
0x8fd: {  	s26 =	simm.s32 $0xB980  }
0x8fe: {  	[tilespmem:s26], [sflag:$0x2] =	stream.indirect_vreg.gather [hbm4b:s10+s1], $0x80, v6, vm0, $0xb8;
	[tilespmem:$0x1A180] =	vst v63  }
0x8ff: {  	s30 =	simm.s32 $0xC180  }
0x900: {  	[tilespmem:s30], [sflag:$0x2] =	stream.indirect_vreg.gather [hbm4b:s19+s1], $0x80, v4, vm0, $0xb8;
	[tilespmem:$0x1A180] =	vst v63  }
0x901: {  	s31 =	simm.s32 $0xC980  }
0x902: {  	[tilespmem:s31], [sflag:$0x2] =	stream.indirect_vreg.gather [hbm4b:s9+s1], $0x80, v4, vm0, $0xb8;
	[tilespmem:$0x1A180] =	vst v63  }
0x903: {  	s6 =	simm.s32 $0xD180  }
0x904: {  	[tilespmem:s6], [sflag:$0x2] =	stream.indirect_vreg.gather [hbm4b:s20+s1], $0x80, v4, vm0, $0xb8;
	[tilespmem:$0x1A180] =	vst v63  }
0x905: {  	s7 =	simm.s32 $0xD980  }
0x906: {  	[tilespmem:s7], [sflag:$0x2] =	stream.indirect_vreg.gather [hbm4b:s10+s1], $0x80, v4, vm0, $0xb8;
	[tilespmem:$0x1A180] =	vst v63  }
0x907: {  	v4 =	vld [tilespmem:$0x2090];
	_ =	sdelay $0x4  }
0x908: {  	v5 =	vshll.u32 v4, $0x3  }
0x909: {  	v4 =	vand.u32 $0x7, v4;
	v5 =	vand.u32 $0xFFFFFFC0, v5  }
0x90a: {  	v4 =	vor.u32 v4, v5  }
0x90b: {  	v5 =	vperm.xlane v4, v1;
	_ =	sdelay $0x1  }
0x90c: {  	v5 =	vadd.s32 v2, v5;
	_ =	sdelay $0x3  }
0x90d: {  	s11 =	simm.s32 $0xE180  }
0x90e: {  	[tilespmem:s11], [sflag:$0x2] =	stream.indirect_vreg.gather [hbm4b:s19+s1], $0x80, v5, vm0, $0xb8;
	[tilespmem:$0x1A180] =	vst v63  }
0x90f: {  	s14 =	simm.s32 $0xE980;
	v4 =	vperm.xlane v4, v3  }
0x910: {  	[tilespmem:s14], [sflag:$0x2] =	stream.indirect_vreg.gather [hbm4b:s9+s1], $0x80, v5, vm0, $0xb8;
	[tilespmem:$0x1A180] =	vst v63  }
0x911: {  	s15 =	simm.s32 $0xF180;
	v4 =	vadd.s32 v2, v4  }
0x912: {  	[tilespmem:s15], [sflag:$0x2] =	stream.indirect_vreg.gather [hbm4b:s20+s1], $0x80, v5, vm0, $0xb8;
	[tilespmem:$0x1A180] =	vst v63  }
0x913: {  	s16 =	simm.s32 $0xF980  }
0x914: {  	[tilespmem:s16], [sflag:$0x2] =	stream.indirect_vreg.gather [hbm4b:s10+s1], $0x80, v5, vm0, $0xb8;
	[tilespmem:$0x1A180] =	vst v63  }
0x915: {  	s18 =	simm.s32 $0x10180  }
0x916: {  	[tilespmem:s18], [sflag:$0x2] =	stream.indirect_vreg.gather [hbm4b:s19+s1], $0x80, v4, vm0, $0xb8;
	[tilespmem:$0x1A180] =	vst v63  }
0x917: {  	s21 =	simm.s32 $0x10980  }
0x918: {  	[tilespmem:s21], [sflag:$0x2] =	stream.indirect_vreg.gather [hbm4b:s9+s1], $0x80, v4, vm0, $0xb8;
	[tilespmem:$0x1A180] =	vst v63  }
0x919: {  	s5 =	simm.s32 $0x11180  }
0x91a: {  	[tilespmem:s5], [sflag:$0x2] =	stream.indirect_vreg.gather [hbm4b:s20+s1], $0x80, v4, vm0, $0xb8;
	[tilespmem:$0x1A180] =	vst v63  }
0x91b: {  	s23 =	simm.s32 $0x11980  }
0x91c: {  	[tilespmem:s23], [sflag:$0x2] =	stream.indirect_vreg.gather [hbm4b:s10+s1], $0x80, v4, vm0, $0xb8;
	[tilespmem:$0x1A180] =	vst v63  }
0x91d: {  	_ =	swait.ge [sflag:s22], $0x8000  }
0x91e: {  	s24 =	sld [smem:$0x7F4]  }
0x91f: {  	[sflag:s22] =	ssyncset.done $0x0  }
0x920: {  	s3 =	simm.s32 $0x12180;
	[sflag:s22] =	ssyncadd.s32 $0xFFFF8000  }
0x921: {  	[hbm4b:s24+s1] =	stream.linear.scatter [tilespmem:s3], [sflag:$0x6], $0x8000, $0x38;
	[tilespmem:$0x1A180] =	vst v63  }
0x922: {  	_ =	swait.ge [sflag:s12], $0x8000  }
0x923: {  	s25 =	sld [smem:$0x7F5]  }
0x924: {  	[sflag:s12] =	ssyncset.done $0x0  }
0x925: {  	[sflag:s12] =	ssyncadd.s32 $0xFFFF8000  }
0x926: {  	[hbm4b:s25+s1] =	stream.linear.scatter [tilespmem:s8], [sflag:$0x4], $0x8000, $0x38;
	[tilespmem:$0x1A180] =	vst v63  }
0x927: {  	_ =	swait.ge [sflag:s17], $0x8000  }
0x928: {  	s26 =	sld [smem:$0x7F6]  }
0x929: {  	[sflag:s17] =	ssyncset.done $0x0  }
0x92a: {  	[sflag:s17] =	ssyncadd.s32 $0xFFFF8000  }
0x92b: {  	[hbm4b:s26+s1] =	stream.linear.scatter [tilespmem:s4], [sflag:$0x5], $0x8000, $0x38;
	[tilespmem:$0x1A180] =	vst v63  }
0x92c: {  	_ =	swait.ge [sflag:s28], $0x8000  }
0x92d: {  	[sflag:s28] =	ssyncset.done $0x0  }
0x92e: {  	[sflag:s28] =	ssyncadd.s32 $0xFFFF8000  }
0x92f: {  	_ =	swait.ge [sflag:s29], $0x8000  }
0x930: {  	[sflag:s29] =	ssyncset.done $0x0  }
0x931: {  	[sflag:s29] =	ssyncadd.s32 $0xFFFF8000  }
0x932: {  	_ =	swait.ge [sflag:s13], $0x8000  }
0x933: {  	s30 =	sld [smem:$0x7D6]  }
0x934: {  	s31 =	sld [smem:$0x7F8];
	_ =	sdelay $0x1  }
0x935: {  	s3 =	sadd.s32 $0x1, s30  }
0x936: {  	p1 =	sne.s32 s3, s31  }
.Ltmp1:
0x937: {  	_ = 	snop;
	(pc) =	sbr.rel @!p1 .LBB2_6-.Ltmp1, $3  }
0x938: {  	[sflag:s13] =	ssyncset.done $0x0  }
0x939: {  	[sflag:s13] =	ssyncadd.s32 $0xFFFF8000  }
0x93a: {  	[bflag:$0x0] =	sbarrier.arrive $0xFFFF;
	_ =	sdelay $0x1  }
.LBB2_1:
0x93b: {  	s0 =	rddreg [dreg:$0x5];
	s7 =	simm.s32 $0x80  }
.Ltmp2:
0x93c: {  	s21 =	simm.s32 $0x200;
	s31 =	simm.s32 $0x7;
	(pc) =	sbr.rel @p0 .LBB2_5-.Ltmp2, $4  }
0x93d: {  	[tilespmem:s1], [sflag:$0x7] =	stream.strided.gather [hbm4b:s0+s7], $0x2000, s21, s7, $0x38;
	[tilespmem:$0x1A180] =	vst v63  }
0x93e: {  	_ =	swait.ge [sflag:s31], $0x2000  }
0x93f: {  	[sflag:s31] =	ssyncset.done $0x0  }
0x940: {  	v4 =	vimm.s32 $0x0;
	[sflag:s31] =	ssyncadd.s32 $0xFFFFE000  }
0x941: {  	s0 =	sld [smem:$0x7F9];
	_ =	sdelay $0x2  }
0x942: {  	v4 =	vld [tilespmem:s1+$0x0];
	p1 =	sne.s32 s0, $0x40  }
.Ltmp3:
0x943: {  	_ = 	snop;
	(pc) =	sbr.rel @!p1 .LBB2_4-.Ltmp3, $2  }
0x944: {  	_ =	sdelay $0x2  }
0x945: {  	s7 =	sadd.s32 $0xFFFFFFC0, s0;
	s0 =	sadd.s32 $0x10, s1;
	vm1 =	vne.s32 v4, $0x1;
	v4 =	vimm.s32 $0x0  }
.LBB2_3:
0x946: {  	v5 =	vld [tilespmem:s0+$0x0];
	p1 =	sne.s32 s7, $0x40;
	s7 =	sadd.s32 $0xFFFFFFC0, s7;
	v6 =	vsel vm1, $0x1, v0  }
.Ltmp4:
0x947: {  	v4 =	vadd.s32 v6, v4;
	(pc) =	sbr.rel @p1 .LBB2_3-.Ltmp4, $2  }
0x948: {  	_ =	sdelay $0x2  }
0x949: {  	s0 =	sadd.s32 $0x10, s0;
	vm1 =	vne.s32 v5, $0x1  }
.Ltmp5:
0x94a: {  	_ = 	snop;
	(pc) =	sbr.rel .LBB2_4-.Ltmp5, $1  }
0x94b: {  	_ =	sdelay $0x3  }
.LBB2_6:
0x94c: {  	_ =	sfence.sel $0x180000  }
0x94d: {  	[bflag:$0x0] =	sbarrier.arrive $0xFFFF  }
0x94e: {  	_ =	strace $0x90000047  }
0x94f: {  	s0 =	stileid.u32;
	[bflag:$0x2] =	sbarrier.arrive $0xFFFF  }
0x950: {  	p0 =	sne.s32 s0, $0x0;
	s0 =	rddreg [dreg:$0x3]  }
0x951: {  	s0 =	sadd.s32 @!p0 $0x100000, s0  }
0x952: {  	[sflag:s0] =	ssyncadd.tile.s32 @!p0 $0x1;
	_ =	shalt  }
.Lfunc_end2:
_tile_overlayer_lowered:
.L_overlay_start_2:
0x953: {  	(tag) =	ssettag $0x2  }
0x954: {  	s0 =	rddreg [dreg:$0x0];
	s2 =	stileid.u32  }
0x955: {  	s1 =	rddreg [dreg:$0x1];
	p0 =	sne.s32 s2, $0x0  }
0x956: {  	s3 =	rddreg [dreg:$0x2];
	[bflag:$0x3] =	sbarrier.arrive $0xFFFF;
	s2 =	simm.s32 @!p0 $0x1C07  }
0x957: {  	[timem:s3], [sflag:s2] =	dma.local @!p0 [hbm:s0], s1  }
0x958: {  	s0 =	simm.s32 @!p0 $0x7  }
0x959: {  	_ =	swait.ge @!p0 [sflag:s0], s1  }
0x95a: {  	s1 =	ssub.s32 @!p0 $0x0, s1;
	[sflag:s0] =	ssyncset.done @!p0 $0x0  }
0x95b: {  	[sflag:s0] =	ssyncadd.s32 @!p0 s1  }
0x95c: {  	[bflag:$0x3] =	sbarrier.arrive $0xFFFF  }
0x95d: {  	_ =	shalt  }

</sc_bundles>
